<compile_context>
chip_gen: v7x
topology: tpu7x:2x2x1
jax: 0.10.2.dev20260603
libtpu: 0.0.44.dev20260713+nightly
codegen_flags: <defaults>
</compile_context>

<pallas_src>
import functools

import jax
import jax.numpy as jnp
from jax import lax
from jax.experimental import pallas as pl
from jax.experimental.pallas import tpu as pltpu
from jax.experimental.pallas import tpu_sc as plsc

N = 10000
E = 20000
FEAT = 16
D = 64
NG = 500

NP = 10240
EP = 20480
G = 512
NC = 2
NS = 16
NW = NC * NS
CH = 128
NCH = EP // (NW * CH)
RPT = NP // NS

EB = 2048
NB = 1024
NBG = 2048

def _sc_gather_body(nodes_hbm, src_hbm, xs_hbm, idx_v, row_v, gsem, wsem):
    c = lax.axis_index("c")
    s = lax.axis_index("s")
    wid = c * NS + s
    pltpu.sync_copy(src_hbm.at[wid], idx_v)
    base = wid * NCH * CH
    gd = [pltpu.async_copy(nodes_hbm.at[idx_v.at[j]], row_v.at[j], gsem)
          for j in range(NCH)]
    for d in gd:
        d.wait()
    wd = [pltpu.async_copy(row_v.at[j],
                           xs_hbm.at[pl.ds(base + j * CH, CH)], wsem)
          for j in range(NCH)]
    for d in wd:
        d.wait()


def _scatter_body(with_deg, msg_hbm, dst_hbm, z64_hbm, z16_hbm, ones_hbm,
                  agg_hbm, deg_hbm, idx_v, msg_v, ones_v, spA, spD,
                  lsem, ssem):
    c = lax.axis_index("c")
    s = lax.axis_index("s")
    wid = c * NS + s
    rows = pl.ds(s * RPT, RPT)
    base = wid * NCH * CH
    pltpu.sync_copy(dst_hbm.at[wid], idx_v)
    ld = [pltpu.async_copy(msg_hbm.at[pl.ds(base + j * CH, CH)],
                           msg_v.at[j], lsem)
          for j in range(NCH)]
    pltpu.sync_copy(z64_hbm.at[rows], spA.at[rows])
    if with_deg:
        pltpu.sync_copy(z16_hbm.at[rows], spD.at[rows])
        pltpu.sync_copy(ones_hbm, ones_v)
    for d in ld:
        d.wait()
    plsc.subcore_barrier()
    sd = [pltpu.async_copy(msg_v.at[j], spA.at[idx_v.at[j]], ssem, add=True)
          for j in range(NCH)]
    if with_deg:
        sd += [pltpu.async_copy(ones_v, spD.at[idx_v.at[j]], ssem, add=True)
               for j in range(NCH)]
    for d in sd:
        d.wait()
    plsc.subcore_barrier()
    pltpu.sync_copy(spA.at[rows], agg_hbm.at[c, rows])
    if with_deg:
        pltpu.sync_copy(spD.at[rows], deg_hbm.at[c, rows])


def _scatter_nodeg_body(msg_hbm, dst_hbm, z64_hbm, agg_hbm,
                        idx_v, msg_v, spA, lsem, ssem):
    _scatter_body(False, msg_hbm, dst_hbm, z64_hbm, None, None,
                  agg_hbm, None, idx_v, msg_v, None, spA, None, lsem, ssem)


@functools.cache
def _sc_kernels():
    mesh = plsc.VectorSubcoreMesh(
        core_axis_name="c", subcore_axis_name="s",
        num_cores=NC, num_subcores=NS)
    cp = pltpu.CompilerParams(use_tc_tiling_on_sc=False)
    gather = pl.kernel(
        _sc_gather_body,
        out_type=jax.ShapeDtypeStruct((EP, D), jnp.float32),
        mesh=mesh,
        scratch_types=[
            pltpu.VMEM((NCH, CH), jnp.int32),
            pltpu.VMEM((NCH, CH, D), jnp.float32),
            pltpu.SemaphoreType.DMA,
            pltpu.SemaphoreType.DMA,
        ],
        compiler_params=cp,
    )
    gather16 = pl.kernel(
        _sc_gather_body,
        out_type=jax.ShapeDtypeStruct((EP, FEAT), jnp.float32),
        mesh=mesh,
        scratch_types=[
            pltpu.VMEM((NCH, CH), jnp.int32),
            pltpu.VMEM((NCH, CH, FEAT), jnp.float32),
            pltpu.SemaphoreType.DMA,
            pltpu.SemaphoreType.DMA,
        ],
        compiler_params=cp,
    )
    scatter_deg = pl.kernel(
        functools.partial(_scatter_body, True),
        out_type=(jax.ShapeDtypeStruct((NC, NP, D), jnp.float32),
                  jax.ShapeDtypeStruct((NC, NP, 16), jnp.float32)),
        mesh=mesh,
        scratch_types=[
            pltpu.VMEM((NCH, CH), jnp.int32),
            pltpu.VMEM((NCH, CH, D), jnp.float32),
            pltpu.VMEM((CH, 16), jnp.float32),
            pltpu.VMEM_SHARED((NP, D), jnp.float32),
            pltpu.VMEM_SHARED((NP, 16), jnp.float32),
            pltpu.SemaphoreType.DMA,
            pltpu.SemaphoreType.DMA,
        ],
        compiler_params=cp,
    )
    scatter = pl.kernel(
        _scatter_nodeg_body,
        out_type=jax.ShapeDtypeStruct((NC, NP, D), jnp.float32),
        mesh=mesh,
        scratch_types=[
            pltpu.VMEM((NCH, CH), jnp.int32),
            pltpu.VMEM((NCH, CH, D), jnp.float32),
            pltpu.VMEM_SHARED((NP, D), jnp.float32),
            pltpu.SemaphoreType.DMA,
            pltpu.SemaphoreType.DMA,
        ],
        compiler_params=cp,
    )
    return gather, gather16, scatter_deg, scatter


def _lin0_body(x_ref, w_ref, b_ref, o_ref):
    o_ref[...] = jnp.maximum(x_ref[...] @ w_ref[...] + b_ref[...], 0.0)


_lin0 = pl.pallas_call(
    _lin0_body,
    grid=(NP // NBG,),
    in_specs=[
        pl.BlockSpec((NBG, FEAT), lambda i: (i, 0)),
        pl.BlockSpec((FEAT, D), lambda i: (0, 0)),
        pl.BlockSpec((1, D), lambda i: (0, 0)),
    ],
    out_specs=pl.BlockSpec((NBG, D), lambda i: (i, 0)),
    out_shape=jax.ShapeDtypeStruct((NP, D), jnp.float32),
)


def _msg_body(ea_ref, xs_ref, w1_ref, b1_ref, w2_ref, b2_ref, r_ref, m_ref,
              o_ref, h2_ref, ew_ref):
    h2_ref[...] = jnp.maximum(ea_ref[...] @ w1_ref[...] + b1_ref[...], 0.0)
    for cch in range(8):
        ew = (h2_ref[...] @ w2_ref[:, cch * 512:(cch + 1) * 512]
              + b2_ref[:, cch * 512:(cch + 1) * 512])
        xb = xs_ref[...] @ r_ref[:, cch * 512:(cch + 1) * 512]
        if cch == 0:
            ew_ref[...] = ew * xb
        else:
            ew_ref[...] += ew * xb
    o_ref[...] = ew_ref[...] @ m_ref[...]


_msg = pl.pallas_call(
    _msg_body,
    grid=(EP // EB,),
    in_specs=[
        pl.BlockSpec((EB, 8), lambda i: (i, 0)),
        pl.BlockSpec((EB, D), lambda i: (i, 0)),
        pl.BlockSpec((8, 128), lambda i: (0, 0)),
        pl.BlockSpec((1, 128), lambda i: (0, 0)),
        pl.BlockSpec((128, 4096), lambda i: (0, 0)),
        pl.BlockSpec((1, 4096), lambda i: (0, 0)),
        pl.BlockSpec((D, 4096), lambda i: (0, 0)),
        pl.BlockSpec((512, D), lambda i: (0, 0)),
    ],
    out_specs=pl.BlockSpec((EB, D), lambda i: (i, 0)),
    out_shape=jax.ShapeDtypeStruct((EP, D), jnp.float32),
    scratch_shapes=[
        pltpu.VMEM((EB, 128), jnp.float32),
        pltpu.VMEM((EB, 512), jnp.float32),
    ],
)


def _msg1_body(ea_ref, xg_ref, w0_ref, b0_ref, w1_ref, b1_ref, w2_ref,
               b2_ref, r_ref, m_ref, o_ref, h2_ref, ew_ref):
    xs = jnp.maximum(xg_ref[...] @ w0_ref[...] + b0_ref[...], 0.0)
    h2_ref[...] = jnp.maximum(ea_ref[...] @ w1_ref[...] + b1_ref[...], 0.0)
    for cch in range(8):
        ew = (h2_ref[...] @ w2_ref[:, cch * 512:(cch + 1) * 512]
              + b2_ref[:, cch * 512:(cch + 1) * 512])
        xb = xs @ r_ref[:, cch * 512:(cch + 1) * 512]
        if cch == 0:
            ew_ref[...] = ew * xb
        else:
            ew_ref[...] += ew * xb
    o_ref[...] = ew_ref[...] @ m_ref[...]


_msg1 = pl.pallas_call(
    _msg1_body,
    grid=(EP // EB,),
    in_specs=[
        pl.BlockSpec((EB, 8), lambda i: (i, 0)),
        pl.BlockSpec((EB, FEAT), lambda i: (i, 0)),
        pl.BlockSpec((FEAT, D), lambda i: (0, 0)),
        pl.BlockSpec((1, D), lambda i: (0, 0)),
        pl.BlockSpec((8, 128), lambda i: (0, 0)),
        pl.BlockSpec((1, 128), lambda i: (0, 0)),
        pl.BlockSpec((128, 4096), lambda i: (0, 0)),
        pl.BlockSpec((1, 4096), lambda i: (0, 0)),
        pl.BlockSpec((D, 4096), lambda i: (0, 0)),
        pl.BlockSpec((512, D), lambda i: (0, 0)),
    ],
    out_specs=pl.BlockSpec((EB, D), lambda i: (i, 0)),
    out_shape=jax.ShapeDtypeStruct((EP, D), jnp.float32),
    scratch_shapes=[
        pltpu.VMEM((EB, 128), jnp.float32),
        pltpu.VMEM((EB, 512), jnp.float32),
    ],
)


def _sigmoid(x):
    return 1.0 / (1.0 + jnp.exp(-x))


def _gru_body(h_ref, a0_ref, a1_ref, d0_ref, d1_ref, rw_ref, cb_ref,
              wih_ref, whh_ref, bih_ref, bhh_ref, o_ref):
    h = h_ref[...]
    agg = a0_ref[...] + a1_ref[...]
    deg = jnp.maximum(d0_ref[:, 0:1] + d1_ref[:, 0:1], 1.0)
    m = jnp.maximum(agg / deg + h @ rw_ref[...] + cb_ref[...], 0.0)
    gi = m @ wih_ref[...] + bih_ref[...]
    gh = h @ whh_ref[...] + bhh_ref[...]
    r = _sigmoid(gi[:, 0:D] + gh[:, 0:D])
    z = _sigmoid(gi[:, D:2 * D] + gh[:, D:2 * D])
    cand = jnp.tanh(gi[:, 2 * D:3 * D] + r * gh[:, 2 * D:3 * D])
    o_ref[...] = (1.0 - z) * cand + z * h


_gru = pl.pallas_call(
    _gru_body,
    grid=(NP // NBG,),
    in_specs=[
        pl.BlockSpec((NBG, D), lambda i: (i, 0)),
        pl.BlockSpec((NBG, D), lambda i: (i, 0)),
        pl.BlockSpec((NBG, D), lambda i: (i, 0)),
        pl.BlockSpec((NBG, 16), lambda i: (i, 0)),
        pl.BlockSpec((NBG, 16), lambda i: (i, 0)),
        pl.BlockSpec((D, D), lambda i: (0, 0)),
        pl.BlockSpec((1, D), lambda i: (0, 0)),
        pl.BlockSpec((D, 3 * D), lambda i: (0, 0)),
        pl.BlockSpec((D, 3 * D), lambda i: (0, 0)),
        pl.BlockSpec((1, 3 * D), lambda i: (0, 0)),
        pl.BlockSpec((1, 3 * D), lambda i: (0, 0)),
    ],
    out_specs=pl.BlockSpec((NBG, D), lambda i: (i, 0)),
    out_shape=jax.ShapeDtypeStruct((NP, D), jnp.float32),
)


def _s2s_body(out_ref, bcol_ref, brow_ref, wq_ref, wr_ref, whh_ref,
              bih_ref, bhh_ref, w1a_ref, w1b_ref, b1_ref, w2_ref, b2_ref,
              o_ref, q_scr, cs_scr, den_scr, rvn_scr, e_scr, emax_scr):
    it = pl.program_id(0)
    p = pl.program_id(1)
    k = pl.program_id(2)

    @pl.when((it == 0) & (p == 0) & (k == 0))
    def _():
        q_scr[...] = jnp.zeros((G, D), jnp.float32)
        cs_scr[...] = jnp.zeros((G, D), jnp.float32)
        rvn_scr[...] = jnp.zeros((G, D), jnp.float32)
        den_scr[...] = jnp.ones((G, 1), jnp.float32)

    @pl.when((p == 0) & (k == 0))
    def _():
        rvec = rvn_scr[...] / (den_scr[...] + 1e-16)
        gates = (q_scr[...] @ wq_ref[...] + rvec @ wr_ref[...]
                 + q_scr[...] @ whh_ref[...] + bih_ref[...] + bhh_ref[...])
        ig = _sigmoid(gates[:, 0:D])
        fg = _sigmoid(gates[:, D:2 * D])
        gg = jnp.tanh(gates[:, 2 * D:3 * D])
        og = _sigmoid(gates[:, 3 * D:4 * D])
        cs = fg * cs_scr[...] + ig * gg
        hs = og * jnp.tanh(cs)
        q_scr[...] = hs
        cs_scr[...] = cs
        emax_scr[...] = jnp.full((1, G), -jnp.inf, jnp.float32)

    S = (bcol_ref[...] == lax.broadcasted_iota(
        jnp.int32, (NB, G), 1)).astype(jnp.float32)

    @pl.when(p == 0)
    def _():
        qe = S @ q_scr[...]
        e = jnp.sum(out_ref[...] * qe, axis=1, keepdims=True)
        e_scr[pl.ds(k * NB, NB), :] = e
        colvals = jnp.where(S > 0.5, e, -jnp.inf)
        pmax = jnp.max(colvals, axis=0, keepdims=True)
        emax_scr[...] = jnp.maximum(emax_scr[...], pmax)

    @pl.when(p == 1)
    def _():
        em = emax_scr[...]
        em = jnp.where(jnp.isfinite(em), em, 0.0)
        eexp = jnp.sum(S * em, axis=1, keepdims=True)
        ee = jnp.exp(e_scr[pl.ds(k * NB, NB), :] - eexp)
        ST = (brow_ref[...] == lax.broadcasted_iota(
            jnp.int32, (G, NB), 0)).astype(jnp.float32)

        @pl.when(k == 0)
        def _():
            den_scr[...] = jnp.zeros((G, 1), jnp.float32)
            rvn_scr[...] = jnp.zeros((G, D), jnp.float32)

        den_scr[...] += ST @ ee
        rvn_scr[...] += ST @ (ee * out_ref[...])

    @pl.when((it == 2) & (p == 1) & (k == NP // NB - 1))
    def _():
        rvec = rvn_scr[...] / (den_scr[...] + 1e-16)
        t = jnp.maximum(q_scr[...] @ w1a_ref[...] + rvec @ w1b_ref[...]
                        + b1_ref[...], 0.0)
        o_ref[...] = t @ w2_ref[...] + b2_ref[...]


_s2s = pl.pallas_call(
    _s2s_body,
    grid=(3, 2, NP // NB),
    in_specs=[
        pl.BlockSpec((NB, D), lambda it, p, k: (k, 0)),
        pl.BlockSpec((NB, 1), lambda it, p, k: (k, 0)),
        pl.BlockSpec((1, NB), lambda it, p, k: (0, k)),
        pl.BlockSpec((D, 4 * D), lambda it, p, k: (0, 0)),
        pl.BlockSpec((D, 4 * D), lambda it, p, k: (0, 0)),
        pl.BlockSpec((D, 4 * D), lambda it, p, k: (0, 0)),
        pl.BlockSpec((1, 4 * D), lambda it, p, k: (0, 0)),
        pl.BlockSpec((1, 4 * D), lambda it, p, k: (0, 0)),
        pl.BlockSpec((D, D), lambda it, p, k: (0, 0)),
        pl.BlockSpec((D, D), lambda it, p, k: (0, 0)),
        pl.BlockSpec((1, D), lambda it, p, k: (0, 0)),
        pl.BlockSpec((D, 1), lambda it, p, k: (0, 0)),
        pl.BlockSpec((1, 1), lambda it, p, k: (0, 0)),
    ],
    out_specs=pl.BlockSpec((G, 1), lambda it, p, k: (0, 0)),
    out_shape=jax.ShapeDtypeStruct((G, 1), jnp.float32),
    scratch_shapes=[
        pltpu.VMEM((G, D), jnp.float32),
        pltpu.VMEM((G, D), jnp.float32),
        pltpu.VMEM((G, 1), jnp.float32),
        pltpu.VMEM((G, D), jnp.float32),
        pltpu.VMEM((NP, 1), jnp.float32),
        pltpu.VMEM((1, G), jnp.float32),
    ],
)


def kernel(x, edge_index, edge_attr, batch, lin0_W, lin0_b, nn1_W, nn1_b,
           nn2_W, nn2_b, root_W, conv_b, gru_W_ih, gru_W_hh, gru_b_ih,
           gru_b_hh, lstm_W_ih, lstm_W_hh, lstm_b_ih, lstm_b_hh, lin1_W,
           lin1_b, lin2_W, lin2_b):
    f32 = jnp.float32
    xp = jnp.zeros((NP, FEAT), f32).at[:N].set(x)
    src = jnp.zeros((EP,), jnp.int32).at[:E].set(edge_index[0])
    dst = jnp.full((EP,), NP - 1, jnp.int32).at[:E].set(edge_index[1])
    src3 = src.reshape(NW, NCH, CH)
    dst3 = dst.reshape(NW, NCH, CH)
    ea8 = jnp.zeros((EP, 8), f32).at[:E, :5].set(edge_attr)
    batchp = jnp.full((NP,), G - 1, jnp.int32).at[:N].set(batch)
    bcol = batchp.reshape(NP, 1)
    brow = batchp.reshape(1, NP)
    w1p = jnp.zeros((8, 128), f32).at[:5].set(nn1_W)
    z64 = jnp.zeros((NP, D), f32)
    z16 = jnp.zeros((NP, 16), f32)
    ones_ch = jnp.ones((CH, 16), f32)
    lane = jnp.arange(4096, dtype=jnp.int32)
    rmat = (lane[None, :] // D == jnp.arange(D, dtype=jnp.int32)[:, None]
            ).astype(f32)
    mmat = (lane[:512, None] % D == jnp.arange(D, dtype=jnp.int32)[None, :]
            ).astype(f32)

    sc_gather, sc_gather16, sc_scatter_deg, sc_scatter = _sc_kernels()
    h = _lin0(xp, lin0_W, lin0_b.reshape(1, D))
    degp = None
    for it in range(3):
        if it == 0:
            xg = sc_gather16(xp, src3)
            msg = _msg1(ea8, xg, lin0_W, lin0_b.reshape(1, D), w1p,
                        nn1_b.reshape(1, 128), nn2_W,
                        nn2_b.reshape(1, 4096), rmat, mmat)
            aggp, degp = sc_scatter_deg(msg, dst3, z64, z16, ones_ch)
        else:
            xs = sc_gather(h, src3)
            msg = _msg(ea8, xs, w1p, nn1_b.reshape(1, 128), nn2_W,
                       nn2_b.reshape(1, 4096), rmat, mmat)
            aggp = sc_scatter(msg, dst3, z64)
        h = _gru(h, aggp[0], aggp[1], degp[0], degp[1], root_W,
                 conv_b.reshape(1, D), gru_W_ih, gru_W_hh,
                 gru_b_ih.reshape(1, 3 * D), gru_b_hh.reshape(1, 3 * D))

    out = h
    wq = lstm_W_ih[:D]
    wr = lstm_W_ih[D:]
    o = _s2s(out, bcol, brow, wq, wr, lstm_W_hh,
             lstm_b_ih.reshape(1, 4 * D), lstm_b_hh.reshape(1, 4 * D),
             lin1_W[:D], lin1_W[D:], lin1_b.reshape(1, D), lin2_W,
             lin2_b.reshape(1, 1))
    return o[:NG, 0]

# --- scband reference (transcript-rebuilt; emitter-appended) ---
"""Pipeline reference for scband-net-40372692582720 (READ-ONLY COPY).

The authoritative reference and input builder live on the scoring server;
editing this copy changes nothing except your own understanding.
"""

import jax, jax.numpy as jnp
import numpy as np

N = 10000
E = 20000
FEAT = 16
DIM = 64
NG = 500

def setup_inputs(seed: int = 0):
    key = jax.random.key(seed)
    ks = jax.random.split(key, 16)
    def w(k, shape, fan):
        return (jax.random.normal(k, shape, jnp.float32) / float(np.sqrt(fan))).astype(jnp.float32)
    inp = {}
    inp['x'] = jax.random.normal(ks[0], (N, FEAT), jnp.float32)
    inp['edge_index'] = jax.random.randint(ks[1], (2, E), 0, N, dtype=jnp.int32)
    inp['edge_attr'] = jax.random.uniform(ks[2], (E, 5), jnp.float32)
    inp['batch'] = jnp.sort(jax.random.randint(ks[3], (N,), 0, NG, dtype=jnp.int32))
    inp['lin0_W'] = w(ks[4], (FEAT, DIM), FEAT)
    inp['lin0_b'] = jnp.zeros((DIM,), jnp.float32)
    inp['nn1_W'] = w(ks[5], (5, 128), 5)
    inp['nn1_b'] = jnp.zeros((128,), jnp.float32)
    inp['nn2_W'] = w(ks[6], (128, DIM * DIM), 128)
    inp['nn2_b'] = jnp.zeros((DIM * DIM,), jnp.float32)
    inp['root_W'] = w(ks[7], (DIM, DIM), DIM)
    inp['conv_b'] = jnp.zeros((DIM,), jnp.float32)
    inp['gru_W_ih'] = w(ks[8], (DIM, 3 * DIM), DIM)
    inp['gru_W_hh'] = w(ks[9], (DIM, 3 * DIM), DIM)
    inp['gru_b_ih'] = jnp.zeros((3 * DIM,), jnp.float32)
    inp['gru_b_hh'] = jnp.zeros((3 * DIM,), jnp.float32)
    inp['lstm_W_ih'] = w(ks[10], (2 * DIM, 4 * DIM), 2 * DIM)
    inp['lstm_W_hh'] = w(ks[11], (DIM, 4 * DIM), DIM)
    inp['lstm_b_ih'] = jnp.zeros((4 * DIM,), jnp.float32)
    inp['lstm_b_hh'] = jnp.zeros((4 * DIM,), jnp.float32)
    inp['lin1_W'] = w(ks[12], (2 * DIM, DIM), 2 * DIM)
    inp['lin1_b'] = jnp.zeros((DIM,), jnp.float32)
    inp['lin2_W'] = w(ks[13], (DIM, 1), DIM)
    inp['lin2_b'] = jnp.zeros((1,), jnp.float32)
    return inp

def _forward(x, edge_attr, lin0_W, lin0_b, nn1_W, nn1_b, nn2_W, nn2_b, root_W, conv_b, gru_W_ih, gru_W_hh, gru_b_ih, gru_b_hh, lstm_W_ih, lstm_W_hh, lstm_b_ih, lstm_b_hh, lin1_W, lin1_b, lin2_W, lin2_b, edge_index, batch):
    src = edge_index[0]
    dst = edge_index[1]
    n = x.shape[0]
    out = jax.nn.relu(x @ lin0_W + lin0_b)
    h = out
    deg = jax.ops.segment_sum(jnp.ones((src.shape[0],), jnp.float32), dst, num_segments=n)
    deg = jnp.maximum(deg, 1.0)
    for _ in range(3):
        ew = jax.nn.relu(edge_attr @ nn1_W + nn1_b) @ nn2_W + nn2_b
        ew = ew.reshape(-1, DIM, DIM)
        msg = jnp.einsum('ei,eio->eo', out[src], ew)
        agg = jax.ops.segment_sum(msg, dst, num_segments=n) / deg[:, None]
        m = jax.nn.relu(agg + out @ root_W + conv_b)
        gi = m @ gru_W_ih + gru_b_ih
        gh = h @ gru_W_hh + gru_b_hh
        i_r, i_z, i_n = jnp.split(gi, 3, axis=-1)
        h_r, h_z, h_n = jnp.split(gh, 3, axis=-1)
        r = jax.nn.sigmoid(i_r + h_r)
        z = jax.nn.sigmoid(i_z + h_z)
        cand = jnp.tanh(i_n + r * h_n)
        h = (1.0 - z) * cand + z * h
        out = h
    q_star = jnp.zeros((NG, 2 * DIM), jnp.float32)
    hs = jnp.zeros((NG, DIM), jnp.float32)
    cs = jnp.zeros((NG, DIM), jnp.float32)
    for _ in range(3):
        gates = q_star @ lstm_W_ih + lstm_b_ih + hs @ lstm_W_hh + lstm_b_hh
        gi4, gf4, gg4, go4 = jnp.split(gates, 4, axis=-1)
        ig = jax.nn.sigmoid(gi4)
        fg = jax.nn.sigmoid(gf4)
        gg = jnp.tanh(gg4)
        og = jax.nn.sigmoid(go4)
        cs = fg * cs + ig * gg
        hs = og * jnp.tanh(cs)
        q = hs
        e = jnp.sum(out * q[batch], axis=-1)
        emax = jax.ops.segment_max(e, batch, num_segments=NG)
        emax = jnp.where(jnp.isfinite(emax), emax, 0.0)
        ee = jnp.exp(e - emax[batch])
        denom = jax.ops.segment_sum(ee, batch, num_segments=NG)
        att = ee / (denom[batch] + 1e-16)
        rvec = jax.ops.segment_sum(att[:, None] * out, batch, num_segments=NG)
        q_star = jnp.concatenate([q, rvec], axis=-1)
    o = jax.nn.relu(q_star @ lin1_W + lin1_b)
    o = o @ lin2_W + lin2_b
    return o.reshape(-1)

def reference(x, edge_index, edge_attr, batch, lin0_W, lin0_b, nn1_W, nn1_b, nn2_W, nn2_b, root_W, conv_b, gru_W_ih, gru_W_hh, gru_b_ih, gru_b_hh, lstm_W_ih, lstm_W_hh, lstm_b_ih, lstm_b_hh, lin1_W, lin1_b, lin2_W, lin2_b):
    return _forward(x, edge_attr, lin0_W, lin0_b, nn1_W, nn1_b, nn2_W, nn2_b, root_W, conv_b, gru_W_ih, gru_W_hh, gru_b_ih, gru_b_hh, lstm_W_ih, lstm_W_hh, lstm_b_ih, lstm_b_hh, lin1_W, lin1_b, lin2_W, lin2_b, edge_index, batch)

if __name__ == "__main__":
    import jax
    _d = setup_inputs()
    print(jax.jit(kernel)(*tuple(_d.values())))

</pallas_src>

<mosaic_0001>
#map = affine_map<(d0, d1) -> (0, 0)>
#map1 = affine_map<(d0, d1) -> (0, 0, 0)>
module attributes {stable_mosaic.version = 14 : i64} {
  func.func @_sc_gather_body(%arg0: i32, %arg1: i32, %arg2: memref<10240x64xf32, #tpu.memory_space<hbm>>, %arg3: memref<32x5x128xi32, #tpu.memory_space<hbm>>, %arg4: memref<20480x64xf32, #tpu.memory_space<hbm>>, %arg5: memref<5x128xi32, #tpu.memory_space<vmem>>, %arg6: memref<5x128x64xf32, #tpu.memory_space<vmem>>, %arg7: memref<!tpu.dma_semaphore, #tpu.memory_space<semaphore_mem>>, %arg8: memref<!tpu.dma_semaphore, #tpu.memory_space<semaphore_mem>>) attributes {dimension_semantics = [#tpu.dimension_semantics<core_parallel>, #tpu.dimension_semantics<subcore_parallel>], iteration_bounds = array<i64: 2, 16>, scalar_prefetch = 0 : i64, scratch_operands = 4 : i64, tpu.core_type = #tpu.core_type<sc_vector_subcore>, window_params = [{transform_indices = #map}, {transform_indices = #map1}, {transform_indices = #map}]} {
    %mul3A = arith.constant 16 : i32
    %mul3A_0 = arith.muli %arg0, %mul3A : i32
    %add3A = arith.addi %mul3A_0, %arg1 : i32
    "tpu.region"() ({
      %run_scoped3A = tpu.sem_alloc : memref<!tpu.dma_semaphore, #tpu.memory_space<semaphore_mem>>
      %dma_start3A_263 = arith.constant 0 : i32
      %dma_start3A_264 = arith.constant 0 : i32
      %dma_start3A_265 = tpu.memref_slice %arg3[%add3A, %dma_start3A_263, %dma_start3A_264] : memref<32x5x128xi32, #tpu.memory_space<hbm>> -> memref<1x5x128xi32, #tpu.memory_space<hbm>>
      %dma_start3A_266 = tpu.memref_squeeze %dma_start3A_265 : memref<1x5x128xi32, #tpu.memory_space<hbm>> -> memref<5x128xi32, #tpu.memory_space<hbm>>
      %dma_start3A_267 = arith.constant 0 : i32
      %dma_start3A_268 = arith.constant 0 : i32
      %dma_start3A_269 = tpu.memref_slice %arg3[%add3A, %dma_start3A_267, %dma_start3A_268] : memref<32x5x128xi32, #tpu.memory_space<hbm>> -> memref<1x5x128xi32, #tpu.memory_space<hbm>>
      %dma_start3A_270 = tpu.memref_squeeze %dma_start3A_269 : memref<1x5x128xi32, #tpu.memory_space<hbm>> -> memref<5x128xi32, #tpu.memory_space<hbm>>
      tpu.enqueue_dma source(%dma_start3A_270 : memref<5x128xi32, #tpu.memory_space<hbm>>) target(%arg5 : memref<5x128xi32, #tpu.memory_space<vmem>>) target_semaphore(%run_scoped3A : memref<!tpu.dma_semaphore, #tpu.memory_space<semaphore_mem>>)
      %dma_wait3A_271 = arith.constant 0 : i32
      %dma_wait3A_272 = arith.constant 0 : i32
      %dma_wait3A_273 = tpu.memref_slice %arg3[%add3A, %dma_wait3A_271, %dma_wait3A_272] : memref<32x5x128xi32, #tpu.memory_space<hbm>> -> memref<1x5x128xi32, #tpu.memory_space<hbm>>
      %dma_wait3A_274 = tpu.memref_squeeze %dma_wait3A_273 : memref<1x5x128xi32, #tpu.memory_space<hbm>> -> memref<5x128xi32, #tpu.memory_space<hbm>>
      %dma_wait3A_275 = arith.constant 0 : i32
      %dma_wait3A_276 = arith.constant 0 : i32
      %dma_wait3A_277 = tpu.memref_slice %arg3[%add3A, %dma_wait3A_275, %dma_wait3A_276] : memref<32x5x128xi32, #tpu.memory_space<hbm>> -> memref<1x5x128xi32, #tpu.memory_space<hbm>>
      %dma_wait3A_278 = tpu.memref_squeeze %dma_wait3A_277 : memref<1x5x128xi32, #tpu.memory_space<hbm>> -> memref<5x128xi32, #tpu.memory_space<hbm>>
      tpu.wait_dma2 semaphore(%run_scoped3A : memref<!tpu.dma_semaphore, #tpu.memory_space<semaphore_mem>>) src(%dma_wait3A_278 : memref<5x128xi32, #tpu.memory_space<hbm>>) dst(%arg5 : memref<5x128xi32, #tpu.memory_space<vmem>>)
      tpu.yield
    }) : () -> ()
    %mul3A_1 = arith.constant 5 : i32
    %mul3A_2 = arith.muli %add3A, %mul3A_1 : i32
    %mul3A_3 = arith.constant 128 : i32
    %mul3A_4 = arith.muli %mul3A_2, %mul3A_3 : i32
    %dma_start3A = arith.constant 0 : i32
    %dma_start3A_5 = arith.constant 0 : i32
    %dma_start3A_6 = arith.constant 0 : i32
    %dma_start3A_7 = arith.constant 0 : i32
    %dma_start3A_8 = tpu.memref_slice %arg6[%dma_start3A_5, %dma_start3A_6, %dma_start3A_7] : memref<5x128x64xf32, #tpu.memory_space<vmem>> -> memref<1x128x64xf32, #tpu.memory_space<vmem>>
    %dma_start3A_9 = tpu.memref_squeeze %dma_start3A_8 : memref<1x128x64xf32, #tpu.memory_space<vmem>> -> memref<128x64xf32, #tpu.memory_space<vmem>>
    %dma_start3A_10 = arith.constant 0 : i32
    %dma_start3A_11 = tpu.memref_slice %arg5[%dma_start3A, %dma_start3A_10] : memref<5x128xi32, #tpu.memory_space<vmem>> -> memref<1x128xi32, #tpu.memory_space<vmem>>
    %dma_start3A_12 = tpu.memref_squeeze %dma_start3A_11 : memref<1x128xi32, #tpu.memory_space<vmem>> -> memref<128xi32, #tpu.memory_space<vmem>>
    %dma_start3A_13 = arith.constant 0 : i32
    %dma_start3A_14 = arith.constant 0 : i32
    %dma_start3A_15 = tpu.memref_slice %arg2[%dma_start3A_13, %dma_start3A_14] : memref<10240x64xf32, #tpu.memory_space<hbm>> -> memref<10240x64xf32, #tpu.memory_space<hbm>>
    tpu.enqueue_indirect_dma source(%dma_start3A_15 : memref<10240x64xf32, #tpu.memory_space<hbm>>) target(%dma_start3A_9 : memref<128x64xf32, #tpu.memory_space<vmem>>) offsets(%dma_start3A_12 : memref<128xi32, #tpu.memory_space<vmem>>) semaphore(%arg7 : memref<!tpu.dma_semaphore, #tpu.memory_space<semaphore_mem>>)
    %dma_start3A_16 = arith.constant 1 : i32
    %dma_start3A_17 = arith.constant 1 : i32
    %dma_start3A_18 = arith.constant 0 : i32
    %dma_start3A_19 = arith.constant 0 : i32
    %dma_start3A_20 = tpu.memref_slice %arg6[%dma_start3A_17, %dma_start3A_18, %dma_start3A_19] : memref<5x128x64xf32, #tpu.memory_space<vmem>> -> memref<1x128x64xf32, #tpu.memory_space<vmem>>
    %dma_start3A_21 = tpu.memref_squeeze %dma_start3A_20 : memref<1x128x64xf32, #tpu.memory_space<vmem>> -> memref<128x64xf32, #tpu.memory_space<vmem>>
    %dma_start3A_22 = arith.constant 0 : i32
    %dma_start3A_23 = tpu.memref_slice %arg5[%dma_start3A_16, %dma_start3A_22] : memref<5x128xi32, #tpu.memory_space<vmem>> -> memref<1x128xi32, #tpu.memory_space<vmem>>
    %dma_start3A_24 = tpu.memref_squeeze %dma_start3A_23 : memref<1x128xi32, #tpu.memory_space<vmem>> -> memref<128xi32, #tpu.memory_space<vmem>>
    %dma_start3A_25 = arith.constant 0 : i32
    %dma_start3A_26 = arith.constant 0 : i32
    %dma_start3A_27 = tpu.memref_slice %arg2[%dma_start3A_25, %dma_start3A_26] : memref<10240x64xf32, #tpu.memory_space<hbm>> -> memref<10240x64xf32, #tpu.memory_space<hbm>>
    tpu.enqueue_indirect_dma source(%dma_start3A_27 : memref<10240x64xf32, #tpu.memory_space<hbm>>) target(%dma_start3A_21 : memref<128x64xf32, #tpu.memory_space<vmem>>) offsets(%dma_start3A_24 : memref<128xi32, #tpu.memory_space<vmem>>) semaphore(%arg7 : memref<!tpu.dma_semaphore, #tpu.memory_space<semaphore_mem>>)
    %dma_start3A_28 = arith.constant 2 : i32
    %dma_start3A_29 = arith.constant 2 : i32
    %dma_start3A_30 = arith.constant 0 : i32
    %dma_start3A_31 = arith.constant 0 : i32
    %dma_start3A_32 = tpu.memref_slice %arg6[%dma_start3A_29, %dma_start3A_30, %dma_start3A_31] : memref<5x128x64xf32, #tpu.memory_space<vmem>> -> memref<1x128x64xf32, #tpu.memory_space<vmem>>
    %dma_start3A_33 = tpu.memref_squeeze %dma_start3A_32 : memref<1x128x64xf32, #tpu.memory_space<vmem>> -> memref<128x64xf32, #tpu.memory_space<vmem>>
    %dma_start3A_34 = arith.constant 0 : i32
    %dma_start3A_35 = tpu.memref_slice %arg5[%dma_start3A_28, %dma_start3A_34] : memref<5x128xi32, #tpu.memory_space<vmem>> -> memref<1x128xi32, #tpu.memory_space<vmem>>
    %dma_start3A_36 = tpu.memref_squeeze %dma_start3A_35 : memref<1x128xi32, #tpu.memory_space<vmem>> -> memref<128xi32, #tpu.memory_space<vmem>>
    %dma_start3A_37 = arith.constant 0 : i32
    %dma_start3A_38 = arith.constant 0 : i32
    %dma_start3A_39 = tpu.memref_slice %arg2[%dma_start3A_37, %dma_start3A_38] : memref<10240x64xf32, #tpu.memory_space<hbm>> -> memref<10240x64xf32, #tpu.memory_space<hbm>>
    tpu.enqueue_indirect_dma source(%dma_start3A_39 : memref<10240x64xf32, #tpu.memory_space<hbm>>) target(%dma_start3A_33 : memref<128x64xf32, #tpu.memory_space<vmem>>) offsets(%dma_start3A_36 : memref<128xi32, #tpu.memory_space<vmem>>) semaphore(%arg7 : memref<!tpu.dma_semaphore, #tpu.memory_space<semaphore_mem>>)
    %dma_start3A_40 = arith.constant 3 : i32
    %dma_start3A_41 = arith.constant 3 : i32
    %dma_start3A_42 = arith.constant 0 : i32
    %dma_start3A_43 = arith.constant 0 : i32
    %dma_start3A_44 = tpu.memref_slice %arg6[%dma_start3A_41, %dma_start3A_42, %dma_start3A_43] : memref<5x128x64xf32, #tpu.memory_space<vmem>> -> memref<1x128x64xf32, #tpu.memory_space<vmem>>
    %dma_start3A_45 = tpu.memref_squeeze %dma_start3A_44 : memref<1x128x64xf32, #tpu.memory_space<vmem>> -> memref<128x64xf32, #tpu.memory_space<vmem>>
    %dma_start3A_46 = arith.constant 0 : i32
    %dma_start3A_47 = tpu.memref_slice %arg5[%dma_start3A_40, %dma_start3A_46] : memref<5x128xi32, #tpu.memory_space<vmem>> -> memref<1x128xi32, #tpu.memory_space<vmem>>
    %dma_start3A_48 = tpu.memref_squeeze %dma_start3A_47 : memref<1x128xi32, #tpu.memory_space<vmem>> -> memref<128xi32, #tpu.memory_space<vmem>>
    %dma_start3A_49 = arith.constant 0 : i32
    %dma_start3A_50 = arith.constant 0 : i32
    %dma_start3A_51 = tpu.memref_slice %arg2[%dma_start3A_49, %dma_start3A_50] : memref<10240x64xf32, #tpu.memory_space<hbm>> -> memref<10240x64xf32, #tpu.memory_space<hbm>>
    tpu.enqueue_indirect_dma source(%dma_start3A_51 : memref<10240x64xf32, #tpu.memory_space<hbm>>) target(%dma_start3A_45 : memref<128x64xf32, #tpu.memory_space<vmem>>) offsets(%dma_start3A_48 : memref<128xi32, #tpu.memory_space<vmem>>) semaphore(%arg7 : memref<!tpu.dma_semaphore, #tpu.memory_space<semaphore_mem>>)
    %dma_start3A_52 = arith.constant 4 : i32
    %dma_start3A_53 = arith.constant 4 : i32
    %dma_start3A_54 = arith.constant 0 : i32
    %dma_start3A_55 = arith.constant 0 : i32
    %dma_start3A_56 = tpu.memref_slice %arg6[%dma_start3A_53, %dma_start3A_54, %dma_start3A_55] : memref<5x128x64xf32, #tpu.memory_space<vmem>> -> memref<1x128x64xf32, #tpu.memory_space<vmem>>
    %dma_start3A_57 = tpu.memref_squeeze %dma_start3A_56 : memref<1x128x64xf32, #tpu.memory_space<vmem>> -> memref<128x64xf32, #tpu.memory_space<vmem>>
    %dma_start3A_58 = arith.constant 0 : i32
    %dma_start3A_59 = tpu.memref_slice %arg5[%dma_start3A_52, %dma_start3A_58] : memref<5x128xi32, #tpu.memory_space<vmem>> -> memref<1x128xi32, #tpu.memory_space<vmem>>
    %dma_start3A_60 = tpu.memref_squeeze %dma_start3A_59 : memref<1x128xi32, #tpu.memory_space<vmem>> -> memref<128xi32, #tpu.memory_space<vmem>>
    %dma_start3A_61 = arith.constant 0 : i32
    %dma_start3A_62 = arith.constant 0 : i32
    %dma_start3A_63 = tpu.memref_slice %arg2[%dma_start3A_61, %dma_start3A_62] : memref<10240x64xf32, #tpu.memory_space<hbm>> -> memref<10240x64xf32, #tpu.memory_space<hbm>>
    tpu.enqueue_indirect_dma source(%dma_start3A_63 : memref<10240x64xf32, #tpu.memory_space<hbm>>) target(%dma_start3A_57 : memref<128x64xf32, #tpu.memory_space<vmem>>) offsets(%dma_start3A_60 : memref<128xi32, #tpu.memory_space<vmem>>) semaphore(%arg7 : memref<!tpu.dma_semaphore, #tpu.memory_space<semaphore_mem>>)
    %dma_wait3A = arith.constant 0 : i32
    %dma_wait3A_64 = arith.constant 0 : i32
    %dma_wait3A_65 = arith.constant 0 : i32
    %dma_wait3A_66 = arith.constant 0 : i32
    %dma_wait3A_67 = tpu.memref_slice %arg6[%dma_wait3A_64, %dma_wait3A_65, %dma_wait3A_66] : memref<5x128x64xf32, #tpu.memory_space<vmem>> -> memref<1x128x64xf32, #tpu.memory_space<vmem>>
    %dma_wait3A_68 = tpu.memref_squeeze %dma_wait3A_67 : memref<1x128x64xf32, #tpu.memory_space<vmem>> -> memref<128x64xf32, #tpu.memory_space<vmem>>
    %dma_wait3A_69 = arith.constant 0 : i32
    %dma_wait3A_70 = tpu.memref_slice %arg5[%dma_wait3A, %dma_wait3A_69] : memref<5x128xi32, #tpu.memory_space<vmem>> -> memref<1x128xi32, #tpu.memory_space<vmem>>
    %dma_wait3A_71 = tpu.memref_squeeze %dma_wait3A_70 : memref<1x128xi32, #tpu.memory_space<vmem>> -> memref<128xi32, #tpu.memory_space<vmem>>
    %dma_wait3A_72 = arith.constant 0 : i32
    %dma_wait3A_73 = arith.constant 0 : i32
    %dma_wait3A_74 = tpu.memref_slice %arg2[%dma_wait3A_72, %dma_wait3A_73] : memref<10240x64xf32, #tpu.memory_space<hbm>> -> memref<10240x64xf32, #tpu.memory_space<hbm>>
    tpu.wait_indirect_dma semaphore(%arg7 : memref<!tpu.dma_semaphore, #tpu.memory_space<semaphore_mem>>) src(%dma_wait3A_74 : memref<10240x64xf32, #tpu.memory_space<hbm>>) dst(%dma_wait3A_68 : memref<128x64xf32, #tpu.memory_space<vmem>>)
    %dma_wait3A_75 = arith.constant 1 : i32
    %dma_wait3A_76 = arith.constant 1 : i32
    %dma_wait3A_77 = arith.constant 0 : i32
    %dma_wait3A_78 = arith.constant 0 : i32
    %dma_wait3A_79 = tpu.memref_slice %arg6[%dma_wait3A_76, %dma_wait3A_77, %dma_wait3A_78] : memref<5x128x64xf32, #tpu.memory_space<vmem>> -> memref<1x128x64xf32, #tpu.memory_space<vmem>>
    %dma_wait3A_80 = tpu.memref_squeeze %dma_wait3A_79 : memref<1x128x64xf32, #tpu.memory_space<vmem>> -> memref<128x64xf32, #tpu.memory_space<vmem>>
    %dma_wait3A_81 = arith.constant 0 : i32
    %dma_wait3A_82 = tpu.memref_slice %arg5[%dma_wait3A_75, %dma_wait3A_81] : memref<5x128xi32, #tpu.memory_space<vmem>> -> memref<1x128xi32, #tpu.memory_space<vmem>>
    %dma_wait3A_83 = tpu.memref_squeeze %dma_wait3A_82 : memref<1x128xi32, #tpu.memory_space<vmem>> -> memref<128xi32, #tpu.memory_space<vmem>>
    %dma_wait3A_84 = arith.constant 0 : i32
    %dma_wait3A_85 = arith.constant 0 : i32
    %dma_wait3A_86 = tpu.memref_slice %arg2[%dma_wait3A_84, %dma_wait3A_85] : memref<10240x64xf32, #tpu.memory_space<hbm>> -> memref<10240x64xf32, #tpu.memory_space<hbm>>
    tpu.wait_indirect_dma semaphore(%arg7 : memref<!tpu.dma_semaphore, #tpu.memory_space<semaphore_mem>>) src(%dma_wait3A_86 : memref<10240x64xf32, #tpu.memory_space<hbm>>) dst(%dma_wait3A_80 : memref<128x64xf32, #tpu.memory_space<vmem>>)
    %dma_wait3A_87 = arith.constant 2 : i32
    %dma_wait3A_88 = arith.constant 2 : i32
    %dma_wait3A_89 = arith.constant 0 : i32
    %dma_wait3A_90 = arith.constant 0 : i32
    %dma_wait3A_91 = tpu.memref_slice %arg6[%dma_wait3A_88, %dma_wait3A_89, %dma_wait3A_90] : memref<5x128x64xf32, #tpu.memory_space<vmem>> -> memref<1x128x64xf32, #tpu.memory_space<vmem>>
    %dma_wait3A_92 = tpu.memref_squeeze %dma_wait3A_91 : memref<1x128x64xf32, #tpu.memory_space<vmem>> -> memref<128x64xf32, #tpu.memory_space<vmem>>
    %dma_wait3A_93 = arith.constant 0 : i32
    %dma_wait3A_94 = tpu.memref_slice %arg5[%dma_wait3A_87, %dma_wait3A_93] : memref<5x128xi32, #tpu.memory_space<vmem>> -> memref<1x128xi32, #tpu.memory_space<vmem>>
    %dma_wait3A_95 = tpu.memref_squeeze %dma_wait3A_94 : memref<1x128xi32, #tpu.memory_space<vmem>> -> memref<128xi32, #tpu.memory_space<vmem>>
    %dma_wait3A_96 = arith.constant 0 : i32
    %dma_wait3A_97 = arith.constant 0 : i32
    %dma_wait3A_98 = tpu.memref_slice %arg2[%dma_wait3A_96, %dma_wait3A_97] : memref<10240x64xf32, #tpu.memory_space<hbm>> -> memref<10240x64xf32, #tpu.memory_space<hbm>>
    tpu.wait_indirect_dma semaphore(%arg7 : memref<!tpu.dma_semaphore, #tpu.memory_space<semaphore_mem>>) src(%dma_wait3A_98 : memref<10240x64xf32, #tpu.memory_space<hbm>>) dst(%dma_wait3A_92 : memref<128x64xf32, #tpu.memory_space<vmem>>)
    %dma_wait3A_99 = arith.constant 3 : i32
    %dma_wait3A_100 = arith.constant 3 : i32
    %dma_wait3A_101 = arith.constant 0 : i32
    %dma_wait3A_102 = arith.constant 0 : i32
    %dma_wait3A_103 = tpu.memref_slice %arg6[%dma_wait3A_100, %dma_wait3A_101, %dma_wait3A_102] : memref<5x128x64xf32, #tpu.memory_space<vmem>> -> memref<1x128x64xf32, #tpu.memory_space<vmem>>
    %dma_wait3A_104 = tpu.memref_squeeze %dma_wait3A_103 : memref<1x128x64xf32, #tpu.memory_space<vmem>> -> memref<128x64xf32, #tpu.memory_space<vmem>>
    %dma_wait3A_105 = arith.constant 0 : i32
    %dma_wait3A_106 = tpu.memref_slice %arg5[%dma_wait3A_99, %dma_wait3A_105] : memref<5x128xi32, #tpu.memory_space<vmem>> -> memref<1x128xi32, #tpu.memory_space<vmem>>
    %dma_wait3A_107 = tpu.memref_squeeze %dma_wait3A_106 : memref<1x128xi32, #tpu.memory_space<vmem>> -> memref<128xi32, #tpu.memory_space<vmem>>
    %dma_wait3A_108 = arith.constant 0 : i32
    %dma_wait3A_109 = arith.constant 0 : i32
    %dma_wait3A_110 = tpu.memref_slice %arg2[%dma_wait3A_108, %dma_wait3A_109] : memref<10240x64xf32, #tpu.memory_space<hbm>> -> memref<10240x64xf32, #tpu.memory_space<hbm>>
    tpu.wait_indirect_dma semaphore(%arg7 : memref<!tpu.dma_semaphore, #tpu.memory_space<semaphore_mem>>) src(%dma_wait3A_110 : memref<10240x64xf32, #tpu.memory_space<hbm>>) dst(%dma_wait3A_104 : memref<128x64xf32, #tpu.memory_space<vmem>>)
    %dma_wait3A_111 = arith.constant 4 : i32
    %dma_wait3A_112 = arith.constant 4 : i32
    %dma_wait3A_113 = arith.constant 0 : i32
    %dma_wait3A_114 = arith.constant 0 : i32
    %dma_wait3A_115 = tpu.memref_slice %arg6[%dma_wait3A_112, %dma_wait3A_113, %dma_wait3A_114] : memref<5x128x64xf32, #tpu.memory_space<vmem>> -> memref<1x128x64xf32, #tpu.memory_space<vmem>>
    %dma_wait3A_116 = tpu.memref_squeeze %dma_wait3A_115 : memref<1x128x64xf32, #tpu.memory_space<vmem>> -> memref<128x64xf32, #tpu.memory_space<vmem>>
    %dma_wait3A_117 = arith.constant 0 : i32
    %dma_wait3A_118 = tpu.memref_slice %arg5[%dma_wait3A_111, %dma_wait3A_117] : memref<5x128xi32, #tpu.memory_space<vmem>> -> memref<1x128xi32, #tpu.memory_space<vmem>>
    %dma_wait3A_119 = tpu.memref_squeeze %dma_wait3A_118 : memref<1x128xi32, #tpu.memory_space<vmem>> -> memref<128xi32, #tpu.memory_space<vmem>>
    %dma_wait3A_120 = arith.constant 0 : i32
    %dma_wait3A_121 = arith.constant 0 : i32
    %dma_wait3A_122 = tpu.memref_slice %arg2[%dma_wait3A_120, %dma_wait3A_121] : memref<10240x64xf32, #tpu.memory_space<hbm>> -> memref<10240x64xf32, #tpu.memory_space<hbm>>
    tpu.wait_indirect_dma semaphore(%arg7 : memref<!tpu.dma_semaphore, #tpu.memory_space<semaphore_mem>>) src(%dma_wait3A_122 : memref<10240x64xf32, #tpu.memory_space<hbm>>) dst(%dma_wait3A_116 : memref<128x64xf32, #tpu.memory_space<vmem>>)
    %add3A_123 = arith.constant 0 : i32
    %add3A_124 = arith.addi %mul3A_4, %add3A_123 : i32
    %dma_start3A_125 = arith.constant 0 : i32
    %dma_start3A_126 = arith.constant 0 : i32
    %dma_start3A_127 = arith.constant 0 : i32
    %dma_start3A_128 = tpu.memref_slice %arg6[%dma_start3A_125, %dma_start3A_126, %dma_start3A_127] : memref<5x128x64xf32, #tpu.memory_space<vmem>> -> memref<1x128x64xf32, #tpu.memory_space<vmem>>
    %dma_start3A_129 = tpu.memref_squeeze %dma_start3A_128 : memref<1x128x64xf32, #tpu.memory_space<vmem>> -> memref<128x64xf32, #tpu.memory_space<vmem>>
    %dma_start3A_130 = arith.constant 0 : i32
    %dma_start3A_131 = tpu.memref_slice %arg4[%add3A_124, %dma_start3A_130] : memref<20480x64xf32, #tpu.memory_space<hbm>> -> memref<128x64xf32, #tpu.memory_space<hbm>>
    %dma_start3A_132 = arith.constant 0 : i32
    %dma_start3A_133 = tpu.memref_slice %arg4[%add3A_124, %dma_start3A_132] : memref<20480x64xf32, #tpu.memory_space<hbm>> -> memref<128x64xf32, #tpu.memory_space<hbm>>
    %dma_start3A_134 = arith.constant 0 : i32
    %dma_start3A_135 = arith.constant 0 : i32
    %dma_start3A_136 = tpu.memref_slice %arg6[%dma_start3A_125, %dma_start3A_134, %dma_start3A_135] : memref<5x128x64xf32, #tpu.memory_space<vmem>> -> memref<1x128x64xf32, #tpu.memory_space<vmem>>
    %dma_start3A_137 = tpu.memref_squeeze %dma_start3A_136 : memref<1x128x64xf32, #tpu.memory_space<vmem>> -> memref<128x64xf32, #tpu.memory_space<vmem>>
    tpu.enqueue_dma source(%dma_start3A_137 : memref<128x64xf32, #tpu.memory_space<vmem>>) target(%dma_start3A_133 : memref<128x64xf32, #tpu.memory_space<hbm>>) target_semaphore(%arg8 : memref<!tpu.dma_semaphore, #tpu.memory_space<semaphore_mem>>)
    %add3A_138 = arith.constant 128 : i32
    %add3A_139 = arith.addi %mul3A_4, %add3A_138 : i32
    %dma_start3A_140 = arith.constant 1 : i32
    %dma_start3A_141 = arith.constant 0 : i32
    %dma_start3A_142 = arith.constant 0 : i32
    %dma_start3A_143 = tpu.memref_slice %arg6[%dma_start3A_140, %dma_start3A_141, %dma_start3A_142] : memref<5x128x64xf32, #tpu.memory_space<vmem>> -> memref<1x128x64xf32, #tpu.memory_space<vmem>>
    %dma_start3A_144 = tpu.memref_squeeze %dma_start3A_143 : memref<1x128x64xf32, #tpu.memory_space<vmem>> -> memref<128x64xf32, #tpu.memory_space<vmem>>
    %dma_start3A_145 = arith.constant 0 : i32
    %dma_start3A_146 = tpu.memref_slice %arg4[%add3A_139, %dma_start3A_145] : memref<20480x64xf32, #tpu.memory_space<hbm>> -> memref<128x64xf32, #tpu.memory_space<hbm>>
    %dma_start3A_147 = arith.constant 0 : i32
    %dma_start3A_148 = tpu.memref_slice %arg4[%add3A_139, %dma_start3A_147] : memref<20480x64xf32, #tpu.memory_space<hbm>> -> memref<128x64xf32, #tpu.memory_space<hbm>>
    %dma_start3A_149 = arith.constant 0 : i32
    %dma_start3A_150 = arith.constant 0 : i32
    %dma_start3A_151 = tpu.memref_slice %arg6[%dma_start3A_140, %dma_start3A_149, %dma_start3A_150] : memref<5x128x64xf32, #tpu.memory_space<vmem>> -> memref<1x128x64xf32, #tpu.memory_space<vmem>>
    %dma_start3A_152 = tpu.memref_squeeze %dma_start3A_151 : memref<1x128x64xf32, #tpu.memory_space<vmem>> -> memref<128x64xf32, #tpu.memory_space<vmem>>
    tpu.enqueue_dma source(%dma_start3A_152 : memref<128x64xf32, #tpu.memory_space<vmem>>) target(%dma_start3A_148 : memref<128x64xf32, #tpu.memory_space<hbm>>) target_semaphore(%arg8 : memref<!tpu.dma_semaphore, #tpu.memory_space<semaphore_mem>>)
    %add3A_153 = arith.constant 256 : i32
    %add3A_154 = arith.addi %mul3A_4, %add3A_153 : i32
    %dma_start3A_155 = arith.constant 2 : i32
    %dma_start3A_156 = arith.constant 0 : i32
    %dma_start3A_157 = arith.constant 0 : i32
    %dma_start3A_158 = tpu.memref_slice %arg6[%dma_start3A_155, %dma_start3A_156, %dma_start3A_157] : memref<5x128x64xf32, #tpu.memory_space<vmem>> -> memref<1x128x64xf32, #tpu.memory_space<vmem>>
    %dma_start3A_159 = tpu.memref_squeeze %dma_start3A_158 : memref<1x128x64xf32, #tpu.memory_space<vmem>> -> memref<128x64xf32, #tpu.memory_space<vmem>>
    %dma_start3A_160 = arith.constant 0 : i32
    %dma_start3A_161 = tpu.memref_slice %arg4[%add3A_154, %dma_start3A_160] : memref<20480x64xf32, #tpu.memory_space<hbm>> -> memref<128x64xf32, #tpu.memory_space<hbm>>
    %dma_start3A_162 = arith.constant 0 : i32
    %dma_start3A_163 = tpu.memref_slice %arg4[%add3A_154, %dma_start3A_162] : memref<20480x64xf32, #tpu.memory_space<hbm>> -> memref<128x64xf32, #tpu.memory_space<hbm>>
    %dma_start3A_164 = arith.constant 0 : i32
    %dma_start3A_165 = arith.constant 0 : i32
    %dma_start3A_166 = tpu.memref_slice %arg6[%dma_start3A_155, %dma_start3A_164, %dma_start3A_165] : memref<5x128x64xf32, #tpu.memory_space<vmem>> -> memref<1x128x64xf32, #tpu.memory_space<vmem>>
    %dma_start3A_167 = tpu.memref_squeeze %dma_start3A_166 : memref<1x128x64xf32, #tpu.memory_space<vmem>> -> memref<128x64xf32, #tpu.memory_space<vmem>>
    tpu.enqueue_dma source(%dma_start3A_167 : memref<128x64xf32, #tpu.memory_space<vmem>>) target(%dma_start3A_163 : memref<128x64xf32, #tpu.memory_space<hbm>>) target_semaphore(%arg8 : memref<!tpu.dma_semaphore, #tpu.memory_space<semaphore_mem>>)
    %add3A_168 = arith.constant 384 : i32
    %add3A_169 = arith.addi %mul3A_4, %add3A_168 : i32
    %dma_start3A_170 = arith.constant 3 : i32
    %dma_start3A_171 = arith.constant 0 : i32
    %dma_start3A_172 = arith.constant 0 : i32
    %dma_start3A_173 = tpu.memref_slice %arg6[%dma_start3A_170, %dma_start3A_171, %dma_start3A_172] : memref<5x128x64xf32, #tpu.memory_space<vmem>> -> memref<1x128x64xf32, #tpu.memory_space<vmem>>
    %dma_start3A_174 = tpu.memref_squeeze %dma_start3A_173 : memref<1x128x64xf32, #tpu.memory_space<vmem>> -> memref<128x64xf32, #tpu.memory_space<vmem>>
    %dma_start3A_175 = arith.constant 0 : i32
    %dma_start3A_176 = tpu.memref_slice %arg4[%add3A_169, %dma_start3A_175] : memref<20480x64xf32, #tpu.memory_space<hbm>> -> memref<128x64xf32, #tpu.memory_space<hbm>>
    %dma_start3A_177 = arith.constant 0 : i32
    %dma_start3A_178 = tpu.memref_slice %arg4[%add3A_169, %dma_start3A_177] : memref<20480x64xf32, #tpu.memory_space<hbm>> -> memref<128x64xf32, #tpu.memory_space<hbm>>
    %dma_start3A_179 = arith.constant 0 : i32
    %dma_start3A_180 = arith.constant 0 : i32
    %dma_start3A_181 = tpu.memref_slice %arg6[%dma_start3A_170, %dma_start3A_179, %dma_start3A_180] : memref<5x128x64xf32, #tpu.memory_space<vmem>> -> memref<1x128x64xf32, #tpu.memory_space<vmem>>
    %dma_start3A_182 = tpu.memref_squeeze %dma_start3A_181 : memref<1x128x64xf32, #tpu.memory_space<vmem>> -> memref<128x64xf32, #tpu.memory_space<vmem>>
    tpu.enqueue_dma source(%dma_start3A_182 : memref<128x64xf32, #tpu.memory_space<vmem>>) target(%dma_start3A_178 : memref<128x64xf32, #tpu.memory_space<hbm>>) target_semaphore(%arg8 : memref<!tpu.dma_semaphore, #tpu.memory_space<semaphore_mem>>)
    %add3A_183 = arith.constant 512 : i32
    %add3A_184 = arith.addi %mul3A_4, %add3A_183 : i32
    %dma_start3A_185 = arith.constant 4 : i32
    %dma_start3A_186 = arith.constant 0 : i32
    %dma_start3A_187 = arith.constant 0 : i32
    %dma_start3A_188 = tpu.memref_slice %arg6[%dma_start3A_185, %dma_start3A_186, %dma_start3A_187] : memref<5x128x64xf32, #tpu.memory_space<vmem>> -> memref<1x128x64xf32, #tpu.memory_space<vmem>>
    %dma_start3A_189 = tpu.memref_squeeze %dma_start3A_188 : memref<1x128x64xf32, #tpu.memory_space<vmem>> -> memref<128x64xf32, #tpu.memory_space<vmem>>
    %dma_start3A_190 = arith.constant 0 : i32
    %dma_start3A_191 = tpu.memref_slice %arg4[%add3A_184, %dma_start3A_190] : memref<20480x64xf32, #tpu.memory_space<hbm>> -> memref<128x64xf32, #tpu.memory_space<hbm>>
    %dma_start3A_192 = arith.constant 0 : i32
    %dma_start3A_193 = tpu.memref_slice %arg4[%add3A_184, %dma_start3A_192] : memref<20480x64xf32, #tpu.memory_space<hbm>> -> memref<128x64xf32, #tpu.memory_space<hbm>>
    %dma_start3A_194 = arith.constant 0 : i32
    %dma_start3A_195 = arith.constant 0 : i32
    %dma_start3A_196 = tpu.memref_slice %arg6[%dma_start3A_185, %dma_start3A_194, %dma_start3A_195] : memref<5x128x64xf32, #tpu.memory_space<vmem>> -> memref<1x128x64xf32, #tpu.memory_space<vmem>>
    %dma_start3A_197 = tpu.memref_squeeze %dma_start3A_196 : memref<1x128x64xf32, #tpu.memory_space<vmem>> -> memref<128x64xf32, #tpu.memory_space<vmem>>
    tpu.enqueue_dma source(%dma_start3A_197 : memref<128x64xf32, #tpu.memory_space<vmem>>) target(%dma_start3A_193 : memref<128x64xf32, #tpu.memory_space<hbm>>) target_semaphore(%arg8 : memref<!tpu.dma_semaphore, #tpu.memory_space<semaphore_mem>>)
    %dma_wait3A_198 = arith.constant 0 : i32
    %dma_wait3A_199 = arith.constant 0 : i32
    %dma_wait3A_200 = arith.constant 0 : i32
    %dma_wait3A_201 = tpu.memref_slice %arg6[%dma_wait3A_198, %dma_wait3A_199, %dma_wait3A_200] : memref<5x128x64xf32, #tpu.memory_space<vmem>> -> memref<1x128x64xf32, #tpu.memory_space<vmem>>
    %dma_wait3A_202 = tpu.memref_squeeze %dma_wait3A_201 : memref<1x128x64xf32, #tpu.memory_space<vmem>> -> memref<128x64xf32, #tpu.memory_space<vmem>>
    %dma_wait3A_203 = arith.constant 0 : i32
    %dma_wait3A_204 = tpu.memref_slice %arg4[%add3A_124, %dma_wait3A_203] : memref<20480x64xf32, #tpu.memory_space<hbm>> -> memref<128x64xf32, #tpu.memory_space<hbm>>
    %dma_wait3A_205 = arith.constant 0 : i32
    %dma_wait3A_206 = tpu.memref_slice %arg4[%add3A_124, %dma_wait3A_205] : memref<20480x64xf32, #tpu.memory_space<hbm>> -> memref<128x64xf32, #tpu.memory_space<hbm>>
    %dma_wait3A_207 = arith.constant 0 : i32
    %dma_wait3A_208 = arith.constant 0 : i32
    %dma_wait3A_209 = tpu.memref_slice %arg6[%dma_wait3A_198, %dma_wait3A_207, %dma_wait3A_208] : memref<5x128x64xf32, #tpu.memory_space<vmem>> -> memref<1x128x64xf32, #tpu.memory_space<vmem>>
    %dma_wait3A_210 = tpu.memref_squeeze %dma_wait3A_209 : memref<1x128x64xf32, #tpu.memory_space<vmem>> -> memref<128x64xf32, #tpu.memory_space<vmem>>
    tpu.wait_dma2 semaphore(%arg8 : memref<!tpu.dma_semaphore, #tpu.memory_space<semaphore_mem>>) src(%dma_wait3A_210 : memref<128x64xf32, #tpu.memory_space<vmem>>) dst(%dma_wait3A_206 : memref<128x64xf32, #tpu.memory_space<hbm>>)
    %dma_wait3A_211 = arith.constant 1 : i32
    %dma_wait3A_212 = arith.constant 0 : i32
    %dma_wait3A_213 = arith.constant 0 : i32
    %dma_wait3A_214 = tpu.memref_slice %arg6[%dma_wait3A_211, %dma_wait3A_212, %dma_wait3A_213] : memref<5x128x64xf32, #tpu.memory_space<vmem>> -> memref<1x128x64xf32, #tpu.memory_space<vmem>>
    %dma_wait3A_215 = tpu.memref_squeeze %dma_wait3A_214 : memref<1x128x64xf32, #tpu.memory_space<vmem>> -> memref<128x64xf32, #tpu.memory_space<vmem>>
    %dma_wait3A_216 = arith.constant 0 : i32
    %dma_wait3A_217 = tpu.memref_slice %arg4[%add3A_139, %dma_wait3A_216] : memref<20480x64xf32, #tpu.memory_space<hbm>> -> memref<128x64xf32, #tpu.memory_space<hbm>>
    %dma_wait3A_218 = arith.constant 0 : i32
    %dma_wait3A_219 = tpu.memref_slice %arg4[%add3A_139, %dma_wait3A_218] : memref<20480x64xf32, #tpu.memory_space<hbm>> -> memref<128x64xf32, #tpu.memory_space<hbm>>
    %dma_wait3A_220 = arith.constant 0 : i32
    %dma_wait3A_221 = arith.constant 0 : i32
    %dma_wait3A_222 = tpu.memref_slice %arg6[%dma_wait3A_211, %dma_wait3A_220, %dma_wait3A_221] : memref<5x128x64xf32, #tpu.memory_space<vmem>> -> memref<1x128x64xf32, #tpu.memory_space<vmem>>
    %dma_wait3A_223 = tpu.memref_squeeze %dma_wait3A_222 : memref<1x128x64xf32, #tpu.memory_space<vmem>> -> memref<128x64xf32, #tpu.memory_space<vmem>>
    tpu.wait_dma2 semaphore(%arg8 : memref<!tpu.dma_semaphore, #tpu.memory_space<semaphore_mem>>) src(%dma_wait3A_223 : memref<128x64xf32, #tpu.memory_space<vmem>>) dst(%dma_wait3A_219 : memref<128x64xf32, #tpu.memory_space<hbm>>)
    %dma_wait3A_224 = arith.constant 2 : i32
    %dma_wait3A_225 = arith.constant 0 : i32
    %dma_wait3A_226 = arith.constant 0 : i32
    %dma_wait3A_227 = tpu.memref_slice %arg6[%dma_wait3A_224, %dma_wait3A_225, %dma_wait3A_226] : memref<5x128x64xf32, #tpu.memory_space<vmem>> -> memref<1x128x64xf32, #tpu.memory_space<vmem>>
    %dma_wait3A_228 = tpu.memref_squeeze %dma_wait3A_227 : memref<1x128x64xf32, #tpu.memory_space<vmem>> -> memref<128x64xf32, #tpu.memory_space<vmem>>
    %dma_wait3A_229 = arith.constant 0 : i32
    %dma_wait3A_230 = tpu.memref_slice %arg4[%add3A_154, %dma_wait3A_229] : memref<20480x64xf32, #tpu.memory_space<hbm>> -> memref<128x64xf32, #tpu.memory_space<hbm>>
    %dma_wait3A_231 = arith.constant 0 : i32
    %dma_wait3A_232 = tpu.memref_slice %arg4[%add3A_154, %dma_wait3A_231] : memref<20480x64xf32, #tpu.memory_space<hbm>> -> memref<128x64xf32, #tpu.memory_space<hbm>>
    %dma_wait3A_233 = arith.constant 0 : i32
    %dma_wait3A_234 = arith.constant 0 : i32
    %dma_wait3A_235 = tpu.memref_slice %arg6[%dma_wait3A_224, %dma_wait3A_233, %dma_wait3A_234] : memref<5x128x64xf32, #tpu.memory_space<vmem>> -> memref<1x128x64xf32, #tpu.memory_space<vmem>>
    %dma_wait3A_236 = tpu.memref_squeeze %dma_wait3A_235 : memref<1x128x64xf32, #tpu.memory_space<vmem>> -> memref<128x64xf32, #tpu.memory_space<vmem>>
    tpu.wait_dma2 semaphore(%arg8 : memref<!tpu.dma_semaphore, #tpu.memory_space<semaphore_mem>>) src(%dma_wait3A_236 : memref<128x64xf32, #tpu.memory_space<vmem>>) dst(%dma_wait3A_232 : memref<128x64xf32, #tpu.memory_space<hbm>>)
    %dma_wait3A_237 = arith.constant 3 : i32
    %dma_wait3A_238 = arith.constant 0 : i32
    %dma_wait3A_239 = arith.constant 0 : i32
    %dma_wait3A_240 = tpu.memref_slice %arg6[%dma_wait3A_237, %dma_wait3A_238, %dma_wait3A_239] : memref<5x128x64xf32, #tpu.memory_space<vmem>> -> memref<1x128x64xf32, #tpu.memory_space<vmem>>
    %dma_wait3A_241 = tpu.memref_squeeze %dma_wait3A_240 : memref<1x128x64xf32, #tpu.memory_space<vmem>> -> memref<128x64xf32, #tpu.memory_space<vmem>>
    %dma_wait3A_242 = arith.constant 0 : i32
    %dma_wait3A_243 = tpu.memref_slice %arg4[%add3A_169, %dma_wait3A_242] : memref<20480x64xf32, #tpu.memory_space<hbm>> -> memref<128x64xf32, #tpu.memory_space<hbm>>
    %dma_wait3A_244 = arith.constant 0 : i32
    %dma_wait3A_245 = tpu.memref_slice %arg4[%add3A_169, %dma_wait3A_244] : memref<20480x64xf32, #tpu.memory_space<hbm>> -> memref<128x64xf32, #tpu.memory_space<hbm>>
    %dma_wait3A_246 = arith.constant 0 : i32
    %dma_wait3A_247 = arith.constant 0 : i32
    %dma_wait3A_248 = tpu.memref_slice %arg6[%dma_wait3A_237, %dma_wait3A_246, %dma_wait3A_247] : memref<5x128x64xf32, #tpu.memory_space<vmem>> -> memref<1x128x64xf32, #tpu.memory_space<vmem>>
    %dma_wait3A_249 = tpu.memref_squeeze %dma_wait3A_248 : memref<1x128x64xf32, #tpu.memory_space<vmem>> -> memref<128x64xf32, #tpu.memory_space<vmem>>
    tpu.wait_dma2 semaphore(%arg8 : memref<!tpu.dma_semaphore, #tpu.memory_space<semaphore_mem>>) src(%dma_wait3A_249 : memref<128x64xf32, #tpu.memory_space<vmem>>) dst(%dma_wait3A_245 : memref<128x64xf32, #tpu.memory_space<hbm>>)
    %dma_wait3A_250 = arith.constant 4 : i32
    %dma_wait3A_251 = arith.constant 0 : i32
    %dma_wait3A_252 = arith.constant 0 : i32
    %dma_wait3A_253 = tpu.memref_slice %arg6[%dma_wait3A_250, %dma_wait3A_251, %dma_wait3A_252] : memref<5x128x64xf32, #tpu.memory_space<vmem>> -> memref<1x128x64xf32, #tpu.memory_space<vmem>>
    %dma_wait3A_254 = tpu.memref_squeeze %dma_wait3A_253 : memref<1x128x64xf32, #tpu.memory_space<vmem>> -> memref<128x64xf32, #tpu.memory_space<vmem>>
    %dma_wait3A_255 = arith.constant 0 : i32
    %dma_wait3A_256 = tpu.memref_slice %arg4[%add3A_184, %dma_wait3A_255] : memref<20480x64xf32, #tpu.memory_space<hbm>> -> memref<128x64xf32, #tpu.memory_space<hbm>>
    %dma_wait3A_257 = arith.constant 0 : i32
    %dma_wait3A_258 = tpu.memref_slice %arg4[%add3A_184, %dma_wait3A_257] : memref<20480x64xf32, #tpu.memory_space<hbm>> -> memref<128x64xf32, #tpu.memory_space<hbm>>
    %dma_wait3A_259 = arith.constant 0 : i32
    %dma_wait3A_260 = arith.constant 0 : i32
    %dma_wait3A_261 = tpu.memref_slice %arg6[%dma_wait3A_250, %dma_wait3A_259, %dma_wait3A_260] : memref<5x128x64xf32, #tpu.memory_space<vmem>> -> memref<1x128x64xf32, #tpu.memory_space<vmem>>
    %dma_wait3A_262 = tpu.memref_squeeze %dma_wait3A_261 : memref<1x128x64xf32, #tpu.memory_space<vmem>> -> memref<128x64xf32, #tpu.memory_space<vmem>>
    tpu.wait_dma2 semaphore(%arg8 : memref<!tpu.dma_semaphore, #tpu.memory_space<semaphore_mem>>) src(%dma_wait3A_262 : memref<128x64xf32, #tpu.memory_space<vmem>>) dst(%dma_wait3A_258 : memref<128x64xf32, #tpu.memory_space<hbm>>)
    return
  }
}

#map = affine_map<(d0, d1) -> (0, 0)>
#map1 = affine_map<(d0, d1) -> (0, 0, 0)>
module attributes {stable_mosaic.version = 14 : i64} {
  func.func @_scatter_nodeg_body(%arg0: i32, %arg1: i32, %arg2: memref<20480x64xf32, #tpu.memory_space<hbm>>, %arg3: memref<32x5x128xi32, #tpu.memory_space<hbm>>, %arg4: memref<10240x64xf32, #tpu.memory_space<hbm>>, %arg5: memref<2x10240x64xf32, #tpu.memory_space<hbm>>, %arg6: memref<5x128xi32, #tpu.memory_space<vmem>>, %arg7: memref<5x128x64xf32, #tpu.memory_space<vmem>>, %arg8: memref<10240x64xf32, #tpu.memory_space<vmem_shared>>, %arg9: memref<!tpu.dma_semaphore, #tpu.memory_space<semaphore_mem>>, %arg10: memref<!tpu.dma_semaphore, #tpu.memory_space<semaphore_mem>>) attributes {dimension_semantics = [#tpu.dimension_semantics<core_parallel>, #tpu.dimension_semantics<subcore_parallel>], iteration_bounds = array<i64: 2, 16>, scalar_prefetch = 0 : i64, scratch_operands = 5 : i64, tpu.core_type = #tpu.core_type<sc_vector_subcore>, window_params = [{transform_indices = #map}, {transform_indices = #map1}, {transform_indices = #map}, {transform_indices = #map1}]} {
    %mul3A = arith.constant 16 : i32
    %mul3A_0 = arith.muli %arg0, %mul3A : i32
    %add3A = arith.addi %mul3A_0, %arg1 : i32
    %mul3A_1 = arith.constant 640 : i32
    %mul3A_2 = arith.muli %arg1, %mul3A_1 : i32
    %mul3A_3 = arith.constant 5 : i32
    %mul3A_4 = arith.muli %add3A, %mul3A_3 : i32
    %mul3A_5 = arith.constant 128 : i32
    %mul3A_6 = arith.muli %mul3A_4, %mul3A_5 : i32
    "tpu.region"() ({
      %run_scoped3A = tpu.sem_alloc : memref<!tpu.dma_semaphore, #tpu.memory_space<semaphore_mem>>
      %dma_start3A_266 = arith.constant 0 : i32
      %dma_start3A_267 = arith.constant 0 : i32
      %dma_start3A_268 = tpu.memref_slice %arg3[%add3A, %dma_start3A_266, %dma_start3A_267] : memref<32x5x128xi32, #tpu.memory_space<hbm>> -> memref<1x5x128xi32, #tpu.memory_space<hbm>>
      %dma_start3A_269 = tpu.memref_squeeze %dma_start3A_268 : memref<1x5x128xi32, #tpu.memory_space<hbm>> -> memref<5x128xi32, #tpu.memory_space<hbm>>
      %dma_start3A_270 = arith.constant 0 : i32
      %dma_start3A_271 = arith.constant 0 : i32
      %dma_start3A_272 = tpu.memref_slice %arg3[%add3A, %dma_start3A_270, %dma_start3A_271] : memref<32x5x128xi32, #tpu.memory_space<hbm>> -> memref<1x5x128xi32, #tpu.memory_space<hbm>>
      %dma_start3A_273 = tpu.memref_squeeze %dma_start3A_272 : memref<1x5x128xi32, #tpu.memory_space<hbm>> -> memref<5x128xi32, #tpu.memory_space<hbm>>
      tpu.enqueue_dma source(%dma_start3A_273 : memref<5x128xi32, #tpu.memory_space<hbm>>) target(%arg6 : memref<5x128xi32, #tpu.memory_space<vmem>>) target_semaphore(%run_scoped3A : memref<!tpu.dma_semaphore, #tpu.memory_space<semaphore_mem>>)
      %dma_wait3A_274 = arith.constant 0 : i32
      %dma_wait3A_275 = arith.constant 0 : i32
      %dma_wait3A_276 = tpu.memref_slice %arg3[%add3A, %dma_wait3A_274, %dma_wait3A_275] : memref<32x5x128xi32, #tpu.memory_space<hbm>> -> memref<1x5x128xi32, #tpu.memory_space<hbm>>
      %dma_wait3A_277 = tpu.memref_squeeze %dma_wait3A_276 : memref<1x5x128xi32, #tpu.memory_space<hbm>> -> memref<5x128xi32, #tpu.memory_space<hbm>>
      %dma_wait3A_278 = arith.constant 0 : i32
      %dma_wait3A_279 = arith.constant 0 : i32
      %dma_wait3A_280 = tpu.memref_slice %arg3[%add3A, %dma_wait3A_278, %dma_wait3A_279] : memref<32x5x128xi32, #tpu.memory_space<hbm>> -> memref<1x5x128xi32, #tpu.memory_space<hbm>>
      %dma_wait3A_281 = tpu.memref_squeeze %dma_wait3A_280 : memref<1x5x128xi32, #tpu.memory_space<hbm>> -> memref<5x128xi32, #tpu.memory_space<hbm>>
      tpu.wait_dma2 semaphore(%run_scoped3A : memref<!tpu.dma_semaphore, #tpu.memory_space<semaphore_mem>>) src(%dma_wait3A_281 : memref<5x128xi32, #tpu.memory_space<hbm>>) dst(%arg6 : memref<5x128xi32, #tpu.memory_space<vmem>>)
      tpu.yield
    }) : () -> ()
    %add3A_7 = arith.constant 0 : i32
    %add3A_8 = arith.addi %mul3A_6, %add3A_7 : i32
    %dma_start3A = arith.constant 0 : i32
    %dma_start3A_9 = arith.constant 0 : i32
    %dma_start3A_10 = arith.constant 0 : i32
    %dma_start3A_11 = tpu.memref_slice %arg7[%dma_start3A, %dma_start3A_9, %dma_start3A_10] : memref<5x128x64xf32, #tpu.memory_space<vmem>> -> memref<1x128x64xf32, #tpu.memory_space<vmem>>
    %dma_start3A_12 = tpu.memref_squeeze %dma_start3A_11 : memref<1x128x64xf32, #tpu.memory_space<vmem>> -> memref<128x64xf32, #tpu.memory_space<vmem>>
    %dma_start3A_13 = arith.constant 0 : i32
    %dma_start3A_14 = tpu.memref_slice %arg2[%add3A_8, %dma_start3A_13] : memref<20480x64xf32, #tpu.memory_space<hbm>> -> memref<128x64xf32, #tpu.memory_space<hbm>>
    %dma_start3A_15 = arith.constant 0 : i32
    %dma_start3A_16 = arith.constant 0 : i32
    %dma_start3A_17 = tpu.memref_slice %arg7[%dma_start3A, %dma_start3A_15, %dma_start3A_16] : memref<5x128x64xf32, #tpu.memory_space<vmem>> -> memref<1x128x64xf32, #tpu.memory_space<vmem>>
    %dma_start3A_18 = tpu.memref_squeeze %dma_start3A_17 : memref<1x128x64xf32, #tpu.memory_space<vmem>> -> memref<128x64xf32, #tpu.memory_space<vmem>>
    %dma_start3A_19 = arith.constant 0 : i32
    %dma_start3A_20 = tpu.memref_slice %arg2[%add3A_8, %dma_start3A_19] : memref<20480x64xf32, #tpu.memory_space<hbm>> -> memref<128x64xf32, #tpu.memory_space<hbm>>
    tpu.enqueue_dma source(%dma_start3A_20 : memref<128x64xf32, #tpu.memory_space<hbm>>) target(%dma_start3A_18 : memref<128x64xf32, #tpu.memory_space<vmem>>) target_semaphore(%arg9 : memref<!tpu.dma_semaphore, #tpu.memory_space<semaphore_mem>>)
    %add3A_21 = arith.constant 128 : i32
    %add3A_22 = arith.addi %mul3A_6, %add3A_21 : i32
    %dma_start3A_23 = arith.constant 1 : i32
    %dma_start3A_24 = arith.constant 0 : i32
    %dma_start3A_25 = arith.constant 0 : i32
    %dma_start3A_26 = tpu.memref_slice %arg7[%dma_start3A_23, %dma_start3A_24, %dma_start3A_25] : memref<5x128x64xf32, #tpu.memory_space<vmem>> -> memref<1x128x64xf32, #tpu.memory_space<vmem>>
    %dma_start3A_27 = tpu.memref_squeeze %dma_start3A_26 : memref<1x128x64xf32, #tpu.memory_space<vmem>> -> memref<128x64xf32, #tpu.memory_space<vmem>>
    %dma_start3A_28 = arith.constant 0 : i32
    %dma_start3A_29 = tpu.memref_slice %arg2[%add3A_22, %dma_start3A_28] : memref<20480x64xf32, #tpu.memory_space<hbm>> -> memref<128x64xf32, #tpu.memory_space<hbm>>
    %dma_start3A_30 = arith.constant 0 : i32
    %dma_start3A_31 = arith.constant 0 : i32
    %dma_start3A_32 = tpu.memref_slice %arg7[%dma_start3A_23, %dma_start3A_30, %dma_start3A_31] : memref<5x128x64xf32, #tpu.memory_space<vmem>> -> memref<1x128x64xf32, #tpu.memory_space<vmem>>
    %dma_start3A_33 = tpu.memref_squeeze %dma_start3A_32 : memref<1x128x64xf32, #tpu.memory_space<vmem>> -> memref<128x64xf32, #tpu.memory_space<vmem>>
    %dma_start3A_34 = arith.constant 0 : i32
    %dma_start3A_35 = tpu.memref_slice %arg2[%add3A_22, %dma_start3A_34] : memref<20480x64xf32, #tpu.memory_space<hbm>> -> memref<128x64xf32, #tpu.memory_space<hbm>>
    tpu.enqueue_dma source(%dma_start3A_35 : memref<128x64xf32, #tpu.memory_space<hbm>>) target(%dma_start3A_33 : memref<128x64xf32, #tpu.memory_space<vmem>>) target_semaphore(%arg9 : memref<!tpu.dma_semaphore, #tpu.memory_space<semaphore_mem>>)
    %add3A_36 = arith.constant 256 : i32
    %add3A_37 = arith.addi %mul3A_6, %add3A_36 : i32
    %dma_start3A_38 = arith.constant 2 : i32
    %dma_start3A_39 = arith.constant 0 : i32
    %dma_start3A_40 = arith.constant 0 : i32
    %dma_start3A_41 = tpu.memref_slice %arg7[%dma_start3A_38, %dma_start3A_39, %dma_start3A_40] : memref<5x128x64xf32, #tpu.memory_space<vmem>> -> memref<1x128x64xf32, #tpu.memory_space<vmem>>
    %dma_start3A_42 = tpu.memref_squeeze %dma_start3A_41 : memref<1x128x64xf32, #tpu.memory_space<vmem>> -> memref<128x64xf32, #tpu.memory_space<vmem>>
    %dma_start3A_43 = arith.constant 0 : i32
    %dma_start3A_44 = tpu.memref_slice %arg2[%add3A_37, %dma_start3A_43] : memref<20480x64xf32, #tpu.memory_space<hbm>> -> memref<128x64xf32, #tpu.memory_space<hbm>>
    %dma_start3A_45 = arith.constant 0 : i32
    %dma_start3A_46 = arith.constant 0 : i32
    %dma_start3A_47 = tpu.memref_slice %arg7[%dma_start3A_38, %dma_start3A_45, %dma_start3A_46] : memref<5x128x64xf32, #tpu.memory_space<vmem>> -> memref<1x128x64xf32, #tpu.memory_space<vmem>>
    %dma_start3A_48 = tpu.memref_squeeze %dma_start3A_47 : memref<1x128x64xf32, #tpu.memory_space<vmem>> -> memref<128x64xf32, #tpu.memory_space<vmem>>
    %dma_start3A_49 = arith.constant 0 : i32
    %dma_start3A_50 = tpu.memref_slice %arg2[%add3A_37, %dma_start3A_49] : memref<20480x64xf32, #tpu.memory_space<hbm>> -> memref<128x64xf32, #tpu.memory_space<hbm>>
    tpu.enqueue_dma source(%dma_start3A_50 : memref<128x64xf32, #tpu.memory_space<hbm>>) target(%dma_start3A_48 : memref<128x64xf32, #tpu.memory_space<vmem>>) target_semaphore(%arg9 : memref<!tpu.dma_semaphore, #tpu.memory_space<semaphore_mem>>)
    %add3A_51 = arith.constant 384 : i32
    %add3A_52 = arith.addi %mul3A_6, %add3A_51 : i32
    %dma_start3A_53 = arith.constant 3 : i32
    %dma_start3A_54 = arith.constant 0 : i32
    %dma_start3A_55 = arith.constant 0 : i32
    %dma_start3A_56 = tpu.memref_slice %arg7[%dma_start3A_53, %dma_start3A_54, %dma_start3A_55] : memref<5x128x64xf32, #tpu.memory_space<vmem>> -> memref<1x128x64xf32, #tpu.memory_space<vmem>>
    %dma_start3A_57 = tpu.memref_squeeze %dma_start3A_56 : memref<1x128x64xf32, #tpu.memory_space<vmem>> -> memref<128x64xf32, #tpu.memory_space<vmem>>
    %dma_start3A_58 = arith.constant 0 : i32
    %dma_start3A_59 = tpu.memref_slice %arg2[%add3A_52, %dma_start3A_58] : memref<20480x64xf32, #tpu.memory_space<hbm>> -> memref<128x64xf32, #tpu.memory_space<hbm>>
    %dma_start3A_60 = arith.constant 0 : i32
    %dma_start3A_61 = arith.constant 0 : i32
    %dma_start3A_62 = tpu.memref_slice %arg7[%dma_start3A_53, %dma_start3A_60, %dma_start3A_61] : memref<5x128x64xf32, #tpu.memory_space<vmem>> -> memref<1x128x64xf32, #tpu.memory_space<vmem>>
    %dma_start3A_63 = tpu.memref_squeeze %dma_start3A_62 : memref<1x128x64xf32, #tpu.memory_space<vmem>> -> memref<128x64xf32, #tpu.memory_space<vmem>>
    %dma_start3A_64 = arith.constant 0 : i32
    %dma_start3A_65 = tpu.memref_slice %arg2[%add3A_52, %dma_start3A_64] : memref<20480x64xf32, #tpu.memory_space<hbm>> -> memref<128x64xf32, #tpu.memory_space<hbm>>
    tpu.enqueue_dma source(%dma_start3A_65 : memref<128x64xf32, #tpu.memory_space<hbm>>) target(%dma_start3A_63 : memref<128x64xf32, #tpu.memory_space<vmem>>) target_semaphore(%arg9 : memref<!tpu.dma_semaphore, #tpu.memory_space<semaphore_mem>>)
    %add3A_66 = arith.constant 512 : i32
    %add3A_67 = arith.addi %mul3A_6, %add3A_66 : i32
    %dma_start3A_68 = arith.constant 4 : i32
    %dma_start3A_69 = arith.constant 0 : i32
    %dma_start3A_70 = arith.constant 0 : i32
    %dma_start3A_71 = tpu.memref_slice %arg7[%dma_start3A_68, %dma_start3A_69, %dma_start3A_70] : memref<5x128x64xf32, #tpu.memory_space<vmem>> -> memref<1x128x64xf32, #tpu.memory_space<vmem>>
    %dma_start3A_72 = tpu.memref_squeeze %dma_start3A_71 : memref<1x128x64xf32, #tpu.memory_space<vmem>> -> memref<128x64xf32, #tpu.memory_space<vmem>>
    %dma_start3A_73 = arith.constant 0 : i32
    %dma_start3A_74 = tpu.memref_slice %arg2[%add3A_67, %dma_start3A_73] : memref<20480x64xf32, #tpu.memory_space<hbm>> -> memref<128x64xf32, #tpu.memory_space<hbm>>
    %dma_start3A_75 = arith.constant 0 : i32
    %dma_start3A_76 = arith.constant 0 : i32
    %dma_start3A_77 = tpu.memref_slice %arg7[%dma_start3A_68, %dma_start3A_75, %dma_start3A_76] : memref<5x128x64xf32, #tpu.memory_space<vmem>> -> memref<1x128x64xf32, #tpu.memory_space<vmem>>
    %dma_start3A_78 = tpu.memref_squeeze %dma_start3A_77 : memref<1x128x64xf32, #tpu.memory_space<vmem>> -> memref<128x64xf32, #tpu.memory_space<vmem>>
    %dma_start3A_79 = arith.constant 0 : i32
    %dma_start3A_80 = tpu.memref_slice %arg2[%add3A_67, %dma_start3A_79] : memref<20480x64xf32, #tpu.memory_space<hbm>> -> memref<128x64xf32, #tpu.memory_space<hbm>>
    tpu.enqueue_dma source(%dma_start3A_80 : memref<128x64xf32, #tpu.memory_space<hbm>>) target(%dma_start3A_78 : memref<128x64xf32, #tpu.memory_space<vmem>>) target_semaphore(%arg9 : memref<!tpu.dma_semaphore, #tpu.memory_space<semaphore_mem>>)
    "tpu.region"() ({
      %run_scoped3A = tpu.sem_alloc : memref<!tpu.dma_semaphore, #tpu.memory_space<semaphore_mem>>
      %dma_start3A_266 = arith.constant 0 : i32
      %dma_start3A_267 = tpu.memref_slice %arg8[%mul3A_2, %dma_start3A_266] : memref<10240x64xf32, #tpu.memory_space<vmem_shared>> -> memref<640x64xf32, #tpu.memory_space<vmem_shared>>
      %dma_start3A_268 = arith.constant 0 : i32
      %dma_start3A_269 = tpu.memref_slice %arg4[%mul3A_2, %dma_start3A_268] : memref<10240x64xf32, #tpu.memory_space<hbm>> -> memref<640x64xf32, #tpu.memory_space<hbm>>
      tpu.enqueue_dma source(%dma_start3A_269 : memref<640x64xf32, #tpu.memory_space<hbm>>) target(%dma_start3A_267 : memref<640x64xf32, #tpu.memory_space<vmem_shared>>) target_semaphore(%run_scoped3A : memref<!tpu.dma_semaphore, #tpu.memory_space<semaphore_mem>>)
      %dma_wait3A_270 = arith.constant 0 : i32
      %dma_wait3A_271 = tpu.memref_slice %arg8[%mul3A_2, %dma_wait3A_270] : memref<10240x64xf32, #tpu.memory_space<vmem_shared>> -> memref<640x64xf32, #tpu.memory_space<vmem_shared>>
      %dma_wait3A_272 = arith.constant 0 : i32
      %dma_wait3A_273 = tpu.memref_slice %arg4[%mul3A_2, %dma_wait3A_272] : memref<10240x64xf32, #tpu.memory_space<hbm>> -> memref<640x64xf32, #tpu.memory_space<hbm>>
      tpu.wait_dma2 semaphore(%run_scoped3A : memref<!tpu.dma_semaphore, #tpu.memory_space<semaphore_mem>>) src(%dma_wait3A_273 : memref<640x64xf32, #tpu.memory_space<hbm>>) dst(%dma_wait3A_271 : memref<640x64xf32, #tpu.memory_space<vmem_shared>>)
      tpu.yield
    }) : () -> ()
    %dma_wait3A = arith.constant 0 : i32
    %dma_wait3A_81 = arith.constant 0 : i32
    %dma_wait3A_82 = arith.constant 0 : i32
    %dma_wait3A_83 = tpu.memref_slice %arg7[%dma_wait3A, %dma_wait3A_81, %dma_wait3A_82] : memref<5x128x64xf32, #tpu.memory_space<vmem>> -> memref<1x128x64xf32, #tpu.memory_space<vmem>>
    %dma_wait3A_84 = tpu.memref_squeeze %dma_wait3A_83 : memref<1x128x64xf32, #tpu.memory_space<vmem>> -> memref<128x64xf32, #tpu.memory_space<vmem>>
    %dma_wait3A_85 = arith.constant 0 : i32
    %dma_wait3A_86 = tpu.memref_slice %arg2[%add3A_8, %dma_wait3A_85] : memref<20480x64xf32, #tpu.memory_space<hbm>> -> memref<128x64xf32, #tpu.memory_space<hbm>>
    %dma_wait3A_87 = arith.constant 0 : i32
    %dma_wait3A_88 = arith.constant 0 : i32
    %dma_wait3A_89 = tpu.memref_slice %arg7[%dma_wait3A, %dma_wait3A_87, %dma_wait3A_88] : memref<5x128x64xf32, #tpu.memory_space<vmem>> -> memref<1x128x64xf32, #tpu.memory_space<vmem>>
    %dma_wait3A_90 = tpu.memref_squeeze %dma_wait3A_89 : memref<1x128x64xf32, #tpu.memory_space<vmem>> -> memref<128x64xf32, #tpu.memory_space<vmem>>
    %dma_wait3A_91 = arith.constant 0 : i32
    %dma_wait3A_92 = tpu.memref_slice %arg2[%add3A_8, %dma_wait3A_91] : memref<20480x64xf32, #tpu.memory_space<hbm>> -> memref<128x64xf32, #tpu.memory_space<hbm>>
    tpu.wait_dma2 semaphore(%arg9 : memref<!tpu.dma_semaphore, #tpu.memory_space<semaphore_mem>>) src(%dma_wait3A_92 : memref<128x64xf32, #tpu.memory_space<hbm>>) dst(%dma_wait3A_90 : memref<128x64xf32, #tpu.memory_space<vmem>>)
    %dma_wait3A_93 = arith.constant 1 : i32
    %dma_wait3A_94 = arith.constant 0 : i32
    %dma_wait3A_95 = arith.constant 0 : i32
    %dma_wait3A_96 = tpu.memref_slice %arg7[%dma_wait3A_93, %dma_wait3A_94, %dma_wait3A_95] : memref<5x128x64xf32, #tpu.memory_space<vmem>> -> memref<1x128x64xf32, #tpu.memory_space<vmem>>
    %dma_wait3A_97 = tpu.memref_squeeze %dma_wait3A_96 : memref<1x128x64xf32, #tpu.memory_space<vmem>> -> memref<128x64xf32, #tpu.memory_space<vmem>>
    %dma_wait3A_98 = arith.constant 0 : i32
    %dma_wait3A_99 = tpu.memref_slice %arg2[%add3A_22, %dma_wait3A_98] : memref<20480x64xf32, #tpu.memory_space<hbm>> -> memref<128x64xf32, #tpu.memory_space<hbm>>
    %dma_wait3A_100 = arith.constant 0 : i32
    %dma_wait3A_101 = arith.constant 0 : i32
    %dma_wait3A_102 = tpu.memref_slice %arg7[%dma_wait3A_93, %dma_wait3A_100, %dma_wait3A_101] : memref<5x128x64xf32, #tpu.memory_space<vmem>> -> memref<1x128x64xf32, #tpu.memory_space<vmem>>
    %dma_wait3A_103 = tpu.memref_squeeze %dma_wait3A_102 : memref<1x128x64xf32, #tpu.memory_space<vmem>> -> memref<128x64xf32, #tpu.memory_space<vmem>>
    %dma_wait3A_104 = arith.constant 0 : i32
    %dma_wait3A_105 = tpu.memref_slice %arg2[%add3A_22, %dma_wait3A_104] : memref<20480x64xf32, #tpu.memory_space<hbm>> -> memref<128x64xf32, #tpu.memory_space<hbm>>
    tpu.wait_dma2 semaphore(%arg9 : memref<!tpu.dma_semaphore, #tpu.memory_space<semaphore_mem>>) src(%dma_wait3A_105 : memref<128x64xf32, #tpu.memory_space<hbm>>) dst(%dma_wait3A_103 : memref<128x64xf32, #tpu.memory_space<vmem>>)
    %dma_wait3A_106 = arith.constant 2 : i32
    %dma_wait3A_107 = arith.constant 0 : i32
    %dma_wait3A_108 = arith.constant 0 : i32
    %dma_wait3A_109 = tpu.memref_slice %arg7[%dma_wait3A_106, %dma_wait3A_107, %dma_wait3A_108] : memref<5x128x64xf32, #tpu.memory_space<vmem>> -> memref<1x128x64xf32, #tpu.memory_space<vmem>>
    %dma_wait3A_110 = tpu.memref_squeeze %dma_wait3A_109 : memref<1x128x64xf32, #tpu.memory_space<vmem>> -> memref<128x64xf32, #tpu.memory_space<vmem>>
    %dma_wait3A_111 = arith.constant 0 : i32
    %dma_wait3A_112 = tpu.memref_slice %arg2[%add3A_37, %dma_wait3A_111] : memref<20480x64xf32, #tpu.memory_space<hbm>> -> memref<128x64xf32, #tpu.memory_space<hbm>>
    %dma_wait3A_113 = arith.constant 0 : i32
    %dma_wait3A_114 = arith.constant 0 : i32
    %dma_wait3A_115 = tpu.memref_slice %arg7[%dma_wait3A_106, %dma_wait3A_113, %dma_wait3A_114] : memref<5x128x64xf32, #tpu.memory_space<vmem>> -> memref<1x128x64xf32, #tpu.memory_space<vmem>>
    %dma_wait3A_116 = tpu.memref_squeeze %dma_wait3A_115 : memref<1x128x64xf32, #tpu.memory_space<vmem>> -> memref<128x64xf32, #tpu.memory_space<vmem>>
    %dma_wait3A_117 = arith.constant 0 : i32
    %dma_wait3A_118 = tpu.memref_slice %arg2[%add3A_37, %dma_wait3A_117] : memref<20480x64xf32, #tpu.memory_space<hbm>> -> memref<128x64xf32, #tpu.memory_space<hbm>>
    tpu.wait_dma2 semaphore(%arg9 : memref<!tpu.dma_semaphore, #tpu.memory_space<semaphore_mem>>) src(%dma_wait3A_118 : memref<128x64xf32, #tpu.memory_space<hbm>>) dst(%dma_wait3A_116 : memref<128x64xf32, #tpu.memory_space<vmem>>)
    %dma_wait3A_119 = arith.constant 3 : i32
    %dma_wait3A_120 = arith.constant 0 : i32
    %dma_wait3A_121 = arith.constant 0 : i32
    %dma_wait3A_122 = tpu.memref_slice %arg7[%dma_wait3A_119, %dma_wait3A_120, %dma_wait3A_121] : memref<5x128x64xf32, #tpu.memory_space<vmem>> -> memref<1x128x64xf32, #tpu.memory_space<vmem>>
    %dma_wait3A_123 = tpu.memref_squeeze %dma_wait3A_122 : memref<1x128x64xf32, #tpu.memory_space<vmem>> -> memref<128x64xf32, #tpu.memory_space<vmem>>
    %dma_wait3A_124 = arith.constant 0 : i32
    %dma_wait3A_125 = tpu.memref_slice %arg2[%add3A_52, %dma_wait3A_124] : memref<20480x64xf32, #tpu.memory_space<hbm>> -> memref<128x64xf32, #tpu.memory_space<hbm>>
    %dma_wait3A_126 = arith.constant 0 : i32
    %dma_wait3A_127 = arith.constant 0 : i32
    %dma_wait3A_128 = tpu.memref_slice %arg7[%dma_wait3A_119, %dma_wait3A_126, %dma_wait3A_127] : memref<5x128x64xf32, #tpu.memory_space<vmem>> -> memref<1x128x64xf32, #tpu.memory_space<vmem>>
    %dma_wait3A_129 = tpu.memref_squeeze %dma_wait3A_128 : memref<1x128x64xf32, #tpu.memory_space<vmem>> -> memref<128x64xf32, #tpu.memory_space<vmem>>
    %dma_wait3A_130 = arith.constant 0 : i32
    %dma_wait3A_131 = tpu.memref_slice %arg2[%add3A_52, %dma_wait3A_130] : memref<20480x64xf32, #tpu.memory_space<hbm>> -> memref<128x64xf32, #tpu.memory_space<hbm>>
    tpu.wait_dma2 semaphore(%arg9 : memref<!tpu.dma_semaphore, #tpu.memory_space<semaphore_mem>>) src(%dma_wait3A_131 : memref<128x64xf32, #tpu.memory_space<hbm>>) dst(%dma_wait3A_129 : memref<128x64xf32, #tpu.memory_space<vmem>>)
    %dma_wait3A_132 = arith.constant 4 : i32
    %dma_wait3A_133 = arith.constant 0 : i32
    %dma_wait3A_134 = arith.constant 0 : i32
    %dma_wait3A_135 = tpu.memref_slice %arg7[%dma_wait3A_132, %dma_wait3A_133, %dma_wait3A_134] : memref<5x128x64xf32, #tpu.memory_space<vmem>> -> memref<1x128x64xf32, #tpu.memory_space<vmem>>
    %dma_wait3A_136 = tpu.memref_squeeze %dma_wait3A_135 : memref<1x128x64xf32, #tpu.memory_space<vmem>> -> memref<128x64xf32, #tpu.memory_space<vmem>>
    %dma_wait3A_137 = arith.constant 0 : i32
    %dma_wait3A_138 = tpu.memref_slice %arg2[%add3A_67, %dma_wait3A_137] : memref<20480x64xf32, #tpu.memory_space<hbm>> -> memref<128x64xf32, #tpu.memory_space<hbm>>
    %dma_wait3A_139 = arith.constant 0 : i32
    %dma_wait3A_140 = arith.constant 0 : i32
    %dma_wait3A_141 = tpu.memref_slice %arg7[%dma_wait3A_132, %dma_wait3A_139, %dma_wait3A_140] : memref<5x128x64xf32, #tpu.memory_space<vmem>> -> memref<1x128x64xf32, #tpu.memory_space<vmem>>
    %dma_wait3A_142 = tpu.memref_squeeze %dma_wait3A_141 : memref<1x128x64xf32, #tpu.memory_space<vmem>> -> memref<128x64xf32, #tpu.memory_space<vmem>>
    %dma_wait3A_143 = arith.constant 0 : i32
    %dma_wait3A_144 = tpu.memref_slice %arg2[%add3A_67, %dma_wait3A_143] : memref<20480x64xf32, #tpu.memory_space<hbm>> -> memref<128x64xf32, #tpu.memory_space<hbm>>
    tpu.wait_dma2 semaphore(%arg9 : memref<!tpu.dma_semaphore, #tpu.memory_space<semaphore_mem>>) src(%dma_wait3A_144 : memref<128x64xf32, #tpu.memory_space<hbm>>) dst(%dma_wait3A_142 : memref<128x64xf32, #tpu.memory_space<vmem>>)
    %barrier3A = arith.constant 0 : index
    tpu.barrier barrier_id(%barrier3A)
    %dma_start3A_145 = arith.constant 0 : i32
    %dma_start3A_146 = arith.constant 0 : i32
    %dma_start3A_147 = arith.constant 0 : i32
    %dma_start3A_148 = arith.constant 0 : i32
    %dma_start3A_149 = tpu.memref_slice %arg7[%dma_start3A_145, %dma_start3A_147, %dma_start3A_148] : memref<5x128x64xf32, #tpu.memory_space<vmem>> -> memref<1x128x64xf32, #tpu.memory_space<vmem>>
    %dma_start3A_150 = tpu.memref_squeeze %dma_start3A_149 : memref<1x128x64xf32, #tpu.memory_space<vmem>> -> memref<128x64xf32, #tpu.memory_space<vmem>>
    %dma_start3A_151 = arith.constant 0 : i32
    %dma_start3A_152 = tpu.memref_slice %arg6[%dma_start3A_146, %dma_start3A_151] : memref<5x128xi32, #tpu.memory_space<vmem>> -> memref<1x128xi32, #tpu.memory_space<vmem>>
    %dma_start3A_153 = tpu.memref_squeeze %dma_start3A_152 : memref<1x128xi32, #tpu.memory_space<vmem>> -> memref<128xi32, #tpu.memory_space<vmem>>
    %dma_start3A_154 = arith.constant 0 : i32
    %dma_start3A_155 = arith.constant 0 : i32
    %dma_start3A_156 = tpu.memref_slice %arg8[%dma_start3A_154, %dma_start3A_155] : memref<10240x64xf32, #tpu.memory_space<vmem_shared>> -> memref<10240x64xf32, #tpu.memory_space<vmem_shared>>
    tpu.enqueue_indirect_dma source(%dma_start3A_150 : memref<128x64xf32, #tpu.memory_space<vmem>>) target(%dma_start3A_156 : memref<10240x64xf32, #tpu.memory_space<vmem_shared>>) offsets(%dma_start3A_153 : memref<128xi32, #tpu.memory_space<vmem>>) semaphore(%arg10 : memref<!tpu.dma_semaphore, #tpu.memory_space<semaphore_mem>>) {add = true}
    %dma_start3A_157 = arith.constant 1 : i32
    %dma_start3A_158 = arith.constant 1 : i32
    %dma_start3A_159 = arith.constant 0 : i32
    %dma_start3A_160 = arith.constant 0 : i32
    %dma_start3A_161 = tpu.memref_slice %arg7[%dma_start3A_157, %dma_start3A_159, %dma_start3A_160] : memref<5x128x64xf32, #tpu.memory_space<vmem>> -> memref<1x128x64xf32, #tpu.memory_space<vmem>>
    %dma_start3A_162 = tpu.memref_squeeze %dma_start3A_161 : memref<1x128x64xf32, #tpu.memory_space<vmem>> -> memref<128x64xf32, #tpu.memory_space<vmem>>
    %dma_start3A_163 = arith.constant 0 : i32
    %dma_start3A_164 = tpu.memref_slice %arg6[%dma_start3A_158, %dma_start3A_163] : memref<5x128xi32, #tpu.memory_space<vmem>> -> memref<1x128xi32, #tpu.memory_space<vmem>>
    %dma_start3A_165 = tpu.memref_squeeze %dma_start3A_164 : memref<1x128xi32, #tpu.memory_space<vmem>> -> memref<128xi32, #tpu.memory_space<vmem>>
    %dma_start3A_166 = arith.constant 0 : i32
    %dma_start3A_167 = arith.constant 0 : i32
    %dma_start3A_168 = tpu.memref_slice %arg8[%dma_start3A_166, %dma_start3A_167] : memref<10240x64xf32, #tpu.memory_space<vmem_shared>> -> memref<10240x64xf32, #tpu.memory_space<vmem_shared>>
    tpu.enqueue_indirect_dma source(%dma_start3A_162 : memref<128x64xf32, #tpu.memory_space<vmem>>) target(%dma_start3A_168 : memref<10240x64xf32, #tpu.memory_space<vmem_shared>>) offsets(%dma_start3A_165 : memref<128xi32, #tpu.memory_space<vmem>>) semaphore(%arg10 : memref<!tpu.dma_semaphore, #tpu.memory_space<semaphore_mem>>) {add = true}
    %dma_start3A_169 = arith.constant 2 : i32
    %dma_start3A_170 = arith.constant 2 : i32
    %dma_start3A_171 = arith.constant 0 : i32
    %dma_start3A_172 = arith.constant 0 : i32
    %dma_start3A_173 = tpu.memref_slice %arg7[%dma_start3A_169, %dma_start3A_171, %dma_start3A_172] : memref<5x128x64xf32, #tpu.memory_space<vmem>> -> memref<1x128x64xf32, #tpu.memory_space<vmem>>
    %dma_start3A_174 = tpu.memref_squeeze %dma_start3A_173 : memref<1x128x64xf32, #tpu.memory_space<vmem>> -> memref<128x64xf32, #tpu.memory_space<vmem>>
    %dma_start3A_175 = arith.constant 0 : i32
    %dma_start3A_176 = tpu.memref_slice %arg6[%dma_start3A_170, %dma_start3A_175] : memref<5x128xi32, #tpu.memory_space<vmem>> -> memref<1x128xi32, #tpu.memory_space<vmem>>
    %dma_start3A_177 = tpu.memref_squeeze %dma_start3A_176 : memref<1x128xi32, #tpu.memory_space<vmem>> -> memref<128xi32, #tpu.memory_space<vmem>>
    %dma_start3A_178 = arith.constant 0 : i32
    %dma_start3A_179 = arith.constant 0 : i32
    %dma_start3A_180 = tpu.memref_slice %arg8[%dma_start3A_178, %dma_start3A_179] : memref<10240x64xf32, #tpu.memory_space<vmem_shared>> -> memref<10240x64xf32, #tpu.memory_space<vmem_shared>>
    tpu.enqueue_indirect_dma source(%dma_start3A_174 : memref<128x64xf32, #tpu.memory_space<vmem>>) target(%dma_start3A_180 : memref<10240x64xf32, #tpu.memory_space<vmem_shared>>) offsets(%dma_start3A_177 : memref<128xi32, #tpu.memory_space<vmem>>) semaphore(%arg10 : memref<!tpu.dma_semaphore, #tpu.memory_space<semaphore_mem>>) {add = true}
    %dma_start3A_181 = arith.constant 3 : i32
    %dma_start3A_182 = arith.constant 3 : i32
    %dma_start3A_183 = arith.constant 0 : i32
    %dma_start3A_184 = arith.constant 0 : i32
    %dma_start3A_185 = tpu.memref_slice %arg7[%dma_start3A_181, %dma_start3A_183, %dma_start3A_184] : memref<5x128x64xf32, #tpu.memory_space<vmem>> -> memref<1x128x64xf32, #tpu.memory_space<vmem>>
    %dma_start3A_186 = tpu.memref_squeeze %dma_start3A_185 : memref<1x128x64xf32, #tpu.memory_space<vmem>> -> memref<128x64xf32, #tpu.memory_space<vmem>>
    %dma_start3A_187 = arith.constant 0 : i32
    %dma_start3A_188 = tpu.memref_slice %arg6[%dma_start3A_182, %dma_start3A_187] : memref<5x128xi32, #tpu.memory_space<vmem>> -> memref<1x128xi32, #tpu.memory_space<vmem>>
    %dma_start3A_189 = tpu.memref_squeeze %dma_start3A_188 : memref<1x128xi32, #tpu.memory_space<vmem>> -> memref<128xi32, #tpu.memory_space<vmem>>
    %dma_start3A_190 = arith.constant 0 : i32
    %dma_start3A_191 = arith.constant 0 : i32
    %dma_start3A_192 = tpu.memref_slice %arg8[%dma_start3A_190, %dma_start3A_191] : memref<10240x64xf32, #tpu.memory_space<vmem_shared>> -> memref<10240x64xf32, #tpu.memory_space<vmem_shared>>
    tpu.enqueue_indirect_dma source(%dma_start3A_186 : memref<128x64xf32, #tpu.memory_space<vmem>>) target(%dma_start3A_192 : memref<10240x64xf32, #tpu.memory_space<vmem_shared>>) offsets(%dma_start3A_189 : memref<128xi32, #tpu.memory_space<vmem>>) semaphore(%arg10 : memref<!tpu.dma_semaphore, #tpu.memory_space<semaphore_mem>>) {add = true}
    %dma_start3A_193 = arith.constant 4 : i32
    %dma_start3A_194 = arith.constant 4 : i32
    %dma_start3A_195 = arith.constant 0 : i32
    %dma_start3A_196 = arith.constant 0 : i32
    %dma_start3A_197 = tpu.memref_slice %arg7[%dma_start3A_193, %dma_start3A_195, %dma_start3A_196] : memref<5x128x64xf32, #tpu.memory_space<vmem>> -> memref<1x128x64xf32, #tpu.memory_space<vmem>>
    %dma_start3A_198 = tpu.memref_squeeze %dma_start3A_197 : memref<1x128x64xf32, #tpu.memory_space<vmem>> -> memref<128x64xf32, #tpu.memory_space<vmem>>
    %dma_start3A_199 = arith.constant 0 : i32
    %dma_start3A_200 = tpu.memref_slice %arg6[%dma_start3A_194, %dma_start3A_199] : memref<5x128xi32, #tpu.memory_space<vmem>> -> memref<1x128xi32, #tpu.memory_space<vmem>>
    %dma_start3A_201 = tpu.memref_squeeze %dma_start3A_200 : memref<1x128xi32, #tpu.memory_space<vmem>> -> memref<128xi32, #tpu.memory_space<vmem>>
    %dma_start3A_202 = arith.constant 0 : i32
    %dma_start3A_203 = arith.constant 0 : i32
    %dma_start3A_204 = tpu.memref_slice %arg8[%dma_start3A_202, %dma_start3A_203] : memref<10240x64xf32, #tpu.memory_space<vmem_shared>> -> memref<10240x64xf32, #tpu.memory_space<vmem_shared>>
    tpu.enqueue_indirect_dma source(%dma_start3A_198 : memref<128x64xf32, #tpu.memory_space<vmem>>) target(%dma_start3A_204 : memref<10240x64xf32, #tpu.memory_space<vmem_shared>>) offsets(%dma_start3A_201 : memref<128xi32, #tpu.memory_space<vmem>>) semaphore(%arg10 : memref<!tpu.dma_semaphore, #tpu.memory_space<semaphore_mem>>) {add = true}
    %dma_wait3A_205 = arith.constant 0 : i32
    %dma_wait3A_206 = arith.constant 0 : i32
    %dma_wait3A_207 = arith.constant 0 : i32
    %dma_wait3A_208 = arith.constant 0 : i32
    %dma_wait3A_209 = tpu.memref_slice %arg7[%dma_wait3A_205, %dma_wait3A_207, %dma_wait3A_208] : memref<5x128x64xf32, #tpu.memory_space<vmem>> -> memref<1x128x64xf32, #tpu.memory_space<vmem>>
    %dma_wait3A_210 = tpu.memref_squeeze %dma_wait3A_209 : memref<1x128x64xf32, #tpu.memory_space<vmem>> -> memref<128x64xf32, #tpu.memory_space<vmem>>
    %dma_wait3A_211 = arith.constant 0 : i32
    %dma_wait3A_212 = tpu.memref_slice %arg6[%dma_wait3A_206, %dma_wait3A_211] : memref<5x128xi32, #tpu.memory_space<vmem>> -> memref<1x128xi32, #tpu.memory_space<vmem>>
    %dma_wait3A_213 = tpu.memref_squeeze %dma_wait3A_212 : memref<1x128xi32, #tpu.memory_space<vmem>> -> memref<128xi32, #tpu.memory_space<vmem>>
    %dma_wait3A_214 = arith.constant 0 : i32
    %dma_wait3A_215 = arith.constant 0 : i32
    %dma_wait3A_216 = tpu.memref_slice %arg8[%dma_wait3A_214, %dma_wait3A_215] : memref<10240x64xf32, #tpu.memory_space<vmem_shared>> -> memref<10240x64xf32, #tpu.memory_space<vmem_shared>>
    tpu.wait_indirect_dma semaphore(%arg10 : memref<!tpu.dma_semaphore, #tpu.memory_space<semaphore_mem>>) src(%dma_wait3A_210 : memref<128x64xf32, #tpu.memory_space<vmem>>) dst(%dma_wait3A_216 : memref<10240x64xf32, #tpu.memory_space<vmem_shared>>)
    %dma_wait3A_217 = arith.constant 1 : i32
    %dma_wait3A_218 = arith.constant 1 : i32
    %dma_wait3A_219 = arith.constant 0 : i32
    %dma_wait3A_220 = arith.constant 0 : i32
    %dma_wait3A_221 = tpu.memref_slice %arg7[%dma_wait3A_217, %dma_wait3A_219, %dma_wait3A_220] : memref<5x128x64xf32, #tpu.memory_space<vmem>> -> memref<1x128x64xf32, #tpu.memory_space<vmem>>
    %dma_wait3A_222 = tpu.memref_squeeze %dma_wait3A_221 : memref<1x128x64xf32, #tpu.memory_space<vmem>> -> memref<128x64xf32, #tpu.memory_space<vmem>>
    %dma_wait3A_223 = arith.constant 0 : i32
    %dma_wait3A_224 = tpu.memref_slice %arg6[%dma_wait3A_218, %dma_wait3A_223] : memref<5x128xi32, #tpu.memory_space<vmem>> -> memref<1x128xi32, #tpu.memory_space<vmem>>
    %dma_wait3A_225 = tpu.memref_squeeze %dma_wait3A_224 : memref<1x128xi32, #tpu.memory_space<vmem>> -> memref<128xi32, #tpu.memory_space<vmem>>
    %dma_wait3A_226 = arith.constant 0 : i32
    %dma_wait3A_227 = arith.constant 0 : i32
    %dma_wait3A_228 = tpu.memref_slice %arg8[%dma_wait3A_226, %dma_wait3A_227] : memref<10240x64xf32, #tpu.memory_space<vmem_shared>> -> memref<10240x64xf32, #tpu.memory_space<vmem_shared>>
    tpu.wait_indirect_dma semaphore(%arg10 : memref<!tpu.dma_semaphore, #tpu.memory_space<semaphore_mem>>) src(%dma_wait3A_222 : memref<128x64xf32, #tpu.memory_space<vmem>>) dst(%dma_wait3A_228 : memref<10240x64xf32, #tpu.memory_space<vmem_shared>>)
    %dma_wait3A_229 = arith.constant 2 : i32
    %dma_wait3A_230 = arith.constant 2 : i32
    %dma_wait3A_231 = arith.constant 0 : i32
    %dma_wait3A_232 = arith.constant 0 : i32
    %dma_wait3A_233 = tpu.memref_slice %arg7[%dma_wait3A_229, %dma_wait3A_231, %dma_wait3A_232] : memref<5x128x64xf32, #tpu.memory_space<vmem>> -> memref<1x128x64xf32, #tpu.memory_space<vmem>>
    %dma_wait3A_234 = tpu.memref_squeeze %dma_wait3A_233 : memref<1x128x64xf32, #tpu.memory_space<vmem>> -> memref<128x64xf32, #tpu.memory_space<vmem>>
    %dma_wait3A_235 = arith.constant 0 : i32
    %dma_wait3A_236 = tpu.memref_slice %arg6[%dma_wait3A_230, %dma_wait3A_235] : memref<5x128xi32, #tpu.memory_space<vmem>> -> memref<1x128xi32, #tpu.memory_space<vmem>>
    %dma_wait3A_237 = tpu.memref_squeeze %dma_wait3A_236 : memref<1x128xi32, #tpu.memory_space<vmem>> -> memref<128xi32, #tpu.memory_space<vmem>>
    %dma_wait3A_238 = arith.constant 0 : i32
    %dma_wait3A_239 = arith.constant 0 : i32
    %dma_wait3A_240 = tpu.memref_slice %arg8[%dma_wait3A_238, %dma_wait3A_239] : memref<10240x64xf32, #tpu.memory_space<vmem_shared>> -> memref<10240x64xf32, #tpu.memory_space<vmem_shared>>
    tpu.wait_indirect_dma semaphore(%arg10 : memref<!tpu.dma_semaphore, #tpu.memory_space<semaphore_mem>>) src(%dma_wait3A_234 : memref<128x64xf32, #tpu.memory_space<vmem>>) dst(%dma_wait3A_240 : memref<10240x64xf32, #tpu.memory_space<vmem_shared>>)
    %dma_wait3A_241 = arith.constant 3 : i32
    %dma_wait3A_242 = arith.constant 3 : i32
    %dma_wait3A_243 = arith.constant 0 : i32
    %dma_wait3A_244 = arith.constant 0 : i32
    %dma_wait3A_245 = tpu.memref_slice %arg7[%dma_wait3A_241, %dma_wait3A_243, %dma_wait3A_244] : memref<5x128x64xf32, #tpu.memory_space<vmem>> -> memref<1x128x64xf32, #tpu.memory_space<vmem>>
    %dma_wait3A_246 = tpu.memref_squeeze %dma_wait3A_245 : memref<1x128x64xf32, #tpu.memory_space<vmem>> -> memref<128x64xf32, #tpu.memory_space<vmem>>
    %dma_wait3A_247 = arith.constant 0 : i32
    %dma_wait3A_248 = tpu.memref_slice %arg6[%dma_wait3A_242, %dma_wait3A_247] : memref<5x128xi32, #tpu.memory_space<vmem>> -> memref<1x128xi32, #tpu.memory_space<vmem>>
    %dma_wait3A_249 = tpu.memref_squeeze %dma_wait3A_248 : memref<1x128xi32, #tpu.memory_space<vmem>> -> memref<128xi32, #tpu.memory_space<vmem>>
    %dma_wait3A_250 = arith.constant 0 : i32
    %dma_wait3A_251 = arith.constant 0 : i32
    %dma_wait3A_252 = tpu.memref_slice %arg8[%dma_wait3A_250, %dma_wait3A_251] : memref<10240x64xf32, #tpu.memory_space<vmem_shared>> -> memref<10240x64xf32, #tpu.memory_space<vmem_shared>>
    tpu.wait_indirect_dma semaphore(%arg10 : memref<!tpu.dma_semaphore, #tpu.memory_space<semaphore_mem>>) src(%dma_wait3A_246 : memref<128x64xf32, #tpu.memory_space<vmem>>) dst(%dma_wait3A_252 : memref<10240x64xf32, #tpu.memory_space<vmem_shared>>)
    %dma_wait3A_253 = arith.constant 4 : i32
    %dma_wait3A_254 = arith.constant 4 : i32
    %dma_wait3A_255 = arith.constant 0 : i32
    %dma_wait3A_256 = arith.constant 0 : i32
    %dma_wait3A_257 = tpu.memref_slice %arg7[%dma_wait3A_253, %dma_wait3A_255, %dma_wait3A_256] : memref<5x128x64xf32, #tpu.memory_space<vmem>> -> memref<1x128x64xf32, #tpu.memory_space<vmem>>
    %dma_wait3A_258 = tpu.memref_squeeze %dma_wait3A_257 : memref<1x128x64xf32, #tpu.memory_space<vmem>> -> memref<128x64xf32, #tpu.memory_space<vmem>>
    %dma_wait3A_259 = arith.constant 0 : i32
    %dma_wait3A_260 = tpu.memref_slice %arg6[%dma_wait3A_254, %dma_wait3A_259] : memref<5x128xi32, #tpu.memory_space<vmem>> -> memref<1x128xi32, #tpu.memory_space<vmem>>
    %dma_wait3A_261 = tpu.memref_squeeze %dma_wait3A_260 : memref<1x128xi32, #tpu.memory_space<vmem>> -> memref<128xi32, #tpu.memory_space<vmem>>
    %dma_wait3A_262 = arith.constant 0 : i32
    %dma_wait3A_263 = arith.constant 0 : i32
    %dma_wait3A_264 = tpu.memref_slice %arg8[%dma_wait3A_262, %dma_wait3A_263] : memref<10240x64xf32, #tpu.memory_space<vmem_shared>> -> memref<10240x64xf32, #tpu.memory_space<vmem_shared>>
    tpu.wait_indirect_dma semaphore(%arg10 : memref<!tpu.dma_semaphore, #tpu.memory_space<semaphore_mem>>) src(%dma_wait3A_258 : memref<128x64xf32, #tpu.memory_space<vmem>>) dst(%dma_wait3A_264 : memref<10240x64xf32, #tpu.memory_space<vmem_shared>>)
    %barrier3A_265 = arith.constant 0 : index
    tpu.barrier barrier_id(%barrier3A_265)
    "tpu.region"() ({
      %run_scoped3A = tpu.sem_alloc : memref<!tpu.dma_semaphore, #tpu.memory_space<semaphore_mem>>
      %dma_start3A_266 = arith.constant 0 : i32
      %dma_start3A_267 = tpu.memref_slice %arg5[%arg0, %mul3A_2, %dma_start3A_266] : memref<2x10240x64xf32, #tpu.memory_space<hbm>> -> memref<1x640x64xf32, #tpu.memory_space<hbm>>
      %dma_start3A_268 = tpu.memref_squeeze %dma_start3A_267 : memref<1x640x64xf32, #tpu.memory_space<hbm>> -> memref<640x64xf32, #tpu.memory_space<hbm>>
      %dma_start3A_269 = arith.constant 0 : i32
      %dma_start3A_270 = tpu.memref_slice %arg8[%mul3A_2, %dma_start3A_269] : memref<10240x64xf32, #tpu.memory_space<vmem_shared>> -> memref<640x64xf32, #tpu.memory_space<vmem_shared>>
      tpu.enqueue_dma source(%dma_start3A_270 : memref<640x64xf32, #tpu.memory_space<vmem_shared>>) target(%dma_start3A_268 : memref<640x64xf32, #tpu.memory_space<hbm>>) target_semaphore(%run_scoped3A : memref<!tpu.dma_semaphore, #tpu.memory_space<semaphore_mem>>)
      %dma_wait3A_271 = arith.constant 0 : i32
      %dma_wait3A_272 = tpu.memref_slice %arg5[%arg0, %mul3A_2, %dma_wait3A_271] : memref<2x10240x64xf32, #tpu.memory_space<hbm>> -> memref<1x640x64xf32, #tpu.memory_space<hbm>>
      %dma_wait3A_273 = tpu.memref_squeeze %dma_wait3A_272 : memref<1x640x64xf32, #tpu.memory_space<hbm>> -> memref<640x64xf32, #tpu.memory_space<hbm>>
      %dma_wait3A_274 = arith.constant 0 : i32
      %dma_wait3A_275 = tpu.memref_slice %arg8[%mul3A_2, %dma_wait3A_274] : memref<10240x64xf32, #tpu.memory_space<vmem_shared>> -> memref<640x64xf32, #tpu.memory_space<vmem_shared>>
      tpu.wait_dma2 semaphore(%run_scoped3A : memref<!tpu.dma_semaphore, #tpu.memory_space<semaphore_mem>>) src(%dma_wait3A_275 : memref<640x64xf32, #tpu.memory_space<vmem_shared>>) dst(%dma_wait3A_273 : memref<640x64xf32, #tpu.memory_space<hbm>>)
      tpu.yield
    }) : () -> ()
    return
  }
}

#map = affine_map<(d0, d1) -> (0, 0)>
#map1 = affine_map<(d0, d1) -> (0, 0, 0)>
module attributes {stable_mosaic.version = 14 : i64} {
  func.func @_sc_gather_body(%arg0: i32, %arg1: i32, %arg2: memref<10240x16xf32, #tpu.memory_space<hbm>>, %arg3: memref<32x5x128xi32, #tpu.memory_space<hbm>>, %arg4: memref<20480x16xf32, #tpu.memory_space<hbm>>, %arg5: memref<5x128xi32, #tpu.memory_space<vmem>>, %arg6: memref<5x128x16xf32, #tpu.memory_space<vmem>>, %arg7: memref<!tpu.dma_semaphore, #tpu.memory_space<semaphore_mem>>, %arg8: memref<!tpu.dma_semaphore, #tpu.memory_space<semaphore_mem>>) attributes {dimension_semantics = [#tpu.dimension_semantics<core_parallel>, #tpu.dimension_semantics<subcore_parallel>], iteration_bounds = array<i64: 2, 16>, scalar_prefetch = 0 : i64, scratch_operands = 4 : i64, tpu.core_type = #tpu.core_type<sc_vector_subcore>, window_params = [{transform_indices = #map}, {transform_indices = #map1}, {transform_indices = #map}]} {
    %mul3A = arith.constant 16 : i32
    %mul3A_0 = arith.muli %arg0, %mul3A : i32
    %add3A = arith.addi %mul3A_0, %arg1 : i32
    "tpu.region"() ({
      %run_scoped3A = tpu.sem_alloc : memref<!tpu.dma_semaphore, #tpu.memory_space<semaphore_mem>>
      %dma_start3A_263 = arith.constant 0 : i32
      %dma_start3A_264 = arith.constant 0 : i32
      %dma_start3A_265 = tpu.memref_slice %arg3[%add3A, %dma_start3A_263, %dma_start3A_264] : memref<32x5x128xi32, #tpu.memory_space<hbm>> -> memref<1x5x128xi32, #tpu.memory_space<hbm>>
      %dma_start3A_266 = tpu.memref_squeeze %dma_start3A_265 : memref<1x5x128xi32, #tpu.memory_space<hbm>> -> memref<5x128xi32, #tpu.memory_space<hbm>>
      %dma_start3A_267 = arith.constant 0 : i32
      %dma_start3A_268 = arith.constant 0 : i32
      %dma_start3A_269 = tpu.memref_slice %arg3[%add3A, %dma_start3A_267, %dma_start3A_268] : memref<32x5x128xi32, #tpu.memory_space<hbm>> -> memref<1x5x128xi32, #tpu.memory_space<hbm>>
      %dma_start3A_270 = tpu.memref_squeeze %dma_start3A_269 : memref<1x5x128xi32, #tpu.memory_space<hbm>> -> memref<5x128xi32, #tpu.memory_space<hbm>>
      tpu.enqueue_dma source(%dma_start3A_270 : memref<5x128xi32, #tpu.memory_space<hbm>>) target(%arg5 : memref<5x128xi32, #tpu.memory_space<vmem>>) target_semaphore(%run_scoped3A : memref<!tpu.dma_semaphore, #tpu.memory_space<semaphore_mem>>)
      %dma_wait3A_271 = arith.constant 0 : i32
      %dma_wait3A_272 = arith.constant 0 : i32
      %dma_wait3A_273 = tpu.memref_slice %arg3[%add3A, %dma_wait3A_271, %dma_wait3A_272] : memref<32x5x128xi32, #tpu.memory_space<hbm>> -> memref<1x5x128xi32, #tpu.memory_space<hbm>>
      %dma_wait3A_274 = tpu.memref_squeeze %dma_wait3A_273 : memref<1x5x128xi32, #tpu.memory_space<hbm>> -> memref<5x128xi32, #tpu.memory_space<hbm>>
      %dma_wait3A_275 = arith.constant 0 : i32
      %dma_wait3A_276 = arith.constant 0 : i32
      %dma_wait3A_277 = tpu.memref_slice %arg3[%add3A, %dma_wait3A_275, %dma_wait3A_276] : memref<32x5x128xi32, #tpu.memory_space<hbm>> -> memref<1x5x128xi32, #tpu.memory_space<hbm>>
      %dma_wait3A_278 = tpu.memref_squeeze %dma_wait3A_277 : memref<1x5x128xi32, #tpu.memory_space<hbm>> -> memref<5x128xi32, #tpu.memory_space<hbm>>
      tpu.wait_dma2 semaphore(%run_scoped3A : memref<!tpu.dma_semaphore, #tpu.memory_space<semaphore_mem>>) src(%dma_wait3A_278 : memref<5x128xi32, #tpu.memory_space<hbm>>) dst(%arg5 : memref<5x128xi32, #tpu.memory_space<vmem>>)
      tpu.yield
    }) : () -> ()
    %mul3A_1 = arith.constant 5 : i32
    %mul3A_2 = arith.muli %add3A, %mul3A_1 : i32
    %mul3A_3 = arith.constant 128 : i32
    %mul3A_4 = arith.muli %mul3A_2, %mul3A_3 : i32
    %dma_start3A = arith.constant 0 : i32
    %dma_start3A_5 = arith.constant 0 : i32
    %dma_start3A_6 = arith.constant 0 : i32
    %dma_start3A_7 = arith.constant 0 : i32
    %dma_start3A_8 = tpu.memref_slice %arg6[%dma_start3A_5, %dma_start3A_6, %dma_start3A_7] : memref<5x128x16xf32, #tpu.memory_space<vmem>> -> memref<1x128x16xf32, #tpu.memory_space<vmem>>
    %dma_start3A_9 = tpu.memref_squeeze %dma_start3A_8 : memref<1x128x16xf32, #tpu.memory_space<vmem>> -> memref<128x16xf32, #tpu.memory_space<vmem>>
    %dma_start3A_10 = arith.constant 0 : i32
    %dma_start3A_11 = tpu.memref_slice %arg5[%dma_start3A, %dma_start3A_10] : memref<5x128xi32, #tpu.memory_space<vmem>> -> memref<1x128xi32, #tpu.memory_space<vmem>>
    %dma_start3A_12 = tpu.memref_squeeze %dma_start3A_11 : memref<1x128xi32, #tpu.memory_space<vmem>> -> memref<128xi32, #tpu.memory_space<vmem>>
    %dma_start3A_13 = arith.constant 0 : i32
    %dma_start3A_14 = arith.constant 0 : i32
    %dma_start3A_15 = tpu.memref_slice %arg2[%dma_start3A_13, %dma_start3A_14] : memref<10240x16xf32, #tpu.memory_space<hbm>> -> memref<10240x16xf32, #tpu.memory_space<hbm>>
    tpu.enqueue_indirect_dma source(%dma_start3A_15 : memref<10240x16xf32, #tpu.memory_space<hbm>>) target(%dma_start3A_9 : memref<128x16xf32, #tpu.memory_space<vmem>>) offsets(%dma_start3A_12 : memref<128xi32, #tpu.memory_space<vmem>>) semaphore(%arg7 : memref<!tpu.dma_semaphore, #tpu.memory_space<semaphore_mem>>)
    %dma_start3A_16 = arith.constant 1 : i32
    %dma_start3A_17 = arith.constant 1 : i32
    %dma_start3A_18 = arith.constant 0 : i32
    %dma_start3A_19 = arith.constant 0 : i32
    %dma_start3A_20 = tpu.memref_slice %arg6[%dma_start3A_17, %dma_start3A_18, %dma_start3A_19] : memref<5x128x16xf32, #tpu.memory_space<vmem>> -> memref<1x128x16xf32, #tpu.memory_space<vmem>>
    %dma_start3A_21 = tpu.memref_squeeze %dma_start3A_20 : memref<1x128x16xf32, #tpu.memory_space<vmem>> -> memref<128x16xf32, #tpu.memory_space<vmem>>
    %dma_start3A_22 = arith.constant 0 : i32
    %dma_start3A_23 = tpu.memref_slice %arg5[%dma_start3A_16, %dma_start3A_22] : memref<5x128xi32, #tpu.memory_space<vmem>> -> memref<1x128xi32, #tpu.memory_space<vmem>>
    %dma_start3A_24 = tpu.memref_squeeze %dma_start3A_23 : memref<1x128xi32, #tpu.memory_space<vmem>> -> memref<128xi32, #tpu.memory_space<vmem>>
    %dma_start3A_25 = arith.constant 0 : i32
    %dma_start3A_26 = arith.constant 0 : i32
    %dma_start3A_27 = tpu.memref_slice %arg2[%dma_start3A_25, %dma_start3A_26] : memref<10240x16xf32, #tpu.memory_space<hbm>> -> memref<10240x16xf32, #tpu.memory_space<hbm>>
    tpu.enqueue_indirect_dma source(%dma_start3A_27 : memref<10240x16xf32, #tpu.memory_space<hbm>>) target(%dma_start3A_21 : memref<128x16xf32, #tpu.memory_space<vmem>>) offsets(%dma_start3A_24 : memref<128xi32, #tpu.memory_space<vmem>>) semaphore(%arg7 : memref<!tpu.dma_semaphore, #tpu.memory_space<semaphore_mem>>)
    %dma_start3A_28 = arith.constant 2 : i32
    %dma_start3A_29 = arith.constant 2 : i32
    %dma_start3A_30 = arith.constant 0 : i32
    %dma_start3A_31 = arith.constant 0 : i32
    %dma_start3A_32 = tpu.memref_slice %arg6[%dma_start3A_29, %dma_start3A_30, %dma_start3A_31] : memref<5x128x16xf32, #tpu.memory_space<vmem>> -> memref<1x128x16xf32, #tpu.memory_space<vmem>>
    %dma_start3A_33 = tpu.memref_squeeze %dma_start3A_32 : memref<1x128x16xf32, #tpu.memory_space<vmem>> -> memref<128x16xf32, #tpu.memory_space<vmem>>
    %dma_start3A_34 = arith.constant 0 : i32
    %dma_start3A_35 = tpu.memref_slice %arg5[%dma_start3A_28, %dma_start3A_34] : memref<5x128xi32, #tpu.memory_space<vmem>> -> memref<1x128xi32, #tpu.memory_space<vmem>>
    %dma_start3A_36 = tpu.memref_squeeze %dma_start3A_35 : memref<1x128xi32, #tpu.memory_space<vmem>> -> memref<128xi32, #tpu.memory_space<vmem>>
    %dma_start3A_37 = arith.constant 0 : i32
    %dma_start3A_38 = arith.constant 0 : i32
    %dma_start3A_39 = tpu.memref_slice %arg2[%dma_start3A_37, %dma_start3A_38] : memref<10240x16xf32, #tpu.memory_space<hbm>> -> memref<10240x16xf32, #tpu.memory_space<hbm>>
    tpu.enqueue_indirect_dma source(%dma_start3A_39 : memref<10240x16xf32, #tpu.memory_space<hbm>>) target(%dma_start3A_33 : memref<128x16xf32, #tpu.memory_space<vmem>>) offsets(%dma_start3A_36 : memref<128xi32, #tpu.memory_space<vmem>>) semaphore(%arg7 : memref<!tpu.dma_semaphore, #tpu.memory_space<semaphore_mem>>)
    %dma_start3A_40 = arith.constant 3 : i32
    %dma_start3A_41 = arith.constant 3 : i32
    %dma_start3A_42 = arith.constant 0 : i32
    %dma_start3A_43 = arith.constant 0 : i32
    %dma_start3A_44 = tpu.memref_slice %arg6[%dma_start3A_41, %dma_start3A_42, %dma_start3A_43] : memref<5x128x16xf32, #tpu.memory_space<vmem>> -> memref<1x128x16xf32, #tpu.memory_space<vmem>>
    %dma_start3A_45 = tpu.memref_squeeze %dma_start3A_44 : memref<1x128x16xf32, #tpu.memory_space<vmem>> -> memref<128x16xf32, #tpu.memory_space<vmem>>
    %dma_start3A_46 = arith.constant 0 : i32
    %dma_start3A_47 = tpu.memref_slice %arg5[%dma_start3A_40, %dma_start3A_46] : memref<5x128xi32, #tpu.memory_space<vmem>> -> memref<1x128xi32, #tpu.memory_space<vmem>>
    %dma_start3A_48 = tpu.memref_squeeze %dma_start3A_47 : memref<1x128xi32, #tpu.memory_space<vmem>> -> memref<128xi32, #tpu.memory_space<vmem>>
    %dma_start3A_49 = arith.constant 0 : i32
    %dma_start3A_50 = arith.constant 0 : i32
    %dma_start3A_51 = tpu.memref_slice %arg2[%dma_start3A_49, %dma_start3A_50] : memref<10240x16xf32, #tpu.memory_space<hbm>> -> memref<10240x16xf32, #tpu.memory_space<hbm>>
    tpu.enqueue_indirect_dma source(%dma_start3A_51 : memref<10240x16xf32, #tpu.memory_space<hbm>>) target(%dma_start3A_45 : memref<128x16xf32, #tpu.memory_space<vmem>>) offsets(%dma_start3A_48 : memref<128xi32, #tpu.memory_space<vmem>>) semaphore(%arg7 : memref<!tpu.dma_semaphore, #tpu.memory_space<semaphore_mem>>)
    %dma_start3A_52 = arith.constant 4 : i32
    %dma_start3A_53 = arith.constant 4 : i32
    %dma_start3A_54 = arith.constant 0 : i32
    %dma_start3A_55 = arith.constant 0 : i32
    %dma_start3A_56 = tpu.memref_slice %arg6[%dma_start3A_53, %dma_start3A_54, %dma_start3A_55] : memref<5x128x16xf32, #tpu.memory_space<vmem>> -> memref<1x128x16xf32, #tpu.memory_space<vmem>>
    %dma_start3A_57 = tpu.memref_squeeze %dma_start3A_56 : memref<1x128x16xf32, #tpu.memory_space<vmem>> -> memref<128x16xf32, #tpu.memory_space<vmem>>
    %dma_start3A_58 = arith.constant 0 : i32
    %dma_start3A_59 = tpu.memref_slice %arg5[%dma_start3A_52, %dma_start3A_58] : memref<5x128xi32, #tpu.memory_space<vmem>> -> memref<1x128xi32, #tpu.memory_space<vmem>>
    %dma_start3A_60 = tpu.memref_squeeze %dma_start3A_59 : memref<1x128xi32, #tpu.memory_space<vmem>> -> memref<128xi32, #tpu.memory_space<vmem>>
    %dma_start3A_61 = arith.constant 0 : i32
    %dma_start3A_62 = arith.constant 0 : i32
    %dma_start3A_63 = tpu.memref_slice %arg2[%dma_start3A_61, %dma_start3A_62] : memref<10240x16xf32, #tpu.memory_space<hbm>> -> memref<10240x16xf32, #tpu.memory_space<hbm>>
    tpu.enqueue_indirect_dma source(%dma_start3A_63 : memref<10240x16xf32, #tpu.memory_space<hbm>>) target(%dma_start3A_57 : memref<128x16xf32, #tpu.memory_space<vmem>>) offsets(%dma_start3A_60 : memref<128xi32, #tpu.memory_space<vmem>>) semaphore(%arg7 : memref<!tpu.dma_semaphore, #tpu.memory_space<semaphore_mem>>)
    %dma_wait3A = arith.constant 0 : i32
    %dma_wait3A_64 = arith.constant 0 : i32
    %dma_wait3A_65 = arith.constant 0 : i32
    %dma_wait3A_66 = arith.constant 0 : i32
    %dma_wait3A_67 = tpu.memref_slice %arg6[%dma_wait3A_64, %dma_wait3A_65, %dma_wait3A_66] : memref<5x128x16xf32, #tpu.memory_space<vmem>> -> memref<1x128x16xf32, #tpu.memory_space<vmem>>
    %dma_wait3A_68 = tpu.memref_squeeze %dma_wait3A_67 : memref<1x128x16xf32, #tpu.memory_space<vmem>> -> memref<128x16xf32, #tpu.memory_space<vmem>>
    %dma_wait3A_69 = arith.constant 0 : i32
    %dma_wait3A_70 = tpu.memref_slice %arg5[%dma_wait3A, %dma_wait3A_69] : memref<5x128xi32, #tpu.memory_space<vmem>> -> memref<1x128xi32, #tpu.memory_space<vmem>>
    %dma_wait3A_71 = tpu.memref_squeeze %dma_wait3A_70 : memref<1x128xi32, #tpu.memory_space<vmem>> -> memref<128xi32, #tpu.memory_space<vmem>>
    %dma_wait3A_72 = arith.constant 0 : i32
    %dma_wait3A_73 = arith.constant 0 : i32
    %dma_wait3A_74 = tpu.memref_slice %arg2[%dma_wait3A_72, %dma_wait3A_73] : memref<10240x16xf32, #tpu.memory_space<hbm>> -> memref<10240x16xf32, #tpu.memory_space<hbm>>
    tpu.wait_indirect_dma semaphore(%arg7 : memref<!tpu.dma_semaphore, #tpu.memory_space<semaphore_mem>>) src(%dma_wait3A_74 : memref<10240x16xf32, #tpu.memory_space<hbm>>) dst(%dma_wait3A_68 : memref<128x16xf32, #tpu.memory_space<vmem>>)
    %dma_wait3A_75 = arith.constant 1 : i32
    %dma_wait3A_76 = arith.constant 1 : i32
    %dma_wait3A_77 = arith.constant 0 : i32
    %dma_wait3A_78 = arith.constant 0 : i32
    %dma_wait3A_79 = tpu.memref_slice %arg6[%dma_wait3A_76, %dma_wait3A_77, %dma_wait3A_78] : memref<5x128x16xf32, #tpu.memory_space<vmem>> -> memref<1x128x16xf32, #tpu.memory_space<vmem>>
    %dma_wait3A_80 = tpu.memref_squeeze %dma_wait3A_79 : memref<1x128x16xf32, #tpu.memory_space<vmem>> -> memref<128x16xf32, #tpu.memory_space<vmem>>
    %dma_wait3A_81 = arith.constant 0 : i32
    %dma_wait3A_82 = tpu.memref_slice %arg5[%dma_wait3A_75, %dma_wait3A_81] : memref<5x128xi32, #tpu.memory_space<vmem>> -> memref<1x128xi32, #tpu.memory_space<vmem>>
    %dma_wait3A_83 = tpu.memref_squeeze %dma_wait3A_82 : memref<1x128xi32, #tpu.memory_space<vmem>> -> memref<128xi32, #tpu.memory_space<vmem>>
    %dma_wait3A_84 = arith.constant 0 : i32
    %dma_wait3A_85 = arith.constant 0 : i32
    %dma_wait3A_86 = tpu.memref_slice %arg2[%dma_wait3A_84, %dma_wait3A_85] : memref<10240x16xf32, #tpu.memory_space<hbm>> -> memref<10240x16xf32, #tpu.memory_space<hbm>>
    tpu.wait_indirect_dma semaphore(%arg7 : memref<!tpu.dma_semaphore, #tpu.memory_space<semaphore_mem>>) src(%dma_wait3A_86 : memref<10240x16xf32, #tpu.memory_space<hbm>>) dst(%dma_wait3A_80 : memref<128x16xf32, #tpu.memory_space<vmem>>)
    %dma_wait3A_87 = arith.constant 2 : i32
    %dma_wait3A_88 = arith.constant 2 : i32
    %dma_wait3A_89 = arith.constant 0 : i32
    %dma_wait3A_90 = arith.constant 0 : i32
    %dma_wait3A_91 = tpu.memref_slice %arg6[%dma_wait3A_88, %dma_wait3A_89, %dma_wait3A_90] : memref<5x128x16xf32, #tpu.memory_space<vmem>> -> memref<1x128x16xf32, #tpu.memory_space<vmem>>
    %dma_wait3A_92 = tpu.memref_squeeze %dma_wait3A_91 : memref<1x128x16xf32, #tpu.memory_space<vmem>> -> memref<128x16xf32, #tpu.memory_space<vmem>>
    %dma_wait3A_93 = arith.constant 0 : i32
    %dma_wait3A_94 = tpu.memref_slice %arg5[%dma_wait3A_87, %dma_wait3A_93] : memref<5x128xi32, #tpu.memory_space<vmem>> -> memref<1x128xi32, #tpu.memory_space<vmem>>
    %dma_wait3A_95 = tpu.memref_squeeze %dma_wait3A_94 : memref<1x128xi32, #tpu.memory_space<vmem>> -> memref<128xi32, #tpu.memory_space<vmem>>
    %dma_wait3A_96 = arith.constant 0 : i32
    %dma_wait3A_97 = arith.constant 0 : i32
    %dma_wait3A_98 = tpu.memref_slice %arg2[%dma_wait3A_96, %dma_wait3A_97] : memref<10240x16xf32, #tpu.memory_space<hbm>> -> memref<10240x16xf32, #tpu.memory_space<hbm>>
    tpu.wait_indirect_dma semaphore(%arg7 : memref<!tpu.dma_semaphore, #tpu.memory_space<semaphore_mem>>) src(%dma_wait3A_98 : memref<10240x16xf32, #tpu.memory_space<hbm>>) dst(%dma_wait3A_92 : memref<128x16xf32, #tpu.memory_space<vmem>>)
    %dma_wait3A_99 = arith.constant 3 : i32
    %dma_wait3A_100 = arith.constant 3 : i32
    %dma_wait3A_101 = arith.constant 0 : i32
    %dma_wait3A_102 = arith.constant 0 : i32
    %dma_wait3A_103 = tpu.memref_slice %arg6[%dma_wait3A_100, %dma_wait3A_101, %dma_wait3A_102] : memref<5x128x16xf32, #tpu.memory_space<vmem>> -> memref<1x128x16xf32, #tpu.memory_space<vmem>>
    %dma_wait3A_104 = tpu.memref_squeeze %dma_wait3A_103 : memref<1x128x16xf32, #tpu.memory_space<vmem>> -> memref<128x16xf32, #tpu.memory_space<vmem>>
    %dma_wait3A_105 = arith.constant 0 : i32
    %dma_wait3A_106 = tpu.memref_slice %arg5[%dma_wait3A_99, %dma_wait3A_105] : memref<5x128xi32, #tpu.memory_space<vmem>> -> memref<1x128xi32, #tpu.memory_space<vmem>>
    %dma_wait3A_107 = tpu.memref_squeeze %dma_wait3A_106 : memref<1x128xi32, #tpu.memory_space<vmem>> -> memref<128xi32, #tpu.memory_space<vmem>>
    %dma_wait3A_108 = arith.constant 0 : i32
    %dma_wait3A_109 = arith.constant 0 : i32
    %dma_wait3A_110 = tpu.memref_slice %arg2[%dma_wait3A_108, %dma_wait3A_109] : memref<10240x16xf32, #tpu.memory_space<hbm>> -> memref<10240x16xf32, #tpu.memory_space<hbm>>
    tpu.wait_indirect_dma semaphore(%arg7 : memref<!tpu.dma_semaphore, #tpu.memory_space<semaphore_mem>>) src(%dma_wait3A_110 : memref<10240x16xf32, #tpu.memory_space<hbm>>) dst(%dma_wait3A_104 : memref<128x16xf32, #tpu.memory_space<vmem>>)
    %dma_wait3A_111 = arith.constant 4 : i32
    %dma_wait3A_112 = arith.constant 4 : i32
    %dma_wait3A_113 = arith.constant 0 : i32
    %dma_wait3A_114 = arith.constant 0 : i32
    %dma_wait3A_115 = tpu.memref_slice %arg6[%dma_wait3A_112, %dma_wait3A_113, %dma_wait3A_114] : memref<5x128x16xf32, #tpu.memory_space<vmem>> -> memref<1x128x16xf32, #tpu.memory_space<vmem>>
    %dma_wait3A_116 = tpu.memref_squeeze %dma_wait3A_115 : memref<1x128x16xf32, #tpu.memory_space<vmem>> -> memref<128x16xf32, #tpu.memory_space<vmem>>
    %dma_wait3A_117 = arith.constant 0 : i32
    %dma_wait3A_118 = tpu.memref_slice %arg5[%dma_wait3A_111, %dma_wait3A_117] : memref<5x128xi32, #tpu.memory_space<vmem>> -> memref<1x128xi32, #tpu.memory_space<vmem>>
    %dma_wait3A_119 = tpu.memref_squeeze %dma_wait3A_118 : memref<1x128xi32, #tpu.memory_space<vmem>> -> memref<128xi32, #tpu.memory_space<vmem>>
    %dma_wait3A_120 = arith.constant 0 : i32
    %dma_wait3A_121 = arith.constant 0 : i32
    %dma_wait3A_122 = tpu.memref_slice %arg2[%dma_wait3A_120, %dma_wait3A_121] : memref<10240x16xf32, #tpu.memory_space<hbm>> -> memref<10240x16xf32, #tpu.memory_space<hbm>>
    tpu.wait_indirect_dma semaphore(%arg7 : memref<!tpu.dma_semaphore, #tpu.memory_space<semaphore_mem>>) src(%dma_wait3A_122 : memref<10240x16xf32, #tpu.memory_space<hbm>>) dst(%dma_wait3A_116 : memref<128x16xf32, #tpu.memory_space<vmem>>)
    %add3A_123 = arith.constant 0 : i32
    %add3A_124 = arith.addi %mul3A_4, %add3A_123 : i32
    %dma_start3A_125 = arith.constant 0 : i32
    %dma_start3A_126 = arith.constant 0 : i32
    %dma_start3A_127 = arith.constant 0 : i32
    %dma_start3A_128 = tpu.memref_slice %arg6[%dma_start3A_125, %dma_start3A_126, %dma_start3A_127] : memref<5x128x16xf32, #tpu.memory_space<vmem>> -> memref<1x128x16xf32, #tpu.memory_space<vmem>>
    %dma_start3A_129 = tpu.memref_squeeze %dma_start3A_128 : memref<1x128x16xf32, #tpu.memory_space<vmem>> -> memref<128x16xf32, #tpu.memory_space<vmem>>
    %dma_start3A_130 = arith.constant 0 : i32
    %dma_start3A_131 = tpu.memref_slice %arg4[%add3A_124, %dma_start3A_130] : memref<20480x16xf32, #tpu.memory_space<hbm>> -> memref<128x16xf32, #tpu.memory_space<hbm>>
    %dma_start3A_132 = arith.constant 0 : i32
    %dma_start3A_133 = tpu.memref_slice %arg4[%add3A_124, %dma_start3A_132] : memref<20480x16xf32, #tpu.memory_space<hbm>> -> memref<128x16xf32, #tpu.memory_space<hbm>>
    %dma_start3A_134 = arith.constant 0 : i32
    %dma_start3A_135 = arith.constant 0 : i32
    %dma_start3A_136 = tpu.memref_slice %arg6[%dma_start3A_125, %dma_start3A_134, %dma_start3A_135] : memref<5x128x16xf32, #tpu.memory_space<vmem>> -> memref<1x128x16xf32, #tpu.memory_space<vmem>>
    %dma_start3A_137 = tpu.memref_squeeze %dma_start3A_136 : memref<1x128x16xf32, #tpu.memory_space<vmem>> -> memref<128x16xf32, #tpu.memory_space<vmem>>
    tpu.enqueue_dma source(%dma_start3A_137 : memref<128x16xf32, #tpu.memory_space<vmem>>) target(%dma_start3A_133 : memref<128x16xf32, #tpu.memory_space<hbm>>) target_semaphore(%arg8 : memref<!tpu.dma_semaphore, #tpu.memory_space<semaphore_mem>>)
    %add3A_138 = arith.constant 128 : i32
    %add3A_139 = arith.addi %mul3A_4, %add3A_138 : i32
    %dma_start3A_140 = arith.constant 1 : i32
    %dma_start3A_141 = arith.constant 0 : i32
    %dma_start3A_142 = arith.constant 0 : i32
    %dma_start3A_143 = tpu.memref_slice %arg6[%dma_start3A_140, %dma_start3A_141, %dma_start3A_142] : memref<5x128x16xf32, #tpu.memory_space<vmem>> -> memref<1x128x16xf32, #tpu.memory_space<vmem>>
    %dma_start3A_144 = tpu.memref_squeeze %dma_start3A_143 : memref<1x128x16xf32, #tpu.memory_space<vmem>> -> memref<128x16xf32, #tpu.memory_space<vmem>>
    %dma_start3A_145 = arith.constant 0 : i32
    %dma_start3A_146 = tpu.memref_slice %arg4[%add3A_139, %dma_start3A_145] : memref<20480x16xf32, #tpu.memory_space<hbm>> -> memref<128x16xf32, #tpu.memory_space<hbm>>
    %dma_start3A_147 = arith.constant 0 : i32
    %dma_start3A_148 = tpu.memref_slice %arg4[%add3A_139, %dma_start3A_147] : memref<20480x16xf32, #tpu.memory_space<hbm>> -> memref<128x16xf32, #tpu.memory_space<hbm>>
    %dma_start3A_149 = arith.constant 0 : i32
    %dma_start3A_150 = arith.constant 0 : i32
    %dma_start3A_151 = tpu.memref_slice %arg6[%dma_start3A_140, %dma_start3A_149, %dma_start3A_150] : memref<5x128x16xf32, #tpu.memory_space<vmem>> -> memref<1x128x16xf32, #tpu.memory_space<vmem>>
    %dma_start3A_152 = tpu.memref_squeeze %dma_start3A_151 : memref<1x128x16xf32, #tpu.memory_space<vmem>> -> memref<128x16xf32, #tpu.memory_space<vmem>>
    tpu.enqueue_dma source(%dma_start3A_152 : memref<128x16xf32, #tpu.memory_space<vmem>>) target(%dma_start3A_148 : memref<128x16xf32, #tpu.memory_space<hbm>>) target_semaphore(%arg8 : memref<!tpu.dma_semaphore, #tpu.memory_space<semaphore_mem>>)
    %add3A_153 = arith.constant 256 : i32
    %add3A_154 = arith.addi %mul3A_4, %add3A_153 : i32
    %dma_start3A_155 = arith.constant 2 : i32
    %dma_start3A_156 = arith.constant 0 : i32
    %dma_start3A_157 = arith.constant 0 : i32
    %dma_start3A_158 = tpu.memref_slice %arg6[%dma_start3A_155, %dma_start3A_156, %dma_start3A_157] : memref<5x128x16xf32, #tpu.memory_space<vmem>> -> memref<1x128x16xf32, #tpu.memory_space<vmem>>
    %dma_start3A_159 = tpu.memref_squeeze %dma_start3A_158 : memref<1x128x16xf32, #tpu.memory_space<vmem>> -> memref<128x16xf32, #tpu.memory_space<vmem>>
    %dma_start3A_160 = arith.constant 0 : i32
    %dma_start3A_161 = tpu.memref_slice %arg4[%add3A_154, %dma_start3A_160] : memref<20480x16xf32, #tpu.memory_space<hbm>> -> memref<128x16xf32, #tpu.memory_space<hbm>>
    %dma_start3A_162 = arith.constant 0 : i32
    %dma_start3A_163 = tpu.memref_slice %arg4[%add3A_154, %dma_start3A_162] : memref<20480x16xf32, #tpu.memory_space<hbm>> -> memref<128x16xf32, #tpu.memory_space<hbm>>
    %dma_start3A_164 = arith.constant 0 : i32
    %dma_start3A_165 = arith.constant 0 : i32
    %dma_start3A_166 = tpu.memref_slice %arg6[%dma_start3A_155, %dma_start3A_164, %dma_start3A_165] : memref<5x128x16xf32, #tpu.memory_space<vmem>> -> memref<1x128x16xf32, #tpu.memory_space<vmem>>
    %dma_start3A_167 = tpu.memref_squeeze %dma_start3A_166 : memref<1x128x16xf32, #tpu.memory_space<vmem>> -> memref<128x16xf32, #tpu.memory_space<vmem>>
    tpu.enqueue_dma source(%dma_start3A_167 : memref<128x16xf32, #tpu.memory_space<vmem>>) target(%dma_start3A_163 : memref<128x16xf32, #tpu.memory_space<hbm>>) target_semaphore(%arg8 : memref<!tpu.dma_semaphore, #tpu.memory_space<semaphore_mem>>)
    %add3A_168 = arith.constant 384 : i32
    %add3A_169 = arith.addi %mul3A_4, %add3A_168 : i32
    %dma_start3A_170 = arith.constant 3 : i32
    %dma_start3A_171 = arith.constant 0 : i32
    %dma_start3A_172 = arith.constant 0 : i32
    %dma_start3A_173 = tpu.memref_slice %arg6[%dma_start3A_170, %dma_start3A_171, %dma_start3A_172] : memref<5x128x16xf32, #tpu.memory_space<vmem>> -> memref<1x128x16xf32, #tpu.memory_space<vmem>>
    %dma_start3A_174 = tpu.memref_squeeze %dma_start3A_173 : memref<1x128x16xf32, #tpu.memory_space<vmem>> -> memref<128x16xf32, #tpu.memory_space<vmem>>
    %dma_start3A_175 = arith.constant 0 : i32
    %dma_start3A_176 = tpu.memref_slice %arg4[%add3A_169, %dma_start3A_175] : memref<20480x16xf32, #tpu.memory_space<hbm>> -> memref<128x16xf32, #tpu.memory_space<hbm>>
    %dma_start3A_177 = arith.constant 0 : i32
    %dma_start3A_178 = tpu.memref_slice %arg4[%add3A_169, %dma_start3A_177] : memref<20480x16xf32, #tpu.memory_space<hbm>> -> memref<128x16xf32, #tpu.memory_space<hbm>>
    %dma_start3A_179 = arith.constant 0 : i32
    %dma_start3A_180 = arith.constant 0 : i32
    %dma_start3A_181 = tpu.memref_slice %arg6[%dma_start3A_170, %dma_start3A_179, %dma_start3A_180] : memref<5x128x16xf32, #tpu.memory_space<vmem>> -> memref<1x128x16xf32, #tpu.memory_space<vmem>>
    %dma_start3A_182 = tpu.memref_squeeze %dma_start3A_181 : memref<1x128x16xf32, #tpu.memory_space<vmem>> -> memref<128x16xf32, #tpu.memory_space<vmem>>
    tpu.enqueue_dma source(%dma_start3A_182 : memref<128x16xf32, #tpu.memory_space<vmem>>) target(%dma_start3A_178 : memref<128x16xf32, #tpu.memory_space<hbm>>) target_semaphore(%arg8 : memref<!tpu.dma_semaphore, #tpu.memory_space<semaphore_mem>>)
    %add3A_183 = arith.constant 512 : i32
    %add3A_184 = arith.addi %mul3A_4, %add3A_183 : i32
    %dma_start3A_185 = arith.constant 4 : i32
    %dma_start3A_186 = arith.constant 0 : i32
    %dma_start3A_187 = arith.constant 0 : i32
    %dma_start3A_188 = tpu.memref_slice %arg6[%dma_start3A_185, %dma_start3A_186, %dma_start3A_187] : memref<5x128x16xf32, #tpu.memory_space<vmem>> -> memref<1x128x16xf32, #tpu.memory_space<vmem>>
    %dma_start3A_189 = tpu.memref_squeeze %dma_start3A_188 : memref<1x128x16xf32, #tpu.memory_space<vmem>> -> memref<128x16xf32, #tpu.memory_space<vmem>>
    %dma_start3A_190 = arith.constant 0 : i32
    %dma_start3A_191 = tpu.memref_slice %arg4[%add3A_184, %dma_start3A_190] : memref<20480x16xf32, #tpu.memory_space<hbm>> -> memref<128x16xf32, #tpu.memory_space<hbm>>
    %dma_start3A_192 = arith.constant 0 : i32
    %dma_start3A_193 = tpu.memref_slice %arg4[%add3A_184, %dma_start3A_192] : memref<20480x16xf32, #tpu.memory_space<hbm>> -> memref<128x16xf32, #tpu.memory_space<hbm>>
    %dma_start3A_194 = arith.constant 0 : i32
    %dma_start3A_195 = arith.constant 0 : i32
    %dma_start3A_196 = tpu.memref_slice %arg6[%dma_start3A_185, %dma_start3A_194, %dma_start3A_195] : memref<5x128x16xf32, #tpu.memory_space<vmem>> -> memref<1x128x16xf32, #tpu.memory_space<vmem>>
    %dma_start3A_197 = tpu.memref_squeeze %dma_start3A_196 : memref<1x128x16xf32, #tpu.memory_space<vmem>> -> memref<128x16xf32, #tpu.memory_space<vmem>>
    tpu.enqueue_dma source(%dma_start3A_197 : memref<128x16xf32, #tpu.memory_space<vmem>>) target(%dma_start3A_193 : memref<128x16xf32, #tpu.memory_space<hbm>>) target_semaphore(%arg8 : memref<!tpu.dma_semaphore, #tpu.memory_space<semaphore_mem>>)
    %dma_wait3A_198 = arith.constant 0 : i32
    %dma_wait3A_199 = arith.constant 0 : i32
    %dma_wait3A_200 = arith.constant 0 : i32
    %dma_wait3A_201 = tpu.memref_slice %arg6[%dma_wait3A_198, %dma_wait3A_199, %dma_wait3A_200] : memref<5x128x16xf32, #tpu.memory_space<vmem>> -> memref<1x128x16xf32, #tpu.memory_space<vmem>>
    %dma_wait3A_202 = tpu.memref_squeeze %dma_wait3A_201 : memref<1x128x16xf32, #tpu.memory_space<vmem>> -> memref<128x16xf32, #tpu.memory_space<vmem>>
    %dma_wait3A_203 = arith.constant 0 : i32
    %dma_wait3A_204 = tpu.memref_slice %arg4[%add3A_124, %dma_wait3A_203] : memref<20480x16xf32, #tpu.memory_space<hbm>> -> memref<128x16xf32, #tpu.memory_space<hbm>>
    %dma_wait3A_205 = arith.constant 0 : i32
    %dma_wait3A_206 = tpu.memref_slice %arg4[%add3A_124, %dma_wait3A_205] : memref<20480x16xf32, #tpu.memory_space<hbm>> -> memref<128x16xf32, #tpu.memory_space<hbm>>
    %dma_wait3A_207 = arith.constant 0 : i32
    %dma_wait3A_208 = arith.constant 0 : i32
    %dma_wait3A_209 = tpu.memref_slice %arg6[%dma_wait3A_198, %dma_wait3A_207, %dma_wait3A_208] : memref<5x128x16xf32, #tpu.memory_space<vmem>> -> memref<1x128x16xf32, #tpu.memory_space<vmem>>
    %dma_wait3A_210 = tpu.memref_squeeze %dma_wait3A_209 : memref<1x128x16xf32, #tpu.memory_space<vmem>> -> memref<128x16xf32, #tpu.memory_space<vmem>>
    tpu.wait_dma2 semaphore(%arg8 : memref<!tpu.dma_semaphore, #tpu.memory_space<semaphore_mem>>) src(%dma_wait3A_210 : memref<128x16xf32, #tpu.memory_space<vmem>>) dst(%dma_wait3A_206 : memref<128x16xf32, #tpu.memory_space<hbm>>)
    %dma_wait3A_211 = arith.constant 1 : i32
    %dma_wait3A_212 = arith.constant 0 : i32
    %dma_wait3A_213 = arith.constant 0 : i32
    %dma_wait3A_214 = tpu.memref_slice %arg6[%dma_wait3A_211, %dma_wait3A_212, %dma_wait3A_213] : memref<5x128x16xf32, #tpu.memory_space<vmem>> -> memref<1x128x16xf32, #tpu.memory_space<vmem>>
    %dma_wait3A_215 = tpu.memref_squeeze %dma_wait3A_214 : memref<1x128x16xf32, #tpu.memory_space<vmem>> -> memref<128x16xf32, #tpu.memory_space<vmem>>
    %dma_wait3A_216 = arith.constant 0 : i32
    %dma_wait3A_217 = tpu.memref_slice %arg4[%add3A_139, %dma_wait3A_216] : memref<20480x16xf32, #tpu.memory_space<hbm>> -> memref<128x16xf32, #tpu.memory_space<hbm>>
    %dma_wait3A_218 = arith.constant 0 : i32
    %dma_wait3A_219 = tpu.memref_slice %arg4[%add3A_139, %dma_wait3A_218] : memref<20480x16xf32, #tpu.memory_space<hbm>> -> memref<128x16xf32, #tpu.memory_space<hbm>>
    %dma_wait3A_220 = arith.constant 0 : i32
    %dma_wait3A_221 = arith.constant 0 : i32
    %dma_wait3A_222 = tpu.memref_slice %arg6[%dma_wait3A_211, %dma_wait3A_220, %dma_wait3A_221] : memref<5x128x16xf32, #tpu.memory_space<vmem>> -> memref<1x128x16xf32, #tpu.memory_space<vmem>>
    %dma_wait3A_223 = tpu.memref_squeeze %dma_wait3A_222 : memref<1x128x16xf32, #tpu.memory_space<vmem>> -> memref<128x16xf32, #tpu.memory_space<vmem>>
    tpu.wait_dma2 semaphore(%arg8 : memref<!tpu.dma_semaphore, #tpu.memory_space<semaphore_mem>>) src(%dma_wait3A_223 : memref<128x16xf32, #tpu.memory_space<vmem>>) dst(%dma_wait3A_219 : memref<128x16xf32, #tpu.memory_space<hbm>>)
    %dma_wait3A_224 = arith.constant 2 : i32
    %dma_wait3A_225 = arith.constant 0 : i32
    %dma_wait3A_226 = arith.constant 0 : i32
    %dma_wait3A_227 = tpu.memref_slice %arg6[%dma_wait3A_224, %dma_wait3A_225, %dma_wait3A_226] : memref<5x128x16xf32, #tpu.memory_space<vmem>> -> memref<1x128x16xf32, #tpu.memory_space<vmem>>
    %dma_wait3A_228 = tpu.memref_squeeze %dma_wait3A_227 : memref<1x128x16xf32, #tpu.memory_space<vmem>> -> memref<128x16xf32, #tpu.memory_space<vmem>>
    %dma_wait3A_229 = arith.constant 0 : i32
    %dma_wait3A_230 = tpu.memref_slice %arg4[%add3A_154, %dma_wait3A_229] : memref<20480x16xf32, #tpu.memory_space<hbm>> -> memref<128x16xf32, #tpu.memory_space<hbm>>
    %dma_wait3A_231 = arith.constant 0 : i32
    %dma_wait3A_232 = tpu.memref_slice %arg4[%add3A_154, %dma_wait3A_231] : memref<20480x16xf32, #tpu.memory_space<hbm>> -> memref<128x16xf32, #tpu.memory_space<hbm>>
    %dma_wait3A_233 = arith.constant 0 : i32
    %dma_wait3A_234 = arith.constant 0 : i32
    %dma_wait3A_235 = tpu.memref_slice %arg6[%dma_wait3A_224, %dma_wait3A_233, %dma_wait3A_234] : memref<5x128x16xf32, #tpu.memory_space<vmem>> -> memref<1x128x16xf32, #tpu.memory_space<vmem>>
    %dma_wait3A_236 = tpu.memref_squeeze %dma_wait3A_235 : memref<1x128x16xf32, #tpu.memory_space<vmem>> -> memref<128x16xf32, #tpu.memory_space<vmem>>
    tpu.wait_dma2 semaphore(%arg8 : memref<!tpu.dma_semaphore, #tpu.memory_space<semaphore_mem>>) src(%dma_wait3A_236 : memref<128x16xf32, #tpu.memory_space<vmem>>) dst(%dma_wait3A_232 : memref<128x16xf32, #tpu.memory_space<hbm>>)
    %dma_wait3A_237 = arith.constant 3 : i32
    %dma_wait3A_238 = arith.constant 0 : i32
    %dma_wait3A_239 = arith.constant 0 : i32
    %dma_wait3A_240 = tpu.memref_slice %arg6[%dma_wait3A_237, %dma_wait3A_238, %dma_wait3A_239] : memref<5x128x16xf32, #tpu.memory_space<vmem>> -> memref<1x128x16xf32, #tpu.memory_space<vmem>>
    %dma_wait3A_241 = tpu.memref_squeeze %dma_wait3A_240 : memref<1x128x16xf32, #tpu.memory_space<vmem>> -> memref<128x16xf32, #tpu.memory_space<vmem>>
    %dma_wait3A_242 = arith.constant 0 : i32
    %dma_wait3A_243 = tpu.memref_slice %arg4[%add3A_169, %dma_wait3A_242] : memref<20480x16xf32, #tpu.memory_space<hbm>> -> memref<128x16xf32, #tpu.memory_space<hbm>>
    %dma_wait3A_244 = arith.constant 0 : i32
    %dma_wait3A_245 = tpu.memref_slice %arg4[%add3A_169, %dma_wait3A_244] : memref<20480x16xf32, #tpu.memory_space<hbm>> -> memref<128x16xf32, #tpu.memory_space<hbm>>
    %dma_wait3A_246 = arith.constant 0 : i32
    %dma_wait3A_247 = arith.constant 0 : i32
    %dma_wait3A_248 = tpu.memref_slice %arg6[%dma_wait3A_237, %dma_wait3A_246, %dma_wait3A_247] : memref<5x128x16xf32, #tpu.memory_space<vmem>> -> memref<1x128x16xf32, #tpu.memory_space<vmem>>
    %dma_wait3A_249 = tpu.memref_squeeze %dma_wait3A_248 : memref<1x128x16xf32, #tpu.memory_space<vmem>> -> memref<128x16xf32, #tpu.memory_space<vmem>>
    tpu.wait_dma2 semaphore(%arg8 : memref<!tpu.dma_semaphore, #tpu.memory_space<semaphore_mem>>) src(%dma_wait3A_249 : memref<128x16xf32, #tpu.memory_space<vmem>>) dst(%dma_wait3A_245 : memref<128x16xf32, #tpu.memory_space<hbm>>)
    %dma_wait3A_250 = arith.constant 4 : i32
    %dma_wait3A_251 = arith.constant 0 : i32
    %dma_wait3A_252 = arith.constant 0 : i32
    %dma_wait3A_253 = tpu.memref_slice %arg6[%dma_wait3A_250, %dma_wait3A_251, %dma_wait3A_252] : memref<5x128x16xf32, #tpu.memory_space<vmem>> -> memref<1x128x16xf32, #tpu.memory_space<vmem>>
    %dma_wait3A_254 = tpu.memref_squeeze %dma_wait3A_253 : memref<1x128x16xf32, #tpu.memory_space<vmem>> -> memref<128x16xf32, #tpu.memory_space<vmem>>
    %dma_wait3A_255 = arith.constant 0 : i32
    %dma_wait3A_256 = tpu.memref_slice %arg4[%add3A_184, %dma_wait3A_255] : memref<20480x16xf32, #tpu.memory_space<hbm>> -> memref<128x16xf32, #tpu.memory_space<hbm>>
    %dma_wait3A_257 = arith.constant 0 : i32
    %dma_wait3A_258 = tpu.memref_slice %arg4[%add3A_184, %dma_wait3A_257] : memref<20480x16xf32, #tpu.memory_space<hbm>> -> memref<128x16xf32, #tpu.memory_space<hbm>>
    %dma_wait3A_259 = arith.constant 0 : i32
    %dma_wait3A_260 = arith.constant 0 : i32
    %dma_wait3A_261 = tpu.memref_slice %arg6[%dma_wait3A_250, %dma_wait3A_259, %dma_wait3A_260] : memref<5x128x16xf32, #tpu.memory_space<vmem>> -> memref<1x128x16xf32, #tpu.memory_space<vmem>>
    %dma_wait3A_262 = tpu.memref_squeeze %dma_wait3A_261 : memref<1x128x16xf32, #tpu.memory_space<vmem>> -> memref<128x16xf32, #tpu.memory_space<vmem>>
    tpu.wait_dma2 semaphore(%arg8 : memref<!tpu.dma_semaphore, #tpu.memory_space<semaphore_mem>>) src(%dma_wait3A_262 : memref<128x16xf32, #tpu.memory_space<vmem>>) dst(%dma_wait3A_258 : memref<128x16xf32, #tpu.memory_space<hbm>>)
    return
  }
}

#map = affine_map<(d0, d1) -> (0, 0)>
#map1 = affine_map<(d0, d1) -> (0, 0, 0)>
module attributes {stable_mosaic.version = 14 : i64} {
  func.func @_scatter_body(%arg0: i32, %arg1: i32, %arg2: memref<20480x64xf32, #tpu.memory_space<hbm>>, %arg3: memref<32x5x128xi32, #tpu.memory_space<hbm>>, %arg4: memref<10240x64xf32, #tpu.memory_space<hbm>>, %arg5: memref<10240x16xf32, #tpu.memory_space<hbm>>, %arg6: memref<128x16xf32, #tpu.memory_space<hbm>>, %arg7: memref<2x10240x64xf32, #tpu.memory_space<hbm>>, %arg8: memref<2x10240x16xf32, #tpu.memory_space<hbm>>, %arg9: memref<5x128xi32, #tpu.memory_space<vmem>>, %arg10: memref<5x128x64xf32, #tpu.memory_space<vmem>>, %arg11: memref<128x16xf32, #tpu.memory_space<vmem>>, %arg12: memref<10240x64xf32, #tpu.memory_space<vmem_shared>>, %arg13: memref<10240x16xf32, #tpu.memory_space<vmem_shared>>, %arg14: memref<!tpu.dma_semaphore, #tpu.memory_space<semaphore_mem>>, %arg15: memref<!tpu.dma_semaphore, #tpu.memory_space<semaphore_mem>>) attributes {dimension_semantics = [#tpu.dimension_semantics<core_parallel>, #tpu.dimension_semantics<subcore_parallel>], iteration_bounds = array<i64: 2, 16>, scalar_prefetch = 0 : i64, scratch_operands = 7 : i64, tpu.core_type = #tpu.core_type<sc_vector_subcore>, window_params = [{transform_indices = #map}, {transform_indices = #map1}, {transform_indices = #map}, {transform_indices = #map}, {transform_indices = #map}, {transform_indices = #map1}, {transform_indices = #map1}]} {
    %mul3A = arith.constant 16 : i32
    %mul3A_0 = arith.muli %arg0, %mul3A : i32
    %add3A = arith.addi %mul3A_0, %arg1 : i32
    %mul3A_1 = arith.constant 640 : i32
    %mul3A_2 = arith.muli %arg1, %mul3A_1 : i32
    %mul3A_3 = arith.constant 5 : i32
    %mul3A_4 = arith.muli %add3A, %mul3A_3 : i32
    %mul3A_5 = arith.constant 128 : i32
    %mul3A_6 = arith.muli %mul3A_4, %mul3A_5 : i32
    "tpu.region"() ({
      %run_scoped3A = tpu.sem_alloc : memref<!tpu.dma_semaphore, #tpu.memory_space<semaphore_mem>>
      %dma_start3A_336 = arith.constant 0 : i32
      %dma_start3A_337 = arith.constant 0 : i32
      %dma_start3A_338 = tpu.memref_slice %arg3[%add3A, %dma_start3A_336, %dma_start3A_337] : memref<32x5x128xi32, #tpu.memory_space<hbm>> -> memref<1x5x128xi32, #tpu.memory_space<hbm>>
      %dma_start3A_339 = tpu.memref_squeeze %dma_start3A_338 : memref<1x5x128xi32, #tpu.memory_space<hbm>> -> memref<5x128xi32, #tpu.memory_space<hbm>>
      %dma_start3A_340 = arith.constant 0 : i32
      %dma_start3A_341 = arith.constant 0 : i32
      %dma_start3A_342 = tpu.memref_slice %arg3[%add3A, %dma_start3A_340, %dma_start3A_341] : memref<32x5x128xi32, #tpu.memory_space<hbm>> -> memref<1x5x128xi32, #tpu.memory_space<hbm>>
      %dma_start3A_343 = tpu.memref_squeeze %dma_start3A_342 : memref<1x5x128xi32, #tpu.memory_space<hbm>> -> memref<5x128xi32, #tpu.memory_space<hbm>>
      tpu.enqueue_dma source(%dma_start3A_343 : memref<5x128xi32, #tpu.memory_space<hbm>>) target(%arg9 : memref<5x128xi32, #tpu.memory_space<vmem>>) target_semaphore(%run_scoped3A : memref<!tpu.dma_semaphore, #tpu.memory_space<semaphore_mem>>)
      %dma_wait3A_344 = arith.constant 0 : i32
      %dma_wait3A_345 = arith.constant 0 : i32
      %dma_wait3A_346 = tpu.memref_slice %arg3[%add3A, %dma_wait3A_344, %dma_wait3A_345] : memref<32x5x128xi32, #tpu.memory_space<hbm>> -> memref<1x5x128xi32, #tpu.memory_space<hbm>>
      %dma_wait3A_347 = tpu.memref_squeeze %dma_wait3A_346 : memref<1x5x128xi32, #tpu.memory_space<hbm>> -> memref<5x128xi32, #tpu.memory_space<hbm>>
      %dma_wait3A_348 = arith.constant 0 : i32
      %dma_wait3A_349 = arith.constant 0 : i32
      %dma_wait3A_350 = tpu.memref_slice %arg3[%add3A, %dma_wait3A_348, %dma_wait3A_349] : memref<32x5x128xi32, #tpu.memory_space<hbm>> -> memref<1x5x128xi32, #tpu.memory_space<hbm>>
      %dma_wait3A_351 = tpu.memref_squeeze %dma_wait3A_350 : memref<1x5x128xi32, #tpu.memory_space<hbm>> -> memref<5x128xi32, #tpu.memory_space<hbm>>
      tpu.wait_dma2 semaphore(%run_scoped3A : memref<!tpu.dma_semaphore, #tpu.memory_space<semaphore_mem>>) src(%dma_wait3A_351 : memref<5x128xi32, #tpu.memory_space<hbm>>) dst(%arg9 : memref<5x128xi32, #tpu.memory_space<vmem>>)
      tpu.yield
    }) : () -> ()
    %add3A_7 = arith.constant 0 : i32
    %add3A_8 = arith.addi %mul3A_6, %add3A_7 : i32
    %dma_start3A = arith.constant 0 : i32
    %dma_start3A_9 = arith.constant 0 : i32
    %dma_start3A_10 = arith.constant 0 : i32
    %dma_start3A_11 = tpu.memref_slice %arg10[%dma_start3A, %dma_start3A_9, %dma_start3A_10] : memref<5x128x64xf32, #tpu.memory_space<vmem>> -> memref<1x128x64xf32, #tpu.memory_space<vmem>>
    %dma_start3A_12 = tpu.memref_squeeze %dma_start3A_11 : memref<1x128x64xf32, #tpu.memory_space<vmem>> -> memref<128x64xf32, #tpu.memory_space<vmem>>
    %dma_start3A_13 = arith.constant 0 : i32
    %dma_start3A_14 = tpu.memref_slice %arg2[%add3A_8, %dma_start3A_13] : memref<20480x64xf32, #tpu.memory_space<hbm>> -> memref<128x64xf32, #tpu.memory_space<hbm>>
    %dma_start3A_15 = arith.constant 0 : i32
    %dma_start3A_16 = arith.constant 0 : i32
    %dma_start3A_17 = tpu.memref_slice %arg10[%dma_start3A, %dma_start3A_15, %dma_start3A_16] : memref<5x128x64xf32, #tpu.memory_space<vmem>> -> memref<1x128x64xf32, #tpu.memory_space<vmem>>
    %dma_start3A_18 = tpu.memref_squeeze %dma_start3A_17 : memref<1x128x64xf32, #tpu.memory_space<vmem>> -> memref<128x64xf32, #tpu.memory_space<vmem>>
    %dma_start3A_19 = arith.constant 0 : i32
    %dma_start3A_20 = tpu.memref_slice %arg2[%add3A_8, %dma_start3A_19] : memref<20480x64xf32, #tpu.memory_space<hbm>> -> memref<128x64xf32, #tpu.memory_space<hbm>>
    tpu.enqueue_dma source(%dma_start3A_20 : memref<128x64xf32, #tpu.memory_space<hbm>>) target(%dma_start3A_18 : memref<128x64xf32, #tpu.memory_space<vmem>>) target_semaphore(%arg14 : memref<!tpu.dma_semaphore, #tpu.memory_space<semaphore_mem>>)
    %add3A_21 = arith.constant 128 : i32
    %add3A_22 = arith.addi %mul3A_6, %add3A_21 : i32
    %dma_start3A_23 = arith.constant 1 : i32
    %dma_start3A_24 = arith.constant 0 : i32
    %dma_start3A_25 = arith.constant 0 : i32
    %dma_start3A_26 = tpu.memref_slice %arg10[%dma_start3A_23, %dma_start3A_24, %dma_start3A_25] : memref<5x128x64xf32, #tpu.memory_space<vmem>> -> memref<1x128x64xf32, #tpu.memory_space<vmem>>
    %dma_start3A_27 = tpu.memref_squeeze %dma_start3A_26 : memref<1x128x64xf32, #tpu.memory_space<vmem>> -> memref<128x64xf32, #tpu.memory_space<vmem>>
    %dma_start3A_28 = arith.constant 0 : i32
    %dma_start3A_29 = tpu.memref_slice %arg2[%add3A_22, %dma_start3A_28] : memref<20480x64xf32, #tpu.memory_space<hbm>> -> memref<128x64xf32, #tpu.memory_space<hbm>>
    %dma_start3A_30 = arith.constant 0 : i32
    %dma_start3A_31 = arith.constant 0 : i32
    %dma_start3A_32 = tpu.memref_slice %arg10[%dma_start3A_23, %dma_start3A_30, %dma_start3A_31] : memref<5x128x64xf32, #tpu.memory_space<vmem>> -> memref<1x128x64xf32, #tpu.memory_space<vmem>>
    %dma_start3A_33 = tpu.memref_squeeze %dma_start3A_32 : memref<1x128x64xf32, #tpu.memory_space<vmem>> -> memref<128x64xf32, #tpu.memory_space<vmem>>
    %dma_start3A_34 = arith.constant 0 : i32
    %dma_start3A_35 = tpu.memref_slice %arg2[%add3A_22, %dma_start3A_34] : memref<20480x64xf32, #tpu.memory_space<hbm>> -> memref<128x64xf32, #tpu.memory_space<hbm>>
    tpu.enqueue_dma source(%dma_start3A_35 : memref<128x64xf32, #tpu.memory_space<hbm>>) target(%dma_start3A_33 : memref<128x64xf32, #tpu.memory_space<vmem>>) target_semaphore(%arg14 : memref<!tpu.dma_semaphore, #tpu.memory_space<semaphore_mem>>)
    %add3A_36 = arith.constant 256 : i32
    %add3A_37 = arith.addi %mul3A_6, %add3A_36 : i32
    %dma_start3A_38 = arith.constant 2 : i32
    %dma_start3A_39 = arith.constant 0 : i32
    %dma_start3A_40 = arith.constant 0 : i32
    %dma_start3A_41 = tpu.memref_slice %arg10[%dma_start3A_38, %dma_start3A_39, %dma_start3A_40] : memref<5x128x64xf32, #tpu.memory_space<vmem>> -> memref<1x128x64xf32, #tpu.memory_space<vmem>>
    %dma_start3A_42 = tpu.memref_squeeze %dma_start3A_41 : memref<1x128x64xf32, #tpu.memory_space<vmem>> -> memref<128x64xf32, #tpu.memory_space<vmem>>
    %dma_start3A_43 = arith.constant 0 : i32
    %dma_start3A_44 = tpu.memref_slice %arg2[%add3A_37, %dma_start3A_43] : memref<20480x64xf32, #tpu.memory_space<hbm>> -> memref<128x64xf32, #tpu.memory_space<hbm>>
    %dma_start3A_45 = arith.constant 0 : i32
    %dma_start3A_46 = arith.constant 0 : i32
    %dma_start3A_47 = tpu.memref_slice %arg10[%dma_start3A_38, %dma_start3A_45, %dma_start3A_46] : memref<5x128x64xf32, #tpu.memory_space<vmem>> -> memref<1x128x64xf32, #tpu.memory_space<vmem>>
    %dma_start3A_48 = tpu.memref_squeeze %dma_start3A_47 : memref<1x128x64xf32, #tpu.memory_space<vmem>> -> memref<128x64xf32, #tpu.memory_space<vmem>>
    %dma_start3A_49 = arith.constant 0 : i32
    %dma_start3A_50 = tpu.memref_slice %arg2[%add3A_37, %dma_start3A_49] : memref<20480x64xf32, #tpu.memory_space<hbm>> -> memref<128x64xf32, #tpu.memory_space<hbm>>
    tpu.enqueue_dma source(%dma_start3A_50 : memref<128x64xf32, #tpu.memory_space<hbm>>) target(%dma_start3A_48 : memref<128x64xf32, #tpu.memory_space<vmem>>) target_semaphore(%arg14 : memref<!tpu.dma_semaphore, #tpu.memory_space<semaphore_mem>>)
    %add3A_51 = arith.constant 384 : i32
    %add3A_52 = arith.addi %mul3A_6, %add3A_51 : i32
    %dma_start3A_53 = arith.constant 3 : i32
    %dma_start3A_54 = arith.constant 0 : i32
    %dma_start3A_55 = arith.constant 0 : i32
    %dma_start3A_56 = tpu.memref_slice %arg10[%dma_start3A_53, %dma_start3A_54, %dma_start3A_55] : memref<5x128x64xf32, #tpu.memory_space<vmem>> -> memref<1x128x64xf32, #tpu.memory_space<vmem>>
    %dma_start3A_57 = tpu.memref_squeeze %dma_start3A_56 : memref<1x128x64xf32, #tpu.memory_space<vmem>> -> memref<128x64xf32, #tpu.memory_space<vmem>>
    %dma_start3A_58 = arith.constant 0 : i32
    %dma_start3A_59 = tpu.memref_slice %arg2[%add3A_52, %dma_start3A_58] : memref<20480x64xf32, #tpu.memory_space<hbm>> -> memref<128x64xf32, #tpu.memory_space<hbm>>
    %dma_start3A_60 = arith.constant 0 : i32
    %dma_start3A_61 = arith.constant 0 : i32
    %dma_start3A_62 = tpu.memref_slice %arg10[%dma_start3A_53, %dma_start3A_60, %dma_start3A_61] : memref<5x128x64xf32, #tpu.memory_space<vmem>> -> memref<1x128x64xf32, #tpu.memory_space<vmem>>
    %dma_start3A_63 = tpu.memref_squeeze %dma_start3A_62 : memref<1x128x64xf32, #tpu.memory_space<vmem>> -> memref<128x64xf32, #tpu.memory_space<vmem>>
    %dma_start3A_64 = arith.constant 0 : i32
    %dma_start3A_65 = tpu.memref_slice %arg2[%add3A_52, %dma_start3A_64] : memref<20480x64xf32, #tpu.memory_space<hbm>> -> memref<128x64xf32, #tpu.memory_space<hbm>>
    tpu.enqueue_dma source(%dma_start3A_65 : memref<128x64xf32, #tpu.memory_space<hbm>>) target(%dma_start3A_63 : memref<128x64xf32, #tpu.memory_space<vmem>>) target_semaphore(%arg14 : memref<!tpu.dma_semaphore, #tpu.memory_space<semaphore_mem>>)
    %add3A_66 = arith.constant 512 : i32
    %add3A_67 = arith.addi %mul3A_6, %add3A_66 : i32
    %dma_start3A_68 = arith.constant 4 : i32
    %dma_start3A_69 = arith.constant 0 : i32
    %dma_start3A_70 = arith.constant 0 : i32
    %dma_start3A_71 = tpu.memref_slice %arg10[%dma_start3A_68, %dma_start3A_69, %dma_start3A_70] : memref<5x128x64xf32, #tpu.memory_space<vmem>> -> memref<1x128x64xf32, #tpu.memory_space<vmem>>
    %dma_start3A_72 = tpu.memref_squeeze %dma_start3A_71 : memref<1x128x64xf32, #tpu.memory_space<vmem>> -> memref<128x64xf32, #tpu.memory_space<vmem>>
    %dma_start3A_73 = arith.constant 0 : i32
    %dma_start3A_74 = tpu.memref_slice %arg2[%add3A_67, %dma_start3A_73] : memref<20480x64xf32, #tpu.memory_space<hbm>> -> memref<128x64xf32, #tpu.memory_space<hbm>>
    %dma_start3A_75 = arith.constant 0 : i32
    %dma_start3A_76 = arith.constant 0 : i32
    %dma_start3A_77 = tpu.memref_slice %arg10[%dma_start3A_68, %dma_start3A_75, %dma_start3A_76] : memref<5x128x64xf32, #tpu.memory_space<vmem>> -> memref<1x128x64xf32, #tpu.memory_space<vmem>>
    %dma_start3A_78 = tpu.memref_squeeze %dma_start3A_77 : memref<1x128x64xf32, #tpu.memory_space<vmem>> -> memref<128x64xf32, #tpu.memory_space<vmem>>
    %dma_start3A_79 = arith.constant 0 : i32
    %dma_start3A_80 = tpu.memref_slice %arg2[%add3A_67, %dma_start3A_79] : memref<20480x64xf32, #tpu.memory_space<hbm>> -> memref<128x64xf32, #tpu.memory_space<hbm>>
    tpu.enqueue_dma source(%dma_start3A_80 : memref<128x64xf32, #tpu.memory_space<hbm>>) target(%dma_start3A_78 : memref<128x64xf32, #tpu.memory_space<vmem>>) target_semaphore(%arg14 : memref<!tpu.dma_semaphore, #tpu.memory_space<semaphore_mem>>)
    "tpu.region"() ({
      %run_scoped3A = tpu.sem_alloc : memref<!tpu.dma_semaphore, #tpu.memory_space<semaphore_mem>>
      %dma_start3A_336 = arith.constant 0 : i32
      %dma_start3A_337 = tpu.memref_slice %arg12[%mul3A_2, %dma_start3A_336] : memref<10240x64xf32, #tpu.memory_space<vmem_shared>> -> memref<640x64xf32, #tpu.memory_space<vmem_shared>>
      %dma_start3A_338 = arith.constant 0 : i32
      %dma_start3A_339 = tpu.memref_slice %arg4[%mul3A_2, %dma_start3A_338] : memref<10240x64xf32, #tpu.memory_space<hbm>> -> memref<640x64xf32, #tpu.memory_space<hbm>>
      tpu.enqueue_dma source(%dma_start3A_339 : memref<640x64xf32, #tpu.memory_space<hbm>>) target(%dma_start3A_337 : memref<640x64xf32, #tpu.memory_space<vmem_shared>>) target_semaphore(%run_scoped3A : memref<!tpu.dma_semaphore, #tpu.memory_space<semaphore_mem>>)
      %dma_wait3A_340 = arith.constant 0 : i32
      %dma_wait3A_341 = tpu.memref_slice %arg12[%mul3A_2, %dma_wait3A_340] : memref<10240x64xf32, #tpu.memory_space<vmem_shared>> -> memref<640x64xf32, #tpu.memory_space<vmem_shared>>
      %dma_wait3A_342 = arith.constant 0 : i32
      %dma_wait3A_343 = tpu.memref_slice %arg4[%mul3A_2, %dma_wait3A_342] : memref<10240x64xf32, #tpu.memory_space<hbm>> -> memref<640x64xf32, #tpu.memory_space<hbm>>
      tpu.wait_dma2 semaphore(%run_scoped3A : memref<!tpu.dma_semaphore, #tpu.memory_space<semaphore_mem>>) src(%dma_wait3A_343 : memref<640x64xf32, #tpu.memory_space<hbm>>) dst(%dma_wait3A_341 : memref<640x64xf32, #tpu.memory_space<vmem_shared>>)
      tpu.yield
    }) : () -> ()
    "tpu.region"() ({
      %run_scoped3A = tpu.sem_alloc : memref<!tpu.dma_semaphore, #tpu.memory_space<semaphore_mem>>
      %dma_start3A_336 = arith.constant 0 : i32
      %dma_start3A_337 = tpu.memref_slice %arg13[%mul3A_2, %dma_start3A_336] : memref<10240x16xf32, #tpu.memory_space<vmem_shared>> -> memref<640x16xf32, #tpu.memory_space<vmem_shared>>
      %dma_start3A_338 = arith.constant 0 : i32
      %dma_start3A_339 = tpu.memref_slice %arg5[%mul3A_2, %dma_start3A_338] : memref<10240x16xf32, #tpu.memory_space<hbm>> -> memref<640x16xf32, #tpu.memory_space<hbm>>
      tpu.enqueue_dma source(%dma_start3A_339 : memref<640x16xf32, #tpu.memory_space<hbm>>) target(%dma_start3A_337 : memref<640x16xf32, #tpu.memory_space<vmem_shared>>) target_semaphore(%run_scoped3A : memref<!tpu.dma_semaphore, #tpu.memory_space<semaphore_mem>>)
      %dma_wait3A_340 = arith.constant 0 : i32
      %dma_wait3A_341 = tpu.memref_slice %arg13[%mul3A_2, %dma_wait3A_340] : memref<10240x16xf32, #tpu.memory_space<vmem_shared>> -> memref<640x16xf32, #tpu.memory_space<vmem_shared>>
      %dma_wait3A_342 = arith.constant 0 : i32
      %dma_wait3A_343 = tpu.memref_slice %arg5[%mul3A_2, %dma_wait3A_342] : memref<10240x16xf32, #tpu.memory_space<hbm>> -> memref<640x16xf32, #tpu.memory_space<hbm>>
      tpu.wait_dma2 semaphore(%run_scoped3A : memref<!tpu.dma_semaphore, #tpu.memory_space<semaphore_mem>>) src(%dma_wait3A_343 : memref<640x16xf32, #tpu.memory_space<hbm>>) dst(%dma_wait3A_341 : memref<640x16xf32, #tpu.memory_space<vmem_shared>>)
      tpu.yield
    }) : () -> ()
    "tpu.region"() ({
      %run_scoped3A = tpu.sem_alloc : memref<!tpu.dma_semaphore, #tpu.memory_space<semaphore_mem>>
      tpu.enqueue_dma source(%arg6 : memref<128x16xf32, #tpu.memory_space<hbm>>) target(%arg11 : memref<128x16xf32, #tpu.memory_space<vmem>>) target_semaphore(%run_scoped3A : memref<!tpu.dma_semaphore, #tpu.memory_space<semaphore_mem>>)
      tpu.wait_dma2 semaphore(%run_scoped3A : memref<!tpu.dma_semaphore, #tpu.memory_space<semaphore_mem>>) src(%arg6 : memref<128x16xf32, #tpu.memory_space<hbm>>) dst(%arg11 : memref<128x16xf32, #tpu.memory_space<vmem>>)
      tpu.yield
    }) : () -> ()
    %dma_wait3A = arith.constant 0 : i32
    %dma_wait3A_81 = arith.constant 0 : i32
    %dma_wait3A_82 = arith.constant 0 : i32
    %dma_wait3A_83 = tpu.memref_slice %arg10[%dma_wait3A, %dma_wait3A_81, %dma_wait3A_82] : memref<5x128x64xf32, #tpu.memory_space<vmem>> -> memref<1x128x64xf32, #tpu.memory_space<vmem>>
    %dma_wait3A_84 = tpu.memref_squeeze %dma_wait3A_83 : memref<1x128x64xf32, #tpu.memory_space<vmem>> -> memref<128x64xf32, #tpu.memory_space<vmem>>
    %dma_wait3A_85 = arith.constant 0 : i32
    %dma_wait3A_86 = tpu.memref_slice %arg2[%add3A_8, %dma_wait3A_85] : memref<20480x64xf32, #tpu.memory_space<hbm>> -> memref<128x64xf32, #tpu.memory_space<hbm>>
    %dma_wait3A_87 = arith.constant 0 : i32
    %dma_wait3A_88 = arith.constant 0 : i32
    %dma_wait3A_89 = tpu.memref_slice %arg10[%dma_wait3A, %dma_wait3A_87, %dma_wait3A_88] : memref<5x128x64xf32, #tpu.memory_space<vmem>> -> memref<1x128x64xf32, #tpu.memory_space<vmem>>
    %dma_wait3A_90 = tpu.memref_squeeze %dma_wait3A_89 : memref<1x128x64xf32, #tpu.memory_space<vmem>> -> memref<128x64xf32, #tpu.memory_space<vmem>>
    %dma_wait3A_91 = arith.constant 0 : i32
    %dma_wait3A_92 = tpu.memref_slice %arg2[%add3A_8, %dma_wait3A_91] : memref<20480x64xf32, #tpu.memory_space<hbm>> -> memref<128x64xf32, #tpu.memory_space<hbm>>
    tpu.wait_dma2 semaphore(%arg14 : memref<!tpu.dma_semaphore, #tpu.memory_space<semaphore_mem>>) src(%dma_wait3A_92 : memref<128x64xf32, #tpu.memory_space<hbm>>) dst(%dma_wait3A_90 : memref<128x64xf32, #tpu.memory_space<vmem>>)
    %dma_wait3A_93 = arith.constant 1 : i32
    %dma_wait3A_94 = arith.constant 0 : i32
    %dma_wait3A_95 = arith.constant 0 : i32
    %dma_wait3A_96 = tpu.memref_slice %arg10[%dma_wait3A_93, %dma_wait3A_94, %dma_wait3A_95] : memref<5x128x64xf32, #tpu.memory_space<vmem>> -> memref<1x128x64xf32, #tpu.memory_space<vmem>>
    %dma_wait3A_97 = tpu.memref_squeeze %dma_wait3A_96 : memref<1x128x64xf32, #tpu.memory_space<vmem>> -> memref<128x64xf32, #tpu.memory_space<vmem>>
    %dma_wait3A_98 = arith.constant 0 : i32
    %dma_wait3A_99 = tpu.memref_slice %arg2[%add3A_22, %dma_wait3A_98] : memref<20480x64xf32, #tpu.memory_space<hbm>> -> memref<128x64xf32, #tpu.memory_space<hbm>>
    %dma_wait3A_100 = arith.constant 0 : i32
    %dma_wait3A_101 = arith.constant 0 : i32
    %dma_wait3A_102 = tpu.memref_slice %arg10[%dma_wait3A_93, %dma_wait3A_100, %dma_wait3A_101] : memref<5x128x64xf32, #tpu.memory_space<vmem>> -> memref<1x128x64xf32, #tpu.memory_space<vmem>>
    %dma_wait3A_103 = tpu.memref_squeeze %dma_wait3A_102 : memref<1x128x64xf32, #tpu.memory_space<vmem>> -> memref<128x64xf32, #tpu.memory_space<vmem>>
    %dma_wait3A_104 = arith.constant 0 : i32
    %dma_wait3A_105 = tpu.memref_slice %arg2[%add3A_22, %dma_wait3A_104] : memref<20480x64xf32, #tpu.memory_space<hbm>> -> memref<128x64xf32, #tpu.memory_space<hbm>>
    tpu.wait_dma2 semaphore(%arg14 : memref<!tpu.dma_semaphore, #tpu.memory_space<semaphore_mem>>) src(%dma_wait3A_105 : memref<128x64xf32, #tpu.memory_space<hbm>>) dst(%dma_wait3A_103 : memref<128x64xf32, #tpu.memory_space<vmem>>)
    %dma_wait3A_106 = arith.constant 2 : i32
    %dma_wait3A_107 = arith.constant 0 : i32
    %dma_wait3A_108 = arith.constant 0 : i32
    %dma_wait3A_109 = tpu.memref_slice %arg10[%dma_wait3A_106, %dma_wait3A_107, %dma_wait3A_108] : memref<5x128x64xf32, #tpu.memory_space<vmem>> -> memref<1x128x64xf32, #tpu.memory_space<vmem>>
    %dma_wait3A_110 = tpu.memref_squeeze %dma_wait3A_109 : memref<1x128x64xf32, #tpu.memory_space<vmem>> -> memref<128x64xf32, #tpu.memory_space<vmem>>
    %dma_wait3A_111 = arith.constant 0 : i32
    %dma_wait3A_112 = tpu.memref_slice %arg2[%add3A_37, %dma_wait3A_111] : memref<20480x64xf32, #tpu.memory_space<hbm>> -> memref<128x64xf32, #tpu.memory_space<hbm>>
    %dma_wait3A_113 = arith.constant 0 : i32
    %dma_wait3A_114 = arith.constant 0 : i32
    %dma_wait3A_115 = tpu.memref_slice %arg10[%dma_wait3A_106, %dma_wait3A_113, %dma_wait3A_114] : memref<5x128x64xf32, #tpu.memory_space<vmem>> -> memref<1x128x64xf32, #tpu.memory_space<vmem>>
    %dma_wait3A_116 = tpu.memref_squeeze %dma_wait3A_115 : memref<1x128x64xf32, #tpu.memory_space<vmem>> -> memref<128x64xf32, #tpu.memory_space<vmem>>
    %dma_wait3A_117 = arith.constant 0 : i32
    %dma_wait3A_118 = tpu.memref_slice %arg2[%add3A_37, %dma_wait3A_117] : memref<20480x64xf32, #tpu.memory_space<hbm>> -> memref<128x64xf32, #tpu.memory_space<hbm>>
    tpu.wait_dma2 semaphore(%arg14 : memref<!tpu.dma_semaphore, #tpu.memory_space<semaphore_mem>>) src(%dma_wait3A_118 : memref<128x64xf32, #tpu.memory_space<hbm>>) dst(%dma_wait3A_116 : memref<128x64xf32, #tpu.memory_space<vmem>>)
    %dma_wait3A_119 = arith.constant 3 : i32
    %dma_wait3A_120 = arith.constant 0 : i32
    %dma_wait3A_121 = arith.constant 0 : i32
    %dma_wait3A_122 = tpu.memref_slice %arg10[%dma_wait3A_119, %dma_wait3A_120, %dma_wait3A_121] : memref<5x128x64xf32, #tpu.memory_space<vmem>> -> memref<1x128x64xf32, #tpu.memory_space<vmem>>
    %dma_wait3A_123 = tpu.memref_squeeze %dma_wait3A_122 : memref<1x128x64xf32, #tpu.memory_space<vmem>> -> memref<128x64xf32, #tpu.memory_space<vmem>>
    %dma_wait3A_124 = arith.constant 0 : i32
    %dma_wait3A_125 = tpu.memref_slice %arg2[%add3A_52, %dma_wait3A_124] : memref<20480x64xf32, #tpu.memory_space<hbm>> -> memref<128x64xf32, #tpu.memory_space<hbm>>
    %dma_wait3A_126 = arith.constant 0 : i32
    %dma_wait3A_127 = arith.constant 0 : i32
    %dma_wait3A_128 = tpu.memref_slice %arg10[%dma_wait3A_119, %dma_wait3A_126, %dma_wait3A_127] : memref<5x128x64xf32, #tpu.memory_space<vmem>> -> memref<1x128x64xf32, #tpu.memory_space<vmem>>
    %dma_wait3A_129 = tpu.memref_squeeze %dma_wait3A_128 : memref<1x128x64xf32, #tpu.memory_space<vmem>> -> memref<128x64xf32, #tpu.memory_space<vmem>>
    %dma_wait3A_130 = arith.constant 0 : i32
    %dma_wait3A_131 = tpu.memref_slice %arg2[%add3A_52, %dma_wait3A_130] : memref<20480x64xf32, #tpu.memory_space<hbm>> -> memref<128x64xf32, #tpu.memory_space<hbm>>
    tpu.wait_dma2 semaphore(%arg14 : memref<!tpu.dma_semaphore, #tpu.memory_space<semaphore_mem>>) src(%dma_wait3A_131 : memref<128x64xf32, #tpu.memory_space<hbm>>) dst(%dma_wait3A_129 : memref<128x64xf32, #tpu.memory_space<vmem>>)
    %dma_wait3A_132 = arith.constant 4 : i32
    %dma_wait3A_133 = arith.constant 0 : i32
    %dma_wait3A_134 = arith.constant 0 : i32
    %dma_wait3A_135 = tpu.memref_slice %arg10[%dma_wait3A_132, %dma_wait3A_133, %dma_wait3A_134] : memref<5x128x64xf32, #tpu.memory_space<vmem>> -> memref<1x128x64xf32, #tpu.memory_space<vmem>>
    %dma_wait3A_136 = tpu.memref_squeeze %dma_wait3A_135 : memref<1x128x64xf32, #tpu.memory_space<vmem>> -> memref<128x64xf32, #tpu.memory_space<vmem>>
    %dma_wait3A_137 = arith.constant 0 : i32
    %dma_wait3A_138 = tpu.memref_slice %arg2[%add3A_67, %dma_wait3A_137] : memref<20480x64xf32, #tpu.memory_space<hbm>> -> memref<128x64xf32, #tpu.memory_space<hbm>>
    %dma_wait3A_139 = arith.constant 0 : i32
    %dma_wait3A_140 = arith.constant 0 : i32
    %dma_wait3A_141 = tpu.memref_slice %arg10[%dma_wait3A_132, %dma_wait3A_139, %dma_wait3A_140] : memref<5x128x64xf32, #tpu.memory_space<vmem>> -> memref<1x128x64xf32, #tpu.memory_space<vmem>>
    %dma_wait3A_142 = tpu.memref_squeeze %dma_wait3A_141 : memref<1x128x64xf32, #tpu.memory_space<vmem>> -> memref<128x64xf32, #tpu.memory_space<vmem>>
    %dma_wait3A_143 = arith.constant 0 : i32
    %dma_wait3A_144 = tpu.memref_slice %arg2[%add3A_67, %dma_wait3A_143] : memref<20480x64xf32, #tpu.memory_space<hbm>> -> memref<128x64xf32, #tpu.memory_space<hbm>>
    tpu.wait_dma2 semaphore(%arg14 : memref<!tpu.dma_semaphore, #tpu.memory_space<semaphore_mem>>) src(%dma_wait3A_144 : memref<128x64xf32, #tpu.memory_space<hbm>>) dst(%dma_wait3A_142 : memref<128x64xf32, #tpu.memory_space<vmem>>)
    %barrier3A = arith.constant 0 : index
    tpu.barrier barrier_id(%barrier3A)
    %dma_start3A_145 = arith.constant 0 : i32
    %dma_start3A_146 = arith.constant 0 : i32
    %dma_start3A_147 = arith.constant 0 : i32
    %dma_start3A_148 = arith.constant 0 : i32
    %dma_start3A_149 = tpu.memref_slice %arg10[%dma_start3A_145, %dma_start3A_147, %dma_start3A_148] : memref<5x128x64xf32, #tpu.memory_space<vmem>> -> memref<1x128x64xf32, #tpu.memory_space<vmem>>
    %dma_start3A_150 = tpu.memref_squeeze %dma_start3A_149 : memref<1x128x64xf32, #tpu.memory_space<vmem>> -> memref<128x64xf32, #tpu.memory_space<vmem>>
    %dma_start3A_151 = arith.constant 0 : i32
    %dma_start3A_152 = tpu.memref_slice %arg9[%dma_start3A_146, %dma_start3A_151] : memref<5x128xi32, #tpu.memory_space<vmem>> -> memref<1x128xi32, #tpu.memory_space<vmem>>
    %dma_start3A_153 = tpu.memref_squeeze %dma_start3A_152 : memref<1x128xi32, #tpu.memory_space<vmem>> -> memref<128xi32, #tpu.memory_space<vmem>>
    %dma_start3A_154 = arith.constant 0 : i32
    %dma_start3A_155 = arith.constant 0 : i32
    %dma_start3A_156 = tpu.memref_slice %arg12[%dma_start3A_154, %dma_start3A_155] : memref<10240x64xf32, #tpu.memory_space<vmem_shared>> -> memref<10240x64xf32, #tpu.memory_space<vmem_shared>>
    tpu.enqueue_indirect_dma source(%dma_start3A_150 : memref<128x64xf32, #tpu.memory_space<vmem>>) target(%dma_start3A_156 : memref<10240x64xf32, #tpu.memory_space<vmem_shared>>) offsets(%dma_start3A_153 : memref<128xi32, #tpu.memory_space<vmem>>) semaphore(%arg15 : memref<!tpu.dma_semaphore, #tpu.memory_space<semaphore_mem>>) {add = true}
    %dma_start3A_157 = arith.constant 1 : i32
    %dma_start3A_158 = arith.constant 1 : i32
    %dma_start3A_159 = arith.constant 0 : i32
    %dma_start3A_160 = arith.constant 0 : i32
    %dma_start3A_161 = tpu.memref_slice %arg10[%dma_start3A_157, %dma_start3A_159, %dma_start3A_160] : memref<5x128x64xf32, #tpu.memory_space<vmem>> -> memref<1x128x64xf32, #tpu.memory_space<vmem>>
    %dma_start3A_162 = tpu.memref_squeeze %dma_start3A_161 : memref<1x128x64xf32, #tpu.memory_space<vmem>> -> memref<128x64xf32, #tpu.memory_space<vmem>>
    %dma_start3A_163 = arith.constant 0 : i32
    %dma_start3A_164 = tpu.memref_slice %arg9[%dma_start3A_158, %dma_start3A_163] : memref<5x128xi32, #tpu.memory_space<vmem>> -> memref<1x128xi32, #tpu.memory_space<vmem>>
    %dma_start3A_165 = tpu.memref_squeeze %dma_start3A_164 : memref<1x128xi32, #tpu.memory_space<vmem>> -> memref<128xi32, #tpu.memory_space<vmem>>
    %dma_start3A_166 = arith.constant 0 : i32
    %dma_start3A_167 = arith.constant 0 : i32
    %dma_start3A_168 = tpu.memref_slice %arg12[%dma_start3A_166, %dma_start3A_167] : memref<10240x64xf32, #tpu.memory_space<vmem_shared>> -> memref<10240x64xf32, #tpu.memory_space<vmem_shared>>
    tpu.enqueue_indirect_dma source(%dma_start3A_162 : memref<128x64xf32, #tpu.memory_space<vmem>>) target(%dma_start3A_168 : memref<10240x64xf32, #tpu.memory_space<vmem_shared>>) offsets(%dma_start3A_165 : memref<128xi32, #tpu.memory_space<vmem>>) semaphore(%arg15 : memref<!tpu.dma_semaphore, #tpu.memory_space<semaphore_mem>>) {add = true}
    %dma_start3A_169 = arith.constant 2 : i32
    %dma_start3A_170 = arith.constant 2 : i32
    %dma_start3A_171 = arith.constant 0 : i32
    %dma_start3A_172 = arith.constant 0 : i32
    %dma_start3A_173 = tpu.memref_slice %arg10[%dma_start3A_169, %dma_start3A_171, %dma_start3A_172] : memref<5x128x64xf32, #tpu.memory_space<vmem>> -> memref<1x128x64xf32, #tpu.memory_space<vmem>>
    %dma_start3A_174 = tpu.memref_squeeze %dma_start3A_173 : memref<1x128x64xf32, #tpu.memory_space<vmem>> -> memref<128x64xf32, #tpu.memory_space<vmem>>
    %dma_start3A_175 = arith.constant 0 : i32
    %dma_start3A_176 = tpu.memref_slice %arg9[%dma_start3A_170, %dma_start3A_175] : memref<5x128xi32, #tpu.memory_space<vmem>> -> memref<1x128xi32, #tpu.memory_space<vmem>>
    %dma_start3A_177 = tpu.memref_squeeze %dma_start3A_176 : memref<1x128xi32, #tpu.memory_space<vmem>> -> memref<128xi32, #tpu.memory_space<vmem>>
    %dma_start3A_178 = arith.constant 0 : i32
    %dma_start3A_179 = arith.constant 0 : i32
    %dma_start3A_180 = tpu.memref_slice %arg12[%dma_start3A_178, %dma_start3A_179] : memref<10240x64xf32, #tpu.memory_space<vmem_shared>> -> memref<10240x64xf32, #tpu.memory_space<vmem_shared>>
    tpu.enqueue_indirect_dma source(%dma_start3A_174 : memref<128x64xf32, #tpu.memory_space<vmem>>) target(%dma_start3A_180 : memref<10240x64xf32, #tpu.memory_space<vmem_shared>>) offsets(%dma_start3A_177 : memref<128xi32, #tpu.memory_space<vmem>>) semaphore(%arg15 : memref<!tpu.dma_semaphore, #tpu.memory_space<semaphore_mem>>) {add = true}
    %dma_start3A_181 = arith.constant 3 : i32
    %dma_start3A_182 = arith.constant 3 : i32
    %dma_start3A_183 = arith.constant 0 : i32
    %dma_start3A_184 = arith.constant 0 : i32
    %dma_start3A_185 = tpu.memref_slice %arg10[%dma_start3A_181, %dma_start3A_183, %dma_start3A_184] : memref<5x128x64xf32, #tpu.memory_space<vmem>> -> memref<1x128x64xf32, #tpu.memory_space<vmem>>
    %dma_start3A_186 = tpu.memref_squeeze %dma_start3A_185 : memref<1x128x64xf32, #tpu.memory_space<vmem>> -> memref<128x64xf32, #tpu.memory_space<vmem>>
    %dma_start3A_187 = arith.constant 0 : i32
    %dma_start3A_188 = tpu.memref_slice %arg9[%dma_start3A_182, %dma_start3A_187] : memref<5x128xi32, #tpu.memory_space<vmem>> -> memref<1x128xi32, #tpu.memory_space<vmem>>
    %dma_start3A_189 = tpu.memref_squeeze %dma_start3A_188 : memref<1x128xi32, #tpu.memory_space<vmem>> -> memref<128xi32, #tpu.memory_space<vmem>>
    %dma_start3A_190 = arith.constant 0 : i32
    %dma_start3A_191 = arith.constant 0 : i32
    %dma_start3A_192 = tpu.memref_slice %arg12[%dma_start3A_190, %dma_start3A_191] : memref<10240x64xf32, #tpu.memory_space<vmem_shared>> -> memref<10240x64xf32, #tpu.memory_space<vmem_shared>>
    tpu.enqueue_indirect_dma source(%dma_start3A_186 : memref<128x64xf32, #tpu.memory_space<vmem>>) target(%dma_start3A_192 : memref<10240x64xf32, #tpu.memory_space<vmem_shared>>) offsets(%dma_start3A_189 : memref<128xi32, #tpu.memory_space<vmem>>) semaphore(%arg15 : memref<!tpu.dma_semaphore, #tpu.memory_space<semaphore_mem>>) {add = true}
    %dma_start3A_193 = arith.constant 4 : i32
    %dma_start3A_194 = arith.constant 4 : i32
    %dma_start3A_195 = arith.constant 0 : i32
    %dma_start3A_196 = arith.constant 0 : i32
    %dma_start3A_197 = tpu.memref_slice %arg10[%dma_start3A_193, %dma_start3A_195, %dma_start3A_196] : memref<5x128x64xf32, #tpu.memory_space<vmem>> -> memref<1x128x64xf32, #tpu.memory_space<vmem>>
    %dma_start3A_198 = tpu.memref_squeeze %dma_start3A_197 : memref<1x128x64xf32, #tpu.memory_space<vmem>> -> memref<128x64xf32, #tpu.memory_space<vmem>>
    %dma_start3A_199 = arith.constant 0 : i32
    %dma_start3A_200 = tpu.memref_slice %arg9[%dma_start3A_194, %dma_start3A_199] : memref<5x128xi32, #tpu.memory_space<vmem>> -> memref<1x128xi32, #tpu.memory_space<vmem>>
    %dma_start3A_201 = tpu.memref_squeeze %dma_start3A_200 : memref<1x128xi32, #tpu.memory_space<vmem>> -> memref<128xi32, #tpu.memory_space<vmem>>
    %dma_start3A_202 = arith.constant 0 : i32
    %dma_start3A_203 = arith.constant 0 : i32
    %dma_start3A_204 = tpu.memref_slice %arg12[%dma_start3A_202, %dma_start3A_203] : memref<10240x64xf32, #tpu.memory_space<vmem_shared>> -> memref<10240x64xf32, #tpu.memory_space<vmem_shared>>
    tpu.enqueue_indirect_dma source(%dma_start3A_198 : memref<128x64xf32, #tpu.memory_space<vmem>>) target(%dma_start3A_204 : memref<10240x64xf32, #tpu.memory_space<vmem_shared>>) offsets(%dma_start3A_201 : memref<128xi32, #tpu.memory_space<vmem>>) semaphore(%arg15 : memref<!tpu.dma_semaphore, #tpu.memory_space<semaphore_mem>>) {add = true}
    %dma_start3A_205 = arith.constant 0 : i32
    %dma_start3A_206 = arith.constant 0 : i32
    %dma_start3A_207 = tpu.memref_slice %arg9[%dma_start3A_205, %dma_start3A_206] : memref<5x128xi32, #tpu.memory_space<vmem>> -> memref<1x128xi32, #tpu.memory_space<vmem>>
    %dma_start3A_208 = tpu.memref_squeeze %dma_start3A_207 : memref<1x128xi32, #tpu.memory_space<vmem>> -> memref<128xi32, #tpu.memory_space<vmem>>
    %dma_start3A_209 = arith.constant 0 : i32
    %dma_start3A_210 = arith.constant 0 : i32
    %dma_start3A_211 = tpu.memref_slice %arg13[%dma_start3A_209, %dma_start3A_210] : memref<10240x16xf32, #tpu.memory_space<vmem_shared>> -> memref<10240x16xf32, #tpu.memory_space<vmem_shared>>
    tpu.enqueue_indirect_dma source(%arg11 : memref<128x16xf32, #tpu.memory_space<vmem>>) target(%dma_start3A_211 : memref<10240x16xf32, #tpu.memory_space<vmem_shared>>) offsets(%dma_start3A_208 : memref<128xi32, #tpu.memory_space<vmem>>) semaphore(%arg15 : memref<!tpu.dma_semaphore, #tpu.memory_space<semaphore_mem>>) {add = true}
    %dma_start3A_212 = arith.constant 1 : i32
    %dma_start3A_213 = arith.constant 0 : i32
    %dma_start3A_214 = tpu.memref_slice %arg9[%dma_start3A_212, %dma_start3A_213] : memref<5x128xi32, #tpu.memory_space<vmem>> -> memref<1x128xi32, #tpu.memory_space<vmem>>
    %dma_start3A_215 = tpu.memref_squeeze %dma_start3A_214 : memref<1x128xi32, #tpu.memory_space<vmem>> -> memref<128xi32, #tpu.memory_space<vmem>>
    %dma_start3A_216 = arith.constant 0 : i32
    %dma_start3A_217 = arith.constant 0 : i32
    %dma_start3A_218 = tpu.memref_slice %arg13[%dma_start3A_216, %dma_start3A_217] : memref<10240x16xf32, #tpu.memory_space<vmem_shared>> -> memref<10240x16xf32, #tpu.memory_space<vmem_shared>>
    tpu.enqueue_indirect_dma source(%arg11 : memref<128x16xf32, #tpu.memory_space<vmem>>) target(%dma_start3A_218 : memref<10240x16xf32, #tpu.memory_space<vmem_shared>>) offsets(%dma_start3A_215 : memref<128xi32, #tpu.memory_space<vmem>>) semaphore(%arg15 : memref<!tpu.dma_semaphore, #tpu.memory_space<semaphore_mem>>) {add = true}
    %dma_start3A_219 = arith.constant 2 : i32
    %dma_start3A_220 = arith.constant 0 : i32
    %dma_start3A_221 = tpu.memref_slice %arg9[%dma_start3A_219, %dma_start3A_220] : memref<5x128xi32, #tpu.memory_space<vmem>> -> memref<1x128xi32, #tpu.memory_space<vmem>>
    %dma_start3A_222 = tpu.memref_squeeze %dma_start3A_221 : memref<1x128xi32, #tpu.memory_space<vmem>> -> memref<128xi32, #tpu.memory_space<vmem>>
    %dma_start3A_223 = arith.constant 0 : i32
    %dma_start3A_224 = arith.constant 0 : i32
    %dma_start3A_225 = tpu.memref_slice %arg13[%dma_start3A_223, %dma_start3A_224] : memref<10240x16xf32, #tpu.memory_space<vmem_shared>> -> memref<10240x16xf32, #tpu.memory_space<vmem_shared>>
    tpu.enqueue_indirect_dma source(%arg11 : memref<128x16xf32, #tpu.memory_space<vmem>>) target(%dma_start3A_225 : memref<10240x16xf32, #tpu.memory_space<vmem_shared>>) offsets(%dma_start3A_222 : memref<128xi32, #tpu.memory_space<vmem>>) semaphore(%arg15 : memref<!tpu.dma_semaphore, #tpu.memory_space<semaphore_mem>>) {add = true}
    %dma_start3A_226 = arith.constant 3 : i32
    %dma_start3A_227 = arith.constant 0 : i32
    %dma_start3A_228 = tpu.memref_slice %arg9[%dma_start3A_226, %dma_start3A_227] : memref<5x128xi32, #tpu.memory_space<vmem>> -> memref<1x128xi32, #tpu.memory_space<vmem>>
    %dma_start3A_229 = tpu.memref_squeeze %dma_start3A_228 : memref<1x128xi32, #tpu.memory_space<vmem>> -> memref<128xi32, #tpu.memory_space<vmem>>
    %dma_start3A_230 = arith.constant 0 : i32
    %dma_start3A_231 = arith.constant 0 : i32
    %dma_start3A_232 = tpu.memref_slice %arg13[%dma_start3A_230, %dma_start3A_231] : memref<10240x16xf32, #tpu.memory_space<vmem_shared>> -> memref<10240x16xf32, #tpu.memory_space<vmem_shared>>
    tpu.enqueue_indirect_dma source(%arg11 : memref<128x16xf32, #tpu.memory_space<vmem>>) target(%dma_start3A_232 : memref<10240x16xf32, #tpu.memory_space<vmem_shared>>) offsets(%dma_start3A_229 : memref<128xi32, #tpu.memory_space<vmem>>) semaphore(%arg15 : memref<!tpu.dma_semaphore, #tpu.memory_space<semaphore_mem>>) {add = true}
    %dma_start3A_233 = arith.constant 4 : i32
    %dma_start3A_234 = arith.constant 0 : i32
    %dma_start3A_235 = tpu.memref_slice %arg9[%dma_start3A_233, %dma_start3A_234] : memref<5x128xi32, #tpu.memory_space<vmem>> -> memref<1x128xi32, #tpu.memory_space<vmem>>
    %dma_start3A_236 = tpu.memref_squeeze %dma_start3A_235 : memref<1x128xi32, #tpu.memory_space<vmem>> -> memref<128xi32, #tpu.memory_space<vmem>>
    %dma_start3A_237 = arith.constant 0 : i32
    %dma_start3A_238 = arith.constant 0 : i32
    %dma_start3A_239 = tpu.memref_slice %arg13[%dma_start3A_237, %dma_start3A_238] : memref<10240x16xf32, #tpu.memory_space<vmem_shared>> -> memref<10240x16xf32, #tpu.memory_space<vmem_shared>>
    tpu.enqueue_indirect_dma source(%arg11 : memref<128x16xf32, #tpu.memory_space<vmem>>) target(%dma_start3A_239 : memref<10240x16xf32, #tpu.memory_space<vmem_shared>>) offsets(%dma_start3A_236 : memref<128xi32, #tpu.memory_space<vmem>>) semaphore(%arg15 : memref<!tpu.dma_semaphore, #tpu.memory_space<semaphore_mem>>) {add = true}
    %dma_wait3A_240 = arith.constant 0 : i32
    %dma_wait3A_241 = arith.constant 0 : i32
    %dma_wait3A_242 = arith.constant 0 : i32
    %dma_wait3A_243 = arith.constant 0 : i32
    %dma_wait3A_244 = tpu.memref_slice %arg10[%dma_wait3A_240, %dma_wait3A_242, %dma_wait3A_243] : memref<5x128x64xf32, #tpu.memory_space<vmem>> -> memref<1x128x64xf32, #tpu.memory_space<vmem>>
    %dma_wait3A_245 = tpu.memref_squeeze %dma_wait3A_244 : memref<1x128x64xf32, #tpu.memory_space<vmem>> -> memref<128x64xf32, #tpu.memory_space<vmem>>
    %dma_wait3A_246 = arith.constant 0 : i32
    %dma_wait3A_247 = tpu.memref_slice %arg9[%dma_wait3A_241, %dma_wait3A_246] : memref<5x128xi32, #tpu.memory_space<vmem>> -> memref<1x128xi32, #tpu.memory_space<vmem>>
    %dma_wait3A_248 = tpu.memref_squeeze %dma_wait3A_247 : memref<1x128xi32, #tpu.memory_space<vmem>> -> memref<128xi32, #tpu.memory_space<vmem>>
    %dma_wait3A_249 = arith.constant 0 : i32
    %dma_wait3A_250 = arith.constant 0 : i32
    %dma_wait3A_251 = tpu.memref_slice %arg12[%dma_wait3A_249, %dma_wait3A_250] : memref<10240x64xf32, #tpu.memory_space<vmem_shared>> -> memref<10240x64xf32, #tpu.memory_space<vmem_shared>>
    tpu.wait_indirect_dma semaphore(%arg15 : memref<!tpu.dma_semaphore, #tpu.memory_space<semaphore_mem>>) src(%dma_wait3A_245 : memref<128x64xf32, #tpu.memory_space<vmem>>) dst(%dma_wait3A_251 : memref<10240x64xf32, #tpu.memory_space<vmem_shared>>)
    %dma_wait3A_252 = arith.constant 1 : i32
    %dma_wait3A_253 = arith.constant 1 : i32
    %dma_wait3A_254 = arith.constant 0 : i32
    %dma_wait3A_255 = arith.constant 0 : i32
    %dma_wait3A_256 = tpu.memref_slice %arg10[%dma_wait3A_252, %dma_wait3A_254, %dma_wait3A_255] : memref<5x128x64xf32, #tpu.memory_space<vmem>> -> memref<1x128x64xf32, #tpu.memory_space<vmem>>
    %dma_wait3A_257 = tpu.memref_squeeze %dma_wait3A_256 : memref<1x128x64xf32, #tpu.memory_space<vmem>> -> memref<128x64xf32, #tpu.memory_space<vmem>>
    %dma_wait3A_258 = arith.constant 0 : i32
    %dma_wait3A_259 = tpu.memref_slice %arg9[%dma_wait3A_253, %dma_wait3A_258] : memref<5x128xi32, #tpu.memory_space<vmem>> -> memref<1x128xi32, #tpu.memory_space<vmem>>
    %dma_wait3A_260 = tpu.memref_squeeze %dma_wait3A_259 : memref<1x128xi32, #tpu.memory_space<vmem>> -> memref<128xi32, #tpu.memory_space<vmem>>
    %dma_wait3A_261 = arith.constant 0 : i32
    %dma_wait3A_262 = arith.constant 0 : i32
    %dma_wait3A_263 = tpu.memref_slice %arg12[%dma_wait3A_261, %dma_wait3A_262] : memref<10240x64xf32, #tpu.memory_space<vmem_shared>> -> memref<10240x64xf32, #tpu.memory_space<vmem_shared>>
    tpu.wait_indirect_dma semaphore(%arg15 : memref<!tpu.dma_semaphore, #tpu.memory_space<semaphore_mem>>) src(%dma_wait3A_257 : memref<128x64xf32, #tpu.memory_space<vmem>>) dst(%dma_wait3A_263 : memref<10240x64xf32, #tpu.memory_space<vmem_shared>>)
    %dma_wait3A_264 = arith.constant 2 : i32
    %dma_wait3A_265 = arith.constant 2 : i32
    %dma_wait3A_266 = arith.constant 0 : i32
    %dma_wait3A_267 = arith.constant 0 : i32
    %dma_wait3A_268 = tpu.memref_slice %arg10[%dma_wait3A_264, %dma_wait3A_266, %dma_wait3A_267] : memref<5x128x64xf32, #tpu.memory_space<vmem>> -> memref<1x128x64xf32, #tpu.memory_space<vmem>>
    %dma_wait3A_269 = tpu.memref_squeeze %dma_wait3A_268 : memref<1x128x64xf32, #tpu.memory_space<vmem>> -> memref<128x64xf32, #tpu.memory_space<vmem>>
    %dma_wait3A_270 = arith.constant 0 : i32
    %dma_wait3A_271 = tpu.memref_slice %arg9[%dma_wait3A_265, %dma_wait3A_270] : memref<5x128xi32, #tpu.memory_space<vmem>> -> memref<1x128xi32, #tpu.memory_space<vmem>>
    %dma_wait3A_272 = tpu.memref_squeeze %dma_wait3A_271 : memref<1x128xi32, #tpu.memory_space<vmem>> -> memref<128xi32, #tpu.memory_space<vmem>>
    %dma_wait3A_273 = arith.constant 0 : i32
    %dma_wait3A_274 = arith.constant 0 : i32
    %dma_wait3A_275 = tpu.memref_slice %arg12[%dma_wait3A_273, %dma_wait3A_274] : memref<10240x64xf32, #tpu.memory_space<vmem_shared>> -> memref<10240x64xf32, #tpu.memory_space<vmem_shared>>
    tpu.wait_indirect_dma semaphore(%arg15 : memref<!tpu.dma_semaphore, #tpu.memory_space<semaphore_mem>>) src(%dma_wait3A_269 : memref<128x64xf32, #tpu.memory_space<vmem>>) dst(%dma_wait3A_275 : memref<10240x64xf32, #tpu.memory_space<vmem_shared>>)
    %dma_wait3A_276 = arith.constant 3 : i32
    %dma_wait3A_277 = arith.constant 3 : i32
    %dma_wait3A_278 = arith.constant 0 : i32
    %dma_wait3A_279 = arith.constant 0 : i32
    %dma_wait3A_280 = tpu.memref_slice %arg10[%dma_wait3A_276, %dma_wait3A_278, %dma_wait3A_279] : memref<5x128x64xf32, #tpu.memory_space<vmem>> -> memref<1x128x64xf32, #tpu.memory_space<vmem>>
    %dma_wait3A_281 = tpu.memref_squeeze %dma_wait3A_280 : memref<1x128x64xf32, #tpu.memory_space<vmem>> -> memref<128x64xf32, #tpu.memory_space<vmem>>
    %dma_wait3A_282 = arith.constant 0 : i32
    %dma_wait3A_283 = tpu.memref_slice %arg9[%dma_wait3A_277, %dma_wait3A_282] : memref<5x128xi32, #tpu.memory_space<vmem>> -> memref<1x128xi32, #tpu.memory_space<vmem>>
    %dma_wait3A_284 = tpu.memref_squeeze %dma_wait3A_283 : memref<1x128xi32, #tpu.memory_space<vmem>> -> memref<128xi32, #tpu.memory_space<vmem>>
    %dma_wait3A_285 = arith.constant 0 : i32
    %dma_wait3A_286 = arith.constant 0 : i32
    %dma_wait3A_287 = tpu.memref_slice %arg12[%dma_wait3A_285, %dma_wait3A_286] : memref<10240x64xf32, #tpu.memory_space<vmem_shared>> -> memref<10240x64xf32, #tpu.memory_space<vmem_shared>>
    tpu.wait_indirect_dma semaphore(%arg15 : memref<!tpu.dma_semaphore, #tpu.memory_space<semaphore_mem>>) src(%dma_wait3A_281 : memref<128x64xf32, #tpu.memory_space<vmem>>) dst(%dma_wait3A_287 : memref<10240x64xf32, #tpu.memory_space<vmem_shared>>)
    %dma_wait3A_288 = arith.constant 4 : i32
    %dma_wait3A_289 = arith.constant 4 : i32
    %dma_wait3A_290 = arith.constant 0 : i32
    %dma_wait3A_291 = arith.constant 0 : i32
    %dma_wait3A_292 = tpu.memref_slice %arg10[%dma_wait3A_288, %dma_wait3A_290, %dma_wait3A_291] : memref<5x128x64xf32, #tpu.memory_space<vmem>> -> memref<1x128x64xf32, #tpu.memory_space<vmem>>
    %dma_wait3A_293 = tpu.memref_squeeze %dma_wait3A_292 : memref<1x128x64xf32, #tpu.memory_space<vmem>> -> memref<128x64xf32, #tpu.memory_space<vmem>>
    %dma_wait3A_294 = arith.constant 0 : i32
    %dma_wait3A_295 = tpu.memref_slice %arg9[%dma_wait3A_289, %dma_wait3A_294] : memref<5x128xi32, #tpu.memory_space<vmem>> -> memref<1x128xi32, #tpu.memory_space<vmem>>
    %dma_wait3A_296 = tpu.memref_squeeze %dma_wait3A_295 : memref<1x128xi32, #tpu.memory_space<vmem>> -> memref<128xi32, #tpu.memory_space<vmem>>
    %dma_wait3A_297 = arith.constant 0 : i32
    %dma_wait3A_298 = arith.constant 0 : i32
    %dma_wait3A_299 = tpu.memref_slice %arg12[%dma_wait3A_297, %dma_wait3A_298] : memref<10240x64xf32, #tpu.memory_space<vmem_shared>> -> memref<10240x64xf32, #tpu.memory_space<vmem_shared>>
    tpu.wait_indirect_dma semaphore(%arg15 : memref<!tpu.dma_semaphore, #tpu.memory_space<semaphore_mem>>) src(%dma_wait3A_293 : memref<128x64xf32, #tpu.memory_space<vmem>>) dst(%dma_wait3A_299 : memref<10240x64xf32, #tpu.memory_space<vmem_shared>>)
    %dma_wait3A_300 = arith.constant 0 : i32
    %dma_wait3A_301 = arith.constant 0 : i32
    %dma_wait3A_302 = tpu.memref_slice %arg9[%dma_wait3A_300, %dma_wait3A_301] : memref<5x128xi32, #tpu.memory_space<vmem>> -> memref<1x128xi32, #tpu.memory_space<vmem>>
    %dma_wait3A_303 = tpu.memref_squeeze %dma_wait3A_302 : memref<1x128xi32, #tpu.memory_space<vmem>> -> memref<128xi32, #tpu.memory_space<vmem>>
    %dma_wait3A_304 = arith.constant 0 : i32
    %dma_wait3A_305 = arith.constant 0 : i32
    %dma_wait3A_306 = tpu.memref_slice %arg13[%dma_wait3A_304, %dma_wait3A_305] : memref<10240x16xf32, #tpu.memory_space<vmem_shared>> -> memref<10240x16xf32, #tpu.memory_space<vmem_shared>>
    tpu.wait_indirect_dma semaphore(%arg15 : memref<!tpu.dma_semaphore, #tpu.memory_space<semaphore_mem>>) src(%arg11 : memref<128x16xf32, #tpu.memory_space<vmem>>) dst(%dma_wait3A_306 : memref<10240x16xf32, #tpu.memory_space<vmem_shared>>)
    %dma_wait3A_307 = arith.constant 1 : i32
    %dma_wait3A_308 = arith.constant 0 : i32
    %dma_wait3A_309 = tpu.memref_slice %arg9[%dma_wait3A_307, %dma_wait3A_308] : memref<5x128xi32, #tpu.memory_space<vmem>> -> memref<1x128xi32, #tpu.memory_space<vmem>>
    %dma_wait3A_310 = tpu.memref_squeeze %dma_wait3A_309 : memref<1x128xi32, #tpu.memory_space<vmem>> -> memref<128xi32, #tpu.memory_space<vmem>>
    %dma_wait3A_311 = arith.constant 0 : i32
    %dma_wait3A_312 = arith.constant 0 : i32
    %dma_wait3A_313 = tpu.memref_slice %arg13[%dma_wait3A_311, %dma_wait3A_312] : memref<10240x16xf32, #tpu.memory_space<vmem_shared>> -> memref<10240x16xf32, #tpu.memory_space<vmem_shared>>
    tpu.wait_indirect_dma semaphore(%arg15 : memref<!tpu.dma_semaphore, #tpu.memory_space<semaphore_mem>>) src(%arg11 : memref<128x16xf32, #tpu.memory_space<vmem>>) dst(%dma_wait3A_313 : memref<10240x16xf32, #tpu.memory_space<vmem_shared>>)
    %dma_wait3A_314 = arith.constant 2 : i32
    %dma_wait3A_315 = arith.constant 0 : i32
    %dma_wait3A_316 = tpu.memref_slice %arg9[%dma_wait3A_314, %dma_wait3A_315] : memref<5x128xi32, #tpu.memory_space<vmem>> -> memref<1x128xi32, #tpu.memory_space<vmem>>
    %dma_wait3A_317 = tpu.memref_squeeze %dma_wait3A_316 : memref<1x128xi32, #tpu.memory_space<vmem>> -> memref<128xi32, #tpu.memory_space<vmem>>
    %dma_wait3A_318 = arith.constant 0 : i32
    %dma_wait3A_319 = arith.constant 0 : i32
    %dma_wait3A_320 = tpu.memref_slice %arg13[%dma_wait3A_318, %dma_wait3A_319] : memref<10240x16xf32, #tpu.memory_space<vmem_shared>> -> memref<10240x16xf32, #tpu.memory_space<vmem_shared>>
    tpu.wait_indirect_dma semaphore(%arg15 : memref<!tpu.dma_semaphore, #tpu.memory_space<semaphore_mem>>) src(%arg11 : memref<128x16xf32, #tpu.memory_space<vmem>>) dst(%dma_wait3A_320 : memref<10240x16xf32, #tpu.memory_space<vmem_shared>>)
    %dma_wait3A_321 = arith.constant 3 : i32
    %dma_wait3A_322 = arith.constant 0 : i32
    %dma_wait3A_323 = tpu.memref_slice %arg9[%dma_wait3A_321, %dma_wait3A_322] : memref<5x128xi32, #tpu.memory_space<vmem>> -> memref<1x128xi32, #tpu.memory_space<vmem>>
    %dma_wait3A_324 = tpu.memref_squeeze %dma_wait3A_323 : memref<1x128xi32, #tpu.memory_space<vmem>> -> memref<128xi32, #tpu.memory_space<vmem>>
    %dma_wait3A_325 = arith.constant 0 : i32
    %dma_wait3A_326 = arith.constant 0 : i32
    %dma_wait3A_327 = tpu.memref_slice %arg13[%dma_wait3A_325, %dma_wait3A_326] : memref<10240x16xf32, #tpu.memory_space<vmem_shared>> -> memref<10240x16xf32, #tpu.memory_space<vmem_shared>>
    tpu.wait_indirect_dma semaphore(%arg15 : memref<!tpu.dma_semaphore, #tpu.memory_space<semaphore_mem>>) src(%arg11 : memref<128x16xf32, #tpu.memory_space<vmem>>) dst(%dma_wait3A_327 : memref<10240x16xf32, #tpu.memory_space<vmem_shared>>)
    %dma_wait3A_328 = arith.constant 4 : i32
    %dma_wait3A_329 = arith.constant 0 : i32
    %dma_wait3A_330 = tpu.memref_slice %arg9[%dma_wait3A_328, %dma_wait3A_329] : memref<5x128xi32, #tpu.memory_space<vmem>> -> memref<1x128xi32, #tpu.memory_space<vmem>>
    %dma_wait3A_331 = tpu.memref_squeeze %dma_wait3A_330 : memref<1x128xi32, #tpu.memory_space<vmem>> -> memref<128xi32, #tpu.memory_space<vmem>>
    %dma_wait3A_332 = arith.constant 0 : i32
    %dma_wait3A_333 = arith.constant 0 : i32
    %dma_wait3A_334 = tpu.memref_slice %arg13[%dma_wait3A_332, %dma_wait3A_333] : memref<10240x16xf32, #tpu.memory_space<vmem_shared>> -> memref<10240x16xf32, #tpu.memory_space<vmem_shared>>
    tpu.wait_indirect_dma semaphore(%arg15 : memref<!tpu.dma_semaphore, #tpu.memory_space<semaphore_mem>>) src(%arg11 : memref<128x16xf32, #tpu.memory_space<vmem>>) dst(%dma_wait3A_334 : memref<10240x16xf32, #tpu.memory_space<vmem_shared>>)
    %barrier3A_335 = arith.constant 0 : index
    tpu.barrier barrier_id(%barrier3A_335)
    "tpu.region"() ({
      %run_scoped3A = tpu.sem_alloc : memref<!tpu.dma_semaphore, #tpu.memory_space<semaphore_mem>>
      %dma_start3A_336 = arith.constant 0 : i32
      %dma_start3A_337 = tpu.memref_slice %arg7[%arg0, %mul3A_2, %dma_start3A_336] : memref<2x10240x64xf32, #tpu.memory_space<hbm>> -> memref<1x640x64xf32, #tpu.memory_space<hbm>>
      %dma_start3A_338 = tpu.memref_squeeze %dma_start3A_337 : memref<1x640x64xf32, #tpu.memory_space<hbm>> -> memref<640x64xf32, #tpu.memory_space<hbm>>
      %dma_start3A_339 = arith.constant 0 : i32
      %dma_start3A_340 = tpu.memref_slice %arg12[%mul3A_2, %dma_start3A_339] : memref<10240x64xf32, #tpu.memory_space<vmem_shared>> -> memref<640x64xf32, #tpu.memory_space<vmem_shared>>
      tpu.enqueue_dma source(%dma_start3A_340 : memref<640x64xf32, #tpu.memory_space<vmem_shared>>) target(%dma_start3A_338 : memref<640x64xf32, #tpu.memory_space<hbm>>) target_semaphore(%run_scoped3A : memref<!tpu.dma_semaphore, #tpu.memory_space<semaphore_mem>>)
      %dma_wait3A_341 = arith.constant 0 : i32
      %dma_wait3A_342 = tpu.memref_slice %arg7[%arg0, %mul3A_2, %dma_wait3A_341] : memref<2x10240x64xf32, #tpu.memory_space<hbm>> -> memref<1x640x64xf32, #tpu.memory_space<hbm>>
      %dma_wait3A_343 = tpu.memref_squeeze %dma_wait3A_342 : memref<1x640x64xf32, #tpu.memory_space<hbm>> -> memref<640x64xf32, #tpu.memory_space<hbm>>
      %dma_wait3A_344 = arith.constant 0 : i32
      %dma_wait3A_345 = tpu.memref_slice %arg12[%mul3A_2, %dma_wait3A_344] : memref<10240x64xf32, #tpu.memory_space<vmem_shared>> -> memref<640x64xf32, #tpu.memory_space<vmem_shared>>
      tpu.wait_dma2 semaphore(%run_scoped3A : memref<!tpu.dma_semaphore, #tpu.memory_space<semaphore_mem>>) src(%dma_wait3A_345 : memref<640x64xf32, #tpu.memory_space<vmem_shared>>) dst(%dma_wait3A_343 : memref<640x64xf32, #tpu.memory_space<hbm>>)
      tpu.yield
    }) : () -> ()
    "tpu.region"() ({
      %run_scoped3A = tpu.sem_alloc : memref<!tpu.dma_semaphore, #tpu.memory_space<semaphore_mem>>
      %dma_start3A_336 = arith.constant 0 : i32
      %dma_start3A_337 = tpu.memref_slice %arg8[%arg0, %mul3A_2, %dma_start3A_336] : memref<2x10240x16xf32, #tpu.memory_space<hbm>> -> memref<1x640x16xf32, #tpu.memory_space<hbm>>
      %dma_start3A_338 = tpu.memref_squeeze %dma_start3A_337 : memref<1x640x16xf32, #tpu.memory_space<hbm>> -> memref<640x16xf32, #tpu.memory_space<hbm>>
      %dma_start3A_339 = arith.constant 0 : i32
      %dma_start3A_340 = tpu.memref_slice %arg13[%mul3A_2, %dma_start3A_339] : memref<10240x16xf32, #tpu.memory_space<vmem_shared>> -> memref<640x16xf32, #tpu.memory_space<vmem_shared>>
      tpu.enqueue_dma source(%dma_start3A_340 : memref<640x16xf32, #tpu.memory_space<vmem_shared>>) target(%dma_start3A_338 : memref<640x16xf32, #tpu.memory_space<hbm>>) target_semaphore(%run_scoped3A : memref<!tpu.dma_semaphore, #tpu.memory_space<semaphore_mem>>)
      %dma_wait3A_341 = arith.constant 0 : i32
      %dma_wait3A_342 = tpu.memref_slice %arg8[%arg0, %mul3A_2, %dma_wait3A_341] : memref<2x10240x16xf32, #tpu.memory_space<hbm>> -> memref<1x640x16xf32, #tpu.memory_space<hbm>>
      %dma_wait3A_343 = tpu.memref_squeeze %dma_wait3A_342 : memref<1x640x16xf32, #tpu.memory_space<hbm>> -> memref<640x16xf32, #tpu.memory_space<hbm>>
      %dma_wait3A_344 = arith.constant 0 : i32
      %dma_wait3A_345 = tpu.memref_slice %arg13[%mul3A_2, %dma_wait3A_344] : memref<10240x16xf32, #tpu.memory_space<vmem_shared>> -> memref<640x16xf32, #tpu.memory_space<vmem_shared>>
      tpu.wait_dma2 semaphore(%run_scoped3A : memref<!tpu.dma_semaphore, #tpu.memory_space<semaphore_mem>>) src(%dma_wait3A_345 : memref<640x16xf32, #tpu.memory_space<vmem_shared>>) dst(%dma_wait3A_343 : memref<640x16xf32, #tpu.memory_space<hbm>>)
      tpu.yield
    }) : () -> ()
    return
  }
}

#map = affine_map<(d0, d1) -> (0, 0)>
#map1 = affine_map<(d0, d1) -> (0, 0, 0)>
module attributes {stable_mosaic.version = 14 : i64} {
  func.func @_sc_gather_body(%arg0: i32, %arg1: i32, %arg2: memref<10240x64xf32, #tpu.memory_space<hbm>>, %arg3: memref<32x5x128xi32, #tpu.memory_space<hbm>>, %arg4: memref<20480x64xf32, #tpu.memory_space<hbm>>, %arg5: memref<5x128xi32, #tpu.memory_space<vmem>>, %arg6: memref<5x128x64xf32, #tpu.memory_space<vmem>>, %arg7: memref<!tpu.dma_semaphore, #tpu.memory_space<semaphore_mem>>, %arg8: memref<!tpu.dma_semaphore, #tpu.memory_space<semaphore_mem>>) attributes {dimension_semantics = [#tpu.dimension_semantics<core_parallel>, #tpu.dimension_semantics<subcore_parallel>], iteration_bounds = array<i64: 2, 16>, scalar_prefetch = 0 : i64, scratch_operands = 4 : i64, tpu.core_type = #tpu.core_type<sc_vector_subcore>, window_params = [{transform_indices = #map}, {transform_indices = #map1}, {transform_indices = #map}]} {
    %mul3A = arith.constant 16 : i32
    %mul3A_0 = arith.muli %arg0, %mul3A : i32
    %add3A = arith.addi %mul3A_0, %arg1 : i32
    "tpu.region"() ({
      %run_scoped3A = tpu.sem_alloc : memref<!tpu.dma_semaphore, #tpu.memory_space<semaphore_mem>>
      %dma_start3A_263 = arith.constant 0 : i32
      %dma_start3A_264 = arith.constant 0 : i32
      %dma_start3A_265 = tpu.memref_slice %arg3[%add3A, %dma_start3A_263, %dma_start3A_264] : memref<32x5x128xi32, #tpu.memory_space<hbm>> -> memref<1x5x128xi32, #tpu.memory_space<hbm>>
      %dma_start3A_266 = tpu.memref_squeeze %dma_start3A_265 : memref<1x5x128xi32, #tpu.memory_space<hbm>> -> memref<5x128xi32, #tpu.memory_space<hbm>>
      %dma_start3A_267 = arith.constant 0 : i32
      %dma_start3A_268 = arith.constant 0 : i32
      %dma_start3A_269 = tpu.memref_slice %arg3[%add3A, %dma_start3A_267, %dma_start3A_268] : memref<32x5x128xi32, #tpu.memory_space<hbm>> -> memref<1x5x128xi32, #tpu.memory_space<hbm>>
      %dma_start3A_270 = tpu.memref_squeeze %dma_start3A_269 : memref<1x5x128xi32, #tpu.memory_space<hbm>> -> memref<5x128xi32, #tpu.memory_space<hbm>>
      tpu.enqueue_dma source(%dma_start3A_270 : memref<5x128xi32, #tpu.memory_space<hbm>>) target(%arg5 : memref<5x128xi32, #tpu.memory_space<vmem>>) target_semaphore(%run_scoped3A : memref<!tpu.dma_semaphore, #tpu.memory_space<semaphore_mem>>)
      %dma_wait3A_271 = arith.constant 0 : i32
      %dma_wait3A_272 = arith.constant 0 : i32
      %dma_wait3A_273 = tpu.memref_slice %arg3[%add3A, %dma_wait3A_271, %dma_wait3A_272] : memref<32x5x128xi32, #tpu.memory_space<hbm>> -> memref<1x5x128xi32, #tpu.memory_space<hbm>>
      %dma_wait3A_274 = tpu.memref_squeeze %dma_wait3A_273 : memref<1x5x128xi32, #tpu.memory_space<hbm>> -> memref<5x128xi32, #tpu.memory_space<hbm>>
      %dma_wait3A_275 = arith.constant 0 : i32
      %dma_wait3A_276 = arith.constant 0 : i32
      %dma_wait3A_277 = tpu.memref_slice %arg3[%add3A, %dma_wait3A_275, %dma_wait3A_276] : memref<32x5x128xi32, #tpu.memory_space<hbm>> -> memref<1x5x128xi32, #tpu.memory_space<hbm>>
      %dma_wait3A_278 = tpu.memref_squeeze %dma_wait3A_277 : memref<1x5x128xi32, #tpu.memory_space<hbm>> -> memref<5x128xi32, #tpu.memory_space<hbm>>
      tpu.wait_dma2 semaphore(%run_scoped3A : memref<!tpu.dma_semaphore, #tpu.memory_space<semaphore_mem>>) src(%dma_wait3A_278 : memref<5x128xi32, #tpu.memory_space<hbm>>) dst(%arg5 : memref<5x128xi32, #tpu.memory_space<vmem>>)
      tpu.yield
    }) : () -> ()
    %mul3A_1 = arith.constant 5 : i32
    %mul3A_2 = arith.muli %add3A, %mul3A_1 : i32
    %mul3A_3 = arith.constant 128 : i32
    %mul3A_4 = arith.muli %mul3A_2, %mul3A_3 : i32
    %dma_start3A = arith.constant 0 : i32
    %dma_start3A_5 = arith.constant 0 : i32
    %dma_start3A_6 = arith.constant 0 : i32
    %dma_start3A_7 = arith.constant 0 : i32
    %dma_start3A_8 = tpu.memref_slice %arg6[%dma_start3A_5, %dma_start3A_6, %dma_start3A_7] : memref<5x128x64xf32, #tpu.memory_space<vmem>> -> memref<1x128x64xf32, #tpu.memory_space<vmem>>
    %dma_start3A_9 = tpu.memref_squeeze %dma_start3A_8 : memref<1x128x64xf32, #tpu.memory_space<vmem>> -> memref<128x64xf32, #tpu.memory_space<vmem>>
    %dma_start3A_10 = arith.constant 0 : i32
    %dma_start3A_11 = tpu.memref_slice %arg5[%dma_start3A, %dma_start3A_10] : memref<5x128xi32, #tpu.memory_space<vmem>> -> memref<1x128xi32, #tpu.memory_space<vmem>>
    %dma_start3A_12 = tpu.memref_squeeze %dma_start3A_11 : memref<1x128xi32, #tpu.memory_space<vmem>> -> memref<128xi32, #tpu.memory_space<vmem>>
    %dma_start3A_13 = arith.constant 0 : i32
    %dma_start3A_14 = arith.constant 0 : i32
    %dma_start3A_15 = tpu.memref_slice %arg2[%dma_start3A_13, %dma_start3A_14] : memref<10240x64xf32, #tpu.memory_space<hbm>> -> memref<10240x64xf32, #tpu.memory_space<hbm>>
    tpu.enqueue_indirect_dma source(%dma_start3A_15 : memref<10240x64xf32, #tpu.memory_space<hbm>>) target(%dma_start3A_9 : memref<128x64xf32, #tpu.memory_space<vmem>>) offsets(%dma_start3A_12 : memref<128xi32, #tpu.memory_space<vmem>>) semaphore(%arg7 : memref<!tpu.dma_semaphore, #tpu.memory_space<semaphore_mem>>)
    %dma_start3A_16 = arith.constant 1 : i32
    %dma_start3A_17 = arith.constant 1 : i32
    %dma_start3A_18 = arith.constant 0 : i32
    %dma_start3A_19 = arith.constant 0 : i32
    %dma_start3A_20 = tpu.memref_slice %arg6[%dma_start3A_17, %dma_start3A_18, %dma_start3A_19] : memref<5x128x64xf32, #tpu.memory_space<vmem>> -> memref<1x128x64xf32, #tpu.memory_space<vmem>>
    %dma_start3A_21 = tpu.memref_squeeze %dma_start3A_20 : memref<1x128x64xf32, #tpu.memory_space<vmem>> -> memref<128x64xf32, #tpu.memory_space<vmem>>
    %dma_start3A_22 = arith.constant 0 : i32
    %dma_start3A_23 = tpu.memref_slice %arg5[%dma_start3A_16, %dma_start3A_22] : memref<5x128xi32, #tpu.memory_space<vmem>> -> memref<1x128xi32, #tpu.memory_space<vmem>>
    %dma_start3A_24 = tpu.memref_squeeze %dma_start3A_23 : memref<1x128xi32, #tpu.memory_space<vmem>> -> memref<128xi32, #tpu.memory_space<vmem>>
    %dma_start3A_25 = arith.constant 0 : i32
    %dma_start3A_26 = arith.constant 0 : i32
    %dma_start3A_27 = tpu.memref_slice %arg2[%dma_start3A_25, %dma_start3A_26] : memref<10240x64xf32, #tpu.memory_space<hbm>> -> memref<10240x64xf32, #tpu.memory_space<hbm>>
    tpu.enqueue_indirect_dma source(%dma_start3A_27 : memref<10240x64xf32, #tpu.memory_space<hbm>>) target(%dma_start3A_21 : memref<128x64xf32, #tpu.memory_space<vmem>>) offsets(%dma_start3A_24 : memref<128xi32, #tpu.memory_space<vmem>>) semaphore(%arg7 : memref<!tpu.dma_semaphore, #tpu.memory_space<semaphore_mem>>)
    %dma_start3A_28 = arith.constant 2 : i32
    %dma_start3A_29 = arith.constant 2 : i32
    %dma_start3A_30 = arith.constant 0 : i32
    %dma_start3A_31 = arith.constant 0 : i32
    %dma_start3A_32 = tpu.memref_slice %arg6[%dma_start3A_29, %dma_start3A_30, %dma_start3A_31] : memref<5x128x64xf32, #tpu.memory_space<vmem>> -> memref<1x128x64xf32, #tpu.memory_space<vmem>>
    %dma_start3A_33 = tpu.memref_squeeze %dma_start3A_32 : memref<1x128x64xf32, #tpu.memory_space<vmem>> -> memref<128x64xf32, #tpu.memory_space<vmem>>
    %dma_start3A_34 = arith.constant 0 : i32
    %dma_start3A_35 = tpu.memref_slice %arg5[%dma_start3A_28, %dma_start3A_34] : memref<5x128xi32, #tpu.memory_space<vmem>> -> memref<1x128xi32, #tpu.memory_space<vmem>>
    %dma_start3A_36 = tpu.memref_squeeze %dma_start3A_35 : memref<1x128xi32, #tpu.memory_space<vmem>> -> memref<128xi32, #tpu.memory_space<vmem>>
    %dma_start3A_37 = arith.constant 0 : i32
    %dma_start3A_38 = arith.constant 0 : i32
    %dma_start3A_39 = tpu.memref_slice %arg2[%dma_start3A_37, %dma_start3A_38] : memref<10240x64xf32, #tpu.memory_space<hbm>> -> memref<10240x64xf32, #tpu.memory_space<hbm>>
    tpu.enqueue_indirect_dma source(%dma_start3A_39 : memref<10240x64xf32, #tpu.memory_space<hbm>>) target(%dma_start3A_33 : memref<128x64xf32, #tpu.memory_space<vmem>>) offsets(%dma_start3A_36 : memref<128xi32, #tpu.memory_space<vmem>>) semaphore(%arg7 : memref<!tpu.dma_semaphore, #tpu.memory_space<semaphore_mem>>)
    %dma_start3A_40 = arith.constant 3 : i32
    %dma_start3A_41 = arith.constant 3 : i32
    %dma_start3A_42 = arith.constant 0 : i32
    %dma_start3A_43 = arith.constant 0 : i32
    %dma_start3A_44 = tpu.memref_slice %arg6[%dma_start3A_41, %dma_start3A_42, %dma_start3A_43] : memref<5x128x64xf32, #tpu.memory_space<vmem>> -> memref<1x128x64xf32, #tpu.memory_space<vmem>>
    %dma_start3A_45 = tpu.memref_squeeze %dma_start3A_44 : memref<1x128x64xf32, #tpu.memory_space<vmem>> -> memref<128x64xf32, #tpu.memory_space<vmem>>
    %dma_start3A_46 = arith.constant 0 : i32
    %dma_start3A_47 = tpu.memref_slice %arg5[%dma_start3A_40, %dma_start3A_46] : memref<5x128xi32, #tpu.memory_space<vmem>> -> memref<1x128xi32, #tpu.memory_space<vmem>>
    %dma_start3A_48 = tpu.memref_squeeze %dma_start3A_47 : memref<1x128xi32, #tpu.memory_space<vmem>> -> memref<128xi32, #tpu.memory_space<vmem>>
    %dma_start3A_49 = arith.constant 0 : i32
    %dma_start3A_50 = arith.constant 0 : i32
    %dma_start3A_51 = tpu.memref_slice %arg2[%dma_start3A_49, %dma_start3A_50] : memref<10240x64xf32, #tpu.memory_space<hbm>> -> memref<10240x64xf32, #tpu.memory_space<hbm>>
    tpu.enqueue_indirect_dma source(%dma_start3A_51 : memref<10240x64xf32, #tpu.memory_space<hbm>>) target(%dma_start3A_45 : memref<128x64xf32, #tpu.memory_space<vmem>>) offsets(%dma_start3A_48 : memref<128xi32, #tpu.memory_space<vmem>>) semaphore(%arg7 : memref<!tpu.dma_semaphore, #tpu.memory_space<semaphore_mem>>)
    %dma_start3A_52 = arith.constant 4 : i32
    %dma_start3A_53 = arith.constant 4 : i32
    %dma_start3A_54 = arith.constant 0 : i32
    %dma_start3A_55 = arith.constant 0 : i32
    %dma_start3A_56 = tpu.memref_slice %arg6[%dma_start3A_53, %dma_start3A_54, %dma_start3A_55] : memref<5x128x64xf32, #tpu.memory_space<vmem>> -> memref<1x128x64xf32, #tpu.memory_space<vmem>>
    %dma_start3A_57 = tpu.memref_squeeze %dma_start3A_56 : memref<1x128x64xf32, #tpu.memory_space<vmem>> -> memref<128x64xf32, #tpu.memory_space<vmem>>
    %dma_start3A_58 = arith.constant 0 : i32
    %dma_start3A_59 = tpu.memref_slice %arg5[%dma_start3A_52, %dma_start3A_58] : memref<5x128xi32, #tpu.memory_space<vmem>> -> memref<1x128xi32, #tpu.memory_space<vmem>>
    %dma_start3A_60 = tpu.memref_squeeze %dma_start3A_59 : memref<1x128xi32, #tpu.memory_space<vmem>> -> memref<128xi32, #tpu.memory_space<vmem>>
    %dma_start3A_61 = arith.constant 0 : i32
    %dma_start3A_62 = arith.constant 0 : i32
    %dma_start3A_63 = tpu.memref_slice %arg2[%dma_start3A_61, %dma_start3A_62] : memref<10240x64xf32, #tpu.memory_space<hbm>> -> memref<10240x64xf32, #tpu.memory_space<hbm>>
    tpu.enqueue_indirect_dma source(%dma_start3A_63 : memref<10240x64xf32, #tpu.memory_space<hbm>>) target(%dma_start3A_57 : memref<128x64xf32, #tpu.memory_space<vmem>>) offsets(%dma_start3A_60 : memref<128xi32, #tpu.memory_space<vmem>>) semaphore(%arg7 : memref<!tpu.dma_semaphore, #tpu.memory_space<semaphore_mem>>)
    %dma_wait3A = arith.constant 0 : i32
    %dma_wait3A_64 = arith.constant 0 : i32
    %dma_wait3A_65 = arith.constant 0 : i32
    %dma_wait3A_66 = arith.constant 0 : i32
    %dma_wait3A_67 = tpu.memref_slice %arg6[%dma_wait3A_64, %dma_wait3A_65, %dma_wait3A_66] : memref<5x128x64xf32, #tpu.memory_space<vmem>> -> memref<1x128x64xf32, #tpu.memory_space<vmem>>
    %dma_wait3A_68 = tpu.memref_squeeze %dma_wait3A_67 : memref<1x128x64xf32, #tpu.memory_space<vmem>> -> memref<128x64xf32, #tpu.memory_space<vmem>>
    %dma_wait3A_69 = arith.constant 0 : i32
    %dma_wait3A_70 = tpu.memref_slice %arg5[%dma_wait3A, %dma_wait3A_69] : memref<5x128xi32, #tpu.memory_space<vmem>> -> memref<1x128xi32, #tpu.memory_space<vmem>>
    %dma_wait3A_71 = tpu.memref_squeeze %dma_wait3A_70 : memref<1x128xi32, #tpu.memory_space<vmem>> -> memref<128xi32, #tpu.memory_space<vmem>>
    %dma_wait3A_72 = arith.constant 0 : i32
    %dma_wait3A_73 = arith.constant 0 : i32
    %dma_wait3A_74 = tpu.memref_slice %arg2[%dma_wait3A_72, %dma_wait3A_73] : memref<10240x64xf32, #tpu.memory_space<hbm>> -> memref<10240x64xf32, #tpu.memory_space<hbm>>
    tpu.wait_indirect_dma semaphore(%arg7 : memref<!tpu.dma_semaphore, #tpu.memory_space<semaphore_mem>>) src(%dma_wait3A_74 : memref<10240x64xf32, #tpu.memory_space<hbm>>) dst(%dma_wait3A_68 : memref<128x64xf32, #tpu.memory_space<vmem>>)
    %dma_wait3A_75 = arith.constant 1 : i32
    %dma_wait3A_76 = arith.constant 1 : i32
    %dma_wait3A_77 = arith.constant 0 : i32
    %dma_wait3A_78 = arith.constant 0 : i32
    %dma_wait3A_79 = tpu.memref_slice %arg6[%dma_wait3A_76, %dma_wait3A_77, %dma_wait3A_78] : memref<5x128x64xf32, #tpu.memory_space<vmem>> -> memref<1x128x64xf32, #tpu.memory_space<vmem>>
    %dma_wait3A_80 = tpu.memref_squeeze %dma_wait3A_79 : memref<1x128x64xf32, #tpu.memory_space<vmem>> -> memref<128x64xf32, #tpu.memory_space<vmem>>
    %dma_wait3A_81 = arith.constant 0 : i32
    %dma_wait3A_82 = tpu.memref_slice %arg5[%dma_wait3A_75, %dma_wait3A_81] : memref<5x128xi32, #tpu.memory_space<vmem>> -> memref<1x128xi32, #tpu.memory_space<vmem>>
    %dma_wait3A_83 = tpu.memref_squeeze %dma_wait3A_82 : memref<1x128xi32, #tpu.memory_space<vmem>> -> memref<128xi32, #tpu.memory_space<vmem>>
    %dma_wait3A_84 = arith.constant 0 : i32
    %dma_wait3A_85 = arith.constant 0 : i32
    %dma_wait3A_86 = tpu.memref_slice %arg2[%dma_wait3A_84, %dma_wait3A_85] : memref<10240x64xf32, #tpu.memory_space<hbm>> -> memref<10240x64xf32, #tpu.memory_space<hbm>>
    tpu.wait_indirect_dma semaphore(%arg7 : memref<!tpu.dma_semaphore, #tpu.memory_space<semaphore_mem>>) src(%dma_wait3A_86 : memref<10240x64xf32, #tpu.memory_space<hbm>>) dst(%dma_wait3A_80 : memref<128x64xf32, #tpu.memory_space<vmem>>)
    %dma_wait3A_87 = arith.constant 2 : i32
    %dma_wait3A_88 = arith.constant 2 : i32
    %dma_wait3A_89 = arith.constant 0 : i32
    %dma_wait3A_90 = arith.constant 0 : i32
    %dma_wait3A_91 = tpu.memref_slice %arg6[%dma_wait3A_88, %dma_wait3A_89, %dma_wait3A_90] : memref<5x128x64xf32, #tpu.memory_space<vmem>> -> memref<1x128x64xf32, #tpu.memory_space<vmem>>
    %dma_wait3A_92 = tpu.memref_squeeze %dma_wait3A_91 : memref<1x128x64xf32, #tpu.memory_space<vmem>> -> memref<128x64xf32, #tpu.memory_space<vmem>>
    %dma_wait3A_93 = arith.constant 0 : i32
    %dma_wait3A_94 = tpu.memref_slice %arg5[%dma_wait3A_87, %dma_wait3A_93] : memref<5x128xi32, #tpu.memory_space<vmem>> -> memref<1x128xi32, #tpu.memory_space<vmem>>
    %dma_wait3A_95 = tpu.memref_squeeze %dma_wait3A_94 : memref<1x128xi32, #tpu.memory_space<vmem>> -> memref<128xi32, #tpu.memory_space<vmem>>
    %dma_wait3A_96 = arith.constant 0 : i32
    %dma_wait3A_97 = arith.constant 0 : i32
    %dma_wait3A_98 = tpu.memref_slice %arg2[%dma_wait3A_96, %dma_wait3A_97] : memref<10240x64xf32, #tpu.memory_space<hbm>> -> memref<10240x64xf32, #tpu.memory_space<hbm>>
    tpu.wait_indirect_dma semaphore(%arg7 : memref<!tpu.dma_semaphore, #tpu.memory_space<semaphore_mem>>) src(%dma_wait3A_98 : memref<10240x64xf32, #tpu.memory_space<hbm>>) dst(%dma_wait3A_92 : memref<128x64xf32, #tpu.memory_space<vmem>>)
    %dma_wait3A_99 = arith.constant 3 : i32
    %dma_wait3A_100 = arith.constant 3 : i32
    %dma_wait3A_101 = arith.constant 0 : i32
    %dma_wait3A_102 = arith.constant 0 : i32
    %dma_wait3A_103 = tpu.memref_slice %arg6[%dma_wait3A_100, %dma_wait3A_101, %dma_wait3A_102] : memref<5x128x64xf32, #tpu.memory_space<vmem>> -> memref<1x128x64xf32, #tpu.memory_space<vmem>>
    %dma_wait3A_104 = tpu.memref_squeeze %dma_wait3A_103 : memref<1x128x64xf32, #tpu.memory_space<vmem>> -> memref<128x64xf32, #tpu.memory_space<vmem>>
    %dma_wait3A_105 = arith.constant 0 : i32
    %dma_wait3A_106 = tpu.memref_slice %arg5[%dma_wait3A_99, %dma_wait3A_105] : memref<5x128xi32, #tpu.memory_space<vmem>> -> memref<1x128xi32, #tpu.memory_space<vmem>>
    %dma_wait3A_107 = tpu.memref_squeeze %dma_wait3A_106 : memref<1x128xi32, #tpu.memory_space<vmem>> -> memref<128xi32, #tpu.memory_space<vmem>>
    %dma_wait3A_108 = arith.constant 0 : i32
    %dma_wait3A_109 = arith.constant 0 : i32
    %dma_wait3A_110 = tpu.memref_slice %arg2[%dma_wait3A_108, %dma_wait3A_109] : memref<10240x64xf32, #tpu.memory_space<hbm>> -> memref<10240x64xf32, #tpu.memory_space<hbm>>
    tpu.wait_indirect_dma semaphore(%arg7 : memref<!tpu.dma_semaphore, #tpu.memory_space<semaphore_mem>>) src(%dma_wait3A_110 : memref<10240x64xf32, #tpu.memory_space<hbm>>) dst(%dma_wait3A_104 : memref<128x64xf32, #tpu.memory_space<vmem>>)
    %dma_wait3A_111 = arith.constant 4 : i32
    %dma_wait3A_112 = arith.constant 4 : i32
    %dma_wait3A_113 = arith.constant 0 : i32
    %dma_wait3A_114 = arith.constant 0 : i32
    %dma_wait3A_115 = tpu.memref_slice %arg6[%dma_wait3A_112, %dma_wait3A_113, %dma_wait3A_114] : memref<5x128x64xf32, #tpu.memory_space<vmem>> -> memref<1x128x64xf32, #tpu.memory_space<vmem>>
    %dma_wait3A_116 = tpu.memref_squeeze %dma_wait3A_115 : memref<1x128x64xf32, #tpu.memory_space<vmem>> -> memref<128x64xf32, #tpu.memory_space<vmem>>
    %dma_wait3A_117 = arith.constant 0 : i32
    %dma_wait3A_118 = tpu.memref_slice %arg5[%dma_wait3A_111, %dma_wait3A_117] : memref<5x128xi32, #tpu.memory_space<vmem>> -> memref<1x128xi32, #tpu.memory_space<vmem>>
    %dma_wait3A_119 = tpu.memref_squeeze %dma_wait3A_118 : memref<1x128xi32, #tpu.memory_space<vmem>> -> memref<128xi32, #tpu.memory_space<vmem>>
    %dma_wait3A_120 = arith.constant 0 : i32
    %dma_wait3A_121 = arith.constant 0 : i32
    %dma_wait3A_122 = tpu.memref_slice %arg2[%dma_wait3A_120, %dma_wait3A_121] : memref<10240x64xf32, #tpu.memory_space<hbm>> -> memref<10240x64xf32, #tpu.memory_space<hbm>>
    tpu.wait_indirect_dma semaphore(%arg7 : memref<!tpu.dma_semaphore, #tpu.memory_space<semaphore_mem>>) src(%dma_wait3A_122 : memref<10240x64xf32, #tpu.memory_space<hbm>>) dst(%dma_wait3A_116 : memref<128x64xf32, #tpu.memory_space<vmem>>)
    %add3A_123 = arith.constant 0 : i32
    %add3A_124 = arith.addi %mul3A_4, %add3A_123 : i32
    %dma_start3A_125 = arith.constant 0 : i32
    %dma_start3A_126 = arith.constant 0 : i32
    %dma_start3A_127 = arith.constant 0 : i32
    %dma_start3A_128 = tpu.memref_slice %arg6[%dma_start3A_125, %dma_start3A_126, %dma_start3A_127] : memref<5x128x64xf32, #tpu.memory_space<vmem>> -> memref<1x128x64xf32, #tpu.memory_space<vmem>>
    %dma_start3A_129 = tpu.memref_squeeze %dma_start3A_128 : memref<1x128x64xf32, #tpu.memory_space<vmem>> -> memref<128x64xf32, #tpu.memory_space<vmem>>
    %dma_start3A_130 = arith.constant 0 : i32
    %dma_start3A_131 = tpu.memref_slice %arg4[%add3A_124, %dma_start3A_130] : memref<20480x64xf32, #tpu.memory_space<hbm>> -> memref<128x64xf32, #tpu.memory_space<hbm>>
    %dma_start3A_132 = arith.constant 0 : i32
    %dma_start3A_133 = tpu.memref_slice %arg4[%add3A_124, %dma_start3A_132] : memref<20480x64xf32, #tpu.memory_space<hbm>> -> memref<128x64xf32, #tpu.memory_space<hbm>>
    %dma_start3A_134 = arith.constant 0 : i32
    %dma_start3A_135 = arith.constant 0 : i32
    %dma_start3A_136 = tpu.memref_slice %arg6[%dma_start3A_125, %dma_start3A_134, %dma_start3A_135] : memref<5x128x64xf32, #tpu.memory_space<vmem>> -> memref<1x128x64xf32, #tpu.memory_space<vmem>>
    %dma_start3A_137 = tpu.memref_squeeze %dma_start3A_136 : memref<1x128x64xf32, #tpu.memory_space<vmem>> -> memref<128x64xf32, #tpu.memory_space<vmem>>
    tpu.enqueue_dma source(%dma_start3A_137 : memref<128x64xf32, #tpu.memory_space<vmem>>) target(%dma_start3A_133 : memref<128x64xf32, #tpu.memory_space<hbm>>) target_semaphore(%arg8 : memref<!tpu.dma_semaphore, #tpu.memory_space<semaphore_mem>>)
    %add3A_138 = arith.constant 128 : i32
    %add3A_139 = arith.addi %mul3A_4, %add3A_138 : i32
    %dma_start3A_140 = arith.constant 1 : i32
    %dma_start3A_141 = arith.constant 0 : i32
    %dma_start3A_142 = arith.constant 0 : i32
    %dma_start3A_143 = tpu.memref_slice %arg6[%dma_start3A_140, %dma_start3A_141, %dma_start3A_142] : memref<5x128x64xf32, #tpu.memory_space<vmem>> -> memref<1x128x64xf32, #tpu.memory_space<vmem>>
    %dma_start3A_144 = tpu.memref_squeeze %dma_start3A_143 : memref<1x128x64xf32, #tpu.memory_space<vmem>> -> memref<128x64xf32, #tpu.memory_space<vmem>>
    %dma_start3A_145 = arith.constant 0 : i32
    %dma_start3A_146 = tpu.memref_slice %arg4[%add3A_139, %dma_start3A_145] : memref<20480x64xf32, #tpu.memory_space<hbm>> -> memref<128x64xf32, #tpu.memory_space<hbm>>
    %dma_start3A_147 = arith.constant 0 : i32
    %dma_start3A_148 = tpu.memref_slice %arg4[%add3A_139, %dma_start3A_147] : memref<20480x64xf32, #tpu.memory_space<hbm>> -> memref<128x64xf32, #tpu.memory_space<hbm>>
    %dma_start3A_149 = arith.constant 0 : i32
    %dma_start3A_150 = arith.constant 0 : i32
    %dma_start3A_151 = tpu.memref_slice %arg6[%dma_start3A_140, %dma_start3A_149, %dma_start3A_150] : memref<5x128x64xf32, #tpu.memory_space<vmem>> -> memref<1x128x64xf32, #tpu.memory_space<vmem>>
    %dma_start3A_152 = tpu.memref_squeeze %dma_start3A_151 : memref<1x128x64xf32, #tpu.memory_space<vmem>> -> memref<128x64xf32, #tpu.memory_space<vmem>>
    tpu.enqueue_dma source(%dma_start3A_152 : memref<128x64xf32, #tpu.memory_space<vmem>>) target(%dma_start3A_148 : memref<128x64xf32, #tpu.memory_space<hbm>>) target_semaphore(%arg8 : memref<!tpu.dma_semaphore, #tpu.memory_space<semaphore_mem>>)
    %add3A_153 = arith.constant 256 : i32
    %add3A_154 = arith.addi %mul3A_4, %add3A_153 : i32
    %dma_start3A_155 = arith.constant 2 : i32
    %dma_start3A_156 = arith.constant 0 : i32
    %dma_start3A_157 = arith.constant 0 : i32
    %dma_start3A_158 = tpu.memref_slice %arg6[%dma_start3A_155, %dma_start3A_156, %dma_start3A_157] : memref<5x128x64xf32, #tpu.memory_space<vmem>> -> memref<1x128x64xf32, #tpu.memory_space<vmem>>
    %dma_start3A_159 = tpu.memref_squeeze %dma_start3A_158 : memref<1x128x64xf32, #tpu.memory_space<vmem>> -> memref<128x64xf32, #tpu.memory_space<vmem>>
    %dma_start3A_160 = arith.constant 0 : i32
    %dma_start3A_161 = tpu.memref_slice %arg4[%add3A_154, %dma_start3A_160] : memref<20480x64xf32, #tpu.memory_space<hbm>> -> memref<128x64xf32, #tpu.memory_space<hbm>>
    %dma_start3A_162 = arith.constant 0 : i32
    %dma_start3A_163 = tpu.memref_slice %arg4[%add3A_154, %dma_start3A_162] : memref<20480x64xf32, #tpu.memory_space<hbm>> -> memref<128x64xf32, #tpu.memory_space<hbm>>
    %dma_start3A_164 = arith.constant 0 : i32
    %dma_start3A_165 = arith.constant 0 : i32
    %dma_start3A_166 = tpu.memref_slice %arg6[%dma_start3A_155, %dma_start3A_164, %dma_start3A_165] : memref<5x128x64xf32, #tpu.memory_space<vmem>> -> memref<1x128x64xf32, #tpu.memory_space<vmem>>
    %dma_start3A_167 = tpu.memref_squeeze %dma_start3A_166 : memref<1x128x64xf32, #tpu.memory_space<vmem>> -> memref<128x64xf32, #tpu.memory_space<vmem>>
    tpu.enqueue_dma source(%dma_start3A_167 : memref<128x64xf32, #tpu.memory_space<vmem>>) target(%dma_start3A_163 : memref<128x64xf32, #tpu.memory_space<hbm>>) target_semaphore(%arg8 : memref<!tpu.dma_semaphore, #tpu.memory_space<semaphore_mem>>)
    %add3A_168 = arith.constant 384 : i32
    %add3A_169 = arith.addi %mul3A_4, %add3A_168 : i32
    %dma_start3A_170 = arith.constant 3 : i32
    %dma_start3A_171 = arith.constant 0 : i32
    %dma_start3A_172 = arith.constant 0 : i32
    %dma_start3A_173 = tpu.memref_slice %arg6[%dma_start3A_170, %dma_start3A_171, %dma_start3A_172] : memref<5x128x64xf32, #tpu.memory_space<vmem>> -> memref<1x128x64xf32, #tpu.memory_space<vmem>>
    %dma_start3A_174 = tpu.memref_squeeze %dma_start3A_173 : memref<1x128x64xf32, #tpu.memory_space<vmem>> -> memref<128x64xf32, #tpu.memory_space<vmem>>
    %dma_start3A_175 = arith.constant 0 : i32
    %dma_start3A_176 = tpu.memref_slice %arg4[%add3A_169, %dma_start3A_175] : memref<20480x64xf32, #tpu.memory_space<hbm>> -> memref<128x64xf32, #tpu.memory_space<hbm>>
    %dma_start3A_177 = arith.constant 0 : i32
    %dma_start3A_178 = tpu.memref_slice %arg4[%add3A_169, %dma_start3A_177] : memref<20480x64xf32, #tpu.memory_space<hbm>> -> memref<128x64xf32, #tpu.memory_space<hbm>>
    %dma_start3A_179 = arith.constant 0 : i32
    %dma_start3A_180 = arith.constant 0 : i32
    %dma_start3A_181 = tpu.memref_slice %arg6[%dma_start3A_170, %dma_start3A_179, %dma_start3A_180] : memref<5x128x64xf32, #tpu.memory_space<vmem>> -> memref<1x128x64xf32, #tpu.memory_space<vmem>>
    %dma_start3A_182 = tpu.memref_squeeze %dma_start3A_181 : memref<1x128x64xf32, #tpu.memory_space<vmem>> -> memref<128x64xf32, #tpu.memory_space<vmem>>
    tpu.enqueue_dma source(%dma_start3A_182 : memref<128x64xf32, #tpu.memory_space<vmem>>) target(%dma_start3A_178 : memref<128x64xf32, #tpu.memory_space<hbm>>) target_semaphore(%arg8 : memref<!tpu.dma_semaphore, #tpu.memory_space<semaphore_mem>>)
    %add3A_183 = arith.constant 512 : i32
    %add3A_184 = arith.addi %mul3A_4, %add3A_183 : i32
    %dma_start3A_185 = arith.constant 4 : i32
    %dma_start3A_186 = arith.constant 0 : i32
    %dma_start3A_187 = arith.constant 0 : i32
    %dma_start3A_188 = tpu.memref_slice %arg6[%dma_start3A_185, %dma_start3A_186, %dma_start3A_187] : memref<5x128x64xf32, #tpu.memory_space<vmem>> -> memref<1x128x64xf32, #tpu.memory_space<vmem>>
    %dma_start3A_189 = tpu.memref_squeeze %dma_start3A_188 : memref<1x128x64xf32, #tpu.memory_space<vmem>> -> memref<128x64xf32, #tpu.memory_space<vmem>>
    %dma_start3A_190 = arith.constant 0 : i32
    %dma_start3A_191 = tpu.memref_slice %arg4[%add3A_184, %dma_start3A_190] : memref<20480x64xf32, #tpu.memory_space<hbm>> -> memref<128x64xf32, #tpu.memory_space<hbm>>
    %dma_start3A_192 = arith.constant 0 : i32
    %dma_start3A_193 = tpu.memref_slice %arg4[%add3A_184, %dma_start3A_192] : memref<20480x64xf32, #tpu.memory_space<hbm>> -> memref<128x64xf32, #tpu.memory_space<hbm>>
    %dma_start3A_194 = arith.constant 0 : i32
    %dma_start3A_195 = arith.constant 0 : i32
    %dma_start3A_196 = tpu.memref_slice %arg6[%dma_start3A_185, %dma_start3A_194, %dma_start3A_195] : memref<5x128x64xf32, #tpu.memory_space<vmem>> -> memref<1x128x64xf32, #tpu.memory_space<vmem>>
    %dma_start3A_197 = tpu.memref_squeeze %dma_start3A_196 : memref<1x128x64xf32, #tpu.memory_space<vmem>> -> memref<128x64xf32, #tpu.memory_space<vmem>>
    tpu.enqueue_dma source(%dma_start3A_197 : memref<128x64xf32, #tpu.memory_space<vmem>>) target(%dma_start3A_193 : memref<128x64xf32, #tpu.memory_space<hbm>>) target_semaphore(%arg8 : memref<!tpu.dma_semaphore, #tpu.memory_space<semaphore_mem>>)
    %dma_wait3A_198 = arith.constant 0 : i32
    %dma_wait3A_199 = arith.constant 0 : i32
    %dma_wait3A_200 = arith.constant 0 : i32
    %dma_wait3A_201 = tpu.memref_slice %arg6[%dma_wait3A_198, %dma_wait3A_199, %dma_wait3A_200] : memref<5x128x64xf32, #tpu.memory_space<vmem>> -> memref<1x128x64xf32, #tpu.memory_space<vmem>>
    %dma_wait3A_202 = tpu.memref_squeeze %dma_wait3A_201 : memref<1x128x64xf32, #tpu.memory_space<vmem>> -> memref<128x64xf32, #tpu.memory_space<vmem>>
    %dma_wait3A_203 = arith.constant 0 : i32
    %dma_wait3A_204 = tpu.memref_slice %arg4[%add3A_124, %dma_wait3A_203] : memref<20480x64xf32, #tpu.memory_space<hbm>> -> memref<128x64xf32, #tpu.memory_space<hbm>>
    %dma_wait3A_205 = arith.constant 0 : i32
    %dma_wait3A_206 = tpu.memref_slice %arg4[%add3A_124, %dma_wait3A_205] : memref<20480x64xf32, #tpu.memory_space<hbm>> -> memref<128x64xf32, #tpu.memory_space<hbm>>
    %dma_wait3A_207 = arith.constant 0 : i32
    %dma_wait3A_208 = arith.constant 0 : i32
    %dma_wait3A_209 = tpu.memref_slice %arg6[%dma_wait3A_198, %dma_wait3A_207, %dma_wait3A_208] : memref<5x128x64xf32, #tpu.memory_space<vmem>> -> memref<1x128x64xf32, #tpu.memory_space<vmem>>
    %dma_wait3A_210 = tpu.memref_squeeze %dma_wait3A_209 : memref<1x128x64xf32, #tpu.memory_space<vmem>> -> memref<128x64xf32, #tpu.memory_space<vmem>>
    tpu.wait_dma2 semaphore(%arg8 : memref<!tpu.dma_semaphore, #tpu.memory_space<semaphore_mem>>) src(%dma_wait3A_210 : memref<128x64xf32, #tpu.memory_space<vmem>>) dst(%dma_wait3A_206 : memref<128x64xf32, #tpu.memory_space<hbm>>)
    %dma_wait3A_211 = arith.constant 1 : i32
    %dma_wait3A_212 = arith.constant 0 : i32
    %dma_wait3A_213 = arith.constant 0 : i32
    %dma_wait3A_214 = tpu.memref_slice %arg6[%dma_wait3A_211, %dma_wait3A_212, %dma_wait3A_213] : memref<5x128x64xf32, #tpu.memory_space<vmem>> -> memref<1x128x64xf32, #tpu.memory_space<vmem>>
    %dma_wait3A_215 = tpu.memref_squeeze %dma_wait3A_214 : memref<1x128x64xf32, #tpu.memory_space<vmem>> -> memref<128x64xf32, #tpu.memory_space<vmem>>
    %dma_wait3A_216 = arith.constant 0 : i32
    %dma_wait3A_217 = tpu.memref_slice %arg4[%add3A_139, %dma_wait3A_216] : memref<20480x64xf32, #tpu.memory_space<hbm>> -> memref<128x64xf32, #tpu.memory_space<hbm>>
    %dma_wait3A_218 = arith.constant 0 : i32
    %dma_wait3A_219 = tpu.memref_slice %arg4[%add3A_139, %dma_wait3A_218] : memref<20480x64xf32, #tpu.memory_space<hbm>> -> memref<128x64xf32, #tpu.memory_space<hbm>>
    %dma_wait3A_220 = arith.constant 0 : i32
    %dma_wait3A_221 = arith.constant 0 : i32
    %dma_wait3A_222 = tpu.memref_slice %arg6[%dma_wait3A_211, %dma_wait3A_220, %dma_wait3A_221] : memref<5x128x64xf32, #tpu.memory_space<vmem>> -> memref<1x128x64xf32, #tpu.memory_space<vmem>>
    %dma_wait3A_223 = tpu.memref_squeeze %dma_wait3A_222 : memref<1x128x64xf32, #tpu.memory_space<vmem>> -> memref<128x64xf32, #tpu.memory_space<vmem>>
    tpu.wait_dma2 semaphore(%arg8 : memref<!tpu.dma_semaphore, #tpu.memory_space<semaphore_mem>>) src(%dma_wait3A_223 : memref<128x64xf32, #tpu.memory_space<vmem>>) dst(%dma_wait3A_219 : memref<128x64xf32, #tpu.memory_space<hbm>>)
    %dma_wait3A_224 = arith.constant 2 : i32
    %dma_wait3A_225 = arith.constant 0 : i32
    %dma_wait3A_226 = arith.constant 0 : i32
    %dma_wait3A_227 = tpu.memref_slice %arg6[%dma_wait3A_224, %dma_wait3A_225, %dma_wait3A_226] : memref<5x128x64xf32, #tpu.memory_space<vmem>> -> memref<1x128x64xf32, #tpu.memory_space<vmem>>
    %dma_wait3A_228 = tpu.memref_squeeze %dma_wait3A_227 : memref<1x128x64xf32, #tpu.memory_space<vmem>> -> memref<128x64xf32, #tpu.memory_space<vmem>>
    %dma_wait3A_229 = arith.constant 0 : i32
    %dma_wait3A_230 = tpu.memref_slice %arg4[%add3A_154, %dma_wait3A_229] : memref<20480x64xf32, #tpu.memory_space<hbm>> -> memref<128x64xf32, #tpu.memory_space<hbm>>
    %dma_wait3A_231 = arith.constant 0 : i32
    %dma_wait3A_232 = tpu.memref_slice %arg4[%add3A_154, %dma_wait3A_231] : memref<20480x64xf32, #tpu.memory_space<hbm>> -> memref<128x64xf32, #tpu.memory_space<hbm>>
    %dma_wait3A_233 = arith.constant 0 : i32
    %dma_wait3A_234 = arith.constant 0 : i32
    %dma_wait3A_235 = tpu.memref_slice %arg6[%dma_wait3A_224, %dma_wait3A_233, %dma_wait3A_234] : memref<5x128x64xf32, #tpu.memory_space<vmem>> -> memref<1x128x64xf32, #tpu.memory_space<vmem>>
    %dma_wait3A_236 = tpu.memref_squeeze %dma_wait3A_235 : memref<1x128x64xf32, #tpu.memory_space<vmem>> -> memref<128x64xf32, #tpu.memory_space<vmem>>
    tpu.wait_dma2 semaphore(%arg8 : memref<!tpu.dma_semaphore, #tpu.memory_space<semaphore_mem>>) src(%dma_wait3A_236 : memref<128x64xf32, #tpu.memory_space<vmem>>) dst(%dma_wait3A_232 : memref<128x64xf32, #tpu.memory_space<hbm>>)
    %dma_wait3A_237 = arith.constant 3 : i32
    %dma_wait3A_238 = arith.constant 0 : i32
    %dma_wait3A_239 = arith.constant 0 : i32
    %dma_wait3A_240 = tpu.memref_slice %arg6[%dma_wait3A_237, %dma_wait3A_238, %dma_wait3A_239] : memref<5x128x64xf32, #tpu.memory_space<vmem>> -> memref<1x128x64xf32, #tpu.memory_space<vmem>>
    %dma_wait3A_241 = tpu.memref_squeeze %dma_wait3A_240 : memref<1x128x64xf32, #tpu.memory_space<vmem>> -> memref<128x64xf32, #tpu.memory_space<vmem>>
    %dma_wait3A_242 = arith.constant 0 : i32
    %dma_wait3A_243 = tpu.memref_slice %arg4[%add3A_169, %dma_wait3A_242] : memref<20480x64xf32, #tpu.memory_space<hbm>> -> memref<128x64xf32, #tpu.memory_space<hbm>>
    %dma_wait3A_244 = arith.constant 0 : i32
    %dma_wait3A_245 = tpu.memref_slice %arg4[%add3A_169, %dma_wait3A_244] : memref<20480x64xf32, #tpu.memory_space<hbm>> -> memref<128x64xf32, #tpu.memory_space<hbm>>
    %dma_wait3A_246 = arith.constant 0 : i32
    %dma_wait3A_247 = arith.constant 0 : i32
    %dma_wait3A_248 = tpu.memref_slice %arg6[%dma_wait3A_237, %dma_wait3A_246, %dma_wait3A_247] : memref<5x128x64xf32, #tpu.memory_space<vmem>> -> memref<1x128x64xf32, #tpu.memory_space<vmem>>
    %dma_wait3A_249 = tpu.memref_squeeze %dma_wait3A_248 : memref<1x128x64xf32, #tpu.memory_space<vmem>> -> memref<128x64xf32, #tpu.memory_space<vmem>>
    tpu.wait_dma2 semaphore(%arg8 : memref<!tpu.dma_semaphore, #tpu.memory_space<semaphore_mem>>) src(%dma_wait3A_249 : memref<128x64xf32, #tpu.memory_space<vmem>>) dst(%dma_wait3A_245 : memref<128x64xf32, #tpu.memory_space<hbm>>)
    %dma_wait3A_250 = arith.constant 4 : i32
    %dma_wait3A_251 = arith.constant 0 : i32
    %dma_wait3A_252 = arith.constant 0 : i32
    %dma_wait3A_253 = tpu.memref_slice %arg6[%dma_wait3A_250, %dma_wait3A_251, %dma_wait3A_252] : memref<5x128x64xf32, #tpu.memory_space<vmem>> -> memref<1x128x64xf32, #tpu.memory_space<vmem>>
    %dma_wait3A_254 = tpu.memref_squeeze %dma_wait3A_253 : memref<1x128x64xf32, #tpu.memory_space<vmem>> -> memref<128x64xf32, #tpu.memory_space<vmem>>
    %dma_wait3A_255 = arith.constant 0 : i32
    %dma_wait3A_256 = tpu.memref_slice %arg4[%add3A_184, %dma_wait3A_255] : memref<20480x64xf32, #tpu.memory_space<hbm>> -> memref<128x64xf32, #tpu.memory_space<hbm>>
    %dma_wait3A_257 = arith.constant 0 : i32
    %dma_wait3A_258 = tpu.memref_slice %arg4[%add3A_184, %dma_wait3A_257] : memref<20480x64xf32, #tpu.memory_space<hbm>> -> memref<128x64xf32, #tpu.memory_space<hbm>>
    %dma_wait3A_259 = arith.constant 0 : i32
    %dma_wait3A_260 = arith.constant 0 : i32
    %dma_wait3A_261 = tpu.memref_slice %arg6[%dma_wait3A_250, %dma_wait3A_259, %dma_wait3A_260] : memref<5x128x64xf32, #tpu.memory_space<vmem>> -> memref<1x128x64xf32, #tpu.memory_space<vmem>>
    %dma_wait3A_262 = tpu.memref_squeeze %dma_wait3A_261 : memref<1x128x64xf32, #tpu.memory_space<vmem>> -> memref<128x64xf32, #tpu.memory_space<vmem>>
    tpu.wait_dma2 semaphore(%arg8 : memref<!tpu.dma_semaphore, #tpu.memory_space<semaphore_mem>>) src(%dma_wait3A_262 : memref<128x64xf32, #tpu.memory_space<vmem>>) dst(%dma_wait3A_258 : memref<128x64xf32, #tpu.memory_space<hbm>>)
    return
  }
}

#map = affine_map<(d0, d1) -> (0, 0)>
#map1 = affine_map<(d0, d1) -> (0, 0, 0)>
module attributes {stable_mosaic.version = 14 : i64} {
  func.func @_scatter_nodeg_body(%arg0: i32, %arg1: i32, %arg2: memref<20480x64xf32, #tpu.memory_space<hbm>>, %arg3: memref<32x5x128xi32, #tpu.memory_space<hbm>>, %arg4: memref<10240x64xf32, #tpu.memory_space<hbm>>, %arg5: memref<2x10240x64xf32, #tpu.memory_space<hbm>>, %arg6: memref<5x128xi32, #tpu.memory_space<vmem>>, %arg7: memref<5x128x64xf32, #tpu.memory_space<vmem>>, %arg8: memref<10240x64xf32, #tpu.memory_space<vmem_shared>>, %arg9: memref<!tpu.dma_semaphore, #tpu.memory_space<semaphore_mem>>, %arg10: memref<!tpu.dma_semaphore, #tpu.memory_space<semaphore_mem>>) attributes {dimension_semantics = [#tpu.dimension_semantics<core_parallel>, #tpu.dimension_semantics<subcore_parallel>], iteration_bounds = array<i64: 2, 16>, scalar_prefetch = 0 : i64, scratch_operands = 5 : i64, tpu.core_type = #tpu.core_type<sc_vector_subcore>, window_params = [{transform_indices = #map}, {transform_indices = #map1}, {transform_indices = #map}, {transform_indices = #map1}]} {
    %mul3A = arith.constant 16 : i32
    %mul3A_0 = arith.muli %arg0, %mul3A : i32
    %add3A = arith.addi %mul3A_0, %arg1 : i32
    %mul3A_1 = arith.constant 640 : i32
    %mul3A_2 = arith.muli %arg1, %mul3A_1 : i32
    %mul3A_3 = arith.constant 5 : i32
    %mul3A_4 = arith.muli %add3A, %mul3A_3 : i32
    %mul3A_5 = arith.constant 128 : i32
    %mul3A_6 = arith.muli %mul3A_4, %mul3A_5 : i32
    "tpu.region"() ({
      %run_scoped3A = tpu.sem_alloc : memref<!tpu.dma_semaphore, #tpu.memory_space<semaphore_mem>>
      %dma_start3A_266 = arith.constant 0 : i32
      %dma_start3A_267 = arith.constant 0 : i32
      %dma_start3A_268 = tpu.memref_slice %arg3[%add3A, %dma_start3A_266, %dma_start3A_267] : memref<32x5x128xi32, #tpu.memory_space<hbm>> -> memref<1x5x128xi32, #tpu.memory_space<hbm>>
      %dma_start3A_269 = tpu.memref_squeeze %dma_start3A_268 : memref<1x5x128xi32, #tpu.memory_space<hbm>> -> memref<5x128xi32, #tpu.memory_space<hbm>>
      %dma_start3A_270 = arith.constant 0 : i32
      %dma_start3A_271 = arith.constant 0 : i32
      %dma_start3A_272 = tpu.memref_slice %arg3[%add3A, %dma_start3A_270, %dma_start3A_271] : memref<32x5x128xi32, #tpu.memory_space<hbm>> -> memref<1x5x128xi32, #tpu.memory_space<hbm>>
      %dma_start3A_273 = tpu.memref_squeeze %dma_start3A_272 : memref<1x5x128xi32, #tpu.memory_space<hbm>> -> memref<5x128xi32, #tpu.memory_space<hbm>>
      tpu.enqueue_dma source(%dma_start3A_273 : memref<5x128xi32, #tpu.memory_space<hbm>>) target(%arg6 : memref<5x128xi32, #tpu.memory_space<vmem>>) target_semaphore(%run_scoped3A : memref<!tpu.dma_semaphore, #tpu.memory_space<semaphore_mem>>)
      %dma_wait3A_274 = arith.constant 0 : i32
      %dma_wait3A_275 = arith.constant 0 : i32
      %dma_wait3A_276 = tpu.memref_slice %arg3[%add3A, %dma_wait3A_274, %dma_wait3A_275] : memref<32x5x128xi32, #tpu.memory_space<hbm>> -> memref<1x5x128xi32, #tpu.memory_space<hbm>>
      %dma_wait3A_277 = tpu.memref_squeeze %dma_wait3A_276 : memref<1x5x128xi32, #tpu.memory_space<hbm>> -> memref<5x128xi32, #tpu.memory_space<hbm>>
      %dma_wait3A_278 = arith.constant 0 : i32
      %dma_wait3A_279 = arith.constant 0 : i32
      %dma_wait3A_280 = tpu.memref_slice %arg3[%add3A, %dma_wait3A_278, %dma_wait3A_279] : memref<32x5x128xi32, #tpu.memory_space<hbm>> -> memref<1x5x128xi32, #tpu.memory_space<hbm>>
      %dma_wait3A_281 = tpu.memref_squeeze %dma_wait3A_280 : memref<1x5x128xi32, #tpu.memory_space<hbm>> -> memref<5x128xi32, #tpu.memory_space<hbm>>
      tpu.wait_dma2 semaphore(%run_scoped3A : memref<!tpu.dma_semaphore, #tpu.memory_space<semaphore_mem>>) src(%dma_wait3A_281 : memref<5x128xi32, #tpu.memory_space<hbm>>) dst(%arg6 : memref<5x128xi32, #tpu.memory_space<vmem>>)
      tpu.yield
    }) : () -> ()
    %add3A_7 = arith.constant 0 : i32
    %add3A_8 = arith.addi %mul3A_6, %add3A_7 : i32
    %dma_start3A = arith.constant 0 : i32
    %dma_start3A_9 = arith.constant 0 : i32
    %dma_start3A_10 = arith.constant 0 : i32
    %dma_start3A_11 = tpu.memref_slice %arg7[%dma_start3A, %dma_start3A_9, %dma_start3A_10] : memref<5x128x64xf32, #tpu.memory_space<vmem>> -> memref<1x128x64xf32, #tpu.memory_space<vmem>>
    %dma_start3A_12 = tpu.memref_squeeze %dma_start3A_11 : memref<1x128x64xf32, #tpu.memory_space<vmem>> -> memref<128x64xf32, #tpu.memory_space<vmem>>
    %dma_start3A_13 = arith.constant 0 : i32
    %dma_start3A_14 = tpu.memref_slice %arg2[%add3A_8, %dma_start3A_13] : memref<20480x64xf32, #tpu.memory_space<hbm>> -> memref<128x64xf32, #tpu.memory_space<hbm>>
    %dma_start3A_15 = arith.constant 0 : i32
    %dma_start3A_16 = arith.constant 0 : i32
    %dma_start3A_17 = tpu.memref_slice %arg7[%dma_start3A, %dma_start3A_15, %dma_start3A_16] : memref<5x128x64xf32, #tpu.memory_space<vmem>> -> memref<1x128x64xf32, #tpu.memory_space<vmem>>
    %dma_start3A_18 = tpu.memref_squeeze %dma_start3A_17 : memref<1x128x64xf32, #tpu.memory_space<vmem>> -> memref<128x64xf32, #tpu.memory_space<vmem>>
    %dma_start3A_19 = arith.constant 0 : i32
    %dma_start3A_20 = tpu.memref_slice %arg2[%add3A_8, %dma_start3A_19] : memref<20480x64xf32, #tpu.memory_space<hbm>> -> memref<128x64xf32, #tpu.memory_space<hbm>>
    tpu.enqueue_dma source(%dma_start3A_20 : memref<128x64xf32, #tpu.memory_space<hbm>>) target(%dma_start3A_18 : memref<128x64xf32, #tpu.memory_space<vmem>>) target_semaphore(%arg9 : memref<!tpu.dma_semaphore, #tpu.memory_space<semaphore_mem>>)
    %add3A_21 = arith.constant 128 : i32
    %add3A_22 = arith.addi %mul3A_6, %add3A_21 : i32
    %dma_start3A_23 = arith.constant 1 : i32
    %dma_start3A_24 = arith.constant 0 : i32
    %dma_start3A_25 = arith.constant 0 : i32
    %dma_start3A_26 = tpu.memref_slice %arg7[%dma_start3A_23, %dma_start3A_24, %dma_start3A_25] : memref<5x128x64xf32, #tpu.memory_space<vmem>> -> memref<1x128x64xf32, #tpu.memory_space<vmem>>
    %dma_start3A_27 = tpu.memref_squeeze %dma_start3A_26 : memref<1x128x64xf32, #tpu.memory_space<vmem>> -> memref<128x64xf32, #tpu.memory_space<vmem>>
    %dma_start3A_28 = arith.constant 0 : i32
    %dma_start3A_29 = tpu.memref_slice %arg2[%add3A_22, %dma_start3A_28] : memref<20480x64xf32, #tpu.memory_space<hbm>> -> memref<128x64xf32, #tpu.memory_space<hbm>>
    %dma_start3A_30 = arith.constant 0 : i32
    %dma_start3A_31 = arith.constant 0 : i32
    %dma_start3A_32 = tpu.memref_slice %arg7[%dma_start3A_23, %dma_start3A_30, %dma_start3A_31] : memref<5x128x64xf32, #tpu.memory_space<vmem>> -> memref<1x128x64xf32, #tpu.memory_space<vmem>>
    %dma_start3A_33 = tpu.memref_squeeze %dma_start3A_32 : memref<1x128x64xf32, #tpu.memory_space<vmem>> -> memref<128x64xf32, #tpu.memory_space<vmem>>
    %dma_start3A_34 = arith.constant 0 : i32
    %dma_start3A_35 = tpu.memref_slice %arg2[%add3A_22, %dma_start3A_34] : memref<20480x64xf32, #tpu.memory_space<hbm>> -> memref<128x64xf32, #tpu.memory_space<hbm>>
    tpu.enqueue_dma source(%dma_start3A_35 : memref<128x64xf32, #tpu.memory_space<hbm>>) target(%dma_start3A_33 : memref<128x64xf32, #tpu.memory_space<vmem>>) target_semaphore(%arg9 : memref<!tpu.dma_semaphore, #tpu.memory_space<semaphore_mem>>)
    %add3A_36 = arith.constant 256 : i32
    %add3A_37 = arith.addi %mul3A_6, %add3A_36 : i32
    %dma_start3A_38 = arith.constant 2 : i32
    %dma_start3A_39 = arith.constant 0 : i32
    %dma_start3A_40 = arith.constant 0 : i32
    %dma_start3A_41 = tpu.memref_slice %arg7[%dma_start3A_38, %dma_start3A_39, %dma_start3A_40] : memref<5x128x64xf32, #tpu.memory_space<vmem>> -> memref<1x128x64xf32, #tpu.memory_space<vmem>>
    %dma_start3A_42 = tpu.memref_squeeze %dma_start3A_41 : memref<1x128x64xf32, #tpu.memory_space<vmem>> -> memref<128x64xf32, #tpu.memory_space<vmem>>
    %dma_start3A_43 = arith.constant 0 : i32
    %dma_start3A_44 = tpu.memref_slice %arg2[%add3A_37, %dma_start3A_43] : memref<20480x64xf32, #tpu.memory_space<hbm>> -> memref<128x64xf32, #tpu.memory_space<hbm>>
    %dma_start3A_45 = arith.constant 0 : i32
    %dma_start3A_46 = arith.constant 0 : i32
    %dma_start3A_47 = tpu.memref_slice %arg7[%dma_start3A_38, %dma_start3A_45, %dma_start3A_46] : memref<5x128x64xf32, #tpu.memory_space<vmem>> -> memref<1x128x64xf32, #tpu.memory_space<vmem>>
    %dma_start3A_48 = tpu.memref_squeeze %dma_start3A_47 : memref<1x128x64xf32, #tpu.memory_space<vmem>> -> memref<128x64xf32, #tpu.memory_space<vmem>>
    %dma_start3A_49 = arith.constant 0 : i32
    %dma_start3A_50 = tpu.memref_slice %arg2[%add3A_37, %dma_start3A_49] : memref<20480x64xf32, #tpu.memory_space<hbm>> -> memref<128x64xf32, #tpu.memory_space<hbm>>
    tpu.enqueue_dma source(%dma_start3A_50 : memref<128x64xf32, #tpu.memory_space<hbm>>) target(%dma_start3A_48 : memref<128x64xf32, #tpu.memory_space<vmem>>) target_semaphore(%arg9 : memref<!tpu.dma_semaphore, #tpu.memory_space<semaphore_mem>>)
    %add3A_51 = arith.constant 384 : i32
    %add3A_52 = arith.addi %mul3A_6, %add3A_51 : i32
    %dma_start3A_53 = arith.constant 3 : i32
    %dma_start3A_54 = arith.constant 0 : i32
    %dma_start3A_55 = arith.constant 0 : i32
    %dma_start3A_56 = tpu.memref_slice %arg7[%dma_start3A_53, %dma_start3A_54, %dma_start3A_55] : memref<5x128x64xf32, #tpu.memory_space<vmem>> -> memref<1x128x64xf32, #tpu.memory_space<vmem>>
    %dma_start3A_57 = tpu.memref_squeeze %dma_start3A_56 : memref<1x128x64xf32, #tpu.memory_space<vmem>> -> memref<128x64xf32, #tpu.memory_space<vmem>>
    %dma_start3A_58 = arith.constant 0 : i32
    %dma_start3A_59 = tpu.memref_slice %arg2[%add3A_52, %dma_start3A_58] : memref<20480x64xf32, #tpu.memory_space<hbm>> -> memref<128x64xf32, #tpu.memory_space<hbm>>
    %dma_start3A_60 = arith.constant 0 : i32
    %dma_start3A_61 = arith.constant 0 : i32
    %dma_start3A_62 = tpu.memref_slice %arg7[%dma_start3A_53, %dma_start3A_60, %dma_start3A_61] : memref<5x128x64xf32, #tpu.memory_space<vmem>> -> memref<1x128x64xf32, #tpu.memory_space<vmem>>
    %dma_start3A_63 = tpu.memref_squeeze %dma_start3A_62 : memref<1x128x64xf32, #tpu.memory_space<vmem>> -> memref<128x64xf32, #tpu.memory_space<vmem>>
    %dma_start3A_64 = arith.constant 0 : i32
    %dma_start3A_65 = tpu.memref_slice %arg2[%add3A_52, %dma_start3A_64] : memref<20480x64xf32, #tpu.memory_space<hbm>> -> memref<128x64xf32, #tpu.memory_space<hbm>>
    tpu.enqueue_dma source(%dma_start3A_65 : memref<128x64xf32, #tpu.memory_space<hbm>>) target(%dma_start3A_63 : memref<128x64xf32, #tpu.memory_space<vmem>>) target_semaphore(%arg9 : memref<!tpu.dma_semaphore, #tpu.memory_space<semaphore_mem>>)
    %add3A_66 = arith.constant 512 : i32
    %add3A_67 = arith.addi %mul3A_6, %add3A_66 : i32
    %dma_start3A_68 = arith.constant 4 : i32
    %dma_start3A_69 = arith.constant 0 : i32
    %dma_start3A_70 = arith.constant 0 : i32
    %dma_start3A_71 = tpu.memref_slice %arg7[%dma_start3A_68, %dma_start3A_69, %dma_start3A_70] : memref<5x128x64xf32, #tpu.memory_space<vmem>> -> memref<1x128x64xf32, #tpu.memory_space<vmem>>
    %dma_start3A_72 = tpu.memref_squeeze %dma_start3A_71 : memref<1x128x64xf32, #tpu.memory_space<vmem>> -> memref<128x64xf32, #tpu.memory_space<vmem>>
    %dma_start3A_73 = arith.constant 0 : i32
    %dma_start3A_74 = tpu.memref_slice %arg2[%add3A_67, %dma_start3A_73] : memref<20480x64xf32, #tpu.memory_space<hbm>> -> memref<128x64xf32, #tpu.memory_space<hbm>>
    %dma_start3A_75 = arith.constant 0 : i32
    %dma_start3A_76 = arith.constant 0 : i32
    %dma_start3A_77 = tpu.memref_slice %arg7[%dma_start3A_68, %dma_start3A_75, %dma_start3A_76] : memref<5x128x64xf32, #tpu.memory_space<vmem>> -> memref<1x128x64xf32, #tpu.memory_space<vmem>>
    %dma_start3A_78 = tpu.memref_squeeze %dma_start3A_77 : memref<1x128x64xf32, #tpu.memory_space<vmem>> -> memref<128x64xf32, #tpu.memory_space<vmem>>
    %dma_start3A_79 = arith.constant 0 : i32
    %dma_start3A_80 = tpu.memref_slice %arg2[%add3A_67, %dma_start3A_79] : memref<20480x64xf32, #tpu.memory_space<hbm>> -> memref<128x64xf32, #tpu.memory_space<hbm>>
    tpu.enqueue_dma source(%dma_start3A_80 : memref<128x64xf32, #tpu.memory_space<hbm>>) target(%dma_start3A_78 : memref<128x64xf32, #tpu.memory_space<vmem>>) target_semaphore(%arg9 : memref<!tpu.dma_semaphore, #tpu.memory_space<semaphore_mem>>)
    "tpu.region"() ({
      %run_scoped3A = tpu.sem_alloc : memref<!tpu.dma_semaphore, #tpu.memory_space<semaphore_mem>>
      %dma_start3A_266 = arith.constant 0 : i32
      %dma_start3A_267 = tpu.memref_slice %arg8[%mul3A_2, %dma_start3A_266] : memref<10240x64xf32, #tpu.memory_space<vmem_shared>> -> memref<640x64xf32, #tpu.memory_space<vmem_shared>>
      %dma_start3A_268 = arith.constant 0 : i32
      %dma_start3A_269 = tpu.memref_slice %arg4[%mul3A_2, %dma_start3A_268] : memref<10240x64xf32, #tpu.memory_space<hbm>> -> memref<640x64xf32, #tpu.memory_space<hbm>>
      tpu.enqueue_dma source(%dma_start3A_269 : memref<640x64xf32, #tpu.memory_space<hbm>>) target(%dma_start3A_267 : memref<640x64xf32, #tpu.memory_space<vmem_shared>>) target_semaphore(%run_scoped3A : memref<!tpu.dma_semaphore, #tpu.memory_space<semaphore_mem>>)
      %dma_wait3A_270 = arith.constant 0 : i32
      %dma_wait3A_271 = tpu.memref_slice %arg8[%mul3A_2, %dma_wait3A_270] : memref<10240x64xf32, #tpu.memory_space<vmem_shared>> -> memref<640x64xf32, #tpu.memory_space<vmem_shared>>
      %dma_wait3A_272 = arith.constant 0 : i32
      %dma_wait3A_273 = tpu.memref_slice %arg4[%mul3A_2, %dma_wait3A_272] : memref<10240x64xf32, #tpu.memory_space<hbm>> -> memref<640x64xf32, #tpu.memory_space<hbm>>
      tpu.wait_dma2 semaphore(%run_scoped3A : memref<!tpu.dma_semaphore, #tpu.memory_space<semaphore_mem>>) src(%dma_wait3A_273 : memref<640x64xf32, #tpu.memory_space<hbm>>) dst(%dma_wait3A_271 : memref<640x64xf32, #tpu.memory_space<vmem_shared>>)
      tpu.yield
    }) : () -> ()
    %dma_wait3A = arith.constant 0 : i32
    %dma_wait3A_81 = arith.constant 0 : i32
    %dma_wait3A_82 = arith.constant 0 : i32
    %dma_wait3A_83 = tpu.memref_slice %arg7[%dma_wait3A, %dma_wait3A_81, %dma_wait3A_82] : memref<5x128x64xf32, #tpu.memory_space<vmem>> -> memref<1x128x64xf32, #tpu.memory_space<vmem>>
    %dma_wait3A_84 = tpu.memref_squeeze %dma_wait3A_83 : memref<1x128x64xf32, #tpu.memory_space<vmem>> -> memref<128x64xf32, #tpu.memory_space<vmem>>
    %dma_wait3A_85 = arith.constant 0 : i32
    %dma_wait3A_86 = tpu.memref_slice %arg2[%add3A_8, %dma_wait3A_85] : memref<20480x64xf32, #tpu.memory_space<hbm>> -> memref<128x64xf32, #tpu.memory_space<hbm>>
    %dma_wait3A_87 = arith.constant 0 : i32
    %dma_wait3A_88 = arith.constant 0 : i32
    %dma_wait3A_89 = tpu.memref_slice %arg7[%dma_wait3A, %dma_wait3A_87, %dma_wait3A_88] : memref<5x128x64xf32, #tpu.memory_space<vmem>> -> memref<1x128x64xf32, #tpu.memory_space<vmem>>
    %dma_wait3A_90 = tpu.memref_squeeze %dma_wait3A_89 : memref<1x128x64xf32, #tpu.memory_space<vmem>> -> memref<128x64xf32, #tpu.memory_space<vmem>>
    %dma_wait3A_91 = arith.constant 0 : i32
    %dma_wait3A_92 = tpu.memref_slice %arg2[%add3A_8, %dma_wait3A_91] : memref<20480x64xf32, #tpu.memory_space<hbm>> -> memref<128x64xf32, #tpu.memory_space<hbm>>
    tpu.wait_dma2 semaphore(%arg9 : memref<!tpu.dma_semaphore, #tpu.memory_space<semaphore_mem>>) src(%dma_wait3A_92 : memref<128x64xf32, #tpu.memory_space<hbm>>) dst(%dma_wait3A_90 : memref<128x64xf32, #tpu.memory_space<vmem>>)
    %dma_wait3A_93 = arith.constant 1 : i32
    %dma_wait3A_94 = arith.constant 0 : i32
    %dma_wait3A_95 = arith.constant 0 : i32
    %dma_wait3A_96 = tpu.memref_slice %arg7[%dma_wait3A_93, %dma_wait3A_94, %dma_wait3A_95] : memref<5x128x64xf32, #tpu.memory_space<vmem>> -> memref<1x128x64xf32, #tpu.memory_space<vmem>>
    %dma_wait3A_97 = tpu.memref_squeeze %dma_wait3A_96 : memref<1x128x64xf32, #tpu.memory_space<vmem>> -> memref<128x64xf32, #tpu.memory_space<vmem>>
    %dma_wait3A_98 = arith.constant 0 : i32
    %dma_wait3A_99 = tpu.memref_slice %arg2[%add3A_22, %dma_wait3A_98] : memref<20480x64xf32, #tpu.memory_space<hbm>> -> memref<128x64xf32, #tpu.memory_space<hbm>>
    %dma_wait3A_100 = arith.constant 0 : i32
    %dma_wait3A_101 = arith.constant 0 : i32
    %dma_wait3A_102 = tpu.memref_slice %arg7[%dma_wait3A_93, %dma_wait3A_100, %dma_wait3A_101] : memref<5x128x64xf32, #tpu.memory_space<vmem>> -> memref<1x128x64xf32, #tpu.memory_space<vmem>>
    %dma_wait3A_103 = tpu.memref_squeeze %dma_wait3A_102 : memref<1x128x64xf32, #tpu.memory_space<vmem>> -> memref<128x64xf32, #tpu.memory_space<vmem>>
    %dma_wait3A_104 = arith.constant 0 : i32
    %dma_wait3A_105 = tpu.memref_slice %arg2[%add3A_22, %dma_wait3A_104] : memref<20480x64xf32, #tpu.memory_space<hbm>> -> memref<128x64xf32, #tpu.memory_space<hbm>>
    tpu.wait_dma2 semaphore(%arg9 : memref<!tpu.dma_semaphore, #tpu.memory_space<semaphore_mem>>) src(%dma_wait3A_105 : memref<128x64xf32, #tpu.memory_space<hbm>>) dst(%dma_wait3A_103 : memref<128x64xf32, #tpu.memory_space<vmem>>)
    %dma_wait3A_106 = arith.constant 2 : i32
    %dma_wait3A_107 = arith.constant 0 : i32
    %dma_wait3A_108 = arith.constant 0 : i32
    %dma_wait3A_109 = tpu.memref_slice %arg7[%dma_wait3A_106, %dma_wait3A_107, %dma_wait3A_108] : memref<5x128x64xf32, #tpu.memory_space<vmem>> -> memref<1x128x64xf32, #tpu.memory_space<vmem>>
    %dma_wait3A_110 = tpu.memref_squeeze %dma_wait3A_109 : memref<1x128x64xf32, #tpu.memory_space<vmem>> -> memref<128x64xf32, #tpu.memory_space<vmem>>
    %dma_wait3A_111 = arith.constant 0 : i32
    %dma_wait3A_112 = tpu.memref_slice %arg2[%add3A_37, %dma_wait3A_111] : memref<20480x64xf32, #tpu.memory_space<hbm>> -> memref<128x64xf32, #tpu.memory_space<hbm>>
    %dma_wait3A_113 = arith.constant 0 : i32
    %dma_wait3A_114 = arith.constant 0 : i32
    %dma_wait3A_115 = tpu.memref_slice %arg7[%dma_wait3A_106, %dma_wait3A_113, %dma_wait3A_114] : memref<5x128x64xf32, #tpu.memory_space<vmem>> -> memref<1x128x64xf32, #tpu.memory_space<vmem>>
    %dma_wait3A_116 = tpu.memref_squeeze %dma_wait3A_115 : memref<1x128x64xf32, #tpu.memory_space<vmem>> -> memref<128x64xf32, #tpu.memory_space<vmem>>
    %dma_wait3A_117 = arith.constant 0 : i32
    %dma_wait3A_118 = tpu.memref_slice %arg2[%add3A_37, %dma_wait3A_117] : memref<20480x64xf32, #tpu.memory_space<hbm>> -> memref<128x64xf32, #tpu.memory_space<hbm>>
    tpu.wait_dma2 semaphore(%arg9 : memref<!tpu.dma_semaphore, #tpu.memory_space<semaphore_mem>>) src(%dma_wait3A_118 : memref<128x64xf32, #tpu.memory_space<hbm>>) dst(%dma_wait3A_116 : memref<128x64xf32, #tpu.memory_space<vmem>>)
    %dma_wait3A_119 = arith.constant 3 : i32
    %dma_wait3A_120 = arith.constant 0 : i32
    %dma_wait3A_121 = arith.constant 0 : i32
    %dma_wait3A_122 = tpu.memref_slice %arg7[%dma_wait3A_119, %dma_wait3A_120, %dma_wait3A_121] : memref<5x128x64xf32, #tpu.memory_space<vmem>> -> memref<1x128x64xf32, #tpu.memory_space<vmem>>
    %dma_wait3A_123 = tpu.memref_squeeze %dma_wait3A_122 : memref<1x128x64xf32, #tpu.memory_space<vmem>> -> memref<128x64xf32, #tpu.memory_space<vmem>>
    %dma_wait3A_124 = arith.constant 0 : i32
    %dma_wait3A_125 = tpu.memref_slice %arg2[%add3A_52, %dma_wait3A_124] : memref<20480x64xf32, #tpu.memory_space<hbm>> -> memref<128x64xf32, #tpu.memory_space<hbm>>
    %dma_wait3A_126 = arith.constant 0 : i32
    %dma_wait3A_127 = arith.constant 0 : i32
    %dma_wait3A_128 = tpu.memref_slice %arg7[%dma_wait3A_119, %dma_wait3A_126, %dma_wait3A_127] : memref<5x128x64xf32, #tpu.memory_space<vmem>> -> memref<1x128x64xf32, #tpu.memory_space<vmem>>
    %dma_wait3A_129 = tpu.memref_squeeze %dma_wait3A_128 : memref<1x128x64xf32, #tpu.memory_space<vmem>> -> memref<128x64xf32, #tpu.memory_space<vmem>>
    %dma_wait3A_130 = arith.constant 0 : i32
    %dma_wait3A_131 = tpu.memref_slice %arg2[%add3A_52, %dma_wait3A_130] : memref<20480x64xf32, #tpu.memory_space<hbm>> -> memref<128x64xf32, #tpu.memory_space<hbm>>
    tpu.wait_dma2 semaphore(%arg9 : memref<!tpu.dma_semaphore, #tpu.memory_space<semaphore_mem>>) src(%dma_wait3A_131 : memref<128x64xf32, #tpu.memory_space<hbm>>) dst(%dma_wait3A_129 : memref<128x64xf32, #tpu.memory_space<vmem>>)
    %dma_wait3A_132 = arith.constant 4 : i32
    %dma_wait3A_133 = arith.constant 0 : i32
    %dma_wait3A_134 = arith.constant 0 : i32
    %dma_wait3A_135 = tpu.memref_slice %arg7[%dma_wait3A_132, %dma_wait3A_133, %dma_wait3A_134] : memref<5x128x64xf32, #tpu.memory_space<vmem>> -> memref<1x128x64xf32, #tpu.memory_space<vmem>>
    %dma_wait3A_136 = tpu.memref_squeeze %dma_wait3A_135 : memref<1x128x64xf32, #tpu.memory_space<vmem>> -> memref<128x64xf32, #tpu.memory_space<vmem>>
    %dma_wait3A_137 = arith.constant 0 : i32
    %dma_wait3A_138 = tpu.memref_slice %arg2[%add3A_67, %dma_wait3A_137] : memref<20480x64xf32, #tpu.memory_space<hbm>> -> memref<128x64xf32, #tpu.memory_space<hbm>>
    %dma_wait3A_139 = arith.constant 0 : i32
    %dma_wait3A_140 = arith.constant 0 : i32
    %dma_wait3A_141 = tpu.memref_slice %arg7[%dma_wait3A_132, %dma_wait3A_139, %dma_wait3A_140] : memref<5x128x64xf32, #tpu.memory_space<vmem>> -> memref<1x128x64xf32, #tpu.memory_space<vmem>>
    %dma_wait3A_142 = tpu.memref_squeeze %dma_wait3A_141 : memref<1x128x64xf32, #tpu.memory_space<vmem>> -> memref<128x64xf32, #tpu.memory_space<vmem>>
    %dma_wait3A_143 = arith.constant 0 : i32
    %dma_wait3A_144 = tpu.memref_slice %arg2[%add3A_67, %dma_wait3A_143] : memref<20480x64xf32, #tpu.memory_space<hbm>> -> memref<128x64xf32, #tpu.memory_space<hbm>>
    tpu.wait_dma2 semaphore(%arg9 : memref<!tpu.dma_semaphore, #tpu.memory_space<semaphore_mem>>) src(%dma_wait3A_144 : memref<128x64xf32, #tpu.memory_space<hbm>>) dst(%dma_wait3A_142 : memref<128x64xf32, #tpu.memory_space<vmem>>)
    %barrier3A = arith.constant 0 : index
    tpu.barrier barrier_id(%barrier3A)
    %dma_start3A_145 = arith.constant 0 : i32
    %dma_start3A_146 = arith.constant 0 : i32
    %dma_start3A_147 = arith.constant 0 : i32
    %dma_start3A_148 = arith.constant 0 : i32
    %dma_start3A_149 = tpu.memref_slice %arg7[%dma_start3A_145, %dma_start3A_147, %dma_start3A_148] : memref<5x128x64xf32, #tpu.memory_space<vmem>> -> memref<1x128x64xf32, #tpu.memory_space<vmem>>
    %dma_start3A_150 = tpu.memref_squeeze %dma_start3A_149 : memref<1x128x64xf32, #tpu.memory_space<vmem>> -> memref<128x64xf32, #tpu.memory_space<vmem>>
    %dma_start3A_151 = arith.constant 0 : i32
    %dma_start3A_152 = tpu.memref_slice %arg6[%dma_start3A_146, %dma_start3A_151] : memref<5x128xi32, #tpu.memory_space<vmem>> -> memref<1x128xi32, #tpu.memory_space<vmem>>
    %dma_start3A_153 = tpu.memref_squeeze %dma_start3A_152 : memref<1x128xi32, #tpu.memory_space<vmem>> -> memref<128xi32, #tpu.memory_space<vmem>>
    %dma_start3A_154 = arith.constant 0 : i32
    %dma_start3A_155 = arith.constant 0 : i32
    %dma_start3A_156 = tpu.memref_slice %arg8[%dma_start3A_154, %dma_start3A_155] : memref<10240x64xf32, #tpu.memory_space<vmem_shared>> -> memref<10240x64xf32, #tpu.memory_space<vmem_shared>>
    tpu.enqueue_indirect_dma source(%dma_start3A_150 : memref<128x64xf32, #tpu.memory_space<vmem>>) target(%dma_start3A_156 : memref<10240x64xf32, #tpu.memory_space<vmem_shared>>) offsets(%dma_start3A_153 : memref<128xi32, #tpu.memory_space<vmem>>) semaphore(%arg10 : memref<!tpu.dma_semaphore, #tpu.memory_space<semaphore_mem>>) {add = true}
    %dma_start3A_157 = arith.constant 1 : i32
    %dma_start3A_158 = arith.constant 1 : i32
    %dma_start3A_159 = arith.constant 0 : i32
    %dma_start3A_160 = arith.constant 0 : i32
    %dma_start3A_161 = tpu.memref_slice %arg7[%dma_start3A_157, %dma_start3A_159, %dma_start3A_160] : memref<5x128x64xf32, #tpu.memory_space<vmem>> -> memref<1x128x64xf32, #tpu.memory_space<vmem>>
    %dma_start3A_162 = tpu.memref_squeeze %dma_start3A_161 : memref<1x128x64xf32, #tpu.memory_space<vmem>> -> memref<128x64xf32, #tpu.memory_space<vmem>>
    %dma_start3A_163 = arith.constant 0 : i32
    %dma_start3A_164 = tpu.memref_slice %arg6[%dma_start3A_158, %dma_start3A_163] : memref<5x128xi32, #tpu.memory_space<vmem>> -> memref<1x128xi32, #tpu.memory_space<vmem>>
    %dma_start3A_165 = tpu.memref_squeeze %dma_start3A_164 : memref<1x128xi32, #tpu.memory_space<vmem>> -> memref<128xi32, #tpu.memory_space<vmem>>
    %dma_start3A_166 = arith.constant 0 : i32
    %dma_start3A_167 = arith.constant 0 : i32
    %dma_start3A_168 = tpu.memref_slice %arg8[%dma_start3A_166, %dma_start3A_167] : memref<10240x64xf32, #tpu.memory_space<vmem_shared>> -> memref<10240x64xf32, #tpu.memory_space<vmem_shared>>
    tpu.enqueue_indirect_dma source(%dma_start3A_162 : memref<128x64xf32, #tpu.memory_space<vmem>>) target(%dma_start3A_168 : memref<10240x64xf32, #tpu.memory_space<vmem_shared>>) offsets(%dma_start3A_165 : memref<128xi32, #tpu.memory_space<vmem>>) semaphore(%arg10 : memref<!tpu.dma_semaphore, #tpu.memory_space<semaphore_mem>>) {add = true}
    %dma_start3A_169 = arith.constant 2 : i32
    %dma_start3A_170 = arith.constant 2 : i32
    %dma_start3A_171 = arith.constant 0 : i32
    %dma_start3A_172 = arith.constant 0 : i32
    %dma_start3A_173 = tpu.memref_slice %arg7[%dma_start3A_169, %dma_start3A_171, %dma_start3A_172] : memref<5x128x64xf32, #tpu.memory_space<vmem>> -> memref<1x128x64xf32, #tpu.memory_space<vmem>>
    %dma_start3A_174 = tpu.memref_squeeze %dma_start3A_173 : memref<1x128x64xf32, #tpu.memory_space<vmem>> -> memref<128x64xf32, #tpu.memory_space<vmem>>
    %dma_start3A_175 = arith.constant 0 : i32
    %dma_start3A_176 = tpu.memref_slice %arg6[%dma_start3A_170, %dma_start3A_175] : memref<5x128xi32, #tpu.memory_space<vmem>> -> memref<1x128xi32, #tpu.memory_space<vmem>>
    %dma_start3A_177 = tpu.memref_squeeze %dma_start3A_176 : memref<1x128xi32, #tpu.memory_space<vmem>> -> memref<128xi32, #tpu.memory_space<vmem>>
    %dma_start3A_178 = arith.constant 0 : i32
    %dma_start3A_179 = arith.constant 0 : i32
    %dma_start3A_180 = tpu.memref_slice %arg8[%dma_start3A_178, %dma_start3A_179] : memref<10240x64xf32, #tpu.memory_space<vmem_shared>> -> memref<10240x64xf32, #tpu.memory_space<vmem_shared>>
    tpu.enqueue_indirect_dma source(%dma_start3A_174 : memref<128x64xf32, #tpu.memory_space<vmem>>) target(%dma_start3A_180 : memref<10240x64xf32, #tpu.memory_space<vmem_shared>>) offsets(%dma_start3A_177 : memref<128xi32, #tpu.memory_space<vmem>>) semaphore(%arg10 : memref<!tpu.dma_semaphore, #tpu.memory_space<semaphore_mem>>) {add = true}
    %dma_start3A_181 = arith.constant 3 : i32
    %dma_start3A_182 = arith.constant 3 : i32
    %dma_start3A_183 = arith.constant 0 : i32
    %dma_start3A_184 = arith.constant 0 : i32
    %dma_start3A_185 = tpu.memref_slice %arg7[%dma_start3A_181, %dma_start3A_183, %dma_start3A_184] : memref<5x128x64xf32, #tpu.memory_space<vmem>> -> memref<1x128x64xf32, #tpu.memory_space<vmem>>
    %dma_start3A_186 = tpu.memref_squeeze %dma_start3A_185 : memref<1x128x64xf32, #tpu.memory_space<vmem>> -> memref<128x64xf32, #tpu.memory_space<vmem>>
    %dma_start3A_187 = arith.constant 0 : i32
    %dma_start3A_188 = tpu.memref_slice %arg6[%dma_start3A_182, %dma_start3A_187] : memref<5x128xi32, #tpu.memory_space<vmem>> -> memref<1x128xi32, #tpu.memory_space<vmem>>
    %dma_start3A_189 = tpu.memref_squeeze %dma_start3A_188 : memref<1x128xi32, #tpu.memory_space<vmem>> -> memref<128xi32, #tpu.memory_space<vmem>>
    %dma_start3A_190 = arith.constant 0 : i32
    %dma_start3A_191 = arith.constant 0 : i32
    %dma_start3A_192 = tpu.memref_slice %arg8[%dma_start3A_190, %dma_start3A_191] : memref<10240x64xf32, #tpu.memory_space<vmem_shared>> -> memref<10240x64xf32, #tpu.memory_space<vmem_shared>>
    tpu.enqueue_indirect_dma source(%dma_start3A_186 : memref<128x64xf32, #tpu.memory_space<vmem>>) target(%dma_start3A_192 : memref<10240x64xf32, #tpu.memory_space<vmem_shared>>) offsets(%dma_start3A_189 : memref<128xi32, #tpu.memory_space<vmem>>) semaphore(%arg10 : memref<!tpu.dma_semaphore, #tpu.memory_space<semaphore_mem>>) {add = true}
    %dma_start3A_193 = arith.constant 4 : i32
    %dma_start3A_194 = arith.constant 4 : i32
    %dma_start3A_195 = arith.constant 0 : i32
    %dma_start3A_196 = arith.constant 0 : i32
    %dma_start3A_197 = tpu.memref_slice %arg7[%dma_start3A_193, %dma_start3A_195, %dma_start3A_196] : memref<5x128x64xf32, #tpu.memory_space<vmem>> -> memref<1x128x64xf32, #tpu.memory_space<vmem>>
    %dma_start3A_198 = tpu.memref_squeeze %dma_start3A_197 : memref<1x128x64xf32, #tpu.memory_space<vmem>> -> memref<128x64xf32, #tpu.memory_space<vmem>>
    %dma_start3A_199 = arith.constant 0 : i32
    %dma_start3A_200 = tpu.memref_slice %arg6[%dma_start3A_194, %dma_start3A_199] : memref<5x128xi32, #tpu.memory_space<vmem>> -> memref<1x128xi32, #tpu.memory_space<vmem>>
    %dma_start3A_201 = tpu.memref_squeeze %dma_start3A_200 : memref<1x128xi32, #tpu.memory_space<vmem>> -> memref<128xi32, #tpu.memory_space<vmem>>
    %dma_start3A_202 = arith.constant 0 : i32
    %dma_start3A_203 = arith.constant 0 : i32
    %dma_start3A_204 = tpu.memref_slice %arg8[%dma_start3A_202, %dma_start3A_203] : memref<10240x64xf32, #tpu.memory_space<vmem_shared>> -> memref<10240x64xf32, #tpu.memory_space<vmem_shared>>
    tpu.enqueue_indirect_dma source(%dma_start3A_198 : memref<128x64xf32, #tpu.memory_space<vmem>>) target(%dma_start3A_204 : memref<10240x64xf32, #tpu.memory_space<vmem_shared>>) offsets(%dma_start3A_201 : memref<128xi32, #tpu.memory_space<vmem>>) semaphore(%arg10 : memref<!tpu.dma_semaphore, #tpu.memory_space<semaphore_mem>>) {add = true}
    %dma_wait3A_205 = arith.constant 0 : i32
    %dma_wait3A_206 = arith.constant 0 : i32
    %dma_wait3A_207 = arith.constant 0 : i32
    %dma_wait3A_208 = arith.constant 0 : i32
    %dma_wait3A_209 = tpu.memref_slice %arg7[%dma_wait3A_205, %dma_wait3A_207, %dma_wait3A_208] : memref<5x128x64xf32, #tpu.memory_space<vmem>> -> memref<1x128x64xf32, #tpu.memory_space<vmem>>
    %dma_wait3A_210 = tpu.memref_squeeze %dma_wait3A_209 : memref<1x128x64xf32, #tpu.memory_space<vmem>> -> memref<128x64xf32, #tpu.memory_space<vmem>>
    %dma_wait3A_211 = arith.constant 0 : i32
    %dma_wait3A_212 = tpu.memref_slice %arg6[%dma_wait3A_206, %dma_wait3A_211] : memref<5x128xi32, #tpu.memory_space<vmem>> -> memref<1x128xi32, #tpu.memory_space<vmem>>
    %dma_wait3A_213 = tpu.memref_squeeze %dma_wait3A_212 : memref<1x128xi32, #tpu.memory_space<vmem>> -> memref<128xi32, #tpu.memory_space<vmem>>
    %dma_wait3A_214 = arith.constant 0 : i32
    %dma_wait3A_215 = arith.constant 0 : i32
    %dma_wait3A_216 = tpu.memref_slice %arg8[%dma_wait3A_214, %dma_wait3A_215] : memref<10240x64xf32, #tpu.memory_space<vmem_shared>> -> memref<10240x64xf32, #tpu.memory_space<vmem_shared>>
    tpu.wait_indirect_dma semaphore(%arg10 : memref<!tpu.dma_semaphore, #tpu.memory_space<semaphore_mem>>) src(%dma_wait3A_210 : memref<128x64xf32, #tpu.memory_space<vmem>>) dst(%dma_wait3A_216 : memref<10240x64xf32, #tpu.memory_space<vmem_shared>>)
    %dma_wait3A_217 = arith.constant 1 : i32
    %dma_wait3A_218 = arith.constant 1 : i32
    %dma_wait3A_219 = arith.constant 0 : i32
    %dma_wait3A_220 = arith.constant 0 : i32
    %dma_wait3A_221 = tpu.memref_slice %arg7[%dma_wait3A_217, %dma_wait3A_219, %dma_wait3A_220] : memref<5x128x64xf32, #tpu.memory_space<vmem>> -> memref<1x128x64xf32, #tpu.memory_space<vmem>>
    %dma_wait3A_222 = tpu.memref_squeeze %dma_wait3A_221 : memref<1x128x64xf32, #tpu.memory_space<vmem>> -> memref<128x64xf32, #tpu.memory_space<vmem>>
    %dma_wait3A_223 = arith.constant 0 : i32
    %dma_wait3A_224 = tpu.memref_slice %arg6[%dma_wait3A_218, %dma_wait3A_223] : memref<5x128xi32, #tpu.memory_space<vmem>> -> memref<1x128xi32, #tpu.memory_space<vmem>>
    %dma_wait3A_225 = tpu.memref_squeeze %dma_wait3A_224 : memref<1x128xi32, #tpu.memory_space<vmem>> -> memref<128xi32, #tpu.memory_space<vmem>>
    %dma_wait3A_226 = arith.constant 0 : i32
    %dma_wait3A_227 = arith.constant 0 : i32
    %dma_wait3A_228 = tpu.memref_slice %arg8[%dma_wait3A_226, %dma_wait3A_227] : memref<10240x64xf32, #tpu.memory_space<vmem_shared>> -> memref<10240x64xf32, #tpu.memory_space<vmem_shared>>
    tpu.wait_indirect_dma semaphore(%arg10 : memref<!tpu.dma_semaphore, #tpu.memory_space<semaphore_mem>>) src(%dma_wait3A_222 : memref<128x64xf32, #tpu.memory_space<vmem>>) dst(%dma_wait3A_228 : memref<10240x64xf32, #tpu.memory_space<vmem_shared>>)
    %dma_wait3A_229 = arith.constant 2 : i32
    %dma_wait3A_230 = arith.constant 2 : i32
    %dma_wait3A_231 = arith.constant 0 : i32
    %dma_wait3A_232 = arith.constant 0 : i32
    %dma_wait3A_233 = tpu.memref_slice %arg7[%dma_wait3A_229, %dma_wait3A_231, %dma_wait3A_232] : memref<5x128x64xf32, #tpu.memory_space<vmem>> -> memref<1x128x64xf32, #tpu.memory_space<vmem>>
    %dma_wait3A_234 = tpu.memref_squeeze %dma_wait3A_233 : memref<1x128x64xf32, #tpu.memory_space<vmem>> -> memref<128x64xf32, #tpu.memory_space<vmem>>
    %dma_wait3A_235 = arith.constant 0 : i32
    %dma_wait3A_236 = tpu.memref_slice %arg6[%dma_wait3A_230, %dma_wait3A_235] : memref<5x128xi32, #tpu.memory_space<vmem>> -> memref<1x128xi32, #tpu.memory_space<vmem>>
    %dma_wait3A_237 = tpu.memref_squeeze %dma_wait3A_236 : memref<1x128xi32, #tpu.memory_space<vmem>> -> memref<128xi32, #tpu.memory_space<vmem>>
    %dma_wait3A_238 = arith.constant 0 : i32
    %dma_wait3A_239 = arith.constant 0 : i32
    %dma_wait3A_240 = tpu.memref_slice %arg8[%dma_wait3A_238, %dma_wait3A_239] : memref<10240x64xf32, #tpu.memory_space<vmem_shared>> -> memref<10240x64xf32, #tpu.memory_space<vmem_shared>>
    tpu.wait_indirect_dma semaphore(%arg10 : memref<!tpu.dma_semaphore, #tpu.memory_space<semaphore_mem>>) src(%dma_wait3A_234 : memref<128x64xf32, #tpu.memory_space<vmem>>) dst(%dma_wait3A_240 : memref<10240x64xf32, #tpu.memory_space<vmem_shared>>)
    %dma_wait3A_241 = arith.constant 3 : i32
    %dma_wait3A_242 = arith.constant 3 : i32
    %dma_wait3A_243 = arith.constant 0 : i32
    %dma_wait3A_244 = arith.constant 0 : i32
    %dma_wait3A_245 = tpu.memref_slice %arg7[%dma_wait3A_241, %dma_wait3A_243, %dma_wait3A_244] : memref<5x128x64xf32, #tpu.memory_space<vmem>> -> memref<1x128x64xf32, #tpu.memory_space<vmem>>
    %dma_wait3A_246 = tpu.memref_squeeze %dma_wait3A_245 : memref<1x128x64xf32, #tpu.memory_space<vmem>> -> memref<128x64xf32, #tpu.memory_space<vmem>>
    %dma_wait3A_247 = arith.constant 0 : i32
    %dma_wait3A_248 = tpu.memref_slice %arg6[%dma_wait3A_242, %dma_wait3A_247] : memref<5x128xi32, #tpu.memory_space<vmem>> -> memref<1x128xi32, #tpu.memory_space<vmem>>
    %dma_wait3A_249 = tpu.memref_squeeze %dma_wait3A_248 : memref<1x128xi32, #tpu.memory_space<vmem>> -> memref<128xi32, #tpu.memory_space<vmem>>
    %dma_wait3A_250 = arith.constant 0 : i32
    %dma_wait3A_251 = arith.constant 0 : i32
    %dma_wait3A_252 = tpu.memref_slice %arg8[%dma_wait3A_250, %dma_wait3A_251] : memref<10240x64xf32, #tpu.memory_space<vmem_shared>> -> memref<10240x64xf32, #tpu.memory_space<vmem_shared>>
    tpu.wait_indirect_dma semaphore(%arg10 : memref<!tpu.dma_semaphore, #tpu.memory_space<semaphore_mem>>) src(%dma_wait3A_246 : memref<128x64xf32, #tpu.memory_space<vmem>>) dst(%dma_wait3A_252 : memref<10240x64xf32, #tpu.memory_space<vmem_shared>>)
    %dma_wait3A_253 = arith.constant 4 : i32
    %dma_wait3A_254 = arith.constant 4 : i32
    %dma_wait3A_255 = arith.constant 0 : i32
    %dma_wait3A_256 = arith.constant 0 : i32
    %dma_wait3A_257 = tpu.memref_slice %arg7[%dma_wait3A_253, %dma_wait3A_255, %dma_wait3A_256] : memref<5x128x64xf32, #tpu.memory_space<vmem>> -> memref<1x128x64xf32, #tpu.memory_space<vmem>>
    %dma_wait3A_258 = tpu.memref_squeeze %dma_wait3A_257 : memref<1x128x64xf32, #tpu.memory_space<vmem>> -> memref<128x64xf32, #tpu.memory_space<vmem>>
    %dma_wait3A_259 = arith.constant 0 : i32
    %dma_wait3A_260 = tpu.memref_slice %arg6[%dma_wait3A_254, %dma_wait3A_259] : memref<5x128xi32, #tpu.memory_space<vmem>> -> memref<1x128xi32, #tpu.memory_space<vmem>>
    %dma_wait3A_261 = tpu.memref_squeeze %dma_wait3A_260 : memref<1x128xi32, #tpu.memory_space<vmem>> -> memref<128xi32, #tpu.memory_space<vmem>>
    %dma_wait3A_262 = arith.constant 0 : i32
    %dma_wait3A_263 = arith.constant 0 : i32
    %dma_wait3A_264 = tpu.memref_slice %arg8[%dma_wait3A_262, %dma_wait3A_263] : memref<10240x64xf32, #tpu.memory_space<vmem_shared>> -> memref<10240x64xf32, #tpu.memory_space<vmem_shared>>
    tpu.wait_indirect_dma semaphore(%arg10 : memref<!tpu.dma_semaphore, #tpu.memory_space<semaphore_mem>>) src(%dma_wait3A_258 : memref<128x64xf32, #tpu.memory_space<vmem>>) dst(%dma_wait3A_264 : memref<10240x64xf32, #tpu.memory_space<vmem_shared>>)
    %barrier3A_265 = arith.constant 0 : index
    tpu.barrier barrier_id(%barrier3A_265)
    "tpu.region"() ({
      %run_scoped3A = tpu.sem_alloc : memref<!tpu.dma_semaphore, #tpu.memory_space<semaphore_mem>>
      %dma_start3A_266 = arith.constant 0 : i32
      %dma_start3A_267 = tpu.memref_slice %arg5[%arg0, %mul3A_2, %dma_start3A_266] : memref<2x10240x64xf32, #tpu.memory_space<hbm>> -> memref<1x640x64xf32, #tpu.memory_space<hbm>>
      %dma_start3A_268 = tpu.memref_squeeze %dma_start3A_267 : memref<1x640x64xf32, #tpu.memory_space<hbm>> -> memref<640x64xf32, #tpu.memory_space<hbm>>
      %dma_start3A_269 = arith.constant 0 : i32
      %dma_start3A_270 = tpu.memref_slice %arg8[%mul3A_2, %dma_start3A_269] : memref<10240x64xf32, #tpu.memory_space<vmem_shared>> -> memref<640x64xf32, #tpu.memory_space<vmem_shared>>
      tpu.enqueue_dma source(%dma_start3A_270 : memref<640x64xf32, #tpu.memory_space<vmem_shared>>) target(%dma_start3A_268 : memref<640x64xf32, #tpu.memory_space<hbm>>) target_semaphore(%run_scoped3A : memref<!tpu.dma_semaphore, #tpu.memory_space<semaphore_mem>>)
      %dma_wait3A_271 = arith.constant 0 : i32
      %dma_wait3A_272 = tpu.memref_slice %arg5[%arg0, %mul3A_2, %dma_wait3A_271] : memref<2x10240x64xf32, #tpu.memory_space<hbm>> -> memref<1x640x64xf32, #tpu.memory_space<hbm>>
      %dma_wait3A_273 = tpu.memref_squeeze %dma_wait3A_272 : memref<1x640x64xf32, #tpu.memory_space<hbm>> -> memref<640x64xf32, #tpu.memory_space<hbm>>
      %dma_wait3A_274 = arith.constant 0 : i32
      %dma_wait3A_275 = tpu.memref_slice %arg8[%mul3A_2, %dma_wait3A_274] : memref<10240x64xf32, #tpu.memory_space<vmem_shared>> -> memref<640x64xf32, #tpu.memory_space<vmem_shared>>
      tpu.wait_dma2 semaphore(%run_scoped3A : memref<!tpu.dma_semaphore, #tpu.memory_space<semaphore_mem>>) src(%dma_wait3A_275 : memref<640x64xf32, #tpu.memory_space<vmem_shared>>) dst(%dma_wait3A_273 : memref<640x64xf32, #tpu.memory_space<hbm>>)
      tpu.yield
    }) : () -> ()
    return
  }
}

module attributes {stable_mosaic.version = 14 : i64} {
  func.func @_msg1_body(%arg0: i32, %arg1: memref<2048x8xf32, #tpu.memory_space<vmem>>, %arg2: memref<2048x16xf32, #tpu.memory_space<vmem>>, %arg3: memref<16x64xf32, #tpu.memory_space<vmem>>, %arg4: memref<1x64xf32, #tpu.memory_space<vmem>>, %arg5: memref<8x128xf32, #tpu.memory_space<vmem>>, %arg6: memref<1x128xf32, #tpu.memory_space<vmem>>, %arg7: memref<128x4096xf32, #tpu.memory_space<vmem>>, %arg8: memref<1x4096xf32, #tpu.memory_space<vmem>>, %arg9: memref<64x4096xf32, #tpu.memory_space<vmem>>, %arg10: memref<512x64xf32, #tpu.memory_space<vmem>>, %arg11: memref<2048x64xf32, #tpu.memory_space<vmem>>, %arg12: memref<2048x128xf32, #tpu.memory_space<vmem>>, %arg13: memref<2048x512xf32, #tpu.memory_space<vmem>>) attributes {dimension_semantics = [#tpu.dimension_semantics<arbitrary>], iteration_bounds = array<i64: 10>, scalar_prefetch = 0 : i64, scratch_operands = 2 : i64, tpu.core_type = #tpu.core_type<tc>, window_params = [{transform_indices = @transform_0, window_bounds = array<i64: 2048, 8>}, {transform_indices = @transform_1, window_bounds = array<i64: 2048, 16>}, {pipeline_mode = #tpu.pipeline_mode<synchronous>, transform_indices = @transform_2, window_bounds = array<i64: 16, 64>}, {pipeline_mode = #tpu.pipeline_mode<synchronous>, transform_indices = @transform_3, window_bounds = array<i64: 1, 64>}, {pipeline_mode = #tpu.pipeline_mode<synchronous>, transform_indices = @transform_4, window_bounds = array<i64: 8, 128>}, {pipeline_mode = #tpu.pipeline_mode<synchronous>, transform_indices = @transform_5, window_bounds = array<i64: 1, 128>}, {pipeline_mode = #tpu.pipeline_mode<synchronous>, transform_indices = @transform_6, window_bounds = array<i64: 128, 4096>}, {pipeline_mode = #tpu.pipeline_mode<synchronous>, transform_indices = @transform_7, window_bounds = array<i64: 1, 4096>}, {pipeline_mode = #tpu.pipeline_mode<synchronous>, transform_indices = @transform_8, window_bounds = array<i64: 64, 4096>}, {pipeline_mode = #tpu.pipeline_mode<synchronous>, transform_indices = @transform_9, window_bounds = array<i64: 512, 64>}, {transform_indices = @transform_10, window_bounds = array<i64: 2048, 64>}]} {
    %get3A = arith.constant 0 : index
    %get3A_0 = arith.constant 0 : index
    %get3A_1 = vector.load %arg2[%get3A, %get3A_0] : memref<2048x16xf32, #tpu.memory_space<vmem>>, vector<2048x16xf32>
    %get3A_2 = arith.constant 0 : index
    %get3A_3 = arith.constant 0 : index
    %get3A_4 = vector.load %arg3[%get3A_2, %get3A_3] : memref<16x64xf32, #tpu.memory_space<vmem>>, vector<16x64xf32>
    %dot_general3A = arith.constant dense<0.000000e+00> : vector<2048x64xf32>
    %dot_general3A_5 = tpu.matmul %get3A_1, %get3A_4, %dot_general3A {dimension_numbers = #tpu.dot_dimension_numbers<[1], [0], [0], [1], [0, 0, 1, 1], [], []>, transpose_lhs_hint = false} : vector<2048x16xf32>, vector<16x64xf32>, vector<2048x64xf32> -> vector<2048x64xf32>
    %get3A_6 = arith.constant 0 : index
    %get3A_7 = arith.constant 0 : index
    %get3A_8 = vector.load %arg4[%get3A_6, %get3A_7] : memref<1x64xf32, #tpu.memory_space<vmem>>, vector<1x64xf32>
    %add3A = vector.broadcast %get3A_8 : vector<1x64xf32> to vector<2048x64xf32>
    %add3A_9 = arith.addf %dot_general3A_5, %add3A : vector<2048x64xf32>
    %max3A = arith.constant 0.000000e+00 : f32
    %max3A_10 = vector.broadcast %max3A : f32 to vector<2048x64xf32>
    %max3A_11 = arith.maximumf %add3A_9, %max3A_10 : vector<2048x64xf32>
    %get3A_12 = arith.constant 0 : index
    %get3A_13 = arith.constant 0 : index
    %get3A_14 = vector.load %arg1[%get3A_12, %get3A_13] : memref<2048x8xf32, #tpu.memory_space<vmem>>, vector<2048x8xf32>
    %get3A_15 = arith.constant 0 : index
    %get3A_16 = arith.constant 0 : index
    %get3A_17 = vector.load %arg5[%get3A_15, %get3A_16] : memref<8x128xf32, #tpu.memory_space<vmem>>, vector<8x128xf32>
    %dot_general3A_18 = arith.constant dense<0.000000e+00> : vector<2048x128xf32>
    %dot_general3A_19 = tpu.matmul %get3A_14, %get3A_17, %dot_general3A_18 {dimension_numbers = #tpu.dot_dimension_numbers<[1], [0], [0], [1], [0, 0, 1, 1], [], []>, transpose_lhs_hint = false} : vector<2048x8xf32>, vector<8x128xf32>, vector<2048x128xf32> -> vector<2048x128xf32>
    %get3A_20 = arith.constant 0 : index
    %get3A_21 = arith.constant 0 : index
    %get3A_22 = vector.load %arg6[%get3A_20, %get3A_21] : memref<1x128xf32, #tpu.memory_space<vmem>>, vector<1x128xf32>
    %add3A_23 = vector.broadcast %get3A_22 : vector<1x128xf32> to vector<2048x128xf32>
    %add3A_24 = arith.addf %dot_general3A_19, %add3A_23 : vector<2048x128xf32>
    %max3A_25 = arith.constant 0.000000e+00 : f32
    %max3A_26 = vector.broadcast %max3A_25 : f32 to vector<2048x128xf32>
    %max3A_27 = arith.maximumf %add3A_24, %max3A_26 : vector<2048x128xf32>
    %swap3A = arith.constant 0 : index
    %swap3A_28 = arith.constant 0 : index
    %swap3A_29 = vector.load %arg12[%swap3A, %swap3A_28] : memref<2048x128xf32, #tpu.memory_space<vmem>>, vector<2048x128xf32>
    tpu.vector_store %arg12[%swap3A, %swap3A_28], %max3A_27 {strides = array<i32>} : memref<2048x128xf32, #tpu.memory_space<vmem>>, vector<2048x128xf32>,
    %get3A_30 = arith.constant 0 : index
    %get3A_31 = arith.constant 0 : index
    %get3A_32 = vector.load %arg12[%get3A_30, %get3A_31] : memref<2048x128xf32, #tpu.memory_space<vmem>>, vector<2048x128xf32>
    %get3A_33 = arith.constant 0 : index
    %get3A_34 = arith.constant 0 : index
    %get3A_35 = vector.load %arg7[%get3A_33, %get3A_34] : memref<128x4096xf32, #tpu.memory_space<vmem>>, vector<128x512xf32>
    %dot_general3A_36 = arith.constant dense<0.000000e+00> : vector<2048x512xf32>
    %dot_general3A_37 = tpu.matmul %get3A_32, %get3A_35, %dot_general3A_36 {dimension_numbers = #tpu.dot_dimension_numbers<[1], [0], [0], [1], [0, 0, 1, 1], [], []>, transpose_lhs_hint = false} : vector<2048x128xf32>, vector<128x512xf32>, vector<2048x512xf32> -> vector<2048x512xf32>
    %get3A_38 = arith.constant 0 : index
    %get3A_39 = arith.constant 0 : index
    %get3A_40 = vector.load %arg8[%get3A_38, %get3A_39] : memref<1x4096xf32, #tpu.memory_space<vmem>>, vector<1x512xf32>
    %add3A_41 = vector.broadcast %get3A_40 : vector<1x512xf32> to vector<2048x512xf32>
    %add3A_42 = arith.addf %dot_general3A_37, %add3A_41 : vector<2048x512xf32>
    %get3A_43 = arith.constant 0 : index
    %get3A_44 = arith.constant 0 : index
    %get3A_45 = vector.load %arg9[%get3A_43, %get3A_44] : memref<64x4096xf32, #tpu.memory_space<vmem>>, vector<64x512xf32>
    %dot_general3A_46 = arith.constant dense<0.000000e+00> : vector<2048x512xf32>
    %dot_general3A_47 = tpu.matmul %max3A_11, %get3A_45, %dot_general3A_46 {dimension_numbers = #tpu.dot_dimension_numbers<[1], [0], [0], [1], [0, 0, 1, 1], [], []>, transpose_lhs_hint = false} : vector<2048x64xf32>, vector<64x512xf32>, vector<2048x512xf32> -> vector<2048x512xf32>
    %mul3A = arith.mulf %add3A_42, %dot_general3A_47 : vector<2048x512xf32>
    %swap3A_48 = arith.constant 0 : index
    %swap3A_49 = arith.constant 0 : index
    %swap3A_50 = vector.load %arg13[%swap3A_48, %swap3A_49] : memref<2048x512xf32, #tpu.memory_space<vmem>>, vector<2048x512xf32>
    tpu.vector_store %arg13[%swap3A_48, %swap3A_49], %mul3A {strides = array<i32>} : memref<2048x512xf32, #tpu.memory_space<vmem>>, vector<2048x512xf32>,
    %get3A_51 = arith.constant 0 : index
    %get3A_52 = arith.constant 0 : index
    %get3A_53 = vector.load %arg12[%get3A_51, %get3A_52] : memref<2048x128xf32, #tpu.memory_space<vmem>>, vector<2048x128xf32>
    %get3A_54 = arith.constant 0 : index
    %get3A_55 = arith.constant 512 : index
    %get3A_56 = vector.load %arg7[%get3A_54, %get3A_55] : memref<128x4096xf32, #tpu.memory_space<vmem>>, vector<128x512xf32>
    %dot_general3A_57 = arith.constant dense<0.000000e+00> : vector<2048x512xf32>
    %dot_general3A_58 = tpu.matmul %get3A_53, %get3A_56, %dot_general3A_57 {dimension_numbers = #tpu.dot_dimension_numbers<[1], [0], [0], [1], [0, 0, 1, 1], [], []>, transpose_lhs_hint = false} : vector<2048x128xf32>, vector<128x512xf32>, vector<2048x512xf32> -> vector<2048x512xf32>
    %get3A_59 = arith.constant 0 : index
    %get3A_60 = arith.constant 512 : index
    %get3A_61 = vector.load %arg8[%get3A_59, %get3A_60] : memref<1x4096xf32, #tpu.memory_space<vmem>>, vector<1x512xf32>
    %add3A_62 = vector.broadcast %get3A_61 : vector<1x512xf32> to vector<2048x512xf32>
    %add3A_63 = arith.addf %dot_general3A_58, %add3A_62 : vector<2048x512xf32>
    %get3A_64 = arith.constant 0 : index
    %get3A_65 = arith.constant 512 : index
    %get3A_66 = vector.load %arg9[%get3A_64, %get3A_65] : memref<64x4096xf32, #tpu.memory_space<vmem>>, vector<64x512xf32>
    %dot_general3A_67 = arith.constant dense<0.000000e+00> : vector<2048x512xf32>
    %dot_general3A_68 = tpu.matmul %max3A_11, %get3A_66, %dot_general3A_67 {dimension_numbers = #tpu.dot_dimension_numbers<[1], [0], [0], [1], [0, 0, 1, 1], [], []>, transpose_lhs_hint = false} : vector<2048x64xf32>, vector<64x512xf32>, vector<2048x512xf32> -> vector<2048x512xf32>
    %get3A_69 = arith.constant 0 : index
    %get3A_70 = arith.constant 0 : index
    %get3A_71 = vector.load %arg13[%get3A_69, %get3A_70] : memref<2048x512xf32, #tpu.memory_space<vmem>>, vector<2048x512xf32>
    %mul3A_72 = arith.mulf %add3A_63, %dot_general3A_68 : vector<2048x512xf32>
    %add3A_73 = arith.addf %get3A_71, %mul3A_72 : vector<2048x512xf32>
    %swap3A_74 = arith.constant 0 : index
    %swap3A_75 = arith.constant 0 : index
    %swap3A_76 = vector.load %arg13[%swap3A_74, %swap3A_75] : memref<2048x512xf32, #tpu.memory_space<vmem>>, vector<2048x512xf32>
    tpu.vector_store %arg13[%swap3A_74, %swap3A_75], %add3A_73 {strides = array<i32>} : memref<2048x512xf32, #tpu.memory_space<vmem>>, vector<2048x512xf32>,
    %get3A_77 = arith.constant 0 : index
    %get3A_78 = arith.constant 0 : index
    %get3A_79 = vector.load %arg12[%get3A_77, %get3A_78] : memref<2048x128xf32, #tpu.memory_space<vmem>>, vector<2048x128xf32>
    %get3A_80 = arith.constant 0 : index
    %get3A_81 = arith.constant 1024 : index
    %get3A_82 = vector.load %arg7[%get3A_80, %get3A_81] : memref<128x4096xf32, #tpu.memory_space<vmem>>, vector<128x512xf32>
    %dot_general3A_83 = arith.constant dense<0.000000e+00> : vector<2048x512xf32>
    %dot_general3A_84 = tpu.matmul %get3A_79, %get3A_82, %dot_general3A_83 {dimension_numbers = #tpu.dot_dimension_numbers<[1], [0], [0], [1], [0, 0, 1, 1], [], []>, transpose_lhs_hint = false} : vector<2048x128xf32>, vector<128x512xf32>, vector<2048x512xf32> -> vector<2048x512xf32>
    %get3A_85 = arith.constant 0 : index
    %get3A_86 = arith.constant 1024 : index
    %get3A_87 = vector.load %arg8[%get3A_85, %get3A_86] : memref<1x4096xf32, #tpu.memory_space<vmem>>, vector<1x512xf32>
    %add3A_88 = vector.broadcast %get3A_87 : vector<1x512xf32> to vector<2048x512xf32>
    %add3A_89 = arith.addf %dot_general3A_84, %add3A_88 : vector<2048x512xf32>
    %get3A_90 = arith.constant 0 : index
    %get3A_91 = arith.constant 1024 : index
    %get3A_92 = vector.load %arg9[%get3A_90, %get3A_91] : memref<64x4096xf32, #tpu.memory_space<vmem>>, vector<64x512xf32>
    %dot_general3A_93 = arith.constant dense<0.000000e+00> : vector<2048x512xf32>
    %dot_general3A_94 = tpu.matmul %max3A_11, %get3A_92, %dot_general3A_93 {dimension_numbers = #tpu.dot_dimension_numbers<[1], [0], [0], [1], [0, 0, 1, 1], [], []>, transpose_lhs_hint = false} : vector<2048x64xf32>, vector<64x512xf32>, vector<2048x512xf32> -> vector<2048x512xf32>
    %get3A_95 = arith.constant 0 : index
    %get3A_96 = arith.constant 0 : index
    %get3A_97 = vector.load %arg13[%get3A_95, %get3A_96] : memref<2048x512xf32, #tpu.memory_space<vmem>>, vector<2048x512xf32>
    %mul3A_98 = arith.mulf %add3A_89, %dot_general3A_94 : vector<2048x512xf32>
    %add3A_99 = arith.addf %get3A_97, %mul3A_98 : vector<2048x512xf32>
    %swap3A_100 = arith.constant 0 : index
    %swap3A_101 = arith.constant 0 : index
    %swap3A_102 = vector.load %arg13[%swap3A_100, %swap3A_101] : memref<2048x512xf32, #tpu.memory_space<vmem>>, vector<2048x512xf32>
    tpu.vector_store %arg13[%swap3A_100, %swap3A_101], %add3A_99 {strides = array<i32>} : memref<2048x512xf32, #tpu.memory_space<vmem>>, vector<2048x512xf32>,
    %get3A_103 = arith.constant 0 : index
    %get3A_104 = arith.constant 0 : index
    %get3A_105 = vector.load %arg12[%get3A_103, %get3A_104] : memref<2048x128xf32, #tpu.memory_space<vmem>>, vector<2048x128xf32>
    %get3A_106 = arith.constant 0 : index
    %get3A_107 = arith.constant 1536 : index
    %get3A_108 = vector.load %arg7[%get3A_106, %get3A_107] : memref<128x4096xf32, #tpu.memory_space<vmem>>, vector<128x512xf32>
    %dot_general3A_109 = arith.constant dense<0.000000e+00> : vector<2048x512xf32>
    %dot_general3A_110 = tpu.matmul %get3A_105, %get3A_108, %dot_general3A_109 {dimension_numbers = #tpu.dot_dimension_numbers<[1], [0], [0], [1], [0, 0, 1, 1], [], []>, transpose_lhs_hint = false} : vector<2048x128xf32>, vector<128x512xf32>, vector<2048x512xf32> -> vector<2048x512xf32>
    %get3A_111 = arith.constant 0 : index
    %get3A_112 = arith.constant 1536 : index
    %get3A_113 = vector.load %arg8[%get3A_111, %get3A_112] : memref<1x4096xf32, #tpu.memory_space<vmem>>, vector<1x512xf32>
    %add3A_114 = vector.broadcast %get3A_113 : vector<1x512xf32> to vector<2048x512xf32>
    %add3A_115 = arith.addf %dot_general3A_110, %add3A_114 : vector<2048x512xf32>
    %get3A_116 = arith.constant 0 : index
    %get3A_117 = arith.constant 1536 : index
    %get3A_118 = vector.load %arg9[%get3A_116, %get3A_117] : memref<64x4096xf32, #tpu.memory_space<vmem>>, vector<64x512xf32>
    %dot_general3A_119 = arith.constant dense<0.000000e+00> : vector<2048x512xf32>
    %dot_general3A_120 = tpu.matmul %max3A_11, %get3A_118, %dot_general3A_119 {dimension_numbers = #tpu.dot_dimension_numbers<[1], [0], [0], [1], [0, 0, 1, 1], [], []>, transpose_lhs_hint = false} : vector<2048x64xf32>, vector<64x512xf32>, vector<2048x512xf32> -> vector<2048x512xf32>
    %get3A_121 = arith.constant 0 : index
    %get3A_122 = arith.constant 0 : index
    %get3A_123 = vector.load %arg13[%get3A_121, %get3A_122] : memref<2048x512xf32, #tpu.memory_space<vmem>>, vector<2048x512xf32>
    %mul3A_124 = arith.mulf %add3A_115, %dot_general3A_120 : vector<2048x512xf32>
    %add3A_125 = arith.addf %get3A_123, %mul3A_124 : vector<2048x512xf32>
    %swap3A_126 = arith.constant 0 : index
    %swap3A_127 = arith.constant 0 : index
    %swap3A_128 = vector.load %arg13[%swap3A_126, %swap3A_127] : memref<2048x512xf32, #tpu.memory_space<vmem>>, vector<2048x512xf32>
    tpu.vector_store %arg13[%swap3A_126, %swap3A_127], %add3A_125 {strides = array<i32>} : memref<2048x512xf32, #tpu.memory_space<vmem>>, vector<2048x512xf32>,
    %get3A_129 = arith.constant 0 : index
    %get3A_130 = arith.constant 0 : index
    %get3A_131 = vector.load %arg12[%get3A_129, %get3A_130] : memref<2048x128xf32, #tpu.memory_space<vmem>>, vector<2048x128xf32>
    %get3A_132 = arith.constant 0 : index
    %get3A_133 = arith.constant 2048 : index
    %get3A_134 = vector.load %arg7[%get3A_132, %get3A_133] : memref<128x4096xf32, #tpu.memory_space<vmem>>, vector<128x512xf32>
    %dot_general3A_135 = arith.constant dense<0.000000e+00> : vector<2048x512xf32>
    %dot_general3A_136 = tpu.matmul %get3A_131, %get3A_134, %dot_general3A_135 {dimension_numbers = #tpu.dot_dimension_numbers<[1], [0], [0], [1], [0, 0, 1, 1], [], []>, transpose_lhs_hint = false} : vector<2048x128xf32>, vector<128x512xf32>, vector<2048x512xf32> -> vector<2048x512xf32>
    %get3A_137 = arith.constant 0 : index
    %get3A_138 = arith.constant 2048 : index
    %get3A_139 = vector.load %arg8[%get3A_137, %get3A_138] : memref<1x4096xf32, #tpu.memory_space<vmem>>, vector<1x512xf32>
    %add3A_140 = vector.broadcast %get3A_139 : vector<1x512xf32> to vector<2048x512xf32>
    %add3A_141 = arith.addf %dot_general3A_136, %add3A_140 : vector<2048x512xf32>
    %get3A_142 = arith.constant 0 : index
    %get3A_143 = arith.constant 2048 : index
    %get3A_144 = vector.load %arg9[%get3A_142, %get3A_143] : memref<64x4096xf32, #tpu.memory_space<vmem>>, vector<64x512xf32>
    %dot_general3A_145 = arith.constant dense<0.000000e+00> : vector<2048x512xf32>
    %dot_general3A_146 = tpu.matmul %max3A_11, %get3A_144, %dot_general3A_145 {dimension_numbers = #tpu.dot_dimension_numbers<[1], [0], [0], [1], [0, 0, 1, 1], [], []>, transpose_lhs_hint = false} : vector<2048x64xf32>, vector<64x512xf32>, vector<2048x512xf32> -> vector<2048x512xf32>
    %get3A_147 = arith.constant 0 : index
    %get3A_148 = arith.constant 0 : index
    %get3A_149 = vector.load %arg13[%get3A_147, %get3A_148] : memref<2048x512xf32, #tpu.memory_space<vmem>>, vector<2048x512xf32>
    %mul3A_150 = arith.mulf %add3A_141, %dot_general3A_146 : vector<2048x512xf32>
    %add3A_151 = arith.addf %get3A_149, %mul3A_150 : vector<2048x512xf32>
    %swap3A_152 = arith.constant 0 : index
    %swap3A_153 = arith.constant 0 : index
    %swap3A_154 = vector.load %arg13[%swap3A_152, %swap3A_153] : memref<2048x512xf32, #tpu.memory_space<vmem>>, vector<2048x512xf32>
    tpu.vector_store %arg13[%swap3A_152, %swap3A_153], %add3A_151 {strides = array<i32>} : memref<2048x512xf32, #tpu.memory_space<vmem>>, vector<2048x512xf32>,
    %get3A_155 = arith.constant 0 : index
    %get3A_156 = arith.constant 0 : index
    %get3A_157 = vector.load %arg12[%get3A_155, %get3A_156] : memref<2048x128xf32, #tpu.memory_space<vmem>>, vector<2048x128xf32>
    %get3A_158 = arith.constant 0 : index
    %get3A_159 = arith.constant 2560 : index
    %get3A_160 = vector.load %arg7[%get3A_158, %get3A_159] : memref<128x4096xf32, #tpu.memory_space<vmem>>, vector<128x512xf32>
    %dot_general3A_161 = arith.constant dense<0.000000e+00> : vector<2048x512xf32>
    %dot_general3A_162 = tpu.matmul %get3A_157, %get3A_160, %dot_general3A_161 {dimension_numbers = #tpu.dot_dimension_numbers<[1], [0], [0], [1], [0, 0, 1, 1], [], []>, transpose_lhs_hint = false} : vector<2048x128xf32>, vector<128x512xf32>, vector<2048x512xf32> -> vector<2048x512xf32>
    %get3A_163 = arith.constant 0 : index
    %get3A_164 = arith.constant 2560 : index
    %get3A_165 = vector.load %arg8[%get3A_163, %get3A_164] : memref<1x4096xf32, #tpu.memory_space<vmem>>, vector<1x512xf32>
    %add3A_166 = vector.broadcast %get3A_165 : vector<1x512xf32> to vector<2048x512xf32>
    %add3A_167 = arith.addf %dot_general3A_162, %add3A_166 : vector<2048x512xf32>
    %get3A_168 = arith.constant 0 : index
    %get3A_169 = arith.constant 2560 : index
    %get3A_170 = vector.load %arg9[%get3A_168, %get3A_169] : memref<64x4096xf32, #tpu.memory_space<vmem>>, vector<64x512xf32>
    %dot_general3A_171 = arith.constant dense<0.000000e+00> : vector<2048x512xf32>
    %dot_general3A_172 = tpu.matmul %max3A_11, %get3A_170, %dot_general3A_171 {dimension_numbers = #tpu.dot_dimension_numbers<[1], [0], [0], [1], [0, 0, 1, 1], [], []>, transpose_lhs_hint = false} : vector<2048x64xf32>, vector<64x512xf32>, vector<2048x512xf32> -> vector<2048x512xf32>
    %get3A_173 = arith.constant 0 : index
    %get3A_174 = arith.constant 0 : index
    %get3A_175 = vector.load %arg13[%get3A_173, %get3A_174] : memref<2048x512xf32, #tpu.memory_space<vmem>>, vector<2048x512xf32>
    %mul3A_176 = arith.mulf %add3A_167, %dot_general3A_172 : vector<2048x512xf32>
    %add3A_177 = arith.addf %get3A_175, %mul3A_176 : vector<2048x512xf32>
    %swap3A_178 = arith.constant 0 : index
    %swap3A_179 = arith.constant 0 : index
    %swap3A_180 = vector.load %arg13[%swap3A_178, %swap3A_179] : memref<2048x512xf32, #tpu.memory_space<vmem>>, vector<2048x512xf32>
    tpu.vector_store %arg13[%swap3A_178, %swap3A_179], %add3A_177 {strides = array<i32>} : memref<2048x512xf32, #tpu.memory_space<vmem>>, vector<2048x512xf32>,
    %get3A_181 = arith.constant 0 : index
    %get3A_182 = arith.constant 0 : index
    %get3A_183 = vector.load %arg12[%get3A_181, %get3A_182] : memref<2048x128xf32, #tpu.memory_space<vmem>>, vector<2048x128xf32>
    %get3A_184 = arith.constant 0 : index
    %get3A_185 = arith.constant 3072 : index
    %get3A_186 = vector.load %arg7[%get3A_184, %get3A_185] : memref<128x4096xf32, #tpu.memory_space<vmem>>, vector<128x512xf32>
    %dot_general3A_187 = arith.constant dense<0.000000e+00> : vector<2048x512xf32>
    %dot_general3A_188 = tpu.matmul %get3A_183, %get3A_186, %dot_general3A_187 {dimension_numbers = #tpu.dot_dimension_numbers<[1], [0], [0], [1], [0, 0, 1, 1], [], []>, transpose_lhs_hint = false} : vector<2048x128xf32>, vector<128x512xf32>, vector<2048x512xf32> -> vector<2048x512xf32>
    %get3A_189 = arith.constant 0 : index
    %get3A_190 = arith.constant 3072 : index
    %get3A_191 = vector.load %arg8[%get3A_189, %get3A_190] : memref<1x4096xf32, #tpu.memory_space<vmem>>, vector<1x512xf32>
    %add3A_192 = vector.broadcast %get3A_191 : vector<1x512xf32> to vector<2048x512xf32>
    %add3A_193 = arith.addf %dot_general3A_188, %add3A_192 : vector<2048x512xf32>
    %get3A_194 = arith.constant 0 : index
    %get3A_195 = arith.constant 3072 : index
    %get3A_196 = vector.load %arg9[%get3A_194, %get3A_195] : memref<64x4096xf32, #tpu.memory_space<vmem>>, vector<64x512xf32>
    %dot_general3A_197 = arith.constant dense<0.000000e+00> : vector<2048x512xf32>
    %dot_general3A_198 = tpu.matmul %max3A_11, %get3A_196, %dot_general3A_197 {dimension_numbers = #tpu.dot_dimension_numbers<[1], [0], [0], [1], [0, 0, 1, 1], [], []>, transpose_lhs_hint = false} : vector<2048x64xf32>, vector<64x512xf32>, vector<2048x512xf32> -> vector<2048x512xf32>
    %get3A_199 = arith.constant 0 : index
    %get3A_200 = arith.constant 0 : index
    %get3A_201 = vector.load %arg13[%get3A_199, %get3A_200] : memref<2048x512xf32, #tpu.memory_space<vmem>>, vector<2048x512xf32>
    %mul3A_202 = arith.mulf %add3A_193, %dot_general3A_198 : vector<2048x512xf32>
    %add3A_203 = arith.addf %get3A_201, %mul3A_202 : vector<2048x512xf32>
    %swap3A_204 = arith.constant 0 : index
    %swap3A_205 = arith.constant 0 : index
    %swap3A_206 = vector.load %arg13[%swap3A_204, %swap3A_205] : memref<2048x512xf32, #tpu.memory_space<vmem>>, vector<2048x512xf32>
    tpu.vector_store %arg13[%swap3A_204, %swap3A_205], %add3A_203 {strides = array<i32>} : memref<2048x512xf32, #tpu.memory_space<vmem>>, vector<2048x512xf32>,
    %get3A_207 = arith.constant 0 : index
    %get3A_208 = arith.constant 0 : index
    %get3A_209 = vector.load %arg12[%get3A_207, %get3A_208] : memref<2048x128xf32, #tpu.memory_space<vmem>>, vector<2048x128xf32>
    %get3A_210 = arith.constant 0 : index
    %get3A_211 = arith.constant 3584 : index
    %get3A_212 = vector.load %arg7[%get3A_210, %get3A_211] : memref<128x4096xf32, #tpu.memory_space<vmem>>, vector<128x512xf32>
    %dot_general3A_213 = arith.constant dense<0.000000e+00> : vector<2048x512xf32>
    %dot_general3A_214 = tpu.matmul %get3A_209, %get3A_212, %dot_general3A_213 {dimension_numbers = #tpu.dot_dimension_numbers<[1], [0], [0], [1], [0, 0, 1, 1], [], []>, transpose_lhs_hint = false} : vector<2048x128xf32>, vector<128x512xf32>, vector<2048x512xf32> -> vector<2048x512xf32>
    %get3A_215 = arith.constant 0 : index
    %get3A_216 = arith.constant 3584 : index
    %get3A_217 = vector.load %arg8[%get3A_215, %get3A_216] : memref<1x4096xf32, #tpu.memory_space<vmem>>, vector<1x512xf32>
    %add3A_218 = vector.broadcast %get3A_217 : vector<1x512xf32> to vector<2048x512xf32>
    %add3A_219 = arith.addf %dot_general3A_214, %add3A_218 : vector<2048x512xf32>
    %get3A_220 = arith.constant 0 : index
    %get3A_221 = arith.constant 3584 : index
    %get3A_222 = vector.load %arg9[%get3A_220, %get3A_221] : memref<64x4096xf32, #tpu.memory_space<vmem>>, vector<64x512xf32>
    %dot_general3A_223 = arith.constant dense<0.000000e+00> : vector<2048x512xf32>
    %dot_general3A_224 = tpu.matmul %max3A_11, %get3A_222, %dot_general3A_223 {dimension_numbers = #tpu.dot_dimension_numbers<[1], [0], [0], [1], [0, 0, 1, 1], [], []>, transpose_lhs_hint = false} : vector<2048x64xf32>, vector<64x512xf32>, vector<2048x512xf32> -> vector<2048x512xf32>
    %get3A_225 = arith.constant 0 : index
    %get3A_226 = arith.constant 0 : index
    %get3A_227 = vector.load %arg13[%get3A_225, %get3A_226] : memref<2048x512xf32, #tpu.memory_space<vmem>>, vector<2048x512xf32>
    %mul3A_228 = arith.mulf %add3A_219, %dot_general3A_224 : vector<2048x512xf32>
    %add3A_229 = arith.addf %get3A_227, %mul3A_228 : vector<2048x512xf32>
    %swap3A_230 = arith.constant 0 : index
    %swap3A_231 = arith.constant 0 : index
    %swap3A_232 = vector.load %arg13[%swap3A_230, %swap3A_231] : memref<2048x512xf32, #tpu.memory_space<vmem>>, vector<2048x512xf32>
    tpu.vector_store %arg13[%swap3A_230, %swap3A_231], %add3A_229 {strides = array<i32>} : memref<2048x512xf32, #tpu.memory_space<vmem>>, vector<2048x512xf32>,
    %get3A_233 = arith.constant 0 : index
    %get3A_234 = arith.constant 0 : index
    %get3A_235 = vector.load %arg13[%get3A_233, %get3A_234] : memref<2048x512xf32, #tpu.memory_space<vmem>>, vector<2048x512xf32>
    %get3A_236 = arith.constant 0 : index
    %get3A_237 = arith.constant 0 : index
    %get3A_238 = vector.load %arg10[%get3A_236, %get3A_237] : memref<512x64xf32, #tpu.memory_space<vmem>>, vector<512x64xf32>
    %dot_general3A_239 = arith.constant dense<0.000000e+00> : vector<2048x64xf32>
    %dot_general3A_240 = tpu.matmul %get3A_235, %get3A_238, %dot_general3A_239 {dimension_numbers = #tpu.dot_dimension_numbers<[1], [0], [0], [1], [0, 0, 1, 1], [], []>, transpose_lhs_hint = false} : vector<2048x512xf32>, vector<512x64xf32>, vector<2048x64xf32> -> vector<2048x64xf32>
    %swap3A_241 = arith.constant 0 : index
    %swap3A_242 = arith.constant 0 : index
    %swap3A_243 = vector.load %arg11[%swap3A_241, %swap3A_242] : memref<2048x64xf32, #tpu.memory_space<vmem>>, vector<2048x64xf32>
    tpu.vector_store %arg11[%swap3A_241, %swap3A_242], %dot_general3A_240 {strides = array<i32>} : memref<2048x64xf32, #tpu.memory_space<vmem>>, vector<2048x64xf32>,
    return
  }
  func.func @transform_0(%arg0: i32) -> (i32, i32) {
    %c0_i32 = arith.constant 0 : i32
    %c0_i32_0 = arith.constant 0 : i32
    return %arg0, %c0_i32 : i32, i32
  }
  func.func @transform_1(%arg0: i32) -> (i32, i32) {
    %c0_i32 = arith.constant 0 : i32
    %c0_i32_0 = arith.constant 0 : i32
    return %arg0, %c0_i32 : i32, i32
  }
  func.func @transform_2(%arg0: i32) -> (i32, i32) {
    %c0_i32 = arith.constant 0 : i32
    %c0_i32_0 = arith.constant 0 : i32
    %c0_i32_1 = arith.constant 0 : i32
    return %c0_i32, %c0_i32_0 : i32, i32
  }
  func.func @transform_3(%arg0: i32) -> (i32, i32) {
    %c0_i32 = arith.constant 0 : i32
    %c0_i32_0 = arith.constant 0 : i32
    %c0_i32_1 = arith.constant 0 : i32
    return %c0_i32, %c0_i32_0 : i32, i32
  }
  func.func @transform_4(%arg0: i32) -> (i32, i32) {
    %c0_i32 = arith.constant 0 : i32
    %c0_i32_0 = arith.constant 0 : i32
    %c0_i32_1 = arith.constant 0 : i32
    return %c0_i32, %c0_i32_0 : i32, i32
  }
  func.func @transform_5(%arg0: i32) -> (i32, i32) {
    %c0_i32 = arith.constant 0 : i32
    %c0_i32_0 = arith.constant 0 : i32
    %c0_i32_1 = arith.constant 0 : i32
    return %c0_i32, %c0_i32_0 : i32, i32
  }
  func.func @transform_6(%arg0: i32) -> (i32, i32) {
    %c0_i32 = arith.constant 0 : i32
    %c0_i32_0 = arith.constant 0 : i32
    %c0_i32_1 = arith.constant 0 : i32
    return %c0_i32, %c0_i32_0 : i32, i32
  }
  func.func @transform_7(%arg0: i32) -> (i32, i32) {
    %c0_i32 = arith.constant 0 : i32
    %c0_i32_0 = arith.constant 0 : i32
    %c0_i32_1 = arith.constant 0 : i32
    return %c0_i32, %c0_i32_0 : i32, i32
  }
  func.func @transform_8(%arg0: i32) -> (i32, i32) {
    %c0_i32 = arith.constant 0 : i32
    %c0_i32_0 = arith.constant 0 : i32
    %c0_i32_1 = arith.constant 0 : i32
    return %c0_i32, %c0_i32_0 : i32, i32
  }
  func.func @transform_9(%arg0: i32) -> (i32, i32) {
    %c0_i32 = arith.constant 0 : i32
    %c0_i32_0 = arith.constant 0 : i32
    %c0_i32_1 = arith.constant 0 : i32
    return %c0_i32, %c0_i32_0 : i32, i32
  }
  func.func @transform_10(%arg0: i32) -> (i32, i32) {
    %c0_i32 = arith.constant 0 : i32
    %c0_i32_0 = arith.constant 0 : i32
    return %arg0, %c0_i32 : i32, i32
  }
}

module attributes {stable_mosaic.version = 14 : i64} {
  func.func @_lin0_body(%arg0: i32, %arg1: memref<2048x16xf32, #tpu.memory_space<vmem>>, %arg2: memref<16x64xf32, #tpu.memory_space<vmem>>, %arg3: memref<1x64xf32, #tpu.memory_space<vmem>>, %arg4: memref<2048x64xf32, #tpu.memory_space<vmem>>) attributes {dimension_semantics = [#tpu.dimension_semantics<arbitrary>], iteration_bounds = array<i64: 5>, scalar_prefetch = 0 : i64, scratch_operands = 0 : i64, tpu.core_type = #tpu.core_type<tc>, window_params = [{transform_indices = @transform_0, window_bounds = array<i64: 2048, 16>}, {pipeline_mode = #tpu.pipeline_mode<synchronous>, transform_indices = @transform_1, window_bounds = array<i64: 16, 64>}, {pipeline_mode = #tpu.pipeline_mode<synchronous>, transform_indices = @transform_2, window_bounds = array<i64: 1, 64>}, {transform_indices = @transform_3, window_bounds = array<i64: 2048, 64>}]} {
    %get3A = arith.constant 0 : index
    %get3A_0 = arith.constant 0 : index
    %get3A_1 = vector.load %arg1[%get3A, %get3A_0] : memref<2048x16xf32, #tpu.memory_space<vmem>>, vector<2048x16xf32>
    %get3A_2 = arith.constant 0 : index
    %get3A_3 = arith.constant 0 : index
    %get3A_4 = vector.load %arg2[%get3A_2, %get3A_3] : memref<16x64xf32, #tpu.memory_space<vmem>>, vector<16x64xf32>
    %dot_general3A = arith.constant dense<0.000000e+00> : vector<2048x64xf32>
    %dot_general3A_5 = tpu.matmul %get3A_1, %get3A_4, %dot_general3A {dimension_numbers = #tpu.dot_dimension_numbers<[1], [0], [0], [1], [0, 0, 1, 1], [], []>, transpose_lhs_hint = false} : vector<2048x16xf32>, vector<16x64xf32>, vector<2048x64xf32> -> vector<2048x64xf32>
    %get3A_6 = arith.constant 0 : index
    %get3A_7 = arith.constant 0 : index
    %get3A_8 = vector.load %arg3[%get3A_6, %get3A_7] : memref<1x64xf32, #tpu.memory_space<vmem>>, vector<1x64xf32>
    %add3A = vector.broadcast %get3A_8 : vector<1x64xf32> to vector<2048x64xf32>
    %add3A_9 = arith.addf %dot_general3A_5, %add3A : vector<2048x64xf32>
    %max3A = arith.constant 0.000000e+00 : f32
    %max3A_10 = vector.broadcast %max3A : f32 to vector<2048x64xf32>
    %max3A_11 = arith.maximumf %add3A_9, %max3A_10 : vector<2048x64xf32>
    %swap3A = arith.constant 0 : index
    %swap3A_12 = arith.constant 0 : index
    %swap3A_13 = vector.load %arg4[%swap3A, %swap3A_12] : memref<2048x64xf32, #tpu.memory_space<vmem>>, vector<2048x64xf32>
    tpu.vector_store %arg4[%swap3A, %swap3A_12], %max3A_11 {strides = array<i32>} : memref<2048x64xf32, #tpu.memory_space<vmem>>, vector<2048x64xf32>,
    return
  }
  func.func @transform_0(%arg0: i32) -> (i32, i32) {
    %c0_i32 = arith.constant 0 : i32
    %c0_i32_0 = arith.constant 0 : i32
    return %arg0, %c0_i32 : i32, i32
  }
  func.func @transform_1(%arg0: i32) -> (i32, i32) {
    %c0_i32 = arith.constant 0 : i32
    %c0_i32_0 = arith.constant 0 : i32
    %c0_i32_1 = arith.constant 0 : i32
    return %c0_i32, %c0_i32_0 : i32, i32
  }
  func.func @transform_2(%arg0: i32) -> (i32, i32) {
    %c0_i32 = arith.constant 0 : i32
    %c0_i32_0 = arith.constant 0 : i32
    %c0_i32_1 = arith.constant 0 : i32
    return %c0_i32, %c0_i32_0 : i32, i32
  }
  func.func @transform_3(%arg0: i32) -> (i32, i32) {
    %c0_i32 = arith.constant 0 : i32
    %c0_i32_0 = arith.constant 0 : i32
    return %arg0, %c0_i32 : i32, i32
  }
}

module attributes {stable_mosaic.version = 14 : i64} {
  func.func @_gru_body(%arg0: i32, %arg1: memref<2048x64xf32, #tpu.memory_space<vmem>>, %arg2: memref<2048x64xf32, #tpu.memory_space<vmem>>, %arg3: memref<2048x64xf32, #tpu.memory_space<vmem>>, %arg4: memref<2048x16xf32, #tpu.memory_space<vmem>>, %arg5: memref<2048x16xf32, #tpu.memory_space<vmem>>, %arg6: memref<64x64xf32, #tpu.memory_space<vmem>>, %arg7: memref<1x64xf32, #tpu.memory_space<vmem>>, %arg8: memref<64x192xf32, #tpu.memory_space<vmem>>, %arg9: memref<64x192xf32, #tpu.memory_space<vmem>>, %arg10: memref<1x192xf32, #tpu.memory_space<vmem>>, %arg11: memref<1x192xf32, #tpu.memory_space<vmem>>, %arg12: memref<2048x64xf32, #tpu.memory_space<vmem>>) attributes {dimension_semantics = [#tpu.dimension_semantics<arbitrary>], iteration_bounds = array<i64: 5>, scalar_prefetch = 0 : i64, scratch_operands = 0 : i64, tpu.core_type = #tpu.core_type<tc>, window_params = [{transform_indices = @transform_0, window_bounds = array<i64: 2048, 64>}, {transform_indices = @transform_1, window_bounds = array<i64: 2048, 64>}, {transform_indices = @transform_2, window_bounds = array<i64: 2048, 64>}, {transform_indices = @transform_3, window_bounds = array<i64: 2048, 16>}, {transform_indices = @transform_4, window_bounds = array<i64: 2048, 16>}, {pipeline_mode = #tpu.pipeline_mode<synchronous>, transform_indices = @transform_5, window_bounds = array<i64: 64, 64>}, {pipeline_mode = #tpu.pipeline_mode<synchronous>, transform_indices = @transform_6, window_bounds = array<i64: 1, 64>}, {pipeline_mode = #tpu.pipeline_mode<synchronous>, transform_indices = @transform_7, window_bounds = array<i64: 64, 192>}, {pipeline_mode = #tpu.pipeline_mode<synchronous>, transform_indices = @transform_8, window_bounds = array<i64: 64, 192>}, {pipeline_mode = #tpu.pipeline_mode<synchronous>, transform_indices = @transform_9, window_bounds = array<i64: 1, 192>}, {pipeline_mode = #tpu.pipeline_mode<synchronous>, transform_indices = @transform_10, window_bounds = array<i64: 1, 192>}, {transform_indices = @transform_11, window_bounds = array<i64: 2048, 64>}]} {
    %get3A = arith.constant 0 : index
    %get3A_0 = arith.constant 0 : index
    %get3A_1 = vector.load %arg1[%get3A, %get3A_0] : memref<2048x64xf32, #tpu.memory_space<vmem>>, vector<2048x64xf32>
    %get3A_2 = arith.constant 0 : index
    %get3A_3 = arith.constant 0 : index
    %get3A_4 = vector.load %arg2[%get3A_2, %get3A_3] : memref<2048x64xf32, #tpu.memory_space<vmem>>, vector<2048x64xf32>
    %get3A_5 = arith.constant 0 : index
    %get3A_6 = arith.constant 0 : index
    %get3A_7 = vector.load %arg3[%get3A_5, %get3A_6] : memref<2048x64xf32, #tpu.memory_space<vmem>>, vector<2048x64xf32>
    %add3A = arith.addf %get3A_4, %get3A_7 : vector<2048x64xf32>
    %get3A_8 = arith.constant 0 : index
    %get3A_9 = arith.constant 0 : index
    %get3A_10 = vector.load %arg4[%get3A_8, %get3A_9] : memref<2048x16xf32, #tpu.memory_space<vmem>>, vector<2048x1xf32>
    %get3A_11 = arith.constant 0 : index
    %get3A_12 = arith.constant 0 : index
    %get3A_13 = vector.load %arg5[%get3A_11, %get3A_12] : memref<2048x16xf32, #tpu.memory_space<vmem>>, vector<2048x1xf32>
    %add3A_14 = arith.addf %get3A_10, %get3A_13 : vector<2048x1xf32>
    %max3A = arith.constant 1.000000e+00 : f32
    %max3A_15 = vector.broadcast %max3A : f32 to vector<2048x1xf32>
    %max3A_16 = arith.maximumf %add3A_14, %max3A_15 : vector<2048x1xf32>
    %div3A = vector.broadcast %max3A_16 : vector<2048x1xf32> to vector<2048x64xf32>
    %div3A_17 = arith.divf %add3A, %div3A : vector<2048x64xf32>
    %get3A_18 = arith.constant 0 : index
    %get3A_19 = arith.constant 0 : index
    %get3A_20 = vector.load %arg6[%get3A_18, %get3A_19] : memref<64x64xf32, #tpu.memory_space<vmem>>, vector<64x64xf32>
    %dot_general3A = arith.constant dense<0.000000e+00> : vector<2048x64xf32>
    %dot_general3A_21 = tpu.matmul %get3A_1, %get3A_20, %dot_general3A {dimension_numbers = #tpu.dot_dimension_numbers<[1], [0], [0], [1], [0, 0, 1, 1], [], []>, transpose_lhs_hint = false} : vector<2048x64xf32>, vector<64x64xf32>, vector<2048x64xf32> -> vector<2048x64xf32>
    %add3A_22 = arith.addf %div3A_17, %dot_general3A_21 : vector<2048x64xf32>
    %get3A_23 = arith.constant 0 : index
    %get3A_24 = arith.constant 0 : index
    %get3A_25 = vector.load %arg7[%get3A_23, %get3A_24] : memref<1x64xf32, #tpu.memory_space<vmem>>, vector<1x64xf32>
    %add3A_26 = vector.broadcast %get3A_25 : vector<1x64xf32> to vector<2048x64xf32>
    %add3A_27 = arith.addf %add3A_22, %add3A_26 : vector<2048x64xf32>
    %max3A_28 = arith.constant 0.000000e+00 : f32
    %max3A_29 = vector.broadcast %max3A_28 : f32 to vector<2048x64xf32>
    %max3A_30 = arith.maximumf %add3A_27, %max3A_29 : vector<2048x64xf32>
    %get3A_31 = arith.constant 0 : index
    %get3A_32 = arith.constant 0 : index
    %get3A_33 = vector.load %arg8[%get3A_31, %get3A_32] : memref<64x192xf32, #tpu.memory_space<vmem>>, vector<64x192xf32>
    %dot_general3A_34 = arith.constant dense<0.000000e+00> : vector<2048x192xf32>
    %dot_general3A_35 = tpu.matmul %max3A_30, %get3A_33, %dot_general3A_34 {dimension_numbers = #tpu.dot_dimension_numbers<[1], [0], [0], [1], [0, 0, 1, 1], [], []>, transpose_lhs_hint = false} : vector<2048x64xf32>, vector<64x192xf32>, vector<2048x192xf32> -> vector<2048x192xf32>
    %get3A_36 = arith.constant 0 : index
    %get3A_37 = arith.constant 0 : index
    %get3A_38 = vector.load %arg10[%get3A_36, %get3A_37] : memref<1x192xf32, #tpu.memory_space<vmem>>, vector<1x192xf32>
    %add3A_39 = vector.broadcast %get3A_38 : vector<1x192xf32> to vector<2048x192xf32>
    %add3A_40 = arith.addf %dot_general3A_35, %add3A_39 : vector<2048x192xf32>
    %get3A_41 = arith.constant 0 : index
    %get3A_42 = arith.constant 0 : index
    %get3A_43 = vector.load %arg9[%get3A_41, %get3A_42] : memref<64x192xf32, #tpu.memory_space<vmem>>, vector<64x192xf32>
    %dot_general3A_44 = arith.constant dense<0.000000e+00> : vector<2048x192xf32>
    %dot_general3A_45 = tpu.matmul %get3A_1, %get3A_43, %dot_general3A_44 {dimension_numbers = #tpu.dot_dimension_numbers<[1], [0], [0], [1], [0, 0, 1, 1], [], []>, transpose_lhs_hint = false} : vector<2048x64xf32>, vector<64x192xf32>, vector<2048x192xf32> -> vector<2048x192xf32>
    %get3A_46 = arith.constant 0 : index
    %get3A_47 = arith.constant 0 : index
    %get3A_48 = vector.load %arg11[%get3A_46, %get3A_47] : memref<1x192xf32, #tpu.memory_space<vmem>>, vector<1x192xf32>
    %add3A_49 = vector.broadcast %get3A_48 : vector<1x192xf32> to vector<2048x192xf32>
    %add3A_50 = arith.addf %dot_general3A_45, %add3A_49 : vector<2048x192xf32>
    %slice3A = vector.extract_strided_slice %add3A_40 {offsets = [0, 0], sizes = [2048, 64], strides = [1, 1]} : vector<2048x192xf32> to vector<2048x64xf32>
    %slice3A_51 = vector.extract_strided_slice %add3A_50 {offsets = [0, 0], sizes = [2048, 64], strides = [1, 1]} : vector<2048x192xf32> to vector<2048x64xf32>
    %add3A_52 = arith.addf %slice3A, %slice3A_51 : vector<2048x64xf32>
    %neg3A = arith.constant 0.000000e+00 : f32
    %neg3A_53 = vector.broadcast %neg3A : f32 to vector<2048x64xf32>
    %neg3A_54 = arith.subf %neg3A_53, %add3A_52 : vector<2048x64xf32>
    %exp3A = math.exp %neg3A_54 : vector<2048x64xf32>
    %add3A_55 = arith.constant 1.000000e+00 : f32
    %add3A_56 = vector.broadcast %add3A_55 : f32 to vector<2048x64xf32>
    %add3A_57 = arith.addf %add3A_56, %exp3A : vector<2048x64xf32>
    %div3A_58 = arith.constant 1.000000e+00 : f32
    %div3A_59 = vector.broadcast %div3A_58 : f32 to vector<2048x64xf32>
    %div3A_60 = arith.divf %div3A_59, %add3A_57 : vector<2048x64xf32>
    %slice3A_61 = vector.extract_strided_slice %add3A_40 {offsets = [0, 64], sizes = [2048, 64], strides = [1, 1]} : vector<2048x192xf32> to vector<2048x64xf32>
    %slice3A_62 = vector.extract_strided_slice %add3A_50 {offsets = [0, 64], sizes = [2048, 64], strides = [1, 1]} : vector<2048x192xf32> to vector<2048x64xf32>
    %add3A_63 = arith.addf %slice3A_61, %slice3A_62 : vector<2048x64xf32>
    %neg3A_64 = arith.constant 0.000000e+00 : f32
    %neg3A_65 = vector.broadcast %neg3A_64 : f32 to vector<2048x64xf32>
    %neg3A_66 = arith.subf %neg3A_65, %add3A_63 : vector<2048x64xf32>
    %exp3A_67 = math.exp %neg3A_66 : vector<2048x64xf32>
    %add3A_68 = arith.constant 1.000000e+00 : f32
    %add3A_69 = vector.broadcast %add3A_68 : f32 to vector<2048x64xf32>
    %add3A_70 = arith.addf %add3A_69, %exp3A_67 : vector<2048x64xf32>
    %div3A_71 = arith.constant 1.000000e+00 : f32
    %div3A_72 = vector.broadcast %div3A_71 : f32 to vector<2048x64xf32>
    %div3A_73 = arith.divf %div3A_72, %add3A_70 : vector<2048x64xf32>
    %slice3A_74 = vector.extract_strided_slice %add3A_40 {offsets = [0, 128], sizes = [2048, 64], strides = [1, 1]} : vector<2048x192xf32> to vector<2048x64xf32>
    %slice3A_75 = vector.extract_strided_slice %add3A_50 {offsets = [0, 128], sizes = [2048, 64], strides = [1, 1]} : vector<2048x192xf32> to vector<2048x64xf32>
    %mul3A = arith.mulf %div3A_60, %slice3A_75 : vector<2048x64xf32>
    %add3A_76 = arith.addf %slice3A_74, %mul3A : vector<2048x64xf32>
    %tanh3A = math.tanh %add3A_76 : vector<2048x64xf32>
    %sub3A = arith.constant 1.000000e+00 : f32
    %sub3A_77 = vector.broadcast %sub3A : f32 to vector<2048x64xf32>
    %sub3A_78 = arith.subf %sub3A_77, %div3A_73 : vector<2048x64xf32>
    %mul3A_79 = arith.mulf %sub3A_78, %tanh3A : vector<2048x64xf32>
    %mul3A_80 = arith.mulf %div3A_73, %get3A_1 : vector<2048x64xf32>
    %add3A_81 = arith.addf %mul3A_79, %mul3A_80 : vector<2048x64xf32>
    %swap3A = arith.constant 0 : index
    %swap3A_82 = arith.constant 0 : index
    %swap3A_83 = vector.load %arg12[%swap3A, %swap3A_82] : memref<2048x64xf32, #tpu.memory_space<vmem>>, vector<2048x64xf32>
    tpu.vector_store %arg12[%swap3A, %swap3A_82], %add3A_81 {strides = array<i32>} : memref<2048x64xf32, #tpu.memory_space<vmem>>, vector<2048x64xf32>,
    return
  }
  func.func @transform_0(%arg0: i32) -> (i32, i32) {
    %c0_i32 = arith.constant 0 : i32
    %c0_i32_0 = arith.constant 0 : i32
    return %arg0, %c0_i32 : i32, i32
  }
  func.func @transform_1(%arg0: i32) -> (i32, i32) {
    %c0_i32 = arith.constant 0 : i32
    %c0_i32_0 = arith.constant 0 : i32
    return %arg0, %c0_i32 : i32, i32
  }
  func.func @transform_2(%arg0: i32) -> (i32, i32) {
    %c0_i32 = arith.constant 0 : i32
    %c0_i32_0 = arith.constant 0 : i32
    return %arg0, %c0_i32 : i32, i32
  }
  func.func @transform_3(%arg0: i32) -> (i32, i32) {
    %c0_i32 = arith.constant 0 : i32
    %c0_i32_0 = arith.constant 0 : i32
    return %arg0, %c0_i32 : i32, i32
  }
  func.func @transform_4(%arg0: i32) -> (i32, i32) {
    %c0_i32 = arith.constant 0 : i32
    %c0_i32_0 = arith.constant 0 : i32
    return %arg0, %c0_i32 : i32, i32
  }
  func.func @transform_5(%arg0: i32) -> (i32, i32) {
    %c0_i32 = arith.constant 0 : i32
    %c0_i32_0 = arith.constant 0 : i32
    %c0_i32_1 = arith.constant 0 : i32
    return %c0_i32, %c0_i32_0 : i32, i32
  }
  func.func @transform_6(%arg0: i32) -> (i32, i32) {
    %c0_i32 = arith.constant 0 : i32
    %c0_i32_0 = arith.constant 0 : i32
    %c0_i32_1 = arith.constant 0 : i32
    return %c0_i32, %c0_i32_0 : i32, i32
  }
  func.func @transform_7(%arg0: i32) -> (i32, i32) {
    %c0_i32 = arith.constant 0 : i32
    %c0_i32_0 = arith.constant 0 : i32
    %c0_i32_1 = arith.constant 0 : i32
    return %c0_i32, %c0_i32_0 : i32, i32
  }
  func.func @transform_8(%arg0: i32) -> (i32, i32) {
    %c0_i32 = arith.constant 0 : i32
    %c0_i32_0 = arith.constant 0 : i32
    %c0_i32_1 = arith.constant 0 : i32
    return %c0_i32, %c0_i32_0 : i32, i32
  }
  func.func @transform_9(%arg0: i32) -> (i32, i32) {
    %c0_i32 = arith.constant 0 : i32
    %c0_i32_0 = arith.constant 0 : i32
    %c0_i32_1 = arith.constant 0 : i32
    return %c0_i32, %c0_i32_0 : i32, i32
  }
  func.func @transform_10(%arg0: i32) -> (i32, i32) {
    %c0_i32 = arith.constant 0 : i32
    %c0_i32_0 = arith.constant 0 : i32
    %c0_i32_1 = arith.constant 0 : i32
    return %c0_i32, %c0_i32_0 : i32, i32
  }
  func.func @transform_11(%arg0: i32) -> (i32, i32) {
    %c0_i32 = arith.constant 0 : i32
    %c0_i32_0 = arith.constant 0 : i32
    return %arg0, %c0_i32 : i32, i32
  }
}

module attributes {stable_mosaic.version = 14 : i64} {
  func.func @_msg_body(%arg0: i32, %arg1: memref<2048x8xf32, #tpu.memory_space<vmem>>, %arg2: memref<2048x64xf32, #tpu.memory_space<vmem>>, %arg3: memref<8x128xf32, #tpu.memory_space<vmem>>, %arg4: memref<1x128xf32, #tpu.memory_space<vmem>>, %arg5: memref<128x4096xf32, #tpu.memory_space<vmem>>, %arg6: memref<1x4096xf32, #tpu.memory_space<vmem>>, %arg7: memref<64x4096xf32, #tpu.memory_space<vmem>>, %arg8: memref<512x64xf32, #tpu.memory_space<vmem>>, %arg9: memref<2048x64xf32, #tpu.memory_space<vmem>>, %arg10: memref<2048x128xf32, #tpu.memory_space<vmem>>, %arg11: memref<2048x512xf32, #tpu.memory_space<vmem>>) attributes {dimension_semantics = [#tpu.dimension_semantics<arbitrary>], iteration_bounds = array<i64: 10>, scalar_prefetch = 0 : i64, scratch_operands = 2 : i64, tpu.core_type = #tpu.core_type<tc>, window_params = [{transform_indices = @transform_0, window_bounds = array<i64: 2048, 8>}, {transform_indices = @transform_1, window_bounds = array<i64: 2048, 64>}, {pipeline_mode = #tpu.pipeline_mode<synchronous>, transform_indices = @transform_2, window_bounds = array<i64: 8, 128>}, {pipeline_mode = #tpu.pipeline_mode<synchronous>, transform_indices = @transform_3, window_bounds = array<i64: 1, 128>}, {pipeline_mode = #tpu.pipeline_mode<synchronous>, transform_indices = @transform_4, window_bounds = array<i64: 128, 4096>}, {pipeline_mode = #tpu.pipeline_mode<synchronous>, transform_indices = @transform_5, window_bounds = array<i64: 1, 4096>}, {pipeline_mode = #tpu.pipeline_mode<synchronous>, transform_indices = @transform_6, window_bounds = array<i64: 64, 4096>}, {pipeline_mode = #tpu.pipeline_mode<synchronous>, transform_indices = @transform_7, window_bounds = array<i64: 512, 64>}, {transform_indices = @transform_8, window_bounds = array<i64: 2048, 64>}]} {
    %get3A = arith.constant 0 : index
    %get3A_0 = arith.constant 0 : index
    %get3A_1 = vector.load %arg1[%get3A, %get3A_0] : memref<2048x8xf32, #tpu.memory_space<vmem>>, vector<2048x8xf32>
    %get3A_2 = arith.constant 0 : index
    %get3A_3 = arith.constant 0 : index
    %get3A_4 = vector.load %arg3[%get3A_2, %get3A_3] : memref<8x128xf32, #tpu.memory_space<vmem>>, vector<8x128xf32>
    %dot_general3A = arith.constant dense<0.000000e+00> : vector<2048x128xf32>
    %dot_general3A_5 = tpu.matmul %get3A_1, %get3A_4, %dot_general3A {dimension_numbers = #tpu.dot_dimension_numbers<[1], [0], [0], [1], [0, 0, 1, 1], [], []>, transpose_lhs_hint = false} : vector<2048x8xf32>, vector<8x128xf32>, vector<2048x128xf32> -> vector<2048x128xf32>
    %get3A_6 = arith.constant 0 : index
    %get3A_7 = arith.constant 0 : index
    %get3A_8 = vector.load %arg4[%get3A_6, %get3A_7] : memref<1x128xf32, #tpu.memory_space<vmem>>, vector<1x128xf32>
    %add3A = vector.broadcast %get3A_8 : vector<1x128xf32> to vector<2048x128xf32>
    %add3A_9 = arith.addf %dot_general3A_5, %add3A : vector<2048x128xf32>
    %max3A = arith.constant 0.000000e+00 : f32
    %max3A_10 = vector.broadcast %max3A : f32 to vector<2048x128xf32>
    %max3A_11 = arith.maximumf %add3A_9, %max3A_10 : vector<2048x128xf32>
    %swap3A = arith.constant 0 : index
    %swap3A_12 = arith.constant 0 : index
    %swap3A_13 = vector.load %arg10[%swap3A, %swap3A_12] : memref<2048x128xf32, #tpu.memory_space<vmem>>, vector<2048x128xf32>
    tpu.vector_store %arg10[%swap3A, %swap3A_12], %max3A_11 {strides = array<i32>} : memref<2048x128xf32, #tpu.memory_space<vmem>>, vector<2048x128xf32>,
    %get3A_14 = arith.constant 0 : index
    %get3A_15 = arith.constant 0 : index
    %get3A_16 = vector.load %arg10[%get3A_14, %get3A_15] : memref<2048x128xf32, #tpu.memory_space<vmem>>, vector<2048x128xf32>
    %get3A_17 = arith.constant 0 : index
    %get3A_18 = arith.constant 0 : index
    %get3A_19 = vector.load %arg5[%get3A_17, %get3A_18] : memref<128x4096xf32, #tpu.memory_space<vmem>>, vector<128x512xf32>
    %dot_general3A_20 = arith.constant dense<0.000000e+00> : vector<2048x512xf32>
    %dot_general3A_21 = tpu.matmul %get3A_16, %get3A_19, %dot_general3A_20 {dimension_numbers = #tpu.dot_dimension_numbers<[1], [0], [0], [1], [0, 0, 1, 1], [], []>, transpose_lhs_hint = false} : vector<2048x128xf32>, vector<128x512xf32>, vector<2048x512xf32> -> vector<2048x512xf32>
    %get3A_22 = arith.constant 0 : index
    %get3A_23 = arith.constant 0 : index
    %get3A_24 = vector.load %arg6[%get3A_22, %get3A_23] : memref<1x4096xf32, #tpu.memory_space<vmem>>, vector<1x512xf32>
    %add3A_25 = vector.broadcast %get3A_24 : vector<1x512xf32> to vector<2048x512xf32>
    %add3A_26 = arith.addf %dot_general3A_21, %add3A_25 : vector<2048x512xf32>
    %get3A_27 = arith.constant 0 : index
    %get3A_28 = arith.constant 0 : index
    %get3A_29 = vector.load %arg2[%get3A_27, %get3A_28] : memref<2048x64xf32, #tpu.memory_space<vmem>>, vector<2048x64xf32>
    %get3A_30 = arith.constant 0 : index
    %get3A_31 = arith.constant 0 : index
    %get3A_32 = vector.load %arg7[%get3A_30, %get3A_31] : memref<64x4096xf32, #tpu.memory_space<vmem>>, vector<64x512xf32>
    %dot_general3A_33 = arith.constant dense<0.000000e+00> : vector<2048x512xf32>
    %dot_general3A_34 = tpu.matmul %get3A_29, %get3A_32, %dot_general3A_33 {dimension_numbers = #tpu.dot_dimension_numbers<[1], [0], [0], [1], [0, 0, 1, 1], [], []>, transpose_lhs_hint = false} : vector<2048x64xf32>, vector<64x512xf32>, vector<2048x512xf32> -> vector<2048x512xf32>
    %mul3A = arith.mulf %add3A_26, %dot_general3A_34 : vector<2048x512xf32>
    %swap3A_35 = arith.constant 0 : index
    %swap3A_36 = arith.constant 0 : index
    %swap3A_37 = vector.load %arg11[%swap3A_35, %swap3A_36] : memref<2048x512xf32, #tpu.memory_space<vmem>>, vector<2048x512xf32>
    tpu.vector_store %arg11[%swap3A_35, %swap3A_36], %mul3A {strides = array<i32>} : memref<2048x512xf32, #tpu.memory_space<vmem>>, vector<2048x512xf32>,
    %get3A_38 = arith.constant 0 : index
    %get3A_39 = arith.constant 0 : index
    %get3A_40 = vector.load %arg10[%get3A_38, %get3A_39] : memref<2048x128xf32, #tpu.memory_space<vmem>>, vector<2048x128xf32>
    %get3A_41 = arith.constant 0 : index
    %get3A_42 = arith.constant 512 : index
    %get3A_43 = vector.load %arg5[%get3A_41, %get3A_42] : memref<128x4096xf32, #tpu.memory_space<vmem>>, vector<128x512xf32>
    %dot_general3A_44 = arith.constant dense<0.000000e+00> : vector<2048x512xf32>
    %dot_general3A_45 = tpu.matmul %get3A_40, %get3A_43, %dot_general3A_44 {dimension_numbers = #tpu.dot_dimension_numbers<[1], [0], [0], [1], [0, 0, 1, 1], [], []>, transpose_lhs_hint = false} : vector<2048x128xf32>, vector<128x512xf32>, vector<2048x512xf32> -> vector<2048x512xf32>
    %get3A_46 = arith.constant 0 : index
    %get3A_47 = arith.constant 512 : index
    %get3A_48 = vector.load %arg6[%get3A_46, %get3A_47] : memref<1x4096xf32, #tpu.memory_space<vmem>>, vector<1x512xf32>
    %add3A_49 = vector.broadcast %get3A_48 : vector<1x512xf32> to vector<2048x512xf32>
    %add3A_50 = arith.addf %dot_general3A_45, %add3A_49 : vector<2048x512xf32>
    %get3A_51 = arith.constant 0 : index
    %get3A_52 = arith.constant 0 : index
    %get3A_53 = vector.load %arg2[%get3A_51, %get3A_52] : memref<2048x64xf32, #tpu.memory_space<vmem>>, vector<2048x64xf32>
    %get3A_54 = arith.constant 0 : index
    %get3A_55 = arith.constant 512 : index
    %get3A_56 = vector.load %arg7[%get3A_54, %get3A_55] : memref<64x4096xf32, #tpu.memory_space<vmem>>, vector<64x512xf32>
    %dot_general3A_57 = arith.constant dense<0.000000e+00> : vector<2048x512xf32>
    %dot_general3A_58 = tpu.matmul %get3A_53, %get3A_56, %dot_general3A_57 {dimension_numbers = #tpu.dot_dimension_numbers<[1], [0], [0], [1], [0, 0, 1, 1], [], []>, transpose_lhs_hint = false} : vector<2048x64xf32>, vector<64x512xf32>, vector<2048x512xf32> -> vector<2048x512xf32>
    %get3A_59 = arith.constant 0 : index
    %get3A_60 = arith.constant 0 : index
    %get3A_61 = vector.load %arg11[%get3A_59, %get3A_60] : memref<2048x512xf32, #tpu.memory_space<vmem>>, vector<2048x512xf32>
    %mul3A_62 = arith.mulf %add3A_50, %dot_general3A_58 : vector<2048x512xf32>
    %add3A_63 = arith.addf %get3A_61, %mul3A_62 : vector<2048x512xf32>
    %swap3A_64 = arith.constant 0 : index
    %swap3A_65 = arith.constant 0 : index
    %swap3A_66 = vector.load %arg11[%swap3A_64, %swap3A_65] : memref<2048x512xf32, #tpu.memory_space<vmem>>, vector<2048x512xf32>
    tpu.vector_store %arg11[%swap3A_64, %swap3A_65], %add3A_63 {strides = array<i32>} : memref<2048x512xf32, #tpu.memory_space<vmem>>, vector<2048x512xf32>,
    %get3A_67 = arith.constant 0 : index
    %get3A_68 = arith.constant 0 : index
    %get3A_69 = vector.load %arg10[%get3A_67, %get3A_68] : memref<2048x128xf32, #tpu.memory_space<vmem>>, vector<2048x128xf32>
    %get3A_70 = arith.constant 0 : index
    %get3A_71 = arith.constant 1024 : index
    %get3A_72 = vector.load %arg5[%get3A_70, %get3A_71] : memref<128x4096xf32, #tpu.memory_space<vmem>>, vector<128x512xf32>
    %dot_general3A_73 = arith.constant dense<0.000000e+00> : vector<2048x512xf32>
    %dot_general3A_74 = tpu.matmul %get3A_69, %get3A_72, %dot_general3A_73 {dimension_numbers = #tpu.dot_dimension_numbers<[1], [0], [0], [1], [0, 0, 1, 1], [], []>, transpose_lhs_hint = false} : vector<2048x128xf32>, vector<128x512xf32>, vector<2048x512xf32> -> vector<2048x512xf32>
    %get3A_75 = arith.constant 0 : index
    %get3A_76 = arith.constant 1024 : index
    %get3A_77 = vector.load %arg6[%get3A_75, %get3A_76] : memref<1x4096xf32, #tpu.memory_space<vmem>>, vector<1x512xf32>
    %add3A_78 = vector.broadcast %get3A_77 : vector<1x512xf32> to vector<2048x512xf32>
    %add3A_79 = arith.addf %dot_general3A_74, %add3A_78 : vector<2048x512xf32>
    %get3A_80 = arith.constant 0 : index
    %get3A_81 = arith.constant 0 : index
    %get3A_82 = vector.load %arg2[%get3A_80, %get3A_81] : memref<2048x64xf32, #tpu.memory_space<vmem>>, vector<2048x64xf32>
    %get3A_83 = arith.constant 0 : index
    %get3A_84 = arith.constant 1024 : index
    %get3A_85 = vector.load %arg7[%get3A_83, %get3A_84] : memref<64x4096xf32, #tpu.memory_space<vmem>>, vector<64x512xf32>
    %dot_general3A_86 = arith.constant dense<0.000000e+00> : vector<2048x512xf32>
    %dot_general3A_87 = tpu.matmul %get3A_82, %get3A_85, %dot_general3A_86 {dimension_numbers = #tpu.dot_dimension_numbers<[1], [0], [0], [1], [0, 0, 1, 1], [], []>, transpose_lhs_hint = false} : vector<2048x64xf32>, vector<64x512xf32>, vector<2048x512xf32> -> vector<2048x512xf32>
    %get3A_88 = arith.constant 0 : index
    %get3A_89 = arith.constant 0 : index
    %get3A_90 = vector.load %arg11[%get3A_88, %get3A_89] : memref<2048x512xf32, #tpu.memory_space<vmem>>, vector<2048x512xf32>
    %mul3A_91 = arith.mulf %add3A_79, %dot_general3A_87 : vector<2048x512xf32>
    %add3A_92 = arith.addf %get3A_90, %mul3A_91 : vector<2048x512xf32>
    %swap3A_93 = arith.constant 0 : index
    %swap3A_94 = arith.constant 0 : index
    %swap3A_95 = vector.load %arg11[%swap3A_93, %swap3A_94] : memref<2048x512xf32, #tpu.memory_space<vmem>>, vector<2048x512xf32>
    tpu.vector_store %arg11[%swap3A_93, %swap3A_94], %add3A_92 {strides = array<i32>} : memref<2048x512xf32, #tpu.memory_space<vmem>>, vector<2048x512xf32>,
    %get3A_96 = arith.constant 0 : index
    %get3A_97 = arith.constant 0 : index
    %get3A_98 = vector.load %arg10[%get3A_96, %get3A_97] : memref<2048x128xf32, #tpu.memory_space<vmem>>, vector<2048x128xf32>
    %get3A_99 = arith.constant 0 : index
    %get3A_100 = arith.constant 1536 : index
    %get3A_101 = vector.load %arg5[%get3A_99, %get3A_100] : memref<128x4096xf32, #tpu.memory_space<vmem>>, vector<128x512xf32>
    %dot_general3A_102 = arith.constant dense<0.000000e+00> : vector<2048x512xf32>
    %dot_general3A_103 = tpu.matmul %get3A_98, %get3A_101, %dot_general3A_102 {dimension_numbers = #tpu.dot_dimension_numbers<[1], [0], [0], [1], [0, 0, 1, 1], [], []>, transpose_lhs_hint = false} : vector<2048x128xf32>, vector<128x512xf32>, vector<2048x512xf32> -> vector<2048x512xf32>
    %get3A_104 = arith.constant 0 : index
    %get3A_105 = arith.constant 1536 : index
    %get3A_106 = vector.load %arg6[%get3A_104, %get3A_105] : memref<1x4096xf32, #tpu.memory_space<vmem>>, vector<1x512xf32>
    %add3A_107 = vector.broadcast %get3A_106 : vector<1x512xf32> to vector<2048x512xf32>
    %add3A_108 = arith.addf %dot_general3A_103, %add3A_107 : vector<2048x512xf32>
    %get3A_109 = arith.constant 0 : index
    %get3A_110 = arith.constant 0 : index
    %get3A_111 = vector.load %arg2[%get3A_109, %get3A_110] : memref<2048x64xf32, #tpu.memory_space<vmem>>, vector<2048x64xf32>
    %get3A_112 = arith.constant 0 : index
    %get3A_113 = arith.constant 1536 : index
    %get3A_114 = vector.load %arg7[%get3A_112, %get3A_113] : memref<64x4096xf32, #tpu.memory_space<vmem>>, vector<64x512xf32>
    %dot_general3A_115 = arith.constant dense<0.000000e+00> : vector<2048x512xf32>
    %dot_general3A_116 = tpu.matmul %get3A_111, %get3A_114, %dot_general3A_115 {dimension_numbers = #tpu.dot_dimension_numbers<[1], [0], [0], [1], [0, 0, 1, 1], [], []>, transpose_lhs_hint = false} : vector<2048x64xf32>, vector<64x512xf32>, vector<2048x512xf32> -> vector<2048x512xf32>
    %get3A_117 = arith.constant 0 : index
    %get3A_118 = arith.constant 0 : index
    %get3A_119 = vector.load %arg11[%get3A_117, %get3A_118] : memref<2048x512xf32, #tpu.memory_space<vmem>>, vector<2048x512xf32>
    %mul3A_120 = arith.mulf %add3A_108, %dot_general3A_116 : vector<2048x512xf32>
    %add3A_121 = arith.addf %get3A_119, %mul3A_120 : vector<2048x512xf32>
    %swap3A_122 = arith.constant 0 : index
    %swap3A_123 = arith.constant 0 : index
    %swap3A_124 = vector.load %arg11[%swap3A_122, %swap3A_123] : memref<2048x512xf32, #tpu.memory_space<vmem>>, vector<2048x512xf32>
    tpu.vector_store %arg11[%swap3A_122, %swap3A_123], %add3A_121 {strides = array<i32>} : memref<2048x512xf32, #tpu.memory_space<vmem>>, vector<2048x512xf32>,
    %get3A_125 = arith.constant 0 : index
    %get3A_126 = arith.constant 0 : index
    %get3A_127 = vector.load %arg10[%get3A_125, %get3A_126] : memref<2048x128xf32, #tpu.memory_space<vmem>>, vector<2048x128xf32>
    %get3A_128 = arith.constant 0 : index
    %get3A_129 = arith.constant 2048 : index
    %get3A_130 = vector.load %arg5[%get3A_128, %get3A_129] : memref<128x4096xf32, #tpu.memory_space<vmem>>, vector<128x512xf32>
    %dot_general3A_131 = arith.constant dense<0.000000e+00> : vector<2048x512xf32>
    %dot_general3A_132 = tpu.matmul %get3A_127, %get3A_130, %dot_general3A_131 {dimension_numbers = #tpu.dot_dimension_numbers<[1], [0], [0], [1], [0, 0, 1, 1], [], []>, transpose_lhs_hint = false} : vector<2048x128xf32>, vector<128x512xf32>, vector<2048x512xf32> -> vector<2048x512xf32>
    %get3A_133 = arith.constant 0 : index
    %get3A_134 = arith.constant 2048 : index
    %get3A_135 = vector.load %arg6[%get3A_133, %get3A_134] : memref<1x4096xf32, #tpu.memory_space<vmem>>, vector<1x512xf32>
    %add3A_136 = vector.broadcast %get3A_135 : vector<1x512xf32> to vector<2048x512xf32>
    %add3A_137 = arith.addf %dot_general3A_132, %add3A_136 : vector<2048x512xf32>
    %get3A_138 = arith.constant 0 : index
    %get3A_139 = arith.constant 0 : index
    %get3A_140 = vector.load %arg2[%get3A_138, %get3A_139] : memref<2048x64xf32, #tpu.memory_space<vmem>>, vector<2048x64xf32>
    %get3A_141 = arith.constant 0 : index
    %get3A_142 = arith.constant 2048 : index
    %get3A_143 = vector.load %arg7[%get3A_141, %get3A_142] : memref<64x4096xf32, #tpu.memory_space<vmem>>, vector<64x512xf32>
    %dot_general3A_144 = arith.constant dense<0.000000e+00> : vector<2048x512xf32>
    %dot_general3A_145 = tpu.matmul %get3A_140, %get3A_143, %dot_general3A_144 {dimension_numbers = #tpu.dot_dimension_numbers<[1], [0], [0], [1], [0, 0, 1, 1], [], []>, transpose_lhs_hint = false} : vector<2048x64xf32>, vector<64x512xf32>, vector<2048x512xf32> -> vector<2048x512xf32>
    %get3A_146 = arith.constant 0 : index
    %get3A_147 = arith.constant 0 : index
    %get3A_148 = vector.load %arg11[%get3A_146, %get3A_147] : memref<2048x512xf32, #tpu.memory_space<vmem>>, vector<2048x512xf32>
    %mul3A_149 = arith.mulf %add3A_137, %dot_general3A_145 : vector<2048x512xf32>
    %add3A_150 = arith.addf %get3A_148, %mul3A_149 : vector<2048x512xf32>
    %swap3A_151 = arith.constant 0 : index
    %swap3A_152 = arith.constant 0 : index
    %swap3A_153 = vector.load %arg11[%swap3A_151, %swap3A_152] : memref<2048x512xf32, #tpu.memory_space<vmem>>, vector<2048x512xf32>
    tpu.vector_store %arg11[%swap3A_151, %swap3A_152], %add3A_150 {strides = array<i32>} : memref<2048x512xf32, #tpu.memory_space<vmem>>, vector<2048x512xf32>,
    %get3A_154 = arith.constant 0 : index
    %get3A_155 = arith.constant 0 : index
    %get3A_156 = vector.load %arg10[%get3A_154, %get3A_155] : memref<2048x128xf32, #tpu.memory_space<vmem>>, vector<2048x128xf32>
    %get3A_157 = arith.constant 0 : index
    %get3A_158 = arith.constant 2560 : index
    %get3A_159 = vector.load %arg5[%get3A_157, %get3A_158] : memref<128x4096xf32, #tpu.memory_space<vmem>>, vector<128x512xf32>
    %dot_general3A_160 = arith.constant dense<0.000000e+00> : vector<2048x512xf32>
    %dot_general3A_161 = tpu.matmul %get3A_156, %get3A_159, %dot_general3A_160 {dimension_numbers = #tpu.dot_dimension_numbers<[1], [0], [0], [1], [0, 0, 1, 1], [], []>, transpose_lhs_hint = false} : vector<2048x128xf32>, vector<128x512xf32>, vector<2048x512xf32> -> vector<2048x512xf32>
    %get3A_162 = arith.constant 0 : index
    %get3A_163 = arith.constant 2560 : index
    %get3A_164 = vector.load %arg6[%get3A_162, %get3A_163] : memref<1x4096xf32, #tpu.memory_space<vmem>>, vector<1x512xf32>
    %add3A_165 = vector.broadcast %get3A_164 : vector<1x512xf32> to vector<2048x512xf32>
    %add3A_166 = arith.addf %dot_general3A_161, %add3A_165 : vector<2048x512xf32>
    %get3A_167 = arith.constant 0 : index
    %get3A_168 = arith.constant 0 : index
    %get3A_169 = vector.load %arg2[%get3A_167, %get3A_168] : memref<2048x64xf32, #tpu.memory_space<vmem>>, vector<2048x64xf32>
    %get3A_170 = arith.constant 0 : index
    %get3A_171 = arith.constant 2560 : index
    %get3A_172 = vector.load %arg7[%get3A_170, %get3A_171] : memref<64x4096xf32, #tpu.memory_space<vmem>>, vector<64x512xf32>
    %dot_general3A_173 = arith.constant dense<0.000000e+00> : vector<2048x512xf32>
    %dot_general3A_174 = tpu.matmul %get3A_169, %get3A_172, %dot_general3A_173 {dimension_numbers = #tpu.dot_dimension_numbers<[1], [0], [0], [1], [0, 0, 1, 1], [], []>, transpose_lhs_hint = false} : vector<2048x64xf32>, vector<64x512xf32>, vector<2048x512xf32> -> vector<2048x512xf32>
    %get3A_175 = arith.constant 0 : index
    %get3A_176 = arith.constant 0 : index
    %get3A_177 = vector.load %arg11[%get3A_175, %get3A_176] : memref<2048x512xf32, #tpu.memory_space<vmem>>, vector<2048x512xf32>
    %mul3A_178 = arith.mulf %add3A_166, %dot_general3A_174 : vector<2048x512xf32>
    %add3A_179 = arith.addf %get3A_177, %mul3A_178 : vector<2048x512xf32>
    %swap3A_180 = arith.constant 0 : index
    %swap3A_181 = arith.constant 0 : index
    %swap3A_182 = vector.load %arg11[%swap3A_180, %swap3A_181] : memref<2048x512xf32, #tpu.memory_space<vmem>>, vector<2048x512xf32>
    tpu.vector_store %arg11[%swap3A_180, %swap3A_181], %add3A_179 {strides = array<i32>} : memref<2048x512xf32, #tpu.memory_space<vmem>>, vector<2048x512xf32>,
    %get3A_183 = arith.constant 0 : index
    %get3A_184 = arith.constant 0 : index
    %get3A_185 = vector.load %arg10[%get3A_183, %get3A_184] : memref<2048x128xf32, #tpu.memory_space<vmem>>, vector<2048x128xf32>
    %get3A_186 = arith.constant 0 : index
    %get3A_187 = arith.constant 3072 : index
    %get3A_188 = vector.load %arg5[%get3A_186, %get3A_187] : memref<128x4096xf32, #tpu.memory_space<vmem>>, vector<128x512xf32>
    %dot_general3A_189 = arith.constant dense<0.000000e+00> : vector<2048x512xf32>
    %dot_general3A_190 = tpu.matmul %get3A_185, %get3A_188, %dot_general3A_189 {dimension_numbers = #tpu.dot_dimension_numbers<[1], [0], [0], [1], [0, 0, 1, 1], [], []>, transpose_lhs_hint = false} : vector<2048x128xf32>, vector<128x512xf32>, vector<2048x512xf32> -> vector<2048x512xf32>
    %get3A_191 = arith.constant 0 : index
    %get3A_192 = arith.constant 3072 : index
    %get3A_193 = vector.load %arg6[%get3A_191, %get3A_192] : memref<1x4096xf32, #tpu.memory_space<vmem>>, vector<1x512xf32>
    %add3A_194 = vector.broadcast %get3A_193 : vector<1x512xf32> to vector<2048x512xf32>
    %add3A_195 = arith.addf %dot_general3A_190, %add3A_194 : vector<2048x512xf32>
    %get3A_196 = arith.constant 0 : index
    %get3A_197 = arith.constant 0 : index
    %get3A_198 = vector.load %arg2[%get3A_196, %get3A_197] : memref<2048x64xf32, #tpu.memory_space<vmem>>, vector<2048x64xf32>
    %get3A_199 = arith.constant 0 : index
    %get3A_200 = arith.constant 3072 : index
    %get3A_201 = vector.load %arg7[%get3A_199, %get3A_200] : memref<64x4096xf32, #tpu.memory_space<vmem>>, vector<64x512xf32>
    %dot_general3A_202 = arith.constant dense<0.000000e+00> : vector<2048x512xf32>
    %dot_general3A_203 = tpu.matmul %get3A_198, %get3A_201, %dot_general3A_202 {dimension_numbers = #tpu.dot_dimension_numbers<[1], [0], [0], [1], [0, 0, 1, 1], [], []>, transpose_lhs_hint = false} : vector<2048x64xf32>, vector<64x512xf32>, vector<2048x512xf32> -> vector<2048x512xf32>
    %get3A_204 = arith.constant 0 : index
    %get3A_205 = arith.constant 0 : index
    %get3A_206 = vector.load %arg11[%get3A_204, %get3A_205] : memref<2048x512xf32, #tpu.memory_space<vmem>>, vector<2048x512xf32>
    %mul3A_207 = arith.mulf %add3A_195, %dot_general3A_203 : vector<2048x512xf32>
    %add3A_208 = arith.addf %get3A_206, %mul3A_207 : vector<2048x512xf32>
    %swap3A_209 = arith.constant 0 : index
    %swap3A_210 = arith.constant 0 : index
    %swap3A_211 = vector.load %arg11[%swap3A_209, %swap3A_210] : memref<2048x512xf32, #tpu.memory_space<vmem>>, vector<2048x512xf32>
    tpu.vector_store %arg11[%swap3A_209, %swap3A_210], %add3A_208 {strides = array<i32>} : memref<2048x512xf32, #tpu.memory_space<vmem>>, vector<2048x512xf32>,
    %get3A_212 = arith.constant 0 : index
    %get3A_213 = arith.constant 0 : index
    %get3A_214 = vector.load %arg10[%get3A_212, %get3A_213] : memref<2048x128xf32, #tpu.memory_space<vmem>>, vector<2048x128xf32>
    %get3A_215 = arith.constant 0 : index
    %get3A_216 = arith.constant 3584 : index
    %get3A_217 = vector.load %arg5[%get3A_215, %get3A_216] : memref<128x4096xf32, #tpu.memory_space<vmem>>, vector<128x512xf32>
    %dot_general3A_218 = arith.constant dense<0.000000e+00> : vector<2048x512xf32>
    %dot_general3A_219 = tpu.matmul %get3A_214, %get3A_217, %dot_general3A_218 {dimension_numbers = #tpu.dot_dimension_numbers<[1], [0], [0], [1], [0, 0, 1, 1], [], []>, transpose_lhs_hint = false} : vector<2048x128xf32>, vector<128x512xf32>, vector<2048x512xf32> -> vector<2048x512xf32>
    %get3A_220 = arith.constant 0 : index
    %get3A_221 = arith.constant 3584 : index
    %get3A_222 = vector.load %arg6[%get3A_220, %get3A_221] : memref<1x4096xf32, #tpu.memory_space<vmem>>, vector<1x512xf32>
    %add3A_223 = vector.broadcast %get3A_222 : vector<1x512xf32> to vector<2048x512xf32>
    %add3A_224 = arith.addf %dot_general3A_219, %add3A_223 : vector<2048x512xf32>
    %get3A_225 = arith.constant 0 : index
    %get3A_226 = arith.constant 0 : index
    %get3A_227 = vector.load %arg2[%get3A_225, %get3A_226] : memref<2048x64xf32, #tpu.memory_space<vmem>>, vector<2048x64xf32>
    %get3A_228 = arith.constant 0 : index
    %get3A_229 = arith.constant 3584 : index
    %get3A_230 = vector.load %arg7[%get3A_228, %get3A_229] : memref<64x4096xf32, #tpu.memory_space<vmem>>, vector<64x512xf32>
    %dot_general3A_231 = arith.constant dense<0.000000e+00> : vector<2048x512xf32>
    %dot_general3A_232 = tpu.matmul %get3A_227, %get3A_230, %dot_general3A_231 {dimension_numbers = #tpu.dot_dimension_numbers<[1], [0], [0], [1], [0, 0, 1, 1], [], []>, transpose_lhs_hint = false} : vector<2048x64xf32>, vector<64x512xf32>, vector<2048x512xf32> -> vector<2048x512xf32>
    %get3A_233 = arith.constant 0 : index
    %get3A_234 = arith.constant 0 : index
    %get3A_235 = vector.load %arg11[%get3A_233, %get3A_234] : memref<2048x512xf32, #tpu.memory_space<vmem>>, vector<2048x512xf32>
    %mul3A_236 = arith.mulf %add3A_224, %dot_general3A_232 : vector<2048x512xf32>
    %add3A_237 = arith.addf %get3A_235, %mul3A_236 : vector<2048x512xf32>
    %swap3A_238 = arith.constant 0 : index
    %swap3A_239 = arith.constant 0 : index
    %swap3A_240 = vector.load %arg11[%swap3A_238, %swap3A_239] : memref<2048x512xf32, #tpu.memory_space<vmem>>, vector<2048x512xf32>
    tpu.vector_store %arg11[%swap3A_238, %swap3A_239], %add3A_237 {strides = array<i32>} : memref<2048x512xf32, #tpu.memory_space<vmem>>, vector<2048x512xf32>,
    %get3A_241 = arith.constant 0 : index
    %get3A_242 = arith.constant 0 : index
    %get3A_243 = vector.load %arg11[%get3A_241, %get3A_242] : memref<2048x512xf32, #tpu.memory_space<vmem>>, vector<2048x512xf32>
    %get3A_244 = arith.constant 0 : index
    %get3A_245 = arith.constant 0 : index
    %get3A_246 = vector.load %arg8[%get3A_244, %get3A_245] : memref<512x64xf32, #tpu.memory_space<vmem>>, vector<512x64xf32>
    %dot_general3A_247 = arith.constant dense<0.000000e+00> : vector<2048x64xf32>
    %dot_general3A_248 = tpu.matmul %get3A_243, %get3A_246, %dot_general3A_247 {dimension_numbers = #tpu.dot_dimension_numbers<[1], [0], [0], [1], [0, 0, 1, 1], [], []>, transpose_lhs_hint = false} : vector<2048x512xf32>, vector<512x64xf32>, vector<2048x64xf32> -> vector<2048x64xf32>
    %swap3A_249 = arith.constant 0 : index
    %swap3A_250 = arith.constant 0 : index
    %swap3A_251 = vector.load %arg9[%swap3A_249, %swap3A_250] : memref<2048x64xf32, #tpu.memory_space<vmem>>, vector<2048x64xf32>
    tpu.vector_store %arg9[%swap3A_249, %swap3A_250], %dot_general3A_248 {strides = array<i32>} : memref<2048x64xf32, #tpu.memory_space<vmem>>, vector<2048x64xf32>,
    return
  }
  func.func @transform_0(%arg0: i32) -> (i32, i32) {
    %c0_i32 = arith.constant 0 : i32
    %c0_i32_0 = arith.constant 0 : i32
    return %arg0, %c0_i32 : i32, i32
  }
  func.func @transform_1(%arg0: i32) -> (i32, i32) {
    %c0_i32 = arith.constant 0 : i32
    %c0_i32_0 = arith.constant 0 : i32
    return %arg0, %c0_i32 : i32, i32
  }
  func.func @transform_2(%arg0: i32) -> (i32, i32) {
    %c0_i32 = arith.constant 0 : i32
    %c0_i32_0 = arith.constant 0 : i32
    %c0_i32_1 = arith.constant 0 : i32
    return %c0_i32, %c0_i32_0 : i32, i32
  }
  func.func @transform_3(%arg0: i32) -> (i32, i32) {
    %c0_i32 = arith.constant 0 : i32
    %c0_i32_0 = arith.constant 0 : i32
    %c0_i32_1 = arith.constant 0 : i32
    return %c0_i32, %c0_i32_0 : i32, i32
  }
  func.func @transform_4(%arg0: i32) -> (i32, i32) {
    %c0_i32 = arith.constant 0 : i32
    %c0_i32_0 = arith.constant 0 : i32
    %c0_i32_1 = arith.constant 0 : i32
    return %c0_i32, %c0_i32_0 : i32, i32
  }
  func.func @transform_5(%arg0: i32) -> (i32, i32) {
    %c0_i32 = arith.constant 0 : i32
    %c0_i32_0 = arith.constant 0 : i32
    %c0_i32_1 = arith.constant 0 : i32
    return %c0_i32, %c0_i32_0 : i32, i32
  }
  func.func @transform_6(%arg0: i32) -> (i32, i32) {
    %c0_i32 = arith.constant 0 : i32
    %c0_i32_0 = arith.constant 0 : i32
    %c0_i32_1 = arith.constant 0 : i32
    return %c0_i32, %c0_i32_0 : i32, i32
  }
  func.func @transform_7(%arg0: i32) -> (i32, i32) {
    %c0_i32 = arith.constant 0 : i32
    %c0_i32_0 = arith.constant 0 : i32
    %c0_i32_1 = arith.constant 0 : i32
    return %c0_i32, %c0_i32_0 : i32, i32
  }
  func.func @transform_8(%arg0: i32) -> (i32, i32) {
    %c0_i32 = arith.constant 0 : i32
    %c0_i32_0 = arith.constant 0 : i32
    return %arg0, %c0_i32 : i32, i32
  }
}

module attributes {stable_mosaic.version = 14 : i64} {
  func.func @_s2s_body(%arg0: i32, %arg1: i32, %arg2: i32, %arg3: memref<1024x64xf32, #tpu.memory_space<vmem>>, %arg4: memref<1024x1xi32, #tpu.memory_space<vmem>>, %arg5: memref<1x1024xi32, #tpu.memory_space<vmem>>, %arg6: memref<64x256xf32, #tpu.memory_space<vmem>>, %arg7: memref<64x256xf32, #tpu.memory_space<vmem>>, %arg8: memref<64x256xf32, #tpu.memory_space<vmem>>, %arg9: memref<1x256xf32, #tpu.memory_space<vmem>>, %arg10: memref<1x256xf32, #tpu.memory_space<vmem>>, %arg11: memref<64x64xf32, #tpu.memory_space<vmem>>, %arg12: memref<64x64xf32, #tpu.memory_space<vmem>>, %arg13: memref<1x64xf32, #tpu.memory_space<vmem>>, %arg14: memref<64x1xf32, #tpu.memory_space<vmem>>, %arg15: memref<1x1xf32, #tpu.memory_space<vmem>>, %arg16: memref<512x1xf32, #tpu.memory_space<vmem>>, %arg17: memref<512x64xf32, #tpu.memory_space<vmem>>, %arg18: memref<512x64xf32, #tpu.memory_space<vmem>>, %arg19: memref<512x1xf32, #tpu.memory_space<vmem>>, %arg20: memref<512x64xf32, #tpu.memory_space<vmem>>, %arg21: memref<10240x1xf32, #tpu.memory_space<vmem>>, %arg22: memref<1x512xf32, #tpu.memory_space<vmem>>) attributes {dimension_semantics = [#tpu.dimension_semantics<arbitrary>, #tpu.dimension_semantics<arbitrary>, #tpu.dimension_semantics<arbitrary>], iteration_bounds = array<i64: 3, 2, 10>, scalar_prefetch = 0 : i64, scratch_operands = 6 : i64, tpu.core_type = #tpu.core_type<tc>, window_params = [{transform_indices = @transform_0, window_bounds = array<i64: 1024, 64>}, {transform_indices = @transform_1, window_bounds = array<i64: 1024, 1>}, {transform_indices = @transform_2, window_bounds = array<i64: 1, 1024>}, {pipeline_mode = #tpu.pipeline_mode<synchronous>, transform_indices = @transform_3, window_bounds = array<i64: 64, 256>}, {pipeline_mode = #tpu.pipeline_mode<synchronous>, transform_indices = @transform_4, window_bounds = array<i64: 64, 256>}, {pipeline_mode = #tpu.pipeline_mode<synchronous>, transform_indices = @transform_5, window_bounds = array<i64: 64, 256>}, {pipeline_mode = #tpu.pipeline_mode<synchronous>, transform_indices = @transform_6, window_bounds = array<i64: 1, 256>}, {pipeline_mode = #tpu.pipeline_mode<synchronous>, transform_indices = @transform_7, window_bounds = array<i64: 1, 256>}, {pipeline_mode = #tpu.pipeline_mode<synchronous>, transform_indices = @transform_8, window_bounds = array<i64: 64, 64>}, {pipeline_mode = #tpu.pipeline_mode<synchronous>, transform_indices = @transform_9, window_bounds = array<i64: 64, 64>}, {pipeline_mode = #tpu.pipeline_mode<synchronous>, transform_indices = @transform_10, window_bounds = array<i64: 1, 64>}, {pipeline_mode = #tpu.pipeline_mode<synchronous>, transform_indices = @transform_11, window_bounds = array<i64: 64, 1>}, {pipeline_mode = #tpu.pipeline_mode<synchronous>, transform_indices = @transform_12, window_bounds = array<i64: 1, 1>}, {pipeline_mode = #tpu.pipeline_mode<synchronous>, transform_indices = @transform_13, window_bounds = array<i64: 512, 1>}]} {
    %eq3A = arith.constant 0 : i32
    %eq3A_0 = arith.cmpi eq, %arg0, %eq3A : i32
    %eq3A_1 = arith.constant 0 : i32
    %eq3A_2 = arith.cmpi eq, %arg1, %eq3A_1 : i32
    %and3A = arith.andi %eq3A_0, %eq3A_2 : i1
    %eq3A_3 = arith.constant 0 : i32
    %eq3A_4 = arith.cmpi eq, %arg2, %eq3A_3 : i32
    %and3A_5 = arith.andi %and3A, %eq3A_4 : i1
    %convert_element_type3A = arith.extui %and3A_5 : i1 to i32
    %cond3A = arith.constant 0 : i32
    %cond3A_6 = arith.cmpi ne, %convert_element_type3A, %cond3A : i32
    scf.if %cond3A_6 {
      %broadcast_in_dim3A = arith.constant 0.000000e+00 : f32
      %broadcast_in_dim3A_42 = vector.broadcast %broadcast_in_dim3A : f32 to vector<512x64xf32>
      %swap3A = arith.constant 0 : index
      %swap3A_43 = arith.constant 0 : index
      %swap3A_44 = vector.load %arg17[%swap3A, %swap3A_43] : memref<512x64xf32, #tpu.memory_space<vmem>>, vector<512x64xf32>
      tpu.vector_store %arg17[%swap3A, %swap3A_43], %broadcast_in_dim3A_42 {strides = array<i32>} : memref<512x64xf32, #tpu.memory_space<vmem>>, vector<512x64xf32>,
      %broadcast_in_dim3A_45 = arith.constant 0.000000e+00 : f32
      %broadcast_in_dim3A_46 = vector.broadcast %broadcast_in_dim3A_45 : f32 to vector<512x64xf32>
      %swap3A_47 = arith.constant 0 : index
      %swap3A_48 = arith.constant 0 : index
      %swap3A_49 = vector.load %arg18[%swap3A_47, %swap3A_48] : memref<512x64xf32, #tpu.memory_space<vmem>>, vector<512x64xf32>
      tpu.vector_store %arg18[%swap3A_47, %swap3A_48], %broadcast_in_dim3A_46 {strides = array<i32>} : memref<512x64xf32, #tpu.memory_space<vmem>>, vector<512x64xf32>,
      %broadcast_in_dim3A_50 = arith.constant 0.000000e+00 : f32
      %broadcast_in_dim3A_51 = vector.broadcast %broadcast_in_dim3A_50 : f32 to vector<512x64xf32>
      %swap3A_52 = arith.constant 0 : index
      %swap3A_53 = arith.constant 0 : index
      %swap3A_54 = vector.load %arg20[%swap3A_52, %swap3A_53] : memref<512x64xf32, #tpu.memory_space<vmem>>, vector<512x64xf32>
      tpu.vector_store %arg20[%swap3A_52, %swap3A_53], %broadcast_in_dim3A_51 {strides = array<i32>} : memref<512x64xf32, #tpu.memory_space<vmem>>, vector<512x64xf32>,
      %broadcast_in_dim3A_55 = arith.constant 1.000000e+00 : f32
      %broadcast_in_dim3A_56 = vector.broadcast %broadcast_in_dim3A_55 : f32 to vector<512x1xf32>
      %swap3A_57 = arith.constant 0 : index
      %swap3A_58 = arith.constant 0 : index
      %swap3A_59 = vector.load %arg19[%swap3A_57, %swap3A_58] : memref<512x1xf32, #tpu.memory_space<vmem>>, vector<512x1xf32>
      tpu.vector_store %arg19[%swap3A_57, %swap3A_58], %broadcast_in_dim3A_56 {strides = array<i32>} : memref<512x1xf32, #tpu.memory_space<vmem>>, vector<512x1xf32>,
    } else {
    }
    %eq3A_7 = arith.constant 0 : i32
    %eq3A_8 = arith.cmpi eq, %arg1, %eq3A_7 : i32
    %eq3A_9 = arith.constant 0 : i32
    %eq3A_10 = arith.cmpi eq, %arg2, %eq3A_9 : i32
    %and3A_11 = arith.andi %eq3A_8, %eq3A_10 : i1
    %convert_element_type3A_12 = arith.extui %and3A_11 : i1 to i32
    %cond3A_13 = arith.constant 0 : i32
    %cond3A_14 = arith.cmpi ne, %convert_element_type3A_12, %cond3A_13 : i32
    scf.if %cond3A_14 {
      %get3A_42 = arith.constant 0 : index
      %get3A_43 = arith.constant 0 : index
      %get3A_44 = vector.load %arg20[%get3A_42, %get3A_43] : memref<512x64xf32, #tpu.memory_space<vmem>>, vector<512x64xf32>
      %get3A_45 = arith.constant 0 : index
      %get3A_46 = arith.constant 0 : index
      %get3A_47 = vector.load %arg19[%get3A_45, %get3A_46] : memref<512x1xf32, #tpu.memory_space<vmem>>, vector<512x1xf32>
      %add3A = arith.constant 1.000000e-16 : f32
      %add3A_48 = vector.broadcast %add3A : f32 to vector<512x1xf32>
      %add3A_49 = arith.addf %get3A_47, %add3A_48 : vector<512x1xf32>
      %div3A = vector.broadcast %add3A_49 : vector<512x1xf32> to vector<512x64xf32>
      %div3A_50 = arith.divf %get3A_44, %div3A : vector<512x64xf32>
      %get3A_51 = arith.constant 0 : index
      %get3A_52 = arith.constant 0 : index
      %get3A_53 = vector.load %arg17[%get3A_51, %get3A_52] : memref<512x64xf32, #tpu.memory_space<vmem>>, vector<512x64xf32>
      %get3A_54 = arith.constant 0 : index
      %get3A_55 = arith.constant 0 : index
      %get3A_56 = vector.load %arg6[%get3A_54, %get3A_55] : memref<64x256xf32, #tpu.memory_space<vmem>>, vector<64x256xf32>
      %dot_general3A = arith.constant dense<0.000000e+00> : vector<512x256xf32>
      %dot_general3A_57 = tpu.matmul %get3A_53, %get3A_56, %dot_general3A {dimension_numbers = #tpu.dot_dimension_numbers<[1], [0], [0], [1], [0, 0, 1, 1], [], []>, transpose_lhs_hint = false} : vector<512x64xf32>, vector<64x256xf32>, vector<512x256xf32> -> vector<512x256xf32>
      %get3A_58 = arith.constant 0 : index
      %get3A_59 = arith.constant 0 : index
      %get3A_60 = vector.load %arg7[%get3A_58, %get3A_59] : memref<64x256xf32, #tpu.memory_space<vmem>>, vector<64x256xf32>
      %dot_general3A_61 = arith.constant dense<0.000000e+00> : vector<512x256xf32>
      %dot_general3A_62 = tpu.matmul %div3A_50, %get3A_60, %dot_general3A_61 {dimension_numbers = #tpu.dot_dimension_numbers<[1], [0], [0], [1], [0, 0, 1, 1], [], []>, transpose_lhs_hint = false} : vector<512x64xf32>, vector<64x256xf32>, vector<512x256xf32> -> vector<512x256xf32>
      %add3A_63 = arith.addf %dot_general3A_57, %dot_general3A_62 : vector<512x256xf32>
      %get3A_64 = arith.constant 0 : index
      %get3A_65 = arith.constant 0 : index
      %get3A_66 = vector.load %arg17[%get3A_64, %get3A_65] : memref<512x64xf32, #tpu.memory_space<vmem>>, vector<512x64xf32>
      %get3A_67 = arith.constant 0 : index
      %get3A_68 = arith.constant 0 : index
      %get3A_69 = vector.load %arg8[%get3A_67, %get3A_68] : memref<64x256xf32, #tpu.memory_space<vmem>>, vector<64x256xf32>
      %dot_general3A_70 = arith.constant dense<0.000000e+00> : vector<512x256xf32>
      %dot_general3A_71 = tpu.matmul %get3A_66, %get3A_69, %dot_general3A_70 {dimension_numbers = #tpu.dot_dimension_numbers<[1], [0], [0], [1], [0, 0, 1, 1], [], []>, transpose_lhs_hint = false} : vector<512x64xf32>, vector<64x256xf32>, vector<512x256xf32> -> vector<512x256xf32>
      %add3A_72 = arith.addf %add3A_63, %dot_general3A_71 : vector<512x256xf32>
      %get3A_73 = arith.constant 0 : index
      %get3A_74 = arith.constant 0 : index
      %get3A_75 = vector.load %arg9[%get3A_73, %get3A_74] : memref<1x256xf32, #tpu.memory_space<vmem>>, vector<1x256xf32>
      %add3A_76 = vector.broadcast %get3A_75 : vector<1x256xf32> to vector<512x256xf32>
      %add3A_77 = arith.addf %add3A_72, %add3A_76 : vector<512x256xf32>
      %get3A_78 = arith.constant 0 : index
      %get3A_79 = arith.constant 0 : index
      %get3A_80 = vector.load %arg10[%get3A_78, %get3A_79] : memref<1x256xf32, #tpu.memory_space<vmem>>, vector<1x256xf32>
      %add3A_81 = vector.broadcast %get3A_80 : vector<1x256xf32> to vector<512x256xf32>
      %add3A_82 = arith.addf %add3A_77, %add3A_81 : vector<512x256xf32>
      %slice3A = vector.extract_strided_slice %add3A_82 {offsets = [0, 0], sizes = [512, 64], strides = [1, 1]} : vector<512x256xf32> to vector<512x64xf32>
      %neg3A = arith.constant 0.000000e+00 : f32
      %neg3A_83 = vector.broadcast %neg3A : f32 to vector<512x64xf32>
      %neg3A_84 = arith.subf %neg3A_83, %slice3A : vector<512x64xf32>
      %exp3A = math.exp %neg3A_84 : vector<512x64xf32>
      %add3A_85 = arith.constant 1.000000e+00 : f32
      %add3A_86 = vector.broadcast %add3A_85 : f32 to vector<512x64xf32>
      %add3A_87 = arith.addf %add3A_86, %exp3A : vector<512x64xf32>
      %div3A_88 = arith.constant 1.000000e+00 : f32
      %div3A_89 = vector.broadcast %div3A_88 : f32 to vector<512x64xf32>
      %div3A_90 = arith.divf %div3A_89, %add3A_87 : vector<512x64xf32>
      %slice3A_91 = vector.extract_strided_slice %add3A_82 {offsets = [0, 64], sizes = [512, 64], strides = [1, 1]} : vector<512x256xf32> to vector<512x64xf32>
      %neg3A_92 = arith.constant 0.000000e+00 : f32
      %neg3A_93 = vector.broadcast %neg3A_92 : f32 to vector<512x64xf32>
      %neg3A_94 = arith.subf %neg3A_93, %slice3A_91 : vector<512x64xf32>
      %exp3A_95 = math.exp %neg3A_94 : vector<512x64xf32>
      %add3A_96 = arith.constant 1.000000e+00 : f32
      %add3A_97 = vector.broadcast %add3A_96 : f32 to vector<512x64xf32>
      %add3A_98 = arith.addf %add3A_97, %exp3A_95 : vector<512x64xf32>
      %div3A_99 = arith.constant 1.000000e+00 : f32
      %div3A_100 = vector.broadcast %div3A_99 : f32 to vector<512x64xf32>
      %div3A_101 = arith.divf %div3A_100, %add3A_98 : vector<512x64xf32>
      %slice3A_102 = vector.extract_strided_slice %add3A_82 {offsets = [0, 128], sizes = [512, 64], strides = [1, 1]} : vector<512x256xf32> to vector<512x64xf32>
      %tanh3A = math.tanh %slice3A_102 : vector<512x64xf32>
      %slice3A_103 = vector.extract_strided_slice %add3A_82 {offsets = [0, 192], sizes = [512, 64], strides = [1, 1]} : vector<512x256xf32> to vector<512x64xf32>
      %neg3A_104 = arith.constant 0.000000e+00 : f32
      %neg3A_105 = vector.broadcast %neg3A_104 : f32 to vector<512x64xf32>
      %neg3A_106 = arith.subf %neg3A_105, %slice3A_103 : vector<512x64xf32>
      %exp3A_107 = math.exp %neg3A_106 : vector<512x64xf32>
      %add3A_108 = arith.constant 1.000000e+00 : f32
      %add3A_109 = vector.broadcast %add3A_108 : f32 to vector<512x64xf32>
      %add3A_110 = arith.addf %add3A_109, %exp3A_107 : vector<512x64xf32>
      %div3A_111 = arith.constant 1.000000e+00 : f32
      %div3A_112 = vector.broadcast %div3A_111 : f32 to vector<512x64xf32>
      %div3A_113 = arith.divf %div3A_112, %add3A_110 : vector<512x64xf32>
      %get3A_114 = arith.constant 0 : index
      %get3A_115 = arith.constant 0 : index
      %get3A_116 = vector.load %arg18[%get3A_114, %get3A_115] : memref<512x64xf32, #tpu.memory_space<vmem>>, vector<512x64xf32>
      %mul3A = arith.mulf %div3A_101, %get3A_116 : vector<512x64xf32>
      %mul3A_117 = arith.mulf %div3A_90, %tanh3A : vector<512x64xf32>
      %add3A_118 = arith.addf %mul3A, %mul3A_117 : vector<512x64xf32>
      %tanh3A_119 = math.tanh %add3A_118 : vector<512x64xf32>
      %mul3A_120 = arith.mulf %div3A_113, %tanh3A_119 : vector<512x64xf32>
      %swap3A = arith.constant 0 : index
      %swap3A_121 = arith.constant 0 : index
      %swap3A_122 = vector.load %arg17[%swap3A, %swap3A_121] : memref<512x64xf32, #tpu.memory_space<vmem>>, vector<512x64xf32>
      tpu.vector_store %arg17[%swap3A, %swap3A_121], %mul3A_120 {strides = array<i32>} : memref<512x64xf32, #tpu.memory_space<vmem>>, vector<512x64xf32>,
      %swap3A_123 = arith.constant 0 : index
      %swap3A_124 = arith.constant 0 : index
      %swap3A_125 = vector.load %arg18[%swap3A_123, %swap3A_124] : memref<512x64xf32, #tpu.memory_space<vmem>>, vector<512x64xf32>
      tpu.vector_store %arg18[%swap3A_123, %swap3A_124], %add3A_118 {strides = array<i32>} : memref<512x64xf32, #tpu.memory_space<vmem>>, vector<512x64xf32>,
      %broadcast_in_dim3A = arith.constant 0xFF800000 : f32
      %broadcast_in_dim3A_126 = vector.broadcast %broadcast_in_dim3A : f32 to vector<1x512xf32>
      %swap3A_127 = arith.constant 0 : index
      %swap3A_128 = arith.constant 0 : index
      %swap3A_129 = vector.load %arg22[%swap3A_127, %swap3A_128] : memref<1x512xf32, #tpu.memory_space<vmem>>, vector<1x512xf32>
      tpu.vector_store %arg22[%swap3A_127, %swap3A_128], %broadcast_in_dim3A_126 {strides = array<i32>} : memref<1x512xf32, #tpu.memory_space<vmem>>, vector<1x512xf32>,
    } else {
    }
    %get3A = arith.constant 0 : index
    %get3A_15 = arith.constant 0 : index
    %get3A_16 = vector.load %arg4[%get3A, %get3A_15] : memref<1024x1xi32, #tpu.memory_space<vmem>>, vector<1024x1xi32>
    %iota3A = tpu.iota {dimensions = array<i32: 1>} : vector<1024x512xi32>
    %eq3A_17 = vector.broadcast %get3A_16 : vector<1024x1xi32> to vector<1024x512xi32>
    %eq3A_18 = arith.cmpi eq, %eq3A_17, %iota3A : vector<1024x512xi32>
    %convert_element_type3A_19 = arith.extui %eq3A_18 : vector<1024x512xi1> to vector<1024x512xi32>
    %convert_element_type3A_20 = arith.sitofp %convert_element_type3A_19 : vector<1024x512xi32> to vector<1024x512xf32>
    %eq3A_21 = arith.constant 0 : i32
    %eq3A_22 = arith.cmpi eq, %arg1, %eq3A_21 : i32
    %convert_element_type3A_23 = arith.extui %eq3A_22 : i1 to i32
    %cond3A_24 = arith.constant 0 : i32
    %cond3A_25 = arith.cmpi ne, %convert_element_type3A_23, %cond3A_24 : i32
    scf.if %cond3A_25 {
      %get3A_42 = arith.constant 0 : index
      %get3A_43 = arith.constant 0 : index
      %get3A_44 = vector.load %arg17[%get3A_42, %get3A_43] : memref<512x64xf32, #tpu.memory_space<vmem>>, vector<512x64xf32>
      %dot_general3A = arith.constant dense<0.000000e+00> : vector<1024x64xf32>
      %dot_general3A_45 = tpu.matmul %convert_element_type3A_20, %get3A_44, %dot_general3A {dimension_numbers = #tpu.dot_dimension_numbers<[1], [0], [0], [1], [0, 0, 1, 1], [], []>, transpose_lhs_hint = false} : vector<1024x512xf32>, vector<512x64xf32>, vector<1024x64xf32> -> vector<1024x64xf32>
      %get3A_46 = arith.constant 0 : index
      %get3A_47 = arith.constant 0 : index
      %get3A_48 = vector.load %arg3[%get3A_46, %get3A_47] : memref<1024x64xf32, #tpu.memory_space<vmem>>, vector<1024x64xf32>
      %mul3A = arith.mulf %get3A_48, %dot_general3A_45 : vector<1024x64xf32>
      %reduce_sum3A = arith.constant dense<0.000000e+00> : vector<1024xf32>
      %reduce_sum3A_49 = vector.multi_reduction <add>, %mul3A, %reduce_sum3A [1] : vector<1024x64xf32> to vector<1024xf32>
      %broadcast_in_dim3A = vector.shape_cast %reduce_sum3A_49 : vector<1024xf32> to vector<1024x1xf32>
      %mul3A_50 = arith.constant 1024 : i32
      %mul3A_51 = arith.muli %arg2, %mul3A_50 : i32
      %swap3A = arith.index_cast %mul3A_51 : i32 to index
      %swap3A_52 = arith.constant 0 : index
      %swap3A_53 = vector.load %arg21[%swap3A, %swap3A_52] : memref<10240x1xf32, #tpu.memory_space<vmem>>, vector<1024x1xf32>
      tpu.vector_store %arg21[%swap3A, %swap3A_52], %broadcast_in_dim3A {strides = array<i32>} : memref<10240x1xf32, #tpu.memory_space<vmem>>, vector<1024x1xf32>,
      %gt3A = arith.constant 5.000000e-01 : f32
      %gt3A_54 = vector.broadcast %gt3A : f32 to vector<1024x512xf32>
      %gt3A_55 = arith.cmpf ogt, %convert_element_type3A_20, %gt3A_54 : vector<1024x512xf32>
      %jit3A = arith.constant 0xFF800000 : f32
      %broadcast_in_dim3A_56 = vector.shape_cast %broadcast_in_dim3A : vector<1024x1xf32> to vector<1024x1xf32>
      %broadcast_in_dim3A_57 = vector.broadcast %broadcast_in_dim3A_56 : vector<1024x1xf32> to vector<1024x512xf32>
      %broadcast_in_dim3A_58 = vector.broadcast %jit3A : f32 to vector<1024x512xf32>
      %select_n3A = arith.select %gt3A_55, %broadcast_in_dim3A_57, %broadcast_in_dim3A_58 : vector<1024x512xi1>, vector<1024x512xf32>
      %reduce_max3A = arith.constant dense<0xFF800000> : vector<512xf32>
      %reduce_max3A_59 = vector.multi_reduction <maximumf>, %select_n3A, %reduce_max3A [0] : vector<1024x512xf32> to vector<512xf32>
      %broadcast_in_dim3A_60 = vector.shape_cast %reduce_max3A_59 : vector<512xf32> to vector<1x512xf32>
      %get3A_61 = arith.constant 0 : index
      %get3A_62 = arith.constant 0 : index
      %get3A_63 = vector.load %arg22[%get3A_61, %get3A_62] : memref<1x512xf32, #tpu.memory_space<vmem>>, vector<1x512xf32>
      %max3A = arith.maximumf %get3A_63, %broadcast_in_dim3A_60 : vector<1x512xf32>
      %swap3A_64 = arith.constant 0 : index
      %swap3A_65 = arith.constant 0 : index
      %swap3A_66 = vector.load %arg22[%swap3A_64, %swap3A_65] : memref<1x512xf32, #tpu.memory_space<vmem>>, vector<1x512xf32>
      tpu.vector_store %arg22[%swap3A_64, %swap3A_65], %max3A {strides = array<i32>} : memref<1x512xf32, #tpu.memory_space<vmem>>, vector<1x512xf32>,
    } else {
    }
    %eq3A_26 = arith.constant 1 : i32
    %eq3A_27 = arith.cmpi eq, %arg1, %eq3A_26 : i32
    %convert_element_type3A_28 = arith.extui %eq3A_27 : i1 to i32
    %cond3A_29 = arith.constant 0 : i32
    %cond3A_30 = arith.cmpi ne, %convert_element_type3A_28, %cond3A_29 : i32
    scf.if %cond3A_30 {
      %get3A_42 = arith.constant 0 : index
      %get3A_43 = arith.constant 0 : index
      %get3A_44 = vector.load %arg22[%get3A_42, %get3A_43] : memref<1x512xf32, #tpu.memory_space<vmem>>, vector<1x512xf32>
      %is_finite3A = tpu.weird %get3A_44 : vector<1x512xf32> -> vector<1x512xi1>
      %is_finite3A_45 = arith.constant dense<true> : vector<1x512xi1>
      %is_finite3A_46 = arith.xori %is_finite3A, %is_finite3A_45 : vector<1x512xi1>
      %jit3A = arith.constant 0.000000e+00 : f32
      %broadcast_in_dim3A = vector.broadcast %jit3A : f32 to vector<1x512xf32>
      %select_n3A = arith.select %is_finite3A_46, %get3A_44, %broadcast_in_dim3A : vector<1x512xi1>, vector<1x512xf32>
      %mul3A = vector.broadcast %select_n3A : vector<1x512xf32> to vector<1024x512xf32>
      %mul3A_47 = arith.mulf %convert_element_type3A_20, %mul3A : vector<1024x512xf32>
      %reduce_sum3A = arith.constant dense<0.000000e+00> : vector<1024xf32>
      %reduce_sum3A_48 = vector.multi_reduction <add>, %mul3A_47, %reduce_sum3A [1] : vector<1024x512xf32> to vector<1024xf32>
      %broadcast_in_dim3A_49 = vector.shape_cast %reduce_sum3A_48 : vector<1024xf32> to vector<1024x1xf32>
      %mul3A_50 = arith.constant 1024 : i32
      %mul3A_51 = arith.muli %arg2, %mul3A_50 : i32
      %get3A_52 = arith.index_cast %mul3A_51 : i32 to index
      %get3A_53 = arith.constant 0 : index
      %get3A_54 = vector.load %arg21[%get3A_52, %get3A_53] : memref<10240x1xf32, #tpu.memory_space<vmem>>, vector<1024x1xf32>
      %sub3A = arith.subf %get3A_54, %broadcast_in_dim3A_49 : vector<1024x1xf32>
      %exp3A = math.exp %sub3A : vector<1024x1xf32>
      %get3A_55 = arith.constant 0 : index
      %get3A_56 = arith.constant 0 : index
      %get3A_57 = vector.load %arg5[%get3A_55, %get3A_56] : memref<1x1024xi32, #tpu.memory_space<vmem>>, vector<1x1024xi32>
      %iota3A_58 = tpu.iota {dimensions = array<i32: 0>} : vector<512x1024xi32>
      %eq3A_59 = vector.broadcast %get3A_57 : vector<1x1024xi32> to vector<512x1024xi32>
      %eq3A_60 = arith.cmpi eq, %eq3A_59, %iota3A_58 : vector<512x1024xi32>
      %convert_element_type3A_61 = arith.extui %eq3A_60 : vector<512x1024xi1> to vector<512x1024xi32>
      %convert_element_type3A_62 = arith.sitofp %convert_element_type3A_61 : vector<512x1024xi32> to vector<512x1024xf32>
      %eq3A_63 = arith.constant 0 : i32
      %eq3A_64 = arith.cmpi eq, %arg2, %eq3A_63 : i32
      %convert_element_type3A_65 = arith.extui %eq3A_64 : i1 to i32
      %cond3A_66 = arith.constant 0 : i32
      %cond3A_67 = arith.cmpi ne, %convert_element_type3A_65, %cond3A_66 : i32
      scf.if %cond3A_67 {
        %broadcast_in_dim3A_88 = arith.constant 0.000000e+00 : f32
        %broadcast_in_dim3A_89 = vector.broadcast %broadcast_in_dim3A_88 : f32 to vector<512x1xf32>
        %swap3A_90 = arith.constant 0 : index
        %swap3A_91 = arith.constant 0 : index
        %swap3A_92 = vector.load %arg19[%swap3A_90, %swap3A_91] : memref<512x1xf32, #tpu.memory_space<vmem>>, vector<512x1xf32>
        tpu.vector_store %arg19[%swap3A_90, %swap3A_91], %broadcast_in_dim3A_89 {strides = array<i32>} : memref<512x1xf32, #tpu.memory_space<vmem>>, vector<512x1xf32>,
        %broadcast_in_dim3A_93 = arith.constant 0.000000e+00 : f32
        %broadcast_in_dim3A_94 = vector.broadcast %broadcast_in_dim3A_93 : f32 to vector<512x64xf32>
        %swap3A_95 = arith.constant 0 : index
        %swap3A_96 = arith.constant 0 : index
        %swap3A_97 = vector.load %arg20[%swap3A_95, %swap3A_96] : memref<512x64xf32, #tpu.memory_space<vmem>>, vector<512x64xf32>
        tpu.vector_store %arg20[%swap3A_95, %swap3A_96], %broadcast_in_dim3A_94 {strides = array<i32>} : memref<512x64xf32, #tpu.memory_space<vmem>>, vector<512x64xf32>,
      } else {
      }
      %get3A_68 = arith.constant 0 : index
      %get3A_69 = arith.constant 0 : index
      %get3A_70 = vector.load %arg19[%get3A_68, %get3A_69] : memref<512x1xf32, #tpu.memory_space<vmem>>, vector<512x1xf32>
      %dot_general3A = arith.constant dense<0.000000e+00> : vector<512x1xf32>
      %dot_general3A_71 = tpu.matmul %convert_element_type3A_62, %exp3A, %dot_general3A {dimension_numbers = #tpu.dot_dimension_numbers<[1], [0], [0], [1], [0, 0, 1, 1], [], []>, transpose_lhs_hint = false} : vector<512x1024xf32>, vector<1024x1xf32>, vector<512x1xf32> -> vector<512x1xf32>
      %add3A = arith.addf %get3A_70, %dot_general3A_71 : vector<512x1xf32>
      %swap3A = arith.constant 0 : index
      %swap3A_72 = arith.constant 0 : index
      %swap3A_73 = vector.load %arg19[%swap3A, %swap3A_72] : memref<512x1xf32, #tpu.memory_space<vmem>>, vector<512x1xf32>
      tpu.vector_store %arg19[%swap3A, %swap3A_72], %add3A {strides = array<i32>} : memref<512x1xf32, #tpu.memory_space<vmem>>, vector<512x1xf32>,
      %get3A_74 = arith.constant 0 : index
      %get3A_75 = arith.constant 0 : index
      %get3A_76 = vector.load %arg20[%get3A_74, %get3A_75] : memref<512x64xf32, #tpu.memory_space<vmem>>, vector<512x64xf32>
      %get3A_77 = arith.constant 0 : index
      %get3A_78 = arith.constant 0 : index
      %get3A_79 = vector.load %arg3[%get3A_77, %get3A_78] : memref<1024x64xf32, #tpu.memory_space<vmem>>, vector<1024x64xf32>
      %mul3A_80 = vector.broadcast %exp3A : vector<1024x1xf32> to vector<1024x64xf32>
      %mul3A_81 = arith.mulf %mul3A_80, %get3A_79 : vector<1024x64xf32>
      %dot_general3A_82 = arith.constant dense<0.000000e+00> : vector<512x64xf32>
      %dot_general3A_83 = tpu.matmul %convert_element_type3A_62, %mul3A_81, %dot_general3A_82 {dimension_numbers = #tpu.dot_dimension_numbers<[1], [0], [0], [1], [0, 0, 1, 1], [], []>, transpose_lhs_hint = false} : vector<512x1024xf32>, vector<1024x64xf32>, vector<512x64xf32> -> vector<512x64xf32>
      %add3A_84 = arith.addf %get3A_76, %dot_general3A_83 : vector<512x64xf32>
      %swap3A_85 = arith.constant 0 : index
      %swap3A_86 = arith.constant 0 : index
      %swap3A_87 = vector.load %arg20[%swap3A_85, %swap3A_86] : memref<512x64xf32, #tpu.memory_space<vmem>>, vector<512x64xf32>
      tpu.vector_store %arg20[%swap3A_85, %swap3A_86], %add3A_84 {strides = array<i32>} : memref<512x64xf32, #tpu.memory_space<vmem>>, vector<512x64xf32>,
    } else {
    }
    %eq3A_31 = arith.constant 2 : i32
    %eq3A_32 = arith.cmpi eq, %arg0, %eq3A_31 : i32
    %eq3A_33 = arith.constant 1 : i32
    %eq3A_34 = arith.cmpi eq, %arg1, %eq3A_33 : i32
    %and3A_35 = arith.andi %eq3A_32, %eq3A_34 : i1
    %eq3A_36 = arith.constant 9 : i32
    %eq3A_37 = arith.cmpi eq, %arg2, %eq3A_36 : i32
    %and3A_38 = arith.andi %and3A_35, %eq3A_37 : i1
    %convert_element_type3A_39 = arith.extui %and3A_38 : i1 to i32
    %cond3A_40 = arith.constant 0 : i32
    %cond3A_41 = arith.cmpi ne, %convert_element_type3A_39, %cond3A_40 : i32
    scf.if %cond3A_41 {
      %get3A_42 = arith.constant 0 : index
      %get3A_43 = arith.constant 0 : index
      %get3A_44 = vector.load %arg20[%get3A_42, %get3A_43] : memref<512x64xf32, #tpu.memory_space<vmem>>, vector<512x64xf32>
      %get3A_45 = arith.constant 0 : index
      %get3A_46 = arith.constant 0 : index
      %get3A_47 = vector.load %arg19[%get3A_45, %get3A_46] : memref<512x1xf32, #tpu.memory_space<vmem>>, vector<512x1xf32>
      %add3A = arith.constant 1.000000e-16 : f32
      %add3A_48 = vector.broadcast %add3A : f32 to vector<512x1xf32>
      %add3A_49 = arith.addf %get3A_47, %add3A_48 : vector<512x1xf32>
      %div3A = vector.broadcast %add3A_49 : vector<512x1xf32> to vector<512x64xf32>
      %div3A_50 = arith.divf %get3A_44, %div3A : vector<512x64xf32>
      %get3A_51 = arith.constant 0 : index
      %get3A_52 = arith.constant 0 : index
      %get3A_53 = vector.load %arg17[%get3A_51, %get3A_52] : memref<512x64xf32, #tpu.memory_space<vmem>>, vector<512x64xf32>
      %get3A_54 = arith.constant 0 : index
      %get3A_55 = arith.constant 0 : index
      %get3A_56 = vector.load %arg11[%get3A_54, %get3A_55] : memref<64x64xf32, #tpu.memory_space<vmem>>, vector<64x64xf32>
      %dot_general3A = arith.constant dense<0.000000e+00> : vector<512x64xf32>
      %dot_general3A_57 = tpu.matmul %get3A_53, %get3A_56, %dot_general3A {dimension_numbers = #tpu.dot_dimension_numbers<[1], [0], [0], [1], [0, 0, 1, 1], [], []>, transpose_lhs_hint = false} : vector<512x64xf32>, vector<64x64xf32>, vector<512x64xf32> -> vector<512x64xf32>
      %get3A_58 = arith.constant 0 : index
      %get3A_59 = arith.constant 0 : index
      %get3A_60 = vector.load %arg12[%get3A_58, %get3A_59] : memref<64x64xf32, #tpu.memory_space<vmem>>, vector<64x64xf32>
      %dot_general3A_61 = arith.constant dense<0.000000e+00> : vector<512x64xf32>
      %dot_general3A_62 = tpu.matmul %div3A_50, %get3A_60, %dot_general3A_61 {dimension_numbers = #tpu.dot_dimension_numbers<[1], [0], [0], [1], [0, 0, 1, 1], [], []>, transpose_lhs_hint = false} : vector<512x64xf32>, vector<64x64xf32>, vector<512x64xf32> -> vector<512x64xf32>
      %add3A_63 = arith.addf %dot_general3A_57, %dot_general3A_62 : vector<512x64xf32>
      %get3A_64 = arith.constant 0 : index
      %get3A_65 = arith.constant 0 : index
      %get3A_66 = vector.load %arg13[%get3A_64, %get3A_65] : memref<1x64xf32, #tpu.memory_space<vmem>>, vector<1x64xf32>
      %add3A_67 = vector.broadcast %get3A_66 : vector<1x64xf32> to vector<512x64xf32>
      %add3A_68 = arith.addf %add3A_63, %add3A_67 : vector<512x64xf32>
      %max3A = arith.constant 0.000000e+00 : f32
      %max3A_69 = vector.broadcast %max3A : f32 to vector<512x64xf32>
      %max3A_70 = arith.maximumf %add3A_68, %max3A_69 : vector<512x64xf32>
      %get3A_71 = arith.constant 0 : index
      %get3A_72 = arith.constant 0 : index
      %get3A_73 = vector.load %arg14[%get3A_71, %get3A_72] : memref<64x1xf32, #tpu.memory_space<vmem>>, vector<64x1xf32>
      %dot_general3A_74 = arith.constant dense<0.000000e+00> : vector<512x1xf32>
      %dot_general3A_75 = tpu.matmul %max3A_70, %get3A_73, %dot_general3A_74 {dimension_numbers = #tpu.dot_dimension_numbers<[1], [0], [0], [1], [0, 0, 1, 1], [], []>, transpose_lhs_hint = false} : vector<512x64xf32>, vector<64x1xf32>, vector<512x1xf32> -> vector<512x1xf32>
      %get3A_76 = arith.constant 0 : index
      %get3A_77 = arith.constant 0 : index
      %get3A_78 = vector.load %arg15[%get3A_76, %get3A_77] : memref<1x1xf32, #tpu.memory_space<vmem>>, vector<1x1xf32>
      %add3A_79 = vector.broadcast %get3A_78 : vector<1x1xf32> to vector<512x1xf32>
      %add3A_80 = arith.addf %dot_general3A_75, %add3A_79 : vector<512x1xf32>
      %swap3A = arith.constant 0 : index
      %swap3A_81 = arith.constant 0 : index
      %swap3A_82 = vector.load %arg16[%swap3A, %swap3A_81] : memref<512x1xf32, #tpu.memory_space<vmem>>, vector<512x1xf32>
      tpu.vector_store %arg16[%swap3A, %swap3A_81], %add3A_80 {strides = array<i32>} : memref<512x1xf32, #tpu.memory_space<vmem>>, vector<512x1xf32>,
    } else {
    }
    return
  }
  func.func @transform_0(%arg0: i32, %arg1: i32, %arg2: i32) -> (i32, i32) {
    %c0_i32 = arith.constant 0 : i32
    %c0_i32_0 = arith.constant 0 : i32
    return %arg2, %c0_i32 : i32, i32
  }
  func.func @transform_1(%arg0: i32, %arg1: i32, %arg2: i32) -> (i32, i32) {
    %c0_i32 = arith.constant 0 : i32
    %c0_i32_0 = arith.constant 0 : i32
    return %arg2, %c0_i32 : i32, i32
  }
  func.func @transform_2(%arg0: i32, %arg1: i32, %arg2: i32) -> (i32, i32) {
    %c0_i32 = arith.constant 0 : i32
    %c0_i32_0 = arith.constant 0 : i32
    return %c0_i32, %arg2 : i32, i32
  }
  func.func @transform_3(%arg0: i32, %arg1: i32, %arg2: i32) -> (i32, i32) {
    %c0_i32 = arith.constant 0 : i32
    %c0_i32_0 = arith.constant 0 : i32
    %c0_i32_1 = arith.constant 0 : i32
    return %c0_i32, %c0_i32_0 : i32, i32
  }
  func.func @transform_4(%arg0: i32, %arg1: i32, %arg2: i32) -> (i32, i32) {
    %c0_i32 = arith.constant 0 : i32
    %c0_i32_0 = arith.constant 0 : i32
    %c0_i32_1 = arith.constant 0 : i32
    return %c0_i32, %c0_i32_0 : i32, i32
  }
  func.func @transform_5(%arg0: i32, %arg1: i32, %arg2: i32) -> (i32, i32) {
    %c0_i32 = arith.constant 0 : i32
    %c0_i32_0 = arith.constant 0 : i32
    %c0_i32_1 = arith.constant 0 : i32
    return %c0_i32, %c0_i32_0 : i32, i32
  }
  func.func @transform_6(%arg0: i32, %arg1: i32, %arg2: i32) -> (i32, i32) {
    %c0_i32 = arith.constant 0 : i32
    %c0_i32_0 = arith.constant 0 : i32
    %c0_i32_1 = arith.constant 0 : i32
    return %c0_i32, %c0_i32_0 : i32, i32
  }
  func.func @transform_7(%arg0: i32, %arg1: i32, %arg2: i32) -> (i32, i32) {
    %c0_i32 = arith.constant 0 : i32
    %c0_i32_0 = arith.constant 0 : i32
    %c0_i32_1 = arith.constant 0 : i32
    return %c0_i32, %c0_i32_0 : i32, i32
  }
  func.func @transform_8(%arg0: i32, %arg1: i32, %arg2: i32) -> (i32, i32) {
    %c0_i32 = arith.constant 0 : i32
    %c0_i32_0 = arith.constant 0 : i32
    %c0_i32_1 = arith.constant 0 : i32
    return %c0_i32, %c0_i32_0 : i32, i32
  }
  func.func @transform_9(%arg0: i32, %arg1: i32, %arg2: i32) -> (i32, i32) {
    %c0_i32 = arith.constant 0 : i32
    %c0_i32_0 = arith.constant 0 : i32
    %c0_i32_1 = arith.constant 0 : i32
    return %c0_i32, %c0_i32_0 : i32, i32
  }
  func.func @transform_10(%arg0: i32, %arg1: i32, %arg2: i32) -> (i32, i32) {
    %c0_i32 = arith.constant 0 : i32
    %c0_i32_0 = arith.constant 0 : i32
    %c0_i32_1 = arith.constant 0 : i32
    return %c0_i32, %c0_i32_0 : i32, i32
  }
  func.func @transform_11(%arg0: i32, %arg1: i32, %arg2: i32) -> (i32, i32) {
    %c0_i32 = arith.constant 0 : i32
    %c0_i32_0 = arith.constant 0 : i32
    %c0_i32_1 = arith.constant 0 : i32
    return %c0_i32, %c0_i32_0 : i32, i32
  }
  func.func @transform_12(%arg0: i32, %arg1: i32, %arg2: i32) -> (i32, i32) {
    %c0_i32 = arith.constant 0 : i32
    %c0_i32_0 = arith.constant 0 : i32
    %c0_i32_1 = arith.constant 0 : i32
    return %c0_i32, %c0_i32_0 : i32, i32
  }
  func.func @transform_13(%arg0: i32, %arg1: i32, %arg2: i32) -> (i32, i32) {
    %c0_i32 = arith.constant 0 : i32
    %c0_i32_0 = arith.constant 0 : i32
    %c0_i32_1 = arith.constant 0 : i32
    return %c0_i32, %c0_i32_0 : i32, i32
  }
}

</mosaic_0001>

<sc_bundles>
// kernel: kernel.16.cloned.1.call-start
scs
__scs_entry_jumppad:
0x0: {  	(pc) =	sbr.rel $0x88, $3  }
0x1: {  	(tag) =	ssettag $0x0;
	lr =	simm.s32 $0x1  }
0x2: {  	[smem:$0x3F89] =	sst lr;
	_ =	strace $0xD0000000  }
0x3: {  	_ = 	snop  }
0x4: {  	_ = 	snop  }
0x5: {  	_ = 	snop  }
0x6: {  	_ = 	snop  }
0x7: {  	_ = 	snop  }
__scs_overlays_trampoline_lowered:
0x8: {  	[smem:$0x3F98] =	sst s0  }
0x9: {  	[smem:$0x3F99] =	sst s1  }
0xa: {  	[smem:$0x3F9A] =	sst s2  }
0xb: {  	[smem:$0x3F9B] =	sst s3  }
0xc: {  	[smem:$0x3F9C] =	sst s4  }
0xd: {  	[smem:$0x3F9D] =	sst s5  }
0xe: {  	[smem:$0x3F9E] =	sst s6  }
0xf: {  	[smem:$0x3F9F] =	sst s7  }
0x10: {  	[smem:$0x3FA0] =	sst s8  }
0x11: {  	[smem:$0x3FA1] =	sst s9;
	s0 =	simm.s32 @!p0 $0x0  }
0x12: {  	s1 =	sld [smem:$0x3F87];
	s0 =	simm.s32 @p0 $0x1  }
0x13: {  	[smem:$0x3FA2] =	sst s0;
	s0 =	simm.s32 @!p1 $0x0  }
0x14: {  	s2 =	sld [smem:$0x3F86];
	s0 =	simm.s32 @p1 $0x1  }
0x15: {  	[smem:$0x3FA3] =	sst s0;
	s0 =	simm.s32 @!p2 $0x0  }
0x16: {  	s3 =	sld [smem:$0x3FDB];
	s0 =	simm.s32 @p2 $0x1  }
0x17: {  	s4 =	simm.s32 $0x1BF5;
	[smem:$0x3FA5] =	sst s0  }
0x18: {  	s0 =	sld [smem:$0x3F88];
	_ =	swait.ge [sflag:s4], $0x0  }
0x19: {  	s7 =	sld [smem:$0x3F89]  }
0x1a: {  	s8 =	sadd.s32 $0xFFFFE003, lr  }
0x1b: {  	s9 =	sadd.s32 $0xFFFFFEF7, lr;
	s5 =	simm.s32 $0xFFFFFFFF;
	p2 =	slt.u32 s8, $0xFFFFF086  }
0x1c: {  	p1 =	slt.u32 s9, $0xF7A;
	s5 =	simm.s32 @!p2 $0x0  }
0x1d: {  	s5 =	simm.s32 @p1 $0x1;
	p0 =	seq.s32 s7, s2  }
0x1e: {  	s7 =	smul.u32 @!p0 $0xF7A, s2;
	p2 =	seq.s32 @!p0 s5, $0x0  }
0x1f: {  	s9 =	smul.u32 $0xF7A, s1;
	s8 =	simm.s32 @!p0 $0x1BF5;
	p2 =	por !p2, p0  }
0x20: {  	[sflag:s8] =	ssyncset.s32 @!p0 $0xFFFFF086;
	s6 =	sadd.s32 @!p0 s3, s7;
	s7 =	simm.s32 @!p0 $0x108  }
0x21: {  	s3 =	sadd.s32 s3, s9;
	s6 =	sadd.s32 @!p0 $0x88, s6;
	s7 =	simm.s32 @p2 $0x1082  }
0x22: {  	[simem:s7], [sflag:s8] =	dma.local @!p0 [hbm:s6], $0xF7A  }
0x23: {  	s9 =	sor.u32 $0xD0000000, s2;
	s6 =	simm.s32 $0x108;
	_ =	swait.ge @!p0 [sflag:s8], $0x0  }
0x24: {  	s3 =	sadd.s32 $0x88, s3;
	s6 =	simm.s32 @!p1 $0x1082;
	[sflag:s4] =	ssyncset.s32 $0xFFFFF086  }
0x25: {  	[simem:s6], [sflag:s4] =	dma.local [hbm:s3], $0xF7A  }
0x26: {  	[smem:$0x3F89] =	sst s1;
	(tag) =	ssettag s2;
	_ =	strace s9  }
0x27: {  	s1 =	sld [smem:$0x3F99]  }
0x28: {  	s2 =	sld [smem:$0x3F9A]  }
0x29: {  	s4 =	sld [smem:$0x3F9C]  }
0x2a: {  	p0 =	seq.s32 s5, $0x0;
	s5 =	sld [smem:$0x3F9D]  }
0x2b: {  	s6 =	sld [smem:$0x3F9E]  }
0x2c: {  	s7 =	sld [smem:$0x3F9F]  }
0x2d: {  	s3 =	simm.s32 $0x108;
	s8 =	sld [smem:$0x3FA0]  }
0x2e: {  	s3 =	simm.s32 @!p0 $0x1082;
	s9 =	sld [smem:$0x3FA1]  }
0x2f: {  	lr =	sadd.s32 s0, s3;
	s0 =	sld [smem:$0x3F98]  }
0x30: {  	s3 =	sld [smem:$0x3F9B]  }
0x31: {  	[smem:$0x3FA4] =	sst s10  }
0x32: {  	s10 =	sld [smem:$0x3FA2];
	_ =	sdelay $0x3  }
0x33: {  	p0 =	seq.s32 s10, $0x1;
	s10 =	sld [smem:$0x3FA4];
	_ =	sdelay $0x3  }
0x34: {  	[smem:$0x3FA4] =	sst s10  }
0x35: {  	s10 =	sld [smem:$0x3FA3];
	_ =	sdelay $0x3  }
0x36: {  	p1 =	seq.s32 s10, $0x1;
	s10 =	sld [smem:$0x3FA4];
	_ =	sdelay $0x3  }
0x37: {  	[smem:$0x3FA4] =	sst s10  }
0x38: {  	s10 =	sld [smem:$0x3FA5]  }
0x39: {  	_ = 	snop;
	(pc) =	sbr.ind lr, $3  }
0x3a: {  	_ = 	snop  }
0x3b: {  	_ = 	snop  }
0x3c: {  	p2 =	seq.s32 s10, $0x1;
	s10 =	sld [smem:$0x3FA4]  }
0x3d: {  	_ =	shalt  }
0x3e: {  	_ =	shalt  }
0x3f: {  	_ =	shalt  }
0x40: {  	_ =	shalt  }
0x41: {  	_ =	shalt  }
0x42: {  	_ =	shalt  }
0x43: {  	_ =	shalt  }
0x44: {  	_ =	shalt  }
0x45: {  	_ =	shalt  }
0x46: {  	_ =	shalt  }
0x47: {  	_ =	shalt  }
0x48: {  	_ =	shalt  }
0x49: {  	_ =	shalt  }
0x4a: {  	_ =	shalt  }
0x4b: {  	_ =	shalt  }
0x4c: {  	_ =	shalt  }
0x4d: {  	_ =	shalt  }
0x4e: {  	_ =	shalt  }
0x4f: {  	_ =	shalt  }
0x50: {  	_ =	shalt  }
0x51: {  	_ =	shalt  }
0x52: {  	_ =	shalt  }
0x53: {  	_ =	shalt  }
0x54: {  	_ =	shalt  }
0x55: {  	_ =	shalt  }
0x56: {  	_ =	shalt  }
0x57: {  	_ =	shalt  }
0x58: {  	_ =	shalt  }
0x59: {  	_ =	shalt  }
0x5a: {  	_ =	shalt  }
0x5b: {  	_ =	shalt  }
0x5c: {  	_ =	shalt  }
0x5d: {  	_ =	shalt  }
0x5e: {  	_ =	shalt  }
0x5f: {  	_ =	shalt  }
0x60: {  	_ =	shalt  }
0x61: {  	_ =	shalt  }
0x62: {  	_ =	shalt  }
0x63: {  	_ =	shalt  }
0x64: {  	_ =	shalt  }
0x65: {  	_ =	shalt  }
0x66: {  	_ =	shalt  }
0x67: {  	_ =	shalt  }
0x68: {  	_ =	shalt  }
0x69: {  	_ =	shalt  }
0x6a: {  	_ =	shalt  }
0x6b: {  	_ =	shalt  }
0x6c: {  	_ =	shalt  }
0x6d: {  	_ =	shalt  }
0x6e: {  	_ =	shalt  }
0x6f: {  	_ =	shalt  }
0x70: {  	_ =	shalt  }
0x71: {  	_ =	shalt  }
0x72: {  	_ =	shalt  }
0x73: {  	_ =	shalt  }
0x74: {  	_ =	shalt  }
0x75: {  	_ =	shalt  }
0x76: {  	_ =	shalt  }
0x77: {  	_ =	shalt  }
0x78: {  	_ =	shalt  }
0x79: {  	_ =	shalt  }
0x7a: {  	_ =	shalt  }
0x7b: {  	_ =	shalt  }
0x7c: {  	_ =	shalt  }
0x7d: {  	_ =	shalt  }
0x7e: {  	_ =	shalt  }
0x7f: {  	_ =	shalt  }
0x80: {  	_ =	shalt  }
0x81: {  	_ =	shalt  }
0x82: {  	_ =	shalt  }
0x83: {  	_ =	shalt  }
0x84: {  	_ =	shalt  }
0x85: {  	_ =	shalt  }
0x86: {  	_ =	shalt  }
0x87: {  	_ =	shalt  }
.Lfunc_end0:
.L_simem_size_0:
called_computation_lowered:
.L_overlay_start_0:
0x88: {  	s2 =	sld [smem:$0x3FD9]  }
0x89: {  	s3 =	sld [smem:$0x3FFE];
	_ =	sdelay $0x1  }
0x8a: {  	s1 =	srdreg.scid  }
0x8b: {  	s0 =	sand.u32 $0x1, s1  }
0x8c: {  	s16 =	sshll.u32 s0, $0xA;
	s2 =	sadd.s32 s3, s2  }
0x8d: {  	s2 =	sadd.s32 s2, s16  }
0x8e: {  	[smem:$0x3FB0] =	sst s2  }
0x8f: {  	_ = 	snop  }
0x90: {  	(tm) =	ssettm $0x1  }
0x91: {  	s17 =	sld [smem:$0x3FFB];
	_ =	sdelay $0x3  }
0x92: {  	_ =	strace s17  }
0x93: {  	s2 =	sld [smem:$0x3FFC];
	_ =	sdelay $0x3  }
0x94: {  	_ =	strace s2  }
0x95: {  	s2 =	sld [smem:$0x3FFD];
	_ =	sdelay $0x3  }
0x96: {  	_ =	strace s2  }
0x97: {  	_ =	strace $0x8FFFFFFF  }
0x98: {  	s18 =	sld [smem:$0x3FDB];
	_ =	sdelay $0x1  }
0x99: {  	s19 =	simm.s32 $_scs_section_size  }
0x9a: {  	s4 =	simm.s32 $_size__tile_overlayer_lowered;
	s5 =	simm.s32 $_tile_overlayer_lowered  }
0x9b: {  	s22 =	simm.s32 $0x1BFF;
	s21 =	sshll.u32 s5, $0x1;
	s2 =	sadd.s32 s19, s18  }
0x9c: {  	s6 =	simm.s32 $0x0;
	s20 =	sshll.u32 s4, $0x1;
	s4 =	sadd.s32 s21, s2  }
0x9d: {  	[timem:s6], [sflag:s22] =	dma.local [hbm:s4], s20  }
0x9e: {  	_ =	swait.ge [sflag:s22], s20  }
0x9f: {  	s3 =	ssub.s32 $0x0, s20;
	[sflag:s22] =	ssyncset.done $0x0  }
0xa0: {  	[sflag:s22] =	ssyncadd.s32 s3;
	_ =	sdelay $0x1  }
0xa1: {  	s23 =	simm.s32 $0x1B8B  }
0xa2: {  	_ =	swait.ge [sflag:s23], $0x1  }
0xa3: {  	[sflag:s23] =	ssyncset.done $0x0  }
0xa4: {  	s25 =	simm.s32 $0x1B8E;
	s24 =	sld [smem:$0x3FFE];
	[sflag:s23] =	ssyncadd.s32 $0xFFFFFFFF  }
0xa5: {  	s26 =	simm.s32 $execute0_lowered;
	[smem:$0x3FD2] =	sst s25  }
0xa6: {  	s4 =	sshll.u32 s26, $0x1;
	_ =	strace $0x80000046;
	[dreg:$0x1] =	wrdreg $0xFFFFFFFF  }
0xa7: {  	s28 =	simm.s32 $_size_execute0_lowered;
	s2 =	sadd.s32 s2, s4;
	[dreg:$0x0] =	wrdreg $0x0  }
0xa8: {  	s4 =	sshll.u32 s28, $0x1;
	[dreg:$0x2] =	wrdreg s2  }
0xa9: {  	[dreg:$0x3] =	wrdreg s4  }
0xaa: {  	[dreg:$0x4] =	wrdreg $0xC0  }
0xab: {  	_ =	task [dreg:s6], $0x5FFFF  }
0xac: {  	[dreg:$0x1] =	wrdreg $0xFFFFFFFF  }
0xad: {  	[dreg:$0x0] =	wrdreg $0x60  }
0xae: {  	[dreg:$0x2] =	wrdreg s24  }
0xaf: {  	[dreg:$0x3] =	wrdreg $0x9  }
0xb0: {  	_ =	task.clear_ibuf [dreg:s6], $0x4FFFF;
	_ =	strace $0x90000046  }
0xb1: {  	s29 =	simm.s32 $0x9;
	_ =	strace $0x80000048  }
0xb2: {  	_ =	swait.ge [sflag:s29], $0x1  }
0xb3: {  	[sflag:s29] =	ssyncadd.s32 $0xFFFFFFFF  }
0xb4: {  	_ =	strace $0x90000048  }
0xb5: {  	_ =	sfence  }
0xb6: {  	s30 =	sld [smem:$0x0];
	_ =	sdelay $0x2  }
0xb7: {  	s31 =	sshll.u32 s1, $0xD;
	s1 =	sshrl.u32 s1, $0x2  }
0xb8: {  	s3 =	sand.u32 $0x4000, s31;
	s1 =	sadd.s32 s1, s30  }
0xb9: {  	s0 =	sor.u32 s3, s0;
	s1 =	sshll.u32 s1, $0x11  }
0xba: {  	s0 =	sor.u32 s1, s0  }
0xbb: {  	s0 =	sadd.s32 $0x8F2B, s0  }
0xbc: {  	[sflag:s0] =	ssyncadd.remote.s32 $0x1  }
0xbd: {  	_ =	sfence.sel $0xFFFF  }
0xbe: {  	[dreg:$0x0] =	wrdreg $0xFFFFFFFF;
	(pc) =	sbr.abs _section_cstart, $3  }
0xbf: {  	[dreg:$0x1] =	wrdreg $0xFFFFFFFF  }
0xc0: {  	_ =	task.clear_ibuf [dreg:s6], $0x2FFFF;
	_ =	strace $0x9FFFFFFF  }
0xc1: {  	(tm) =	ssettm $0x7FFFFFFF  }
tec
execute0_lowered:
.L_overlay_start_1:
0x0: {  	(tag) =	ssettag $0x1  }
0x1: {  	s0 =	srdreg.scid  }
0x2: {  	s22 =	sand.u32 $0x1, s0  }
0x3: {  	s0 =	stileid.u32;
	s1 =	sshll.u32 s22, $0x4  }
0x4: {  	s16 =	sor.u32 s0, s1  }
0x5: {  	s3 =	smul.u32 $0x50, s16  }
0x6: {  	s17 =	rddreg [dreg:$0x0];
	s2 =	simm.s32 $0x0  }
0x7: {  	s4 =	simm.s32 $0x3;
	[smem:$0x7FF] =	sst s2;
	s3 =	sadd.s32 s3, s17  }
0x8: {  	s1 =	rddreg [dreg:$0x1];
	_ =	strace $0x80000047;
	s3 =	sadd.s32 $0x9400, s3  }
0x9: {  	[tilespmem:s2], [sflag:$0x3] =	stream.linear.gather [hbm4b:s3+s2], $0x280, $0x38;
	[tilespmem:$0x2A80] =	vst v63  }
0xa: {  	_ =	swait.ge [sflag:s4], $0x280  }
0xb: {  	s6 =	simm.s32 $0x80;
	[sflag:s4] =	ssyncset.done $0x0  }
0xc: {  	s7 =	simm.s32 $0x280;
	s5 =	sadd.s32 $0x4400, s17;
	[sflag:s4] =	ssyncadd.s32 $0xFFFFFD80  }
0xd: {  	[tilespmem:s7], [sflag:$0x1] =	stream.indirect.gather [hbm4b:s5+s6], $0x10, s2, s6, $0xb8;
	[tilespmem:$0x2A80] =	vst v63  }
0xe: {  	s8 =	simm.s32 $0xA80  }
0xf: {  	[tilespmem:s8], [sflag:$0x1] =	stream.indirect.gather [hbm4b:s5+s6], $0x10, s6, s6, $0xb8;
	[tilespmem:$0x2A80] =	vst v63  }
0x10: {  	s9 =	simm.s32 $0x100;
	s10 =	simm.s32 $0x1280  }
0x11: {  	[tilespmem:s10], [sflag:$0x1] =	stream.indirect.gather [hbm4b:s5+s6], $0x10, s9, s6, $0xb8;
	[tilespmem:$0x2A80] =	vst v63  }
0x12: {  	s11 =	simm.s32 $0x180;
	s12 =	simm.s32 $0x1A80  }
0x13: {  	[tilespmem:s12], [sflag:$0x1] =	stream.indirect.gather [hbm4b:s5+s6], $0x10, s11, s6, $0xb8;
	[tilespmem:$0x2A80] =	vst v63  }
0x14: {  	s13 =	simm.s32 $0x200;
	s14 =	simm.s32 $0x2280;
	s15 =	simm.s32 $0x1  }
0x15: {  	[tilespmem:s14], [sflag:$0x1] =	stream.indirect.gather [hbm4b:s5+s6], $0x10, s13, s6, $0xb8;
	[tilespmem:$0x2A80] =	vst v63  }
0x16: {  	_ =	swait.ge [sflag:s15], $0x800  }
0x17: {  	[sflag:s15] =	ssyncset.done $0x0  }
0x18: {  	[sflag:s15] =	ssyncadd.s32 $0xFFFFF800  }
0x19: {  	_ =	swait.ge [sflag:s15], $0x800  }
0x1a: {  	[sflag:s15] =	ssyncset.done $0x0  }
0x1b: {  	[sflag:s15] =	ssyncadd.s32 $0xFFFFF800  }
0x1c: {  	_ =	swait.ge [sflag:s15], $0x800  }
0x1d: {  	[sflag:s15] =	ssyncset.done $0x0  }
0x1e: {  	[sflag:s15] =	ssyncadd.s32 $0xFFFFF800  }
0x1f: {  	_ =	swait.ge [sflag:s15], $0x800  }
0x20: {  	[sflag:s15] =	ssyncset.done $0x0  }
0x21: {  	s18 =	smul.u32 $0x2800, s16;
	[sflag:s15] =	ssyncadd.s32 $0xFFFFF800  }
0x22: {  	s16 =	smul.u32 $0x500, s16;
	_ =	swait.ge [sflag:s15], $0x800  }
0x23: {  	s17 =	sadd.s32 $0x9E00, s17;
	s18 =	sshrl.u32 s18, $0x3;
	[sflag:s15] =	ssyncset.done $0x0  }
0x24: {  	s16 =	sadd.s32 s17, s16;
	s20 =	sadd.s32 s17, s18;
	[sflag:s15] =	ssyncadd.s32 $0xFFFFF800  }
0x25: {  	[hbm4b:s16+s2] =	stream.linear.scatter [tilespmem:s7], [sflag:$0x2], $0x800, $0x38;
	[tilespmem:$0x2A80] =	vst v63  }
0x26: {  	s17 =	sadd.s32 $0x100, s20  }
0x27: {  	[hbm4b:s17+s2] =	stream.linear.scatter [tilespmem:s8], [sflag:$0x2], $0x800, $0x38;
	[tilespmem:$0x2A80] =	vst v63  }
0x28: {  	s18 =	sadd.s32 $0x200, s20  }
0x29: {  	[hbm4b:s18+s2] =	stream.linear.scatter [tilespmem:s10], [sflag:$0x2], $0x800, $0x38;
	[tilespmem:$0x2A80] =	vst v63  }
0x2a: {  	s19 =	sadd.s32 $0x300, s20  }
0x2b: {  	[hbm4b:s19+s2] =	stream.linear.scatter [tilespmem:s12], [sflag:$0x2], $0x800, $0x38;
	[tilespmem:$0x2A80] =	vst v63  }
0x2c: {  	s21 =	sadd.s32 $0x400, s20;
	s20 =	simm.s32 $0x2  }
0x2d: {  	[hbm4b:s21+s2] =	stream.linear.scatter [tilespmem:s14], [sflag:$0x2], $0x800, $0x38;
	[tilespmem:$0x2A80] =	vst v63  }
0x2e: {  	_ =	swait.ge [sflag:s20], $0x800  }
0x2f: {  	[sflag:s20] =	ssyncset.done $0x0  }
0x30: {  	[sflag:s20] =	ssyncadd.s32 $0xFFFFF800  }
0x31: {  	_ =	swait.ge [sflag:s20], $0x800  }
0x32: {  	s22 =	ssub.s32 $0x2, s22;
	[sflag:s20] =	ssyncset.done $0x0  }
0x33: {  	s23 =	sshrl.u32 s22, $0x1;
	[sflag:s20] =	ssyncadd.s32 $0xFFFFF800  }
0x34: {  	s22 =	ssub.s32 s22, s23;
	_ =	swait.ge [sflag:s20], $0x800  }
0x35: {  	s22 =	smax.u32 s22, $0x1;
	[sflag:s20] =	ssyncset.done $0x0  }
0x36: {  	p0 =	sne.s32 s22, $0x1;
	[sflag:s20] =	ssyncadd.s32 $0xFFFFF800  }
.Ltmp0:
0x37: {  	_ =	swait.ge [sflag:s20], $0x800;
	(pc) =	sbr.rel @!p0 .LBB2_2-.Ltmp0, $4  }
0x38: {  	[sflag:s20] =	ssyncset.done $0x0  }
0x39: {  	[sflag:s20] =	ssyncadd.s32 $0xFFFFF800  }
0x3a: {  	_ =	swait.ge [sflag:s20], $0x800  }
0x3b: {  	s22 =	sadd.s32 $0xFFFFFFFF, s22;
	[sflag:s20] =	ssyncset.done $0x0  }
.LBB2_1:
0x3c: {  	p0 =	sne.s32 s22, $0x1;
	s22 =	sadd.s32 $0xFFFFFFFF, s22;
	[sflag:s20] =	ssyncadd.s32 $0xFFFFF800  }
0x3d: {  	[tilespmem:s2], [sflag:$0x3] =	stream.linear.gather [hbm4b:s3+s2], $0x280, $0x38;
	[tilespmem:$0x2A80] =	vst v63  }
0x3e: {  	_ =	swait.ge [sflag:s4], $0x280  }
0x3f: {  	[sflag:s4] =	ssyncset.done $0x0  }
0x40: {  	[sflag:s4] =	ssyncadd.s32 $0xFFFFFD80  }
0x41: {  	[tilespmem:s7], [sflag:$0x1] =	stream.indirect.gather [hbm4b:s5+s6], $0x10, s2, s6, $0xb8;
	[tilespmem:$0x2A80] =	vst v63  }
0x42: {  	_ = 	snop  }
0x43: {  	[tilespmem:s8], [sflag:$0x1] =	stream.indirect.gather [hbm4b:s5+s6], $0x10, s6, s6, $0xb8;
	[tilespmem:$0x2A80] =	vst v63  }
0x44: {  	_ = 	snop  }
0x45: {  	[tilespmem:s10], [sflag:$0x1] =	stream.indirect.gather [hbm4b:s5+s6], $0x10, s9, s6, $0xb8;
	[tilespmem:$0x2A80] =	vst v63  }
0x46: {  	_ = 	snop  }
0x47: {  	[tilespmem:s12], [sflag:$0x1] =	stream.indirect.gather [hbm4b:s5+s6], $0x10, s11, s6, $0xb8;
	[tilespmem:$0x2A80] =	vst v63  }
0x48: {  	_ = 	snop  }
0x49: {  	[tilespmem:s14], [sflag:$0x1] =	stream.indirect.gather [hbm4b:s5+s6], $0x10, s13, s6, $0xb8;
	[tilespmem:$0x2A80] =	vst v63  }
0x4a: {  	_ =	swait.ge [sflag:s15], $0x800  }
0x4b: {  	[sflag:s15] =	ssyncset.done $0x0  }
0x4c: {  	[sflag:s15] =	ssyncadd.s32 $0xFFFFF800  }
0x4d: {  	_ =	swait.ge [sflag:s15], $0x800  }
0x4e: {  	[sflag:s15] =	ssyncset.done $0x0  }
0x4f: {  	[sflag:s15] =	ssyncadd.s32 $0xFFFFF800  }
0x50: {  	_ =	swait.ge [sflag:s15], $0x800  }
0x51: {  	[sflag:s15] =	ssyncset.done $0x0  }
0x52: {  	[sflag:s15] =	ssyncadd.s32 $0xFFFFF800  }
0x53: {  	_ =	swait.ge [sflag:s15], $0x800  }
0x54: {  	[sflag:s15] =	ssyncset.done $0x0  }
0x55: {  	[sflag:s15] =	ssyncadd.s32 $0xFFFFF800  }
0x56: {  	_ =	swait.ge [sflag:s15], $0x800  }
0x57: {  	[sflag:s15] =	ssyncset.done $0x0  }
0x58: {  	[sflag:s15] =	ssyncadd.s32 $0xFFFFF800  }
0x59: {  	[hbm4b:s16+s2] =	stream.linear.scatter [tilespmem:s7], [sflag:$0x2], $0x800, $0x38;
	[tilespmem:$0x2A80] =	vst v63  }
0x5a: {  	_ = 	snop  }
0x5b: {  	[hbm4b:s17+s2] =	stream.linear.scatter [tilespmem:s8], [sflag:$0x2], $0x800, $0x38;
	[tilespmem:$0x2A80] =	vst v63  }
0x5c: {  	_ = 	snop  }
0x5d: {  	[hbm4b:s18+s2] =	stream.linear.scatter [tilespmem:s10], [sflag:$0x2], $0x800, $0x38;
	[tilespmem:$0x2A80] =	vst v63  }
0x5e: {  	_ = 	snop  }
0x5f: {  	[hbm4b:s19+s2] =	stream.linear.scatter [tilespmem:s12], [sflag:$0x2], $0x800, $0x38;
	[tilespmem:$0x2A80] =	vst v63  }
0x60: {  	_ = 	snop  }
0x61: {  	[hbm4b:s21+s2] =	stream.linear.scatter [tilespmem:s14], [sflag:$0x2], $0x800, $0x38;
	[tilespmem:$0x2A80] =	vst v63  }
0x62: {  	_ =	swait.ge [sflag:s20], $0x800  }
0x63: {  	[sflag:s20] =	ssyncset.done $0x0  }
0x64: {  	[sflag:s20] =	ssyncadd.s32 $0xFFFFF800  }
0x65: {  	_ =	swait.ge [sflag:s20], $0x800  }
0x66: {  	[sflag:s20] =	ssyncset.done $0x0  }
0x67: {  	[sflag:s20] =	ssyncadd.s32 $0xFFFFF800  }
0x68: {  	_ =	swait.ge [sflag:s20], $0x800  }
0x69: {  	[sflag:s20] =	ssyncset.done $0x0  }
0x6a: {  	[sflag:s20] =	ssyncadd.s32 $0xFFFFF800  }
.Ltmp1:
0x6b: {  	_ =	swait.ge [sflag:s20], $0x800;
	(pc) =	sbr.rel @p0 .LBB2_1-.Ltmp1, $4  }
0x6c: {  	[sflag:s20] =	ssyncset.done $0x0  }
0x6d: {  	[sflag:s20] =	ssyncadd.s32 $0xFFFFF800  }
0x6e: {  	_ =	swait.ge [sflag:s20], $0x800  }
0x6f: {  	[sflag:s20] =	ssyncset.done $0x0  }
.LBB2_2:
0x70: {  	[sflag:s20] =	ssyncadd.s32 $0xFFFFF800  }
0x71: {  	_ =	sfence.sel $0x180000  }
0x72: {  	[bflag:$0x0] =	sbarrier.arrive $0xFFFF  }
0x73: {  	p0 =	sne.s32 s0, $0x0;
	_ =	strace $0x90000047  }
0x74: {  	s0 =	sadd.s32 @!p0 $0x100000, s1;
	[bflag:$0x2] =	sbarrier.arrive $0xFFFF  }
0x75: {  	[sflag:s0] =	ssyncadd.tile.s32 @!p0 $0x1;
	_ =	shalt  }
.Lfunc_end2:
_tile_overlayer_lowered:
.L_overlay_start_2:
0x76: {  	(tag) =	ssettag $0x2  }
0x77: {  	s0 =	rddreg [dreg:$0x0];
	s2 =	stileid.u32  }
0x78: {  	s1 =	rddreg [dreg:$0x1];
	p0 =	sne.s32 s2, $0x0  }
0x79: {  	s3 =	rddreg [dreg:$0x2];
	[bflag:$0x3] =	sbarrier.arrive $0xFFFF;
	s2 =	simm.s32 @!p0 $0x1C03  }
0x7a: {  	[timem:s3], [sflag:s2] =	dma.local @!p0 [hbm:s0], s1  }
0x7b: {  	s0 =	simm.s32 @!p0 $0x3  }
0x7c: {  	_ =	swait.ge @!p0 [sflag:s0], s1  }
0x7d: {  	s1 =	ssub.s32 @!p0 $0x0, s1;
	[sflag:s0] =	ssyncset.done @!p0 $0x0  }
0x7e: {  	[sflag:s0] =	ssyncadd.s32 @!p0 s1  }
0x7f: {  	[bflag:$0x3] =	sbarrier.arrive $0xFFFF  }
0x80: {  	_ =	shalt  }

// kernel: kernel.19.cloned.1.call-start
scs
__scs_entry_jumppad:
0x0: {  	(pc) =	sbr.rel $0x88, $3  }
0x1: {  	(tag) =	ssettag $0x0;
	lr =	simm.s32 $0x1  }
0x2: {  	[smem:$0x3F89] =	sst lr;
	_ =	strace $0xD0000000  }
0x3: {  	_ = 	snop  }
0x4: {  	_ = 	snop  }
0x5: {  	_ = 	snop  }
0x6: {  	_ = 	snop  }
0x7: {  	_ = 	snop  }
__scs_overlays_trampoline_lowered:
0x8: {  	[smem:$0x3F98] =	sst s0  }
0x9: {  	[smem:$0x3F99] =	sst s1  }
0xa: {  	[smem:$0x3F9A] =	sst s2  }
0xb: {  	[smem:$0x3F9B] =	sst s3  }
0xc: {  	[smem:$0x3F9C] =	sst s4  }
0xd: {  	[smem:$0x3F9D] =	sst s5  }
0xe: {  	[smem:$0x3F9E] =	sst s6  }
0xf: {  	[smem:$0x3F9F] =	sst s7  }
0x10: {  	[smem:$0x3FA0] =	sst s8  }
0x11: {  	[smem:$0x3FA1] =	sst s9;
	s0 =	simm.s32 @!p0 $0x0  }
0x12: {  	s1 =	sld [smem:$0x3F87];
	s0 =	simm.s32 @p0 $0x1  }
0x13: {  	[smem:$0x3FA2] =	sst s0;
	s0 =	simm.s32 @!p1 $0x0  }
0x14: {  	s2 =	sld [smem:$0x3F86];
	s0 =	simm.s32 @p1 $0x1  }
0x15: {  	[smem:$0x3FA3] =	sst s0;
	s0 =	simm.s32 @!p2 $0x0  }
0x16: {  	s3 =	sld [smem:$0x3FDB];
	s0 =	simm.s32 @p2 $0x1  }
0x17: {  	s4 =	simm.s32 $0x1BF5;
	[smem:$0x3FA5] =	sst s0  }
0x18: {  	s0 =	sld [smem:$0x3F88];
	_ =	swait.ge [sflag:s4], $0x0  }
0x19: {  	s7 =	sld [smem:$0x3F89]  }
0x1a: {  	s8 =	sadd.s32 $0xFFFFE003, lr  }
0x1b: {  	s9 =	sadd.s32 $0xFFFFFEF7, lr;
	s5 =	simm.s32 $0xFFFFFFFF;
	p2 =	slt.u32 s8, $0xFFFFF086  }
0x1c: {  	p1 =	slt.u32 s9, $0xF7A;
	s5 =	simm.s32 @!p2 $0x0  }
0x1d: {  	s5 =	simm.s32 @p1 $0x1;
	p0 =	seq.s32 s7, s2  }
0x1e: {  	s7 =	smul.u32 @!p0 $0xF7A, s2;
	p2 =	seq.s32 @!p0 s5, $0x0  }
0x1f: {  	s9 =	smul.u32 $0xF7A, s1;
	s8 =	simm.s32 @!p0 $0x1BF5;
	p2 =	por !p2, p0  }
0x20: {  	[sflag:s8] =	ssyncset.s32 @!p0 $0xFFFFF086;
	s6 =	sadd.s32 @!p0 s3, s7;
	s7 =	simm.s32 @!p0 $0x108  }
0x21: {  	s3 =	sadd.s32 s3, s9;
	s6 =	sadd.s32 @!p0 $0x88, s6;
	s7 =	simm.s32 @p2 $0x1082  }
0x22: {  	[simem:s7], [sflag:s8] =	dma.local @!p0 [hbm:s6], $0xF7A  }
0x23: {  	s9 =	sor.u32 $0xD0000000, s2;
	s6 =	simm.s32 $0x108;
	_ =	swait.ge @!p0 [sflag:s8], $0x0  }
0x24: {  	s3 =	sadd.s32 $0x88, s3;
	s6 =	simm.s32 @!p1 $0x1082;
	[sflag:s4] =	ssyncset.s32 $0xFFFFF086  }
0x25: {  	[simem:s6], [sflag:s4] =	dma.local [hbm:s3], $0xF7A  }
0x26: {  	[smem:$0x3F89] =	sst s1;
	(tag) =	ssettag s2;
	_ =	strace s9  }
0x27: {  	s1 =	sld [smem:$0x3F99]  }
0x28: {  	s2 =	sld [smem:$0x3F9A]  }
0x29: {  	s4 =	sld [smem:$0x3F9C]  }
0x2a: {  	p0 =	seq.s32 s5, $0x0;
	s5 =	sld [smem:$0x3F9D]  }
0x2b: {  	s6 =	sld [smem:$0x3F9E]  }
0x2c: {  	s7 =	sld [smem:$0x3F9F]  }
0x2d: {  	s3 =	simm.s32 $0x108;
	s8 =	sld [smem:$0x3FA0]  }
0x2e: {  	s3 =	simm.s32 @!p0 $0x1082;
	s9 =	sld [smem:$0x3FA1]  }
0x2f: {  	lr =	sadd.s32 s0, s3;
	s0 =	sld [smem:$0x3F98]  }
0x30: {  	s3 =	sld [smem:$0x3F9B]  }
0x31: {  	[smem:$0x3FA4] =	sst s10  }
0x32: {  	s10 =	sld [smem:$0x3FA2];
	_ =	sdelay $0x3  }
0x33: {  	p0 =	seq.s32 s10, $0x1;
	s10 =	sld [smem:$0x3FA4];
	_ =	sdelay $0x3  }
0x34: {  	[smem:$0x3FA4] =	sst s10  }
0x35: {  	s10 =	sld [smem:$0x3FA3];
	_ =	sdelay $0x3  }
0x36: {  	p1 =	seq.s32 s10, $0x1;
	s10 =	sld [smem:$0x3FA4];
	_ =	sdelay $0x3  }
0x37: {  	[smem:$0x3FA4] =	sst s10  }
0x38: {  	s10 =	sld [smem:$0x3FA5]  }
0x39: {  	_ = 	snop;
	(pc) =	sbr.ind lr, $3  }
0x3a: {  	_ = 	snop  }
0x3b: {  	_ = 	snop  }
0x3c: {  	p2 =	seq.s32 s10, $0x1;
	s10 =	sld [smem:$0x3FA4]  }
0x3d: {  	_ =	shalt  }
0x3e: {  	_ =	shalt  }
0x3f: {  	_ =	shalt  }
0x40: {  	_ =	shalt  }
0x41: {  	_ =	shalt  }
0x42: {  	_ =	shalt  }
0x43: {  	_ =	shalt  }
0x44: {  	_ =	shalt  }
0x45: {  	_ =	shalt  }
0x46: {  	_ =	shalt  }
0x47: {  	_ =	shalt  }
0x48: {  	_ =	shalt  }
0x49: {  	_ =	shalt  }
0x4a: {  	_ =	shalt  }
0x4b: {  	_ =	shalt  }
0x4c: {  	_ =	shalt  }
0x4d: {  	_ =	shalt  }
0x4e: {  	_ =	shalt  }
0x4f: {  	_ =	shalt  }
0x50: {  	_ =	shalt  }
0x51: {  	_ =	shalt  }
0x52: {  	_ =	shalt  }
0x53: {  	_ =	shalt  }
0x54: {  	_ =	shalt  }
0x55: {  	_ =	shalt  }
0x56: {  	_ =	shalt  }
0x57: {  	_ =	shalt  }
0x58: {  	_ =	shalt  }
0x59: {  	_ =	shalt  }
0x5a: {  	_ =	shalt  }
0x5b: {  	_ =	shalt  }
0x5c: {  	_ =	shalt  }
0x5d: {  	_ =	shalt  }
0x5e: {  	_ =	shalt  }
0x5f: {  	_ =	shalt  }
0x60: {  	_ =	shalt  }
0x61: {  	_ =	shalt  }
0x62: {  	_ =	shalt  }
0x63: {  	_ =	shalt  }
0x64: {  	_ =	shalt  }
0x65: {  	_ =	shalt  }
0x66: {  	_ =	shalt  }
0x67: {  	_ =	shalt  }
0x68: {  	_ =	shalt  }
0x69: {  	_ =	shalt  }
0x6a: {  	_ =	shalt  }
0x6b: {  	_ =	shalt  }
0x6c: {  	_ =	shalt  }
0x6d: {  	_ =	shalt  }
0x6e: {  	_ =	shalt  }
0x6f: {  	_ =	shalt  }
0x70: {  	_ =	shalt  }
0x71: {  	_ =	shalt  }
0x72: {  	_ =	shalt  }
0x73: {  	_ =	shalt  }
0x74: {  	_ =	shalt  }
0x75: {  	_ =	shalt  }
0x76: {  	_ =	shalt  }
0x77: {  	_ =	shalt  }
0x78: {  	_ =	shalt  }
0x79: {  	_ =	shalt  }
0x7a: {  	_ =	shalt  }
0x7b: {  	_ =	shalt  }
0x7c: {  	_ =	shalt  }
0x7d: {  	_ =	shalt  }
0x7e: {  	_ =	shalt  }
0x7f: {  	_ =	shalt  }
0x80: {  	_ =	shalt  }
0x81: {  	_ =	shalt  }
0x82: {  	_ =	shalt  }
0x83: {  	_ =	shalt  }
0x84: {  	_ =	shalt  }
0x85: {  	_ =	shalt  }
0x86: {  	_ =	shalt  }
0x87: {  	_ =	shalt  }
.Lfunc_end0:
.L_simem_size_0:
called_computation.1_lowered:
.L_overlay_start_0:
0x88: {  	s2 =	sld [smem:$0x3FD9]  }
0x89: {  	s3 =	sld [smem:$0x3FFE];
	_ =	sdelay $0x1  }
0x8a: {  	s1 =	srdreg.scid  }
0x8b: {  	s0 =	sand.u32 $0x1, s1  }
0x8c: {  	s16 =	sshll.u32 s0, $0xA;
	s2 =	sadd.s32 s3, s2  }
0x8d: {  	s2 =	sadd.s32 s2, s16  }
0x8e: {  	[smem:$0x3FB0] =	sst s2  }
0x8f: {  	_ = 	snop  }
0x90: {  	(tm) =	ssettm $0x1  }
0x91: {  	s17 =	sld [smem:$0x3FFB];
	_ =	sdelay $0x3  }
0x92: {  	_ =	strace s17  }
0x93: {  	s2 =	sld [smem:$0x3FFC];
	_ =	sdelay $0x3  }
0x94: {  	_ =	strace s2  }
0x95: {  	s2 =	sld [smem:$0x3FFD];
	_ =	sdelay $0x3  }
0x96: {  	_ =	strace s2  }
0x97: {  	_ =	strace $0x8FFFFFFF  }
0x98: {  	s18 =	sld [smem:$0x3FDB];
	_ =	sdelay $0x1  }
0x99: {  	s19 =	simm.s32 $_scs_section_size  }
0x9a: {  	s4 =	simm.s32 $_size__tile_overlayer_lowered;
	s5 =	simm.s32 $_tile_overlayer_lowered  }
0x9b: {  	s22 =	simm.s32 $0x1BFF;
	s21 =	sshll.u32 s5, $0x1;
	s2 =	sadd.s32 s19, s18  }
0x9c: {  	s6 =	simm.s32 $0x0;
	s20 =	sshll.u32 s4, $0x1;
	s4 =	sadd.s32 s21, s2  }
0x9d: {  	[timem:s6], [sflag:s22] =	dma.local [hbm:s4], s20  }
0x9e: {  	_ =	swait.ge [sflag:s22], s20  }
0x9f: {  	s3 =	ssub.s32 $0x0, s20;
	[sflag:s22] =	ssyncset.done $0x0  }
0xa0: {  	[sflag:s22] =	ssyncadd.s32 s3;
	_ =	sdelay $0x1  }
0xa1: {  	s23 =	simm.s32 $0x1B8B  }
0xa2: {  	_ =	swait.ge [sflag:s23], $0x1  }
0xa3: {  	[sflag:s23] =	ssyncset.done $0x0  }
0xa4: {  	s25 =	simm.s32 $0x1B8E;
	s24 =	sld [smem:$0x3FFE];
	[sflag:s23] =	ssyncadd.s32 $0xFFFFFFFF  }
0xa5: {  	s26 =	simm.s32 $execute0_lowered;
	[smem:$0x3FD2] =	sst s25  }
0xa6: {  	s4 =	sshll.u32 s26, $0x1;
	_ =	strace $0x80000049;
	[dreg:$0x1] =	wrdreg $0xFFFFFFFF  }
0xa7: {  	s28 =	simm.s32 $_size_execute0_lowered;
	s2 =	sadd.s32 s2, s4;
	[dreg:$0x0] =	wrdreg $0x0  }
0xa8: {  	s4 =	sshll.u32 s28, $0x1;
	[dreg:$0x2] =	wrdreg s2  }
0xa9: {  	[dreg:$0x3] =	wrdreg s4  }
0xaa: {  	[dreg:$0x4] =	wrdreg $0xC0  }
0xab: {  	_ =	task [dreg:s6], $0x5FFFF  }
0xac: {  	[dreg:$0x1] =	wrdreg $0xFFFFFFFF  }
0xad: {  	[dreg:$0x0] =	wrdreg $0x60  }
0xae: {  	[dreg:$0x2] =	wrdreg s24  }
0xaf: {  	[dreg:$0x3] =	wrdreg $0xAA800  }
0xb0: {  	[dreg:$0x4] =	wrdreg $0x14A800  }
0xb1: {  	[dreg:$0x5] =	wrdreg $0x9  }
0xb2: {  	_ =	task.clear_ibuf [dreg:s6], $0x6FFFF;
	_ =	strace $0x90000049  }
0xb3: {  	s29 =	simm.s32 $0x9;
	_ =	strace $0x8000004B  }
0xb4: {  	_ =	swait.ge [sflag:s29], $0x1  }
0xb5: {  	[sflag:s29] =	ssyncadd.s32 $0xFFFFFFFF  }
0xb6: {  	_ =	strace $0x9000004B  }
0xb7: {  	_ =	sfence  }
0xb8: {  	s30 =	sld [smem:$0x0];
	_ =	sdelay $0x2  }
0xb9: {  	s31 =	sshll.u32 s1, $0xD;
	s1 =	sshrl.u32 s1, $0x2  }
0xba: {  	s3 =	sand.u32 $0x4000, s31;
	s1 =	sadd.s32 s1, s30  }
0xbb: {  	s0 =	sor.u32 s3, s0;
	s1 =	sshll.u32 s1, $0x11  }
0xbc: {  	s0 =	sor.u32 s1, s0  }
0xbd: {  	s0 =	sadd.s32 $0x8F2B, s0  }
0xbe: {  	[sflag:s0] =	ssyncadd.remote.s32 $0x1  }
0xbf: {  	_ =	sfence.sel $0xFFFF  }
0xc0: {  	[dreg:$0x0] =	wrdreg $0xFFFFFFFF;
	(pc) =	sbr.abs _section_cstart, $3  }
0xc1: {  	[dreg:$0x1] =	wrdreg $0xFFFFFFFF  }
0xc2: {  	_ =	task.clear_ibuf [dreg:s6], $0x2FFFF;
	_ =	strace $0x9FFFFFFF  }
0xc3: {  	(tm) =	ssettm $0x7FFFFFFF  }
tec
execute0_lowered:
.L_overlay_start_1:
0x0: {  	(tag) =	ssettag $0x1  }
0x1: {  	s6 =	rddreg [dreg:$0x0]  }
0x2: {  	s0 =	srdreg.scid;
	s3 =	rddreg [dreg:$0x1]  }
0x3: {  	s2 =	rddreg [dreg:$0x2];
	s4 =	simm.s32 $0x0;
	s21 =	simm.s32 $0x1  }
0x4: {  	s17 =	simm.s32 $0x80;
	s5 =	sand.u32 $0x1, s0;
	s0 =	stileid.u32  }
0x5: {  	s18 =	simm.s32 $0x100;
	p0 =	por $0x0, $0x0;
	s9 =	smul.u32 $0xA000, s0  }
0x6: {  	s20 =	simm.s32 $0x200;
	[smem:$0x7FF] =	sst s4;
	s10 =	smul.u32 $0x2800, s0  }
0x7: {  	s13 =	sadd.s32 $0x64800, s6;
	s16 =	sadd.s32 $0x9E00, s6;
	s12 =	smul.u32 $0xA0000, s5  }
0x8: {  	s1 =	sshll.u32 s5, $0x4;
	s15 =	smul.u32 $0x28000, s5;
	s5 =	ssub.s32 $0x2, s5  }
0x9: {  	s7 =	sor.u32 s0, s1;
	s1 =	rddreg [dreg:$0x3];
	_ =	strace $0x8000004A  }
0xa: {  	[dreg:$0x4] =	wrdreg s16;
	s25 =	sshrl.u32 s5, $0x1;
	s16 =	simm.s32 $0x8280  }
0xb: {  	s8 =	smul.u32 $0x50, s7;
	s11 =	sshrl.u32 s9, $0x3;
	s14 =	sshrl.u32 s10, $0x3  }
0xc: {  	s12 =	sadd.s32 s9, s12;
	s15 =	sadd.s32 s10, s15;
	s24 =	smul.u32 $0xA000, s7  }
0xd: {  	s7 =	smul.u32 $0x1400, s7;
	s5 =	ssub.s32 s5, s25;
	s31 =	sadd.s32 s9, s3  }
0xe: {  	s10 =	sadd.s32 s10, s2;
	s11 =	sadd.s32 s11, s6;
	s14 =	sadd.s32 s14, s6  }
0xf: {  	s12 =	sshrl.u32 s12, $0x3;
	s15 =	sshrl.u32 s15, $0x3;
	s19 =	smax.u32 s5, $0x1  }
0x10: {  	s5 =	simm.s32 $0x3;
	s9 =	sshrl.u32 s31, $0x3;
	s8 =	sadd.s32 s8, s6  }
0x11: {  	s12 =	sadd.s32 s12, s6;
	s6 =	sadd.s32 s15, s6;
	s26 =	sshrl.u32 s24, $0x3  }
0x12: {  	s7 =	sadd.s32 s13, s7;
	s23 =	sadd.s32 $0x8C800, s11;
	s22 =	sadd.s32 $0x4400, s14  }
0x13: {  	s14 =	simm.s32 $0x4280;
	s15 =	simm.s32 $0x6280;
	s11 =	simm.s32 $0xA280  }
0x14: {  	p1 =	sne.s32 s19, $0x1;
	s30 =	sadd.s32 $0xFFFFFFFF, s19;
	s19 =	simm.s32 $0x180  }
.Ltmp0:
0x15: {  	s8 =	sadd.s32 $0x63E00, s8;
	s29 =	sadd.s32 s13, s26;
	(pc) =	sbr.rel @!p1 .LBB2_3-.Ltmp0, $4  }
0x16: {  	[dreg:$0x6] =	wrdreg s7;
	s7 =	sadd.s32 $0xAA800, s12;
	s6 =	sadd.s32 $0xA0800, s6  }
0x17: {  	s12 =	simm.s32 $0x280;
	s13 =	simm.s32 $0x2280;
	[dreg:$0x5] =	wrdreg s8  }
0x18: {  	s24 =	sadd.s32 $0x400, s29;
	s25 =	sadd.s32 $0x800, s29;
	s26 =	sadd.s32 $0xC00, s29  }
0x19: {  	s28 =	sadd.s32 $0x1000, s29;
	s8 =	sshrl.u32 s10, $0x3;
	s10 =	simm.s32 $0x2  }
0x1a: {  	s29 =	rddreg [dreg:$0x5]  }
0x1b: {  	[tilespmem:s4], [sflag:$0x3] =	stream.linear.gather [hbm4b:s29+s4], $0x280, $0x38;
	[tilespmem:$0x17280] =	vst v63  }
0x1c: {  	_ =	swait.ge [sflag:s5], $0x280  }
0x1d: {  	[sflag:s5] =	ssyncset.done $0x0  }
0x1e: {  	s29 =	rddreg [dreg:$0x6];
	[sflag:s5] =	ssyncadd.s32 $0xFFFFFD80  }
0x1f: {  	[tilespmem:s12], [sflag:$0x1] =	stream.linear.gather [hbm4b:s29+s4], $0x2000, $0x38;
	[tilespmem:$0x17280] =	vst v63  }
0x20: {  	_ = 	snop  }
0x21: {  	[tilespmem:s13], [sflag:$0x1] =	stream.linear.gather [hbm4b:s24+s4], $0x2000, $0x38;
	[tilespmem:$0x17280] =	vst v63  }
0x22: {  	_ = 	snop  }
0x23: {  	[tilespmem:s14], [sflag:$0x1] =	stream.linear.gather [hbm4b:s25+s4], $0x2000, $0x38;
	[tilespmem:$0x17280] =	vst v63  }
0x24: {  	s29 =	sshll.u32 s0, $0x6  }
0x25: {  	[tilespmem:s15], [sflag:$0x1] =	stream.linear.gather [hbm4b:s26+s4], $0x2000, $0x38;
	[tilespmem:$0x17280] =	vst v63  }
0x26: {  	s29 =	sor.u32 $0x1C03, s29  }
0x27: {  	[tilespmem:s16], [sflag:$0x1] =	stream.linear.gather [hbm4b:s28+s4], $0x2000, $0x38;
	[tilespmem:$0x17280] =	vst v63  }
0x28: {  	[spmem:s9], [sflag:s29] =	dma.local [hbm:s23], $0x1400  }
0x29: {  	_ =	swait.ge [sflag:s5], $0x1400  }
0x2a: {  	[sflag:s5] =	ssyncset.done $0x0  }
0x2b: {  	[sflag:s5] =	ssyncadd.s32 $0xFFFFEC00  }
0x2c: {  	[spmem:s8], [sflag:s29] =	dma.local [hbm:s22], $0x500  }
0x2d: {  	_ =	swait.ge [sflag:s5], $0x500  }
0x2e: {  	[sflag:s5] =	ssyncset.done $0x0  }
0x2f: {  	s31 =	rddreg [dreg:$0x4];
	[sflag:s5] =	ssyncadd.s32 $0xFFFFFB00  }
0x30: {  	[tilespmem:s11], [sflag:$0x3] =	stream.linear.gather [hbm4b:s31+s4], $0x800, $0x38;
	[tilespmem:$0x17280] =	vst v63  }
0x31: {  	_ =	swait.ge [sflag:s5], $0x800  }
0x32: {  	[sflag:s5] =	ssyncset.done $0x0  }
0x33: {  	[sflag:s5] =	ssyncadd.s32 $0xFFFFF800  }
0x34: {  	_ =	swait.ge [sflag:s21], $0x2000  }
0x35: {  	[sflag:s21] =	ssyncset.done $0x0  }
0x36: {  	[sflag:s21] =	ssyncadd.s32 $0xFFFFE000  }
0x37: {  	_ =	swait.ge [sflag:s21], $0x2000  }
0x38: {  	[sflag:s21] =	ssyncset.done $0x0  }
0x39: {  	[sflag:s21] =	ssyncadd.s32 $0xFFFFE000  }
0x3a: {  	_ =	swait.ge [sflag:s21], $0x2000  }
0x3b: {  	[sflag:s21] =	ssyncset.done $0x0  }
0x3c: {  	[sflag:s21] =	ssyncadd.s32 $0xFFFFE000  }
0x3d: {  	_ =	swait.ge [sflag:s21], $0x2000  }
0x3e: {  	[sflag:s21] =	ssyncset.done $0x0  }
0x3f: {  	[sflag:s21] =	ssyncadd.s32 $0xFFFFE000  }
0x40: {  	_ =	swait.ge [sflag:s21], $0x2000  }
0x41: {  	[sflag:s21] =	ssyncset.done $0x0  }
0x42: {  	[sflag:s21] =	ssyncadd.s32 $0xFFFFE000  }
0x43: {  	[bflag:$0x0] =	sbarrier.arrive $0xFFFF  }
0x44: {  	[spmem:s3] =	stream.indirect.scatter.add.f32 [tilespmem:s12], [sflag:$0x2], $0x40, s4, s17, $0xb8;
	[tilespmem:$0x17280] =	vst v63  }
0x45: {  	_ = 	snop  }
0x46: {  	[spmem:s3] =	stream.indirect.scatter.add.f32 [tilespmem:s13], [sflag:$0x2], $0x40, s17, s17, $0xb8;
	[tilespmem:$0x17280] =	vst v63  }
0x47: {  	_ = 	snop  }
0x48: {  	[spmem:s3] =	stream.indirect.scatter.add.f32 [tilespmem:s14], [sflag:$0x2], $0x40, s18, s17, $0xb8;
	[tilespmem:$0x17280] =	vst v63  }
0x49: {  	_ = 	snop  }
0x4a: {  	[spmem:s3] =	stream.indirect.scatter.add.f32 [tilespmem:s15], [sflag:$0x2], $0x40, s19, s17, $0xb8;
	[tilespmem:$0x17280] =	vst v63  }
0x4b: {  	_ = 	snop  }
0x4c: {  	[spmem:s3] =	stream.indirect.scatter.add.f32 [tilespmem:s16], [sflag:$0x2], $0x40, s20, s17, $0xb8;
	[tilespmem:$0x17280] =	vst v63  }
0x4d: {  	_ = 	snop  }
0x4e: {  	[spmem:s2] =	stream.indirect.scatter.add.f32 [tilespmem:s11], [sflag:$0x2], $0x10, s4, s17, $0xb8;
	[tilespmem:$0x17280] =	vst v63  }
0x4f: {  	_ = 	snop  }
0x50: {  	[spmem:s2] =	stream.indirect.scatter.add.f32 [tilespmem:s11], [sflag:$0x2], $0x10, s17, s17, $0xb8;
	[tilespmem:$0x17280] =	vst v63  }
0x51: {  	_ = 	snop  }
0x52: {  	[spmem:s2] =	stream.indirect.scatter.add.f32 [tilespmem:s11], [sflag:$0x2], $0x10, s18, s17, $0xb8;
	[tilespmem:$0x17280] =	vst v63  }
0x53: {  	_ = 	snop  }
0x54: {  	[spmem:s2] =	stream.indirect.scatter.add.f32 [tilespmem:s11], [sflag:$0x2], $0x10, s19, s17, $0xb8;
	[tilespmem:$0x17280] =	vst v63  }
0x55: {  	_ = 	snop  }
0x56: {  	[spmem:s2] =	stream.indirect.scatter.add.f32 [tilespmem:s11], [sflag:$0x2], $0x10, s20, s17, $0xb8;
	[tilespmem:$0x17280] =	vst v63  }
0x57: {  	_ =	swait.ge [sflag:s10], $0x2000  }
0x58: {  	[sflag:s10] =	ssyncset.done $0x0  }
0x59: {  	[sflag:s10] =	ssyncadd.s32 $0xFFFFE000  }
0x5a: {  	_ =	swait.ge [sflag:s10], $0x2000  }
0x5b: {  	[sflag:s10] =	ssyncset.done $0x0  }
0x5c: {  	[sflag:s10] =	ssyncadd.s32 $0xFFFFE000  }
0x5d: {  	_ =	swait.ge [sflag:s10], $0x2000  }
0x5e: {  	[sflag:s10] =	ssyncset.done $0x0  }
0x5f: {  	[sflag:s10] =	ssyncadd.s32 $0xFFFFE000  }
0x60: {  	_ =	swait.ge [sflag:s10], $0x2000  }
0x61: {  	[sflag:s10] =	ssyncset.done $0x0  }
0x62: {  	[sflag:s10] =	ssyncadd.s32 $0xFFFFE000  }
0x63: {  	_ =	swait.ge [sflag:s10], $0x2000  }
0x64: {  	[sflag:s10] =	ssyncset.done $0x0  }
0x65: {  	[sflag:s10] =	ssyncadd.s32 $0xFFFFE000  }
0x66: {  	_ =	swait.ge [sflag:s10], $0x800  }
0x67: {  	[sflag:s10] =	ssyncset.done $0x0  }
0x68: {  	[sflag:s10] =	ssyncadd.s32 $0xFFFFF800  }
0x69: {  	_ =	swait.ge [sflag:s10], $0x800  }
0x6a: {  	[sflag:s10] =	ssyncset.done $0x0  }
0x6b: {  	[sflag:s10] =	ssyncadd.s32 $0xFFFFF800  }
0x6c: {  	_ =	swait.ge [sflag:s10], $0x800  }
0x6d: {  	[sflag:s10] =	ssyncset.done $0x0  }
0x6e: {  	[sflag:s10] =	ssyncadd.s32 $0xFFFFF800  }
0x6f: {  	_ =	swait.ge [sflag:s10], $0x800  }
0x70: {  	[sflag:s10] =	ssyncset.done $0x0  }
0x71: {  	[sflag:s10] =	ssyncadd.s32 $0xFFFFF800  }
0x72: {  	_ =	swait.ge [sflag:s10], $0x800  }
0x73: {  	[sflag:s10] =	ssyncset.done $0x0  }
0x74: {  	[sflag:s10] =	ssyncadd.s32 $0xFFFFF800  }
0x75: {  	p1 =	sne.s32 s30, $0x1;
	[bflag:$0x0] =	sbarrier.arrive $0xFFFF  }
0x76: {  	[hbm:s7], [sflag:s29] =	dma.local [spmem:s9], $0x1400  }
.Ltmp1:
0x77: {  	_ =	swait.ge [sflag:s5], $0x1400;
	(pc) =	sbr.rel @!p1 .LBB2_3-.Ltmp1, $4  }
0x78: {  	[sflag:s5] =	ssyncset.done $0x0  }
0x79: {  	[sflag:s5] =	ssyncadd.s32 $0xFFFFEC00  }
0x7a: {  	[hbm:s6], [sflag:s29] =	dma.local [spmem:s8], $0x500  }
0x7b: {  	s30 =	sadd.s32 $0xFFFFFFFF, s30;
	p0 =	por $0x1, $0x1;
	_ =	swait.ge [sflag:s5], $0x500  }
.LBB2_2:
0x7c: {  	[sflag:s5] =	ssyncset.done $0x0  }
0x7d: {  	s31 =	rddreg [dreg:$0x5];
	[sflag:s5] =	ssyncadd.s32 $0xFFFFFB00  }
0x7e: {  	[tilespmem:s4], [sflag:$0x3] =	stream.linear.gather [hbm4b:s31+s4], $0x280, $0x38;
	[tilespmem:$0x17280] =	vst v63  }
0x7f: {  	_ =	swait.ge [sflag:s5], $0x280  }
0x80: {  	[sflag:s5] =	ssyncset.done $0x0  }
0x81: {  	s31 =	rddreg [dreg:$0x6];
	[sflag:s5] =	ssyncadd.s32 $0xFFFFFD80  }
0x82: {  	[tilespmem:s12], [sflag:$0x1] =	stream.linear.gather [hbm4b:s31+s4], $0x2000, $0x38;
	[tilespmem:$0x17280] =	vst v63  }
0x83: {  	_ = 	snop  }
0x84: {  	[tilespmem:s13], [sflag:$0x1] =	stream.linear.gather [hbm4b:s24+s4], $0x2000, $0x38;
	[tilespmem:$0x17280] =	vst v63  }
0x85: {  	_ = 	snop  }
0x86: {  	[tilespmem:s14], [sflag:$0x1] =	stream.linear.gather [hbm4b:s25+s4], $0x2000, $0x38;
	[tilespmem:$0x17280] =	vst v63  }
0x87: {  	_ = 	snop  }
0x88: {  	[tilespmem:s15], [sflag:$0x1] =	stream.linear.gather [hbm4b:s26+s4], $0x2000, $0x38;
	[tilespmem:$0x17280] =	vst v63  }
0x89: {  	_ = 	snop  }
0x8a: {  	[tilespmem:s16], [sflag:$0x1] =	stream.linear.gather [hbm4b:s28+s4], $0x2000, $0x38;
	[tilespmem:$0x17280] =	vst v63  }
0x8b: {  	[spmem:s9], [sflag:s29] =	dma.local [hbm:s23], $0x1400  }
0x8c: {  	_ =	swait.ge [sflag:s5], $0x1400  }
0x8d: {  	[sflag:s5] =	ssyncset.done $0x0  }
0x8e: {  	[sflag:s5] =	ssyncadd.s32 $0xFFFFEC00  }
0x8f: {  	[spmem:s8], [sflag:s29] =	dma.local [hbm:s22], $0x500  }
0x90: {  	_ =	swait.ge [sflag:s5], $0x500  }
0x91: {  	[sflag:s5] =	ssyncset.done $0x0  }
0x92: {  	s31 =	rddreg [dreg:$0x4];
	[sflag:s5] =	ssyncadd.s32 $0xFFFFFB00  }
0x93: {  	[tilespmem:s11], [sflag:$0x3] =	stream.linear.gather [hbm4b:s31+s4], $0x800, $0x38;
	[tilespmem:$0x17280] =	vst v63  }
0x94: {  	_ =	swait.ge [sflag:s5], $0x800  }
0x95: {  	[sflag:s5] =	ssyncset.done $0x0  }
0x96: {  	[sflag:s5] =	ssyncadd.s32 $0xFFFFF800  }
0x97: {  	_ =	swait.ge [sflag:s21], $0x2000  }
0x98: {  	[sflag:s21] =	ssyncset.done $0x0  }
0x99: {  	[sflag:s21] =	ssyncadd.s32 $0xFFFFE000  }
0x9a: {  	_ =	swait.ge [sflag:s21], $0x2000  }
0x9b: {  	[sflag:s21] =	ssyncset.done $0x0  }
0x9c: {  	[sflag:s21] =	ssyncadd.s32 $0xFFFFE000  }
0x9d: {  	_ =	swait.ge [sflag:s21], $0x2000  }
0x9e: {  	[sflag:s21] =	ssyncset.done $0x0  }
0x9f: {  	[sflag:s21] =	ssyncadd.s32 $0xFFFFE000  }
0xa0: {  	_ =	swait.ge [sflag:s21], $0x2000  }
0xa1: {  	[sflag:s21] =	ssyncset.done $0x0  }
0xa2: {  	[sflag:s21] =	ssyncadd.s32 $0xFFFFE000  }
0xa3: {  	_ =	swait.ge [sflag:s21], $0x2000  }
0xa4: {  	[sflag:s21] =	ssyncset.done $0x0  }
0xa5: {  	[sflag:s21] =	ssyncadd.s32 $0xFFFFE000  }
0xa6: {  	[bflag:$0x0] =	sbarrier.arrive $0xFFFF  }
0xa7: {  	[spmem:s3] =	stream.indirect.scatter.add.f32 [tilespmem:s12], [sflag:$0x2], $0x40, s4, s17, $0xb8;
	[tilespmem:$0x17280] =	vst v63  }
0xa8: {  	_ = 	snop  }
0xa9: {  	[spmem:s3] =	stream.indirect.scatter.add.f32 [tilespmem:s13], [sflag:$0x2], $0x40, s17, s17, $0xb8;
	[tilespmem:$0x17280] =	vst v63  }
0xaa: {  	_ = 	snop  }
0xab: {  	[spmem:s3] =	stream.indirect.scatter.add.f32 [tilespmem:s14], [sflag:$0x2], $0x40, s18, s17, $0xb8;
	[tilespmem:$0x17280] =	vst v63  }
0xac: {  	_ = 	snop  }
0xad: {  	[spmem:s3] =	stream.indirect.scatter.add.f32 [tilespmem:s15], [sflag:$0x2], $0x40, s19, s17, $0xb8;
	[tilespmem:$0x17280] =	vst v63  }
0xae: {  	_ = 	snop  }
0xaf: {  	[spmem:s3] =	stream.indirect.scatter.add.f32 [tilespmem:s16], [sflag:$0x2], $0x40, s20, s17, $0xb8;
	[tilespmem:$0x17280] =	vst v63  }
0xb0: {  	_ = 	snop  }
0xb1: {  	[spmem:s2] =	stream.indirect.scatter.add.f32 [tilespmem:s11], [sflag:$0x2], $0x10, s4, s17, $0xb8;
	[tilespmem:$0x17280] =	vst v63  }
0xb2: {  	_ = 	snop  }
0xb3: {  	[spmem:s2] =	stream.indirect.scatter.add.f32 [tilespmem:s11], [sflag:$0x2], $0x10, s17, s17, $0xb8;
	[tilespmem:$0x17280] =	vst v63  }
0xb4: {  	_ = 	snop  }
0xb5: {  	[spmem:s2] =	stream.indirect.scatter.add.f32 [tilespmem:s11], [sflag:$0x2], $0x10, s18, s17, $0xb8;
	[tilespmem:$0x17280] =	vst v63  }
0xb6: {  	_ = 	snop  }
0xb7: {  	[spmem:s2] =	stream.indirect.scatter.add.f32 [tilespmem:s11], [sflag:$0x2], $0x10, s19, s17, $0xb8;
	[tilespmem:$0x17280] =	vst v63  }
0xb8: {  	_ = 	snop  }
0xb9: {  	[spmem:s2] =	stream.indirect.scatter.add.f32 [tilespmem:s11], [sflag:$0x2], $0x10, s20, s17, $0xb8;
	[tilespmem:$0x17280] =	vst v63  }
0xba: {  	_ =	swait.ge [sflag:s10], $0x2000  }
0xbb: {  	[sflag:s10] =	ssyncset.done $0x0  }
0xbc: {  	[sflag:s10] =	ssyncadd.s32 $0xFFFFE000  }
0xbd: {  	_ =	swait.ge [sflag:s10], $0x2000  }
0xbe: {  	[sflag:s10] =	ssyncset.done $0x0  }
0xbf: {  	[sflag:s10] =	ssyncadd.s32 $0xFFFFE000  }
0xc0: {  	_ =	swait.ge [sflag:s10], $0x2000  }
0xc1: {  	[sflag:s10] =	ssyncset.done $0x0  }
0xc2: {  	[sflag:s10] =	ssyncadd.s32 $0xFFFFE000  }
0xc3: {  	_ =	swait.ge [sflag:s10], $0x2000  }
0xc4: {  	[sflag:s10] =	ssyncset.done $0x0  }
0xc5: {  	[sflag:s10] =	ssyncadd.s32 $0xFFFFE000  }
0xc6: {  	_ =	swait.ge [sflag:s10], $0x2000  }
0xc7: {  	[sflag:s10] =	ssyncset.done $0x0  }
0xc8: {  	[sflag:s10] =	ssyncadd.s32 $0xFFFFE000  }
0xc9: {  	_ =	swait.ge [sflag:s10], $0x800  }
0xca: {  	[sflag:s10] =	ssyncset.done $0x0  }
0xcb: {  	[sflag:s10] =	ssyncadd.s32 $0xFFFFF800  }
0xcc: {  	_ =	swait.ge [sflag:s10], $0x800  }
0xcd: {  	[sflag:s10] =	ssyncset.done $0x0  }
0xce: {  	[sflag:s10] =	ssyncadd.s32 $0xFFFFF800  }
0xcf: {  	_ =	swait.ge [sflag:s10], $0x800  }
0xd0: {  	[sflag:s10] =	ssyncset.done $0x0  }
0xd1: {  	[sflag:s10] =	ssyncadd.s32 $0xFFFFF800  }
0xd2: {  	_ =	swait.ge [sflag:s10], $0x800  }
0xd3: {  	[sflag:s10] =	ssyncset.done $0x0  }
0xd4: {  	[sflag:s10] =	ssyncadd.s32 $0xFFFFF800  }
0xd5: {  	_ =	swait.ge [sflag:s10], $0x800  }
0xd6: {  	[sflag:s10] =	ssyncset.done $0x0  }
0xd7: {  	[sflag:s10] =	ssyncadd.s32 $0xFFFFF800  }
0xd8: {  	p1 =	sne.s32 s30, $0x1;
	[bflag:$0x0] =	sbarrier.arrive $0xFFFF  }
0xd9: {  	[hbm:s7], [sflag:s29] =	dma.local [spmem:s9], $0x1400  }
.Ltmp2:
0xda: {  	_ =	swait.ge [sflag:s5], $0x1400;
	(pc) =	sbr.rel @p1 .LBB2_2-.Ltmp2, $4  }
0xdb: {  	[sflag:s5] =	ssyncset.done $0x0  }
0xdc: {  	[sflag:s5] =	ssyncadd.s32 $0xFFFFEC00  }
0xdd: {  	[hbm:s6], [sflag:s29] =	dma.local [spmem:s8], $0x500  }
0xde: {  	s30 =	sadd.s32 $0xFFFFFFFF, s30;
	_ =	swait.ge [sflag:s5], $0x500  }
.LBB2_3:
0xdf: {  	[sflag:s5] =	ssyncset.done @p0 $0x0  }
0xe0: {  	s29 =	rddreg [dreg:$0x5];
	[sflag:s5] =	ssyncadd.s32 @p0 $0xFFFFFB00  }
0xe1: {  	[tilespmem:s4], [sflag:$0x3] =	stream.linear.gather [hbm4b:s29+s4], $0x280, $0x38;
	[tilespmem:$0x17280] =	vst v63  }
0xe2: {  	_ =	swait.ge [sflag:s5], $0x280  }
0xe3: {  	[sflag:s5] =	ssyncset.done $0x0  }
0xe4: {  	s31 =	rddreg [dreg:$0x6];
	[sflag:s5] =	ssyncadd.s32 $0xFFFFFD80  }
0xe5: {  	[tilespmem:s12], [sflag:$0x1] =	stream.linear.gather [hbm4b:s31+s4], $0x2000, $0x38;
	[tilespmem:$0x17280] =	vst v63  }
0xe6: {  	_ = 	snop  }
0xe7: {  	[tilespmem:s13], [sflag:$0x1] =	stream.linear.gather [hbm4b:s24+s4], $0x2000, $0x38;
	[tilespmem:$0x17280] =	vst v63  }
0xe8: {  	_ = 	snop  }
0xe9: {  	[tilespmem:s14], [sflag:$0x1] =	stream.linear.gather [hbm4b:s25+s4], $0x2000, $0x38;
	[tilespmem:$0x17280] =	vst v63  }
0xea: {  	s30 =	sshll.u32 s0, $0x6  }
0xeb: {  	[tilespmem:s15], [sflag:$0x1] =	stream.linear.gather [hbm4b:s26+s4], $0x2000, $0x38;
	[tilespmem:$0x17280] =	vst v63  }
0xec: {  	s24 =	sor.u32 $0x1C03, s30  }
0xed: {  	[tilespmem:s16], [sflag:$0x1] =	stream.linear.gather [hbm4b:s28+s4], $0x2000, $0x38;
	[tilespmem:$0x17280] =	vst v63  }
0xee: {  	[spmem:s9], [sflag:s24] =	dma.local [hbm:s23], $0x1400  }
0xef: {  	_ =	swait.ge [sflag:s5], $0x1400  }
0xf0: {  	[sflag:s5] =	ssyncset.done $0x0  }
0xf1: {  	[sflag:s5] =	ssyncadd.s32 $0xFFFFEC00  }
0xf2: {  	[spmem:s8], [sflag:s24] =	dma.local [hbm:s22], $0x500  }
0xf3: {  	_ =	swait.ge [sflag:s5], $0x500  }
0xf4: {  	[sflag:s5] =	ssyncset.done $0x0  }
0xf5: {  	s31 =	rddreg [dreg:$0x4];
	[sflag:s5] =	ssyncadd.s32 $0xFFFFFB00  }
0xf6: {  	[tilespmem:s11], [sflag:$0x3] =	stream.linear.gather [hbm4b:s31+s4], $0x800, $0x38;
	[tilespmem:$0x17280] =	vst v63  }
0xf7: {  	_ =	swait.ge [sflag:s5], $0x800  }
0xf8: {  	[sflag:s5] =	ssyncset.done $0x0  }
0xf9: {  	[sflag:s5] =	ssyncadd.s32 $0xFFFFF800  }
0xfa: {  	_ =	swait.ge [sflag:s21], $0x2000  }
0xfb: {  	[sflag:s21] =	ssyncset.done $0x0  }
0xfc: {  	[sflag:s21] =	ssyncadd.s32 $0xFFFFE000  }
0xfd: {  	_ =	swait.ge [sflag:s21], $0x2000  }
0xfe: {  	[sflag:s21] =	ssyncset.done $0x0  }
0xff: {  	[sflag:s21] =	ssyncadd.s32 $0xFFFFE000  }
0x100: {  	_ =	swait.ge [sflag:s21], $0x2000  }
0x101: {  	[sflag:s21] =	ssyncset.done $0x0  }
0x102: {  	[sflag:s21] =	ssyncadd.s32 $0xFFFFE000  }
0x103: {  	_ =	swait.ge [sflag:s21], $0x2000  }
0x104: {  	[sflag:s21] =	ssyncset.done $0x0  }
0x105: {  	[sflag:s21] =	ssyncadd.s32 $0xFFFFE000  }
0x106: {  	_ =	swait.ge [sflag:s21], $0x2000  }
0x107: {  	[sflag:s21] =	ssyncset.done $0x0  }
0x108: {  	[sflag:s21] =	ssyncadd.s32 $0xFFFFE000  }
0x109: {  	[bflag:$0x0] =	sbarrier.arrive $0xFFFF  }
0x10a: {  	[spmem:s3] =	stream.indirect.scatter.add.f32 [tilespmem:s12], [sflag:$0x2], $0x40, s4, s17, $0xb8;
	[tilespmem:$0x17280] =	vst v63  }
0x10b: {  	_ = 	snop  }
0x10c: {  	[spmem:s3] =	stream.indirect.scatter.add.f32 [tilespmem:s13], [sflag:$0x2], $0x40, s17, s17, $0xb8;
	[tilespmem:$0x17280] =	vst v63  }
0x10d: {  	_ = 	snop  }
0x10e: {  	[spmem:s3] =	stream.indirect.scatter.add.f32 [tilespmem:s14], [sflag:$0x2], $0x40, s18, s17, $0xb8;
	[tilespmem:$0x17280] =	vst v63  }
0x10f: {  	_ = 	snop  }
0x110: {  	[spmem:s3] =	stream.indirect.scatter.add.f32 [tilespmem:s15], [sflag:$0x2], $0x40, s19, s17, $0xb8;
	[tilespmem:$0x17280] =	vst v63  }
0x111: {  	_ = 	snop  }
0x112: {  	[spmem:s3] =	stream.indirect.scatter.add.f32 [tilespmem:s16], [sflag:$0x2], $0x40, s20, s17, $0xb8;
	[tilespmem:$0x17280] =	vst v63  }
0x113: {  	_ = 	snop  }
0x114: {  	[spmem:s2] =	stream.indirect.scatter.add.f32 [tilespmem:s11], [sflag:$0x2], $0x10, s4, s17, $0xb8;
	[tilespmem:$0x17280] =	vst v63  }
0x115: {  	_ = 	snop  }
0x116: {  	[spmem:s2] =	stream.indirect.scatter.add.f32 [tilespmem:s11], [sflag:$0x2], $0x10, s17, s17, $0xb8;
	[tilespmem:$0x17280] =	vst v63  }
0x117: {  	_ = 	snop  }
0x118: {  	[spmem:s2] =	stream.indirect.scatter.add.f32 [tilespmem:s11], [sflag:$0x2], $0x10, s18, s17, $0xb8;
	[tilespmem:$0x17280] =	vst v63  }
0x119: {  	_ = 	snop  }
0x11a: {  	[spmem:s2] =	stream.indirect.scatter.add.f32 [tilespmem:s11], [sflag:$0x2], $0x10, s19, s17, $0xb8;
	[tilespmem:$0x17280] =	vst v63  }
0x11b: {  	_ = 	snop  }
0x11c: {  	[spmem:s2] =	stream.indirect.scatter.add.f32 [tilespmem:s11], [sflag:$0x2], $0x10, s20, s17, $0xb8;
	[tilespmem:$0x17280] =	vst v63  }
0x11d: {  	_ =	swait.ge [sflag:s10], $0x2000  }
0x11e: {  	[sflag:s10] =	ssyncset.done $0x0  }
0x11f: {  	[sflag:s10] =	ssyncadd.s32 $0xFFFFE000  }
0x120: {  	_ =	swait.ge [sflag:s10], $0x2000  }
0x121: {  	[sflag:s10] =	ssyncset.done $0x0  }
0x122: {  	[sflag:s10] =	ssyncadd.s32 $0xFFFFE000  }
0x123: {  	_ =	swait.ge [sflag:s10], $0x2000  }
0x124: {  	[sflag:s10] =	ssyncset.done $0x0  }
0x125: {  	[sflag:s10] =	ssyncadd.s32 $0xFFFFE000  }
0x126: {  	_ =	swait.ge [sflag:s10], $0x2000  }
0x127: {  	[sflag:s10] =	ssyncset.done $0x0  }
0x128: {  	[sflag:s10] =	ssyncadd.s32 $0xFFFFE000  }
0x129: {  	_ =	swait.ge [sflag:s10], $0x2000  }
0x12a: {  	[sflag:s10] =	ssyncset.done $0x0  }
0x12b: {  	[sflag:s10] =	ssyncadd.s32 $0xFFFFE000  }
0x12c: {  	_ =	swait.ge [sflag:s10], $0x800  }
0x12d: {  	[sflag:s10] =	ssyncset.done $0x0  }
0x12e: {  	[sflag:s10] =	ssyncadd.s32 $0xFFFFF800  }
0x12f: {  	_ =	swait.ge [sflag:s10], $0x800  }
0x130: {  	[sflag:s10] =	ssyncset.done $0x0  }
0x131: {  	[sflag:s10] =	ssyncadd.s32 $0xFFFFF800  }
0x132: {  	_ =	swait.ge [sflag:s10], $0x800  }
0x133: {  	[sflag:s10] =	ssyncset.done $0x0  }
0x134: {  	[sflag:s10] =	ssyncadd.s32 $0xFFFFF800  }
0x135: {  	_ =	swait.ge [sflag:s10], $0x800  }
0x136: {  	[sflag:s10] =	ssyncset.done $0x0  }
0x137: {  	[sflag:s10] =	ssyncadd.s32 $0xFFFFF800  }
0x138: {  	_ =	swait.ge [sflag:s10], $0x800  }
0x139: {  	[sflag:s10] =	ssyncset.done $0x0  }
0x13a: {  	[sflag:s10] =	ssyncadd.s32 $0xFFFFF800  }
0x13b: {  	[bflag:$0x0] =	sbarrier.arrive $0xFFFF  }
0x13c: {  	[hbm:s7], [sflag:s24] =	dma.local [spmem:s9], $0x1400  }
0x13d: {  	_ =	swait.ge [sflag:s5], $0x1400  }
0x13e: {  	[sflag:s5] =	ssyncset.done $0x0  }
0x13f: {  	[sflag:s5] =	ssyncadd.s32 $0xFFFFEC00  }
0x140: {  	[hbm:s6], [sflag:s24] =	dma.local [spmem:s8], $0x500  }
0x141: {  	_ =	swait.ge [sflag:s5], $0x500  }
0x142: {  	[sflag:s5] =	ssyncset.done $0x0  }
0x143: {  	[sflag:s5] =	ssyncadd.s32 $0xFFFFFB00  }
0x144: {  	_ =	sfence.sel $0x180000  }
0x145: {  	[bflag:$0x0] =	sbarrier.arrive $0xFFFF  }
0x146: {  	p0 =	sne.s32 s0, $0x0;
	_ =	strace $0x9000004A  }
0x147: {  	s0 =	sadd.s32 @!p0 $0x100000, s1;
	[bflag:$0x2] =	sbarrier.arrive $0xFFFF  }
0x148: {  	[sflag:s0] =	ssyncadd.tile.s32 @!p0 $0x1;
	_ =	shalt  }
.Lfunc_end2:
_tile_overlayer_lowered:
.L_overlay_start_2:
0x149: {  	(tag) =	ssettag $0x2  }
0x14a: {  	s0 =	rddreg [dreg:$0x0];
	s2 =	stileid.u32  }
0x14b: {  	s1 =	rddreg [dreg:$0x1];
	p0 =	sne.s32 s2, $0x0  }
0x14c: {  	s3 =	rddreg [dreg:$0x2];
	[bflag:$0x3] =	sbarrier.arrive $0xFFFF;
	s2 =	simm.s32 @!p0 $0x1C03  }
0x14d: {  	[timem:s3], [sflag:s2] =	dma.local @!p0 [hbm:s0], s1  }
0x14e: {  	s0 =	simm.s32 @!p0 $0x3  }
0x14f: {  	_ =	swait.ge @!p0 [sflag:s0], s1  }
0x150: {  	s1 =	ssub.s32 @!p0 $0x0, s1;
	[sflag:s0] =	ssyncset.done @!p0 $0x0  }
0x151: {  	[sflag:s0] =	ssyncadd.s32 @!p0 s1  }
0x152: {  	[bflag:$0x3] =	sbarrier.arrive $0xFFFF  }
0x153: {  	_ =	shalt  }

// kernel: kernel.22.cloned.1.call-start
scs
__scs_entry_jumppad:
0x0: {  	(pc) =	sbr.rel $0x88, $3  }
0x1: {  	(tag) =	ssettag $0x0;
	lr =	simm.s32 $0x1  }
0x2: {  	[smem:$0x3F89] =	sst lr;
	_ =	strace $0xD0000000  }
0x3: {  	_ = 	snop  }
0x4: {  	_ = 	snop  }
0x5: {  	_ = 	snop  }
0x6: {  	_ = 	snop  }
0x7: {  	_ = 	snop  }
__scs_overlays_trampoline_lowered:
0x8: {  	[smem:$0x3F98] =	sst s0  }
0x9: {  	[smem:$0x3F99] =	sst s1  }
0xa: {  	[smem:$0x3F9A] =	sst s2  }
0xb: {  	[smem:$0x3F9B] =	sst s3  }
0xc: {  	[smem:$0x3F9C] =	sst s4  }
0xd: {  	[smem:$0x3F9D] =	sst s5  }
0xe: {  	[smem:$0x3F9E] =	sst s6  }
0xf: {  	[smem:$0x3F9F] =	sst s7  }
0x10: {  	[smem:$0x3FA0] =	sst s8  }
0x11: {  	[smem:$0x3FA1] =	sst s9;
	s0 =	simm.s32 @!p0 $0x0  }
0x12: {  	s1 =	sld [smem:$0x3F87];
	s0 =	simm.s32 @p0 $0x1  }
0x13: {  	[smem:$0x3FA2] =	sst s0;
	s0 =	simm.s32 @!p1 $0x0  }
0x14: {  	s2 =	sld [smem:$0x3F86];
	s0 =	simm.s32 @p1 $0x1  }
0x15: {  	[smem:$0x3FA3] =	sst s0;
	s0 =	simm.s32 @!p2 $0x0  }
0x16: {  	s3 =	sld [smem:$0x3FDB];
	s0 =	simm.s32 @p2 $0x1  }
0x17: {  	s4 =	simm.s32 $0x1BF5;
	[smem:$0x3FA5] =	sst s0  }
0x18: {  	s0 =	sld [smem:$0x3F88];
	_ =	swait.ge [sflag:s4], $0x0  }
0x19: {  	s7 =	sld [smem:$0x3F89]  }
0x1a: {  	s8 =	sadd.s32 $0xFFFFE003, lr  }
0x1b: {  	s9 =	sadd.s32 $0xFFFFFEF7, lr;
	s5 =	simm.s32 $0xFFFFFFFF;
	p2 =	slt.u32 s8, $0xFFFFF086  }
0x1c: {  	p1 =	slt.u32 s9, $0xF7A;
	s5 =	simm.s32 @!p2 $0x0  }
0x1d: {  	s5 =	simm.s32 @p1 $0x1;
	p0 =	seq.s32 s7, s2  }
0x1e: {  	s7 =	smul.u32 @!p0 $0xF7A, s2;
	p2 =	seq.s32 @!p0 s5, $0x0  }
0x1f: {  	s9 =	smul.u32 $0xF7A, s1;
	s8 =	simm.s32 @!p0 $0x1BF5;
	p2 =	por !p2, p0  }
0x20: {  	[sflag:s8] =	ssyncset.s32 @!p0 $0xFFFFF086;
	s6 =	sadd.s32 @!p0 s3, s7;
	s7 =	simm.s32 @!p0 $0x108  }
0x21: {  	s3 =	sadd.s32 s3, s9;
	s6 =	sadd.s32 @!p0 $0x88, s6;
	s7 =	simm.s32 @p2 $0x1082  }
0x22: {  	[simem:s7], [sflag:s8] =	dma.local @!p0 [hbm:s6], $0xF7A  }
0x23: {  	s9 =	sor.u32 $0xD0000000, s2;
	s6 =	simm.s32 $0x108;
	_ =	swait.ge @!p0 [sflag:s8], $0x0  }
0x24: {  	s3 =	sadd.s32 $0x88, s3;
	s6 =	simm.s32 @!p1 $0x1082;
	[sflag:s4] =	ssyncset.s32 $0xFFFFF086  }
0x25: {  	[simem:s6], [sflag:s4] =	dma.local [hbm:s3], $0xF7A  }
0x26: {  	[smem:$0x3F89] =	sst s1;
	(tag) =	ssettag s2;
	_ =	strace s9  }
0x27: {  	s1 =	sld [smem:$0x3F99]  }
0x28: {  	s2 =	sld [smem:$0x3F9A]  }
0x29: {  	s4 =	sld [smem:$0x3F9C]  }
0x2a: {  	p0 =	seq.s32 s5, $0x0;
	s5 =	sld [smem:$0x3F9D]  }
0x2b: {  	s6 =	sld [smem:$0x3F9E]  }
0x2c: {  	s7 =	sld [smem:$0x3F9F]  }
0x2d: {  	s3 =	simm.s32 $0x108;
	s8 =	sld [smem:$0x3FA0]  }
0x2e: {  	s3 =	simm.s32 @!p0 $0x1082;
	s9 =	sld [smem:$0x3FA1]  }
0x2f: {  	lr =	sadd.s32 s0, s3;
	s0 =	sld [smem:$0x3F98]  }
0x30: {  	s3 =	sld [smem:$0x3F9B]  }
0x31: {  	[smem:$0x3FA4] =	sst s10  }
0x32: {  	s10 =	sld [smem:$0x3FA2];
	_ =	sdelay $0x3  }
0x33: {  	p0 =	seq.s32 s10, $0x1;
	s10 =	sld [smem:$0x3FA4];
	_ =	sdelay $0x3  }
0x34: {  	[smem:$0x3FA4] =	sst s10  }
0x35: {  	s10 =	sld [smem:$0x3FA3];
	_ =	sdelay $0x3  }
0x36: {  	p1 =	seq.s32 s10, $0x1;
	s10 =	sld [smem:$0x3FA4];
	_ =	sdelay $0x3  }
0x37: {  	[smem:$0x3FA4] =	sst s10  }
0x38: {  	s10 =	sld [smem:$0x3FA5]  }
0x39: {  	_ = 	snop;
	(pc) =	sbr.ind lr, $3  }
0x3a: {  	_ = 	snop  }
0x3b: {  	_ = 	snop  }
0x3c: {  	p2 =	seq.s32 s10, $0x1;
	s10 =	sld [smem:$0x3FA4]  }
0x3d: {  	_ =	shalt  }
0x3e: {  	_ =	shalt  }
0x3f: {  	_ =	shalt  }
0x40: {  	_ =	shalt  }
0x41: {  	_ =	shalt  }
0x42: {  	_ =	shalt  }
0x43: {  	_ =	shalt  }
0x44: {  	_ =	shalt  }
0x45: {  	_ =	shalt  }
0x46: {  	_ =	shalt  }
0x47: {  	_ =	shalt  }
0x48: {  	_ =	shalt  }
0x49: {  	_ =	shalt  }
0x4a: {  	_ =	shalt  }
0x4b: {  	_ =	shalt  }
0x4c: {  	_ =	shalt  }
0x4d: {  	_ =	shalt  }
0x4e: {  	_ =	shalt  }
0x4f: {  	_ =	shalt  }
0x50: {  	_ =	shalt  }
0x51: {  	_ =	shalt  }
0x52: {  	_ =	shalt  }
0x53: {  	_ =	shalt  }
0x54: {  	_ =	shalt  }
0x55: {  	_ =	shalt  }
0x56: {  	_ =	shalt  }
0x57: {  	_ =	shalt  }
0x58: {  	_ =	shalt  }
0x59: {  	_ =	shalt  }
0x5a: {  	_ =	shalt  }
0x5b: {  	_ =	shalt  }
0x5c: {  	_ =	shalt  }
0x5d: {  	_ =	shalt  }
0x5e: {  	_ =	shalt  }
0x5f: {  	_ =	shalt  }
0x60: {  	_ =	shalt  }
0x61: {  	_ =	shalt  }
0x62: {  	_ =	shalt  }
0x63: {  	_ =	shalt  }
0x64: {  	_ =	shalt  }
0x65: {  	_ =	shalt  }
0x66: {  	_ =	shalt  }
0x67: {  	_ =	shalt  }
0x68: {  	_ =	shalt  }
0x69: {  	_ =	shalt  }
0x6a: {  	_ =	shalt  }
0x6b: {  	_ =	shalt  }
0x6c: {  	_ =	shalt  }
0x6d: {  	_ =	shalt  }
0x6e: {  	_ =	shalt  }
0x6f: {  	_ =	shalt  }
0x70: {  	_ =	shalt  }
0x71: {  	_ =	shalt  }
0x72: {  	_ =	shalt  }
0x73: {  	_ =	shalt  }
0x74: {  	_ =	shalt  }
0x75: {  	_ =	shalt  }
0x76: {  	_ =	shalt  }
0x77: {  	_ =	shalt  }
0x78: {  	_ =	shalt  }
0x79: {  	_ =	shalt  }
0x7a: {  	_ =	shalt  }
0x7b: {  	_ =	shalt  }
0x7c: {  	_ =	shalt  }
0x7d: {  	_ =	shalt  }
0x7e: {  	_ =	shalt  }
0x7f: {  	_ =	shalt  }
0x80: {  	_ =	shalt  }
0x81: {  	_ =	shalt  }
0x82: {  	_ =	shalt  }
0x83: {  	_ =	shalt  }
0x84: {  	_ =	shalt  }
0x85: {  	_ =	shalt  }
0x86: {  	_ =	shalt  }
0x87: {  	_ =	shalt  }
.Lfunc_end0:
.L_simem_size_0:
called_computation.2_lowered:
.L_overlay_start_0:
0x88: {  	s2 =	sld [smem:$0x3FD9]  }
0x89: {  	s3 =	sld [smem:$0x3FFE];
	_ =	sdelay $0x1  }
0x8a: {  	s1 =	srdreg.scid  }
0x8b: {  	s0 =	sand.u32 $0x1, s1  }
0x8c: {  	s16 =	sshll.u32 s0, $0xA;
	s2 =	sadd.s32 s3, s2  }
0x8d: {  	s2 =	sadd.s32 s2, s16  }
0x8e: {  	[smem:$0x3FB0] =	sst s2  }
0x8f: {  	_ = 	snop  }
0x90: {  	(tm) =	ssettm $0x1  }
0x91: {  	s17 =	sld [smem:$0x3FFB];
	_ =	sdelay $0x3  }
0x92: {  	_ =	strace s17  }
0x93: {  	s2 =	sld [smem:$0x3FFC];
	_ =	sdelay $0x3  }
0x94: {  	_ =	strace s2  }
0x95: {  	s2 =	sld [smem:$0x3FFD];
	_ =	sdelay $0x3  }
0x96: {  	_ =	strace s2  }
0x97: {  	_ =	strace $0x8FFFFFFF  }
0x98: {  	s18 =	sld [smem:$0x3FDB];
	_ =	sdelay $0x1  }
0x99: {  	s19 =	simm.s32 $_scs_section_size  }
0x9a: {  	s4 =	simm.s32 $_size__tile_overlayer_lowered;
	s5 =	simm.s32 $_tile_overlayer_lowered  }
0x9b: {  	s22 =	simm.s32 $0x1BFF;
	s21 =	sshll.u32 s5, $0x1;
	s2 =	sadd.s32 s19, s18  }
0x9c: {  	s6 =	simm.s32 $0x0;
	s20 =	sshll.u32 s4, $0x1;
	s4 =	sadd.s32 s21, s2  }
0x9d: {  	[timem:s6], [sflag:s22] =	dma.local [hbm:s4], s20  }
0x9e: {  	_ =	swait.ge [sflag:s22], s20  }
0x9f: {  	s3 =	ssub.s32 $0x0, s20;
	[sflag:s22] =	ssyncset.done $0x0  }
0xa0: {  	[sflag:s22] =	ssyncadd.s32 s3;
	_ =	sdelay $0x1  }
0xa1: {  	s23 =	simm.s32 $0x1B8B  }
0xa2: {  	_ =	swait.ge [sflag:s23], $0x1  }
0xa3: {  	[sflag:s23] =	ssyncset.done $0x0  }
0xa4: {  	s25 =	simm.s32 $0x1B8E;
	s24 =	sld [smem:$0x3FFE];
	[sflag:s23] =	ssyncadd.s32 $0xFFFFFFFF  }
0xa5: {  	s26 =	simm.s32 $execute0_lowered;
	[smem:$0x3FD2] =	sst s25  }
0xa6: {  	s4 =	sshll.u32 s26, $0x1;
	_ =	strace $0x8000004C;
	[dreg:$0x1] =	wrdreg $0xFFFFFFFF  }
0xa7: {  	s28 =	simm.s32 $_size_execute0_lowered;
	s2 =	sadd.s32 s2, s4;
	[dreg:$0x0] =	wrdreg $0x0  }
0xa8: {  	s4 =	sshll.u32 s28, $0x1;
	[dreg:$0x2] =	wrdreg s2  }
0xa9: {  	[dreg:$0x3] =	wrdreg s4  }
0xaa: {  	[dreg:$0x4] =	wrdreg $0xC0  }
0xab: {  	_ =	task [dreg:s6], $0x5FFFF  }
0xac: {  	[dreg:$0x1] =	wrdreg $0xFFFFFFFF  }
0xad: {  	[dreg:$0x0] =	wrdreg $0x60  }
0xae: {  	[dreg:$0x2] =	wrdreg s24  }
0xaf: {  	[dreg:$0x3] =	wrdreg $0x9  }
0xb0: {  	_ =	task.clear_ibuf [dreg:s6], $0x4FFFF;
	_ =	strace $0x9000004C  }
0xb1: {  	s29 =	simm.s32 $0x9;
	_ =	strace $0x8000004E  }
0xb2: {  	_ =	swait.ge [sflag:s29], $0x1  }
0xb3: {  	[sflag:s29] =	ssyncadd.s32 $0xFFFFFFFF  }
0xb4: {  	_ =	strace $0x9000004E  }
0xb5: {  	_ =	sfence  }
0xb6: {  	s30 =	sld [smem:$0x0];
	_ =	sdelay $0x2  }
0xb7: {  	s31 =	sshll.u32 s1, $0xD;
	s1 =	sshrl.u32 s1, $0x2  }
0xb8: {  	s3 =	sand.u32 $0x4000, s31;
	s1 =	sadd.s32 s1, s30  }
0xb9: {  	s0 =	sor.u32 s3, s0;
	s1 =	sshll.u32 s1, $0x11  }
0xba: {  	s0 =	sor.u32 s1, s0  }
0xbb: {  	s0 =	sadd.s32 $0x8F2B, s0  }
0xbc: {  	[sflag:s0] =	ssyncadd.remote.s32 $0x1  }
0xbd: {  	_ =	sfence.sel $0xFFFF  }
0xbe: {  	[dreg:$0x0] =	wrdreg $0xFFFFFFFF;
	(pc) =	sbr.abs _section_cstart, $3  }
0xbf: {  	[dreg:$0x1] =	wrdreg $0xFFFFFFFF  }
0xc0: {  	_ =	task.clear_ibuf [dreg:s6], $0x2FFFF;
	_ =	strace $0x9FFFFFFF  }
0xc1: {  	(tm) =	ssettm $0x7FFFFFFF  }
tec
execute0_lowered:
.L_overlay_start_1:
0x0: {  	(tag) =	ssettag $0x1  }
0x1: {  	s0 =	srdreg.scid  }
0x2: {  	s22 =	sand.u32 $0x1, s0  }
0x3: {  	s0 =	stileid.u32;
	s1 =	sshll.u32 s22, $0x4  }
0x4: {  	s16 =	sor.u32 s0, s1  }
0x5: {  	s3 =	smul.u32 $0x50, s16  }
0x6: {  	s17 =	rddreg [dreg:$0x0];
	s2 =	simm.s32 $0x0  }
0x7: {  	s4 =	simm.s32 $0x3;
	[smem:$0x7FF] =	sst s2;
	s3 =	sadd.s32 s3, s17  }
0x8: {  	s1 =	rddreg [dreg:$0x1];
	_ =	strace $0x8000004D;
	s3 =	sadd.s32 $0x9400, s3  }
0x9: {  	[tilespmem:s2], [sflag:$0x3] =	stream.linear.gather [hbm4b:s3+s2], $0x280, $0x38;
	[tilespmem:$0xA280] =	vst v63  }
0xa: {  	_ =	swait.ge [sflag:s4], $0x280  }
0xb: {  	s6 =	simm.s32 $0x80;
	[sflag:s4] =	ssyncset.done $0x0  }
0xc: {  	s7 =	simm.s32 $0x280;
	s5 =	sadd.s32 $0xA0800, s17;
	[sflag:s4] =	ssyncadd.s32 $0xFFFFFD80  }
0xd: {  	[tilespmem:s7], [sflag:$0x1] =	stream.indirect.gather [hbm4b:s5+s6], $0x40, s2, s6, $0xb8;
	[tilespmem:$0xA280] =	vst v63  }
0xe: {  	s8 =	simm.s32 $0x2280  }
0xf: {  	[tilespmem:s8], [sflag:$0x1] =	stream.indirect.gather [hbm4b:s5+s6], $0x40, s6, s6, $0xb8;
	[tilespmem:$0xA280] =	vst v63  }
0x10: {  	s9 =	simm.s32 $0x100;
	s10 =	simm.s32 $0x4280  }
0x11: {  	[tilespmem:s10], [sflag:$0x1] =	stream.indirect.gather [hbm4b:s5+s6], $0x40, s9, s6, $0xb8;
	[tilespmem:$0xA280] =	vst v63  }
0x12: {  	s11 =	simm.s32 $0x180;
	s12 =	simm.s32 $0x6280  }
0x13: {  	[tilespmem:s12], [sflag:$0x1] =	stream.indirect.gather [hbm4b:s5+s6], $0x40, s11, s6, $0xb8;
	[tilespmem:$0xA280] =	vst v63  }
0x14: {  	s13 =	simm.s32 $0x200;
	s14 =	simm.s32 $0x8280;
	s15 =	simm.s32 $0x1  }
0x15: {  	[tilespmem:s14], [sflag:$0x1] =	stream.indirect.gather [hbm4b:s5+s6], $0x40, s13, s6, $0xb8;
	[tilespmem:$0xA280] =	vst v63  }
0x16: {  	_ =	swait.ge [sflag:s15], $0x2000  }
0x17: {  	[sflag:s15] =	ssyncset.done $0x0  }
0x18: {  	[sflag:s15] =	ssyncadd.s32 $0xFFFFE000  }
0x19: {  	_ =	swait.ge [sflag:s15], $0x2000  }
0x1a: {  	[sflag:s15] =	ssyncset.done $0x0  }
0x1b: {  	[sflag:s15] =	ssyncadd.s32 $0xFFFFE000  }
0x1c: {  	_ =	swait.ge [sflag:s15], $0x2000  }
0x1d: {  	[sflag:s15] =	ssyncset.done $0x0  }
0x1e: {  	[sflag:s15] =	ssyncadd.s32 $0xFFFFE000  }
0x1f: {  	_ =	swait.ge [sflag:s15], $0x2000  }
0x20: {  	[sflag:s15] =	ssyncset.done $0x0  }
0x21: {  	s18 =	smul.u32 $0xA000, s16;
	[sflag:s15] =	ssyncadd.s32 $0xFFFFE000  }
0x22: {  	s16 =	smul.u32 $0x1400, s16;
	_ =	swait.ge [sflag:s15], $0x2000  }
0x23: {  	s17 =	sadd.s32 $0xFA800, s17;
	s18 =	sshrl.u32 s18, $0x3;
	[sflag:s15] =	ssyncset.done $0x0  }
0x24: {  	s16 =	sadd.s32 s17, s16;
	s20 =	sadd.s32 s17, s18;
	[sflag:s15] =	ssyncadd.s32 $0xFFFFE000  }
0x25: {  	[hbm4b:s16+s2] =	stream.linear.scatter [tilespmem:s7], [sflag:$0x2], $0x2000, $0x38;
	[tilespmem:$0xA280] =	vst v63  }
0x26: {  	s17 =	sadd.s32 $0x400, s20  }
0x27: {  	[hbm4b:s17+s2] =	stream.linear.scatter [tilespmem:s8], [sflag:$0x2], $0x2000, $0x38;
	[tilespmem:$0xA280] =	vst v63  }
0x28: {  	s18 =	sadd.s32 $0x800, s20  }
0x29: {  	[hbm4b:s18+s2] =	stream.linear.scatter [tilespmem:s10], [sflag:$0x2], $0x2000, $0x38;
	[tilespmem:$0xA280] =	vst v63  }
0x2a: {  	s19 =	sadd.s32 $0xC00, s20  }
0x2b: {  	[hbm4b:s19+s2] =	stream.linear.scatter [tilespmem:s12], [sflag:$0x2], $0x2000, $0x38;
	[tilespmem:$0xA280] =	vst v63  }
0x2c: {  	s21 =	sadd.s32 $0x1000, s20;
	s20 =	simm.s32 $0x2  }
0x2d: {  	[hbm4b:s21+s2] =	stream.linear.scatter [tilespmem:s14], [sflag:$0x2], $0x2000, $0x38;
	[tilespmem:$0xA280] =	vst v63  }
0x2e: {  	_ =	swait.ge [sflag:s20], $0x2000  }
0x2f: {  	[sflag:s20] =	ssyncset.done $0x0  }
0x30: {  	[sflag:s20] =	ssyncadd.s32 $0xFFFFE000  }
0x31: {  	_ =	swait.ge [sflag:s20], $0x2000  }
0x32: {  	s22 =	ssub.s32 $0x2, s22;
	[sflag:s20] =	ssyncset.done $0x0  }
0x33: {  	s23 =	sshrl.u32 s22, $0x1;
	[sflag:s20] =	ssyncadd.s32 $0xFFFFE000  }
0x34: {  	s22 =	ssub.s32 s22, s23;
	_ =	swait.ge [sflag:s20], $0x2000  }
0x35: {  	s22 =	smax.u32 s22, $0x1;
	[sflag:s20] =	ssyncset.done $0x0  }
0x36: {  	p0 =	sne.s32 s22, $0x1;
	[sflag:s20] =	ssyncadd.s32 $0xFFFFE000  }
.Ltmp0:
0x37: {  	_ =	swait.ge [sflag:s20], $0x2000;
	(pc) =	sbr.rel @!p0 .LBB2_2-.Ltmp0, $4  }
0x38: {  	[sflag:s20] =	ssyncset.done $0x0  }
0x39: {  	[sflag:s20] =	ssyncadd.s32 $0xFFFFE000  }
0x3a: {  	_ =	swait.ge [sflag:s20], $0x2000  }
0x3b: {  	s22 =	sadd.s32 $0xFFFFFFFF, s22;
	[sflag:s20] =	ssyncset.done $0x0  }
.LBB2_1:
0x3c: {  	p0 =	sne.s32 s22, $0x1;
	s22 =	sadd.s32 $0xFFFFFFFF, s22;
	[sflag:s20] =	ssyncadd.s32 $0xFFFFE000  }
0x3d: {  	[tilespmem:s2], [sflag:$0x3] =	stream.linear.gather [hbm4b:s3+s2], $0x280, $0x38;
	[tilespmem:$0xA280] =	vst v63  }
0x3e: {  	_ =	swait.ge [sflag:s4], $0x280  }
0x3f: {  	[sflag:s4] =	ssyncset.done $0x0  }
0x40: {  	[sflag:s4] =	ssyncadd.s32 $0xFFFFFD80  }
0x41: {  	[tilespmem:s7], [sflag:$0x1] =	stream.indirect.gather [hbm4b:s5+s6], $0x40, s2, s6, $0xb8;
	[tilespmem:$0xA280] =	vst v63  }
0x42: {  	_ = 	snop  }
0x43: {  	[tilespmem:s8], [sflag:$0x1] =	stream.indirect.gather [hbm4b:s5+s6], $0x40, s6, s6, $0xb8;
	[tilespmem:$0xA280] =	vst v63  }
0x44: {  	_ = 	snop  }
0x45: {  	[tilespmem:s10], [sflag:$0x1] =	stream.indirect.gather [hbm4b:s5+s6], $0x40, s9, s6, $0xb8;
	[tilespmem:$0xA280] =	vst v63  }
0x46: {  	_ = 	snop  }
0x47: {  	[tilespmem:s12], [sflag:$0x1] =	stream.indirect.gather [hbm4b:s5+s6], $0x40, s11, s6, $0xb8;
	[tilespmem:$0xA280] =	vst v63  }
0x48: {  	_ = 	snop  }
0x49: {  	[tilespmem:s14], [sflag:$0x1] =	stream.indirect.gather [hbm4b:s5+s6], $0x40, s13, s6, $0xb8;
	[tilespmem:$0xA280] =	vst v63  }
0x4a: {  	_ =	swait.ge [sflag:s15], $0x2000  }
0x4b: {  	[sflag:s15] =	ssyncset.done $0x0  }
0x4c: {  	[sflag:s15] =	ssyncadd.s32 $0xFFFFE000  }
0x4d: {  	_ =	swait.ge [sflag:s15], $0x2000  }
0x4e: {  	[sflag:s15] =	ssyncset.done $0x0  }
0x4f: {  	[sflag:s15] =	ssyncadd.s32 $0xFFFFE000  }
0x50: {  	_ =	swait.ge [sflag:s15], $0x2000  }
0x51: {  	[sflag:s15] =	ssyncset.done $0x0  }
0x52: {  	[sflag:s15] =	ssyncadd.s32 $0xFFFFE000  }
0x53: {  	_ =	swait.ge [sflag:s15], $0x2000  }
0x54: {  	[sflag:s15] =	ssyncset.done $0x0  }
0x55: {  	[sflag:s15] =	ssyncadd.s32 $0xFFFFE000  }
0x56: {  	_ =	swait.ge [sflag:s15], $0x2000  }
0x57: {  	[sflag:s15] =	ssyncset.done $0x0  }
0x58: {  	[sflag:s15] =	ssyncadd.s32 $0xFFFFE000  }
0x59: {  	[hbm4b:s16+s2] =	stream.linear.scatter [tilespmem:s7], [sflag:$0x2], $0x2000, $0x38;
	[tilespmem:$0xA280] =	vst v63  }
0x5a: {  	_ = 	snop  }
0x5b: {  	[hbm4b:s17+s2] =	stream.linear.scatter [tilespmem:s8], [sflag:$0x2], $0x2000, $0x38;
	[tilespmem:$0xA280] =	vst v63  }
0x5c: {  	_ = 	snop  }
0x5d: {  	[hbm4b:s18+s2] =	stream.linear.scatter [tilespmem:s10], [sflag:$0x2], $0x2000, $0x38;
	[tilespmem:$0xA280] =	vst v63  }
0x5e: {  	_ = 	snop  }
0x5f: {  	[hbm4b:s19+s2] =	stream.linear.scatter [tilespmem:s12], [sflag:$0x2], $0x2000, $0x38;
	[tilespmem:$0xA280] =	vst v63  }
0x60: {  	_ = 	snop  }
0x61: {  	[hbm4b:s21+s2] =	stream.linear.scatter [tilespmem:s14], [sflag:$0x2], $0x2000, $0x38;
	[tilespmem:$0xA280] =	vst v63  }
0x62: {  	_ =	swait.ge [sflag:s20], $0x2000  }
0x63: {  	[sflag:s20] =	ssyncset.done $0x0  }
0x64: {  	[sflag:s20] =	ssyncadd.s32 $0xFFFFE000  }
0x65: {  	_ =	swait.ge [sflag:s20], $0x2000  }
0x66: {  	[sflag:s20] =	ssyncset.done $0x0  }
0x67: {  	[sflag:s20] =	ssyncadd.s32 $0xFFFFE000  }
0x68: {  	_ =	swait.ge [sflag:s20], $0x2000  }
0x69: {  	[sflag:s20] =	ssyncset.done $0x0  }
0x6a: {  	[sflag:s20] =	ssyncadd.s32 $0xFFFFE000  }
.Ltmp1:
0x6b: {  	_ =	swait.ge [sflag:s20], $0x2000;
	(pc) =	sbr.rel @p0 .LBB2_1-.Ltmp1, $4  }
0x6c: {  	[sflag:s20] =	ssyncset.done $0x0  }
0x6d: {  	[sflag:s20] =	ssyncadd.s32 $0xFFFFE000  }
0x6e: {  	_ =	swait.ge [sflag:s20], $0x2000  }
0x6f: {  	[sflag:s20] =	ssyncset.done $0x0  }
.LBB2_2:
0x70: {  	[sflag:s20] =	ssyncadd.s32 $0xFFFFE000  }
0x71: {  	_ =	sfence.sel $0x180000  }
0x72: {  	[bflag:$0x0] =	sbarrier.arrive $0xFFFF  }
0x73: {  	p0 =	sne.s32 s0, $0x0;
	_ =	strace $0x9000004D  }
0x74: {  	s0 =	sadd.s32 @!p0 $0x100000, s1;
	[bflag:$0x2] =	sbarrier.arrive $0xFFFF  }
0x75: {  	[sflag:s0] =	ssyncadd.tile.s32 @!p0 $0x1;
	_ =	shalt  }
.Lfunc_end2:
_tile_overlayer_lowered:
.L_overlay_start_2:
0x76: {  	(tag) =	ssettag $0x2  }
0x77: {  	s0 =	rddreg [dreg:$0x0];
	s2 =	stileid.u32  }
0x78: {  	s1 =	rddreg [dreg:$0x1];
	p0 =	sne.s32 s2, $0x0  }
0x79: {  	s3 =	rddreg [dreg:$0x2];
	[bflag:$0x3] =	sbarrier.arrive $0xFFFF;
	s2 =	simm.s32 @!p0 $0x1C03  }
0x7a: {  	[timem:s3], [sflag:s2] =	dma.local @!p0 [hbm:s0], s1  }
0x7b: {  	s0 =	simm.s32 @!p0 $0x3  }
0x7c: {  	_ =	swait.ge @!p0 [sflag:s0], s1  }
0x7d: {  	s1 =	ssub.s32 @!p0 $0x0, s1;
	[sflag:s0] =	ssyncset.done @!p0 $0x0  }
0x7e: {  	[sflag:s0] =	ssyncadd.s32 @!p0 s1  }
0x7f: {  	[bflag:$0x3] =	sbarrier.arrive $0xFFFF  }
0x80: {  	_ =	shalt  }

// kernel: kernel.25.cloned.1.call-start
scs
__scs_entry_jumppad:
0x0: {  	(pc) =	sbr.rel $0x88, $3  }
0x1: {  	(tag) =	ssettag $0x0;
	lr =	simm.s32 $0x1  }
0x2: {  	[smem:$0x3F89] =	sst lr;
	_ =	strace $0xD0000000  }
0x3: {  	_ = 	snop  }
0x4: {  	_ = 	snop  }
0x5: {  	_ = 	snop  }
0x6: {  	_ = 	snop  }
0x7: {  	_ = 	snop  }
__scs_overlays_trampoline_lowered:
0x8: {  	[smem:$0x3F98] =	sst s0  }
0x9: {  	[smem:$0x3F99] =	sst s1  }
0xa: {  	[smem:$0x3F9A] =	sst s2  }
0xb: {  	[smem:$0x3F9B] =	sst s3  }
0xc: {  	[smem:$0x3F9C] =	sst s4  }
0xd: {  	[smem:$0x3F9D] =	sst s5  }
0xe: {  	[smem:$0x3F9E] =	sst s6  }
0xf: {  	[smem:$0x3F9F] =	sst s7  }
0x10: {  	[smem:$0x3FA0] =	sst s8  }
0x11: {  	[smem:$0x3FA1] =	sst s9;
	s0 =	simm.s32 @!p0 $0x0  }
0x12: {  	s1 =	sld [smem:$0x3F87];
	s0 =	simm.s32 @p0 $0x1  }
0x13: {  	[smem:$0x3FA2] =	sst s0;
	s0 =	simm.s32 @!p1 $0x0  }
0x14: {  	s2 =	sld [smem:$0x3F86];
	s0 =	simm.s32 @p1 $0x1  }
0x15: {  	[smem:$0x3FA3] =	sst s0;
	s0 =	simm.s32 @!p2 $0x0  }
0x16: {  	s3 =	sld [smem:$0x3FDB];
	s0 =	simm.s32 @p2 $0x1  }
0x17: {  	s4 =	simm.s32 $0x1BF5;
	[smem:$0x3FA5] =	sst s0  }
0x18: {  	s0 =	sld [smem:$0x3F88];
	_ =	swait.ge [sflag:s4], $0x0  }
0x19: {  	s7 =	sld [smem:$0x3F89]  }
0x1a: {  	s8 =	sadd.s32 $0xFFFFE003, lr  }
0x1b: {  	s9 =	sadd.s32 $0xFFFFFEF7, lr;
	s5 =	simm.s32 $0xFFFFFFFF;
	p2 =	slt.u32 s8, $0xFFFFF086  }
0x1c: {  	p1 =	slt.u32 s9, $0xF7A;
	s5 =	simm.s32 @!p2 $0x0  }
0x1d: {  	s5 =	simm.s32 @p1 $0x1;
	p0 =	seq.s32 s7, s2  }
0x1e: {  	s7 =	smul.u32 @!p0 $0xF7A, s2;
	p2 =	seq.s32 @!p0 s5, $0x0  }
0x1f: {  	s9 =	smul.u32 $0xF7A, s1;
	s8 =	simm.s32 @!p0 $0x1BF5;
	p2 =	por !p2, p0  }
0x20: {  	[sflag:s8] =	ssyncset.s32 @!p0 $0xFFFFF086;
	s6 =	sadd.s32 @!p0 s3, s7;
	s7 =	simm.s32 @!p0 $0x108  }
0x21: {  	s3 =	sadd.s32 s3, s9;
	s6 =	sadd.s32 @!p0 $0x88, s6;
	s7 =	simm.s32 @p2 $0x1082  }
0x22: {  	[simem:s7], [sflag:s8] =	dma.local @!p0 [hbm:s6], $0xF7A  }
0x23: {  	s9 =	sor.u32 $0xD0000000, s2;
	s6 =	simm.s32 $0x108;
	_ =	swait.ge @!p0 [sflag:s8], $0x0  }
0x24: {  	s3 =	sadd.s32 $0x88, s3;
	s6 =	simm.s32 @!p1 $0x1082;
	[sflag:s4] =	ssyncset.s32 $0xFFFFF086  }
0x25: {  	[simem:s6], [sflag:s4] =	dma.local [hbm:s3], $0xF7A  }
0x26: {  	[smem:$0x3F89] =	sst s1;
	(tag) =	ssettag s2;
	_ =	strace s9  }
0x27: {  	s1 =	sld [smem:$0x3F99]  }
0x28: {  	s2 =	sld [smem:$0x3F9A]  }
0x29: {  	s4 =	sld [smem:$0x3F9C]  }
0x2a: {  	p0 =	seq.s32 s5, $0x0;
	s5 =	sld [smem:$0x3F9D]  }
0x2b: {  	s6 =	sld [smem:$0x3F9E]  }
0x2c: {  	s7 =	sld [smem:$0x3F9F]  }
0x2d: {  	s3 =	simm.s32 $0x108;
	s8 =	sld [smem:$0x3FA0]  }
0x2e: {  	s3 =	simm.s32 @!p0 $0x1082;
	s9 =	sld [smem:$0x3FA1]  }
0x2f: {  	lr =	sadd.s32 s0, s3;
	s0 =	sld [smem:$0x3F98]  }
0x30: {  	s3 =	sld [smem:$0x3F9B]  }
0x31: {  	[smem:$0x3FA4] =	sst s10  }
0x32: {  	s10 =	sld [smem:$0x3FA2];
	_ =	sdelay $0x3  }
0x33: {  	p0 =	seq.s32 s10, $0x1;
	s10 =	sld [smem:$0x3FA4];
	_ =	sdelay $0x3  }
0x34: {  	[smem:$0x3FA4] =	sst s10  }
0x35: {  	s10 =	sld [smem:$0x3FA3];
	_ =	sdelay $0x3  }
0x36: {  	p1 =	seq.s32 s10, $0x1;
	s10 =	sld [smem:$0x3FA4];
	_ =	sdelay $0x3  }
0x37: {  	[smem:$0x3FA4] =	sst s10  }
0x38: {  	s10 =	sld [smem:$0x3FA5]  }
0x39: {  	_ = 	snop;
	(pc) =	sbr.ind lr, $3  }
0x3a: {  	_ = 	snop  }
0x3b: {  	_ = 	snop  }
0x3c: {  	p2 =	seq.s32 s10, $0x1;
	s10 =	sld [smem:$0x3FA4]  }
0x3d: {  	_ =	shalt  }
0x3e: {  	_ =	shalt  }
0x3f: {  	_ =	shalt  }
0x40: {  	_ =	shalt  }
0x41: {  	_ =	shalt  }
0x42: {  	_ =	shalt  }
0x43: {  	_ =	shalt  }
0x44: {  	_ =	shalt  }
0x45: {  	_ =	shalt  }
0x46: {  	_ =	shalt  }
0x47: {  	_ =	shalt  }
0x48: {  	_ =	shalt  }
0x49: {  	_ =	shalt  }
0x4a: {  	_ =	shalt  }
0x4b: {  	_ =	shalt  }
0x4c: {  	_ =	shalt  }
0x4d: {  	_ =	shalt  }
0x4e: {  	_ =	shalt  }
0x4f: {  	_ =	shalt  }
0x50: {  	_ =	shalt  }
0x51: {  	_ =	shalt  }
0x52: {  	_ =	shalt  }
0x53: {  	_ =	shalt  }
0x54: {  	_ =	shalt  }
0x55: {  	_ =	shalt  }
0x56: {  	_ =	shalt  }
0x57: {  	_ =	shalt  }
0x58: {  	_ =	shalt  }
0x59: {  	_ =	shalt  }
0x5a: {  	_ =	shalt  }
0x5b: {  	_ =	shalt  }
0x5c: {  	_ =	shalt  }
0x5d: {  	_ =	shalt  }
0x5e: {  	_ =	shalt  }
0x5f: {  	_ =	shalt  }
0x60: {  	_ =	shalt  }
0x61: {  	_ =	shalt  }
0x62: {  	_ =	shalt  }
0x63: {  	_ =	shalt  }
0x64: {  	_ =	shalt  }
0x65: {  	_ =	shalt  }
0x66: {  	_ =	shalt  }
0x67: {  	_ =	shalt  }
0x68: {  	_ =	shalt  }
0x69: {  	_ =	shalt  }
0x6a: {  	_ =	shalt  }
0x6b: {  	_ =	shalt  }
0x6c: {  	_ =	shalt  }
0x6d: {  	_ =	shalt  }
0x6e: {  	_ =	shalt  }
0x6f: {  	_ =	shalt  }
0x70: {  	_ =	shalt  }
0x71: {  	_ =	shalt  }
0x72: {  	_ =	shalt  }
0x73: {  	_ =	shalt  }
0x74: {  	_ =	shalt  }
0x75: {  	_ =	shalt  }
0x76: {  	_ =	shalt  }
0x77: {  	_ =	shalt  }
0x78: {  	_ =	shalt  }
0x79: {  	_ =	shalt  }
0x7a: {  	_ =	shalt  }
0x7b: {  	_ =	shalt  }
0x7c: {  	_ =	shalt  }
0x7d: {  	_ =	shalt  }
0x7e: {  	_ =	shalt  }
0x7f: {  	_ =	shalt  }
0x80: {  	_ =	shalt  }
0x81: {  	_ =	shalt  }
0x82: {  	_ =	shalt  }
0x83: {  	_ =	shalt  }
0x84: {  	_ =	shalt  }
0x85: {  	_ =	shalt  }
0x86: {  	_ =	shalt  }
0x87: {  	_ =	shalt  }
.Lfunc_end0:
.L_simem_size_0:
called_computation.3_lowered:
.L_overlay_start_0:
0x88: {  	s2 =	sld [smem:$0x3FD9]  }
0x89: {  	s3 =	sld [smem:$0x3FFE];
	_ =	sdelay $0x1  }
0x8a: {  	s1 =	srdreg.scid  }
0x8b: {  	s0 =	sand.u32 $0x1, s1  }
0x8c: {  	s16 =	sshll.u32 s0, $0xA;
	s2 =	sadd.s32 s3, s2  }
0x8d: {  	s2 =	sadd.s32 s2, s16  }
0x8e: {  	[smem:$0x3FB0] =	sst s2  }
0x8f: {  	_ = 	snop  }
0x90: {  	(tm) =	ssettm $0x1  }
0x91: {  	s17 =	sld [smem:$0x3FFB];
	_ =	sdelay $0x3  }
0x92: {  	_ =	strace s17  }
0x93: {  	s2 =	sld [smem:$0x3FFC];
	_ =	sdelay $0x3  }
0x94: {  	_ =	strace s2  }
0x95: {  	s2 =	sld [smem:$0x3FFD];
	_ =	sdelay $0x3  }
0x96: {  	_ =	strace s2  }
0x97: {  	_ =	strace $0x8FFFFFFF  }
0x98: {  	s18 =	sld [smem:$0x3FDB];
	_ =	sdelay $0x1  }
0x99: {  	s19 =	simm.s32 $_scs_section_size  }
0x9a: {  	s4 =	simm.s32 $_size__tile_overlayer_lowered;
	s5 =	simm.s32 $_tile_overlayer_lowered  }
0x9b: {  	s22 =	simm.s32 $0x1BFF;
	s21 =	sshll.u32 s5, $0x1;
	s2 =	sadd.s32 s19, s18  }
0x9c: {  	s6 =	simm.s32 $0x0;
	s20 =	sshll.u32 s4, $0x1;
	s4 =	sadd.s32 s21, s2  }
0x9d: {  	[timem:s6], [sflag:s22] =	dma.local [hbm:s4], s20  }
0x9e: {  	_ =	swait.ge [sflag:s22], s20  }
0x9f: {  	s3 =	ssub.s32 $0x0, s20;
	[sflag:s22] =	ssyncset.done $0x0  }
0xa0: {  	[sflag:s22] =	ssyncadd.s32 s3;
	_ =	sdelay $0x1  }
0xa1: {  	s23 =	simm.s32 $0x1B8B  }
0xa2: {  	_ =	swait.ge [sflag:s23], $0x1  }
0xa3: {  	[sflag:s23] =	ssyncset.done $0x0  }
0xa4: {  	s25 =	simm.s32 $0x1B8E;
	s24 =	sld [smem:$0x3FFE];
	[sflag:s23] =	ssyncadd.s32 $0xFFFFFFFF  }
0xa5: {  	s26 =	simm.s32 $execute0_lowered;
	[smem:$0x3FD2] =	sst s25  }
0xa6: {  	s4 =	sshll.u32 s26, $0x1;
	_ =	strace $0x8000004F;
	[dreg:$0x1] =	wrdreg $0xFFFFFFFF  }
0xa7: {  	s28 =	simm.s32 $_size_execute0_lowered;
	s2 =	sadd.s32 s2, s4;
	[dreg:$0x0] =	wrdreg $0x0  }
0xa8: {  	s4 =	sshll.u32 s28, $0x1;
	[dreg:$0x2] =	wrdreg s2  }
0xa9: {  	[dreg:$0x3] =	wrdreg s4  }
0xaa: {  	[dreg:$0x4] =	wrdreg $0xC0  }
0xab: {  	_ =	task [dreg:s6], $0x5FFFF  }
0xac: {  	[dreg:$0x1] =	wrdreg $0xFFFFFFFF  }
0xad: {  	[dreg:$0x0] =	wrdreg $0x60  }
0xae: {  	[dreg:$0x2] =	wrdreg s24  }
0xaf: {  	[dreg:$0x3] =	wrdreg $0xA2800  }
0xb0: {  	[dreg:$0x4] =	wrdreg $0x9  }
0xb1: {  	_ =	task.clear_ibuf [dreg:s6], $0x5FFFF;
	_ =	strace $0x9000004F  }
0xb2: {  	s29 =	simm.s32 $0x9;
	_ =	strace $0x80000051  }
0xb3: {  	_ =	swait.ge [sflag:s29], $0x1  }
0xb4: {  	[sflag:s29] =	ssyncadd.s32 $0xFFFFFFFF  }
0xb5: {  	_ =	strace $0x90000051  }
0xb6: {  	_ =	sfence  }
0xb7: {  	s30 =	sld [smem:$0x0];
	_ =	sdelay $0x2  }
0xb8: {  	s31 =	sshll.u32 s1, $0xD;
	s1 =	sshrl.u32 s1, $0x2  }
0xb9: {  	s3 =	sand.u32 $0x4000, s31;
	s1 =	sadd.s32 s1, s30  }
0xba: {  	s0 =	sor.u32 s3, s0;
	s1 =	sshll.u32 s1, $0x11  }
0xbb: {  	s0 =	sor.u32 s1, s0  }
0xbc: {  	s0 =	sadd.s32 $0x8F2B, s0  }
0xbd: {  	[sflag:s0] =	ssyncadd.remote.s32 $0x1  }
0xbe: {  	_ =	sfence.sel $0xFFFF  }
0xbf: {  	[dreg:$0x0] =	wrdreg $0xFFFFFFFF;
	(pc) =	sbr.abs _section_cstart, $3  }
0xc0: {  	[dreg:$0x1] =	wrdreg $0xFFFFFFFF  }
0xc1: {  	_ =	task.clear_ibuf [dreg:s6], $0x2FFFF;
	_ =	strace $0x9FFFFFFF  }
0xc2: {  	(tm) =	ssettm $0x7FFFFFFF  }
0xc3: {  	_ =	shalt  }
tec
execute0_lowered:
.L_overlay_start_1:
0x0: {  	(tag) =	ssettag $0x1  }
0x1: {  	s0 =	srdreg.scid  }
0x2: {  	s25 =	rddreg [dreg:$0x0];
	s26 =	sand.u32 $0x1, s0  }
0x3: {  	s2 =	rddreg [dreg:$0x1];
	s0 =	stileid.u32;
	s1 =	sshll.u32 s26, $0x4  }
0x4: {  	s3 =	simm.s32 $0x0;
	s28 =	smul.u32 $0xA000, s0;
	s5 =	sor.u32 s0, s1  }
0x5: {  	[smem:$0x7FF] =	sst s3;
	s4 =	smul.u32 $0x50, s5  }
0x6: {  	s11 =	simm.s32 $0x2280;
	s1 =	rddreg [dreg:$0x2];
	_ =	strace $0x80000050  }
0x7: {  	s6 =	sshrl.u32 s28, $0x3;
	s8 =	smul.u32 $0x1400, s5;
	s4 =	sadd.s32 s4, s25  }
0x8: {  	s9 =	smul.u32 $0xA000, s5;
	s5 =	simm.s32 $0x3;
	s4 =	sadd.s32 $0x63E00, s4  }
0x9: {  	[tilespmem:s3], [sflag:$0x3] =	stream.linear.gather [hbm4b:s4+s3], $0x280, $0x38;
	[tilespmem:$0x14280] =	vst v63  }
0xa: {  	s7 =	sadd.s32 $0xA0800, s25;
	s14 =	sadd.s32 s6, s25;
	_ =	swait.ge [sflag:s5], $0x280  }
0xb: {  	s9 =	sshrl.u32 s9, $0x3;
	s6 =	sadd.s32 s7, s8;
	[sflag:s5] =	ssyncset.done $0x0  }
0xc: {  	s8 =	simm.s32 $0x280;
	s12 =	sadd.s32 s7, s9;
	[sflag:s5] =	ssyncadd.s32 $0xFFFFFD80  }
0xd: {  	[tilespmem:s8], [sflag:$0x1] =	stream.linear.gather [hbm4b:s6+s3], $0x2000, $0x38;
	[tilespmem:$0x14280] =	vst v63  }
0xe: {  	s13 =	simm.s32 $0x4280;
	s15 =	simm.s32 $0x6280;
	s7 =	sadd.s32 $0x400, s12  }
0xf: {  	[tilespmem:s11], [sflag:$0x1] =	stream.linear.gather [hbm4b:s7+s3], $0x2000, $0x38;
	[tilespmem:$0x14280] =	vst v63  }
0x10: {  	s16 =	simm.s32 $0x8280;
	s17 =	sshll.u32 s0, $0x6;
	s9 =	sadd.s32 $0x800, s12  }
0x11: {  	[tilespmem:s13], [sflag:$0x1] =	stream.linear.gather [hbm4b:s9+s3], $0x2000, $0x38;
	[tilespmem:$0x14280] =	vst v63  }
0x12: {  	s17 =	sor.u32 $0x1C03, s17;
	s18 =	sadd.s32 s28, s2;
	s10 =	sadd.s32 $0xC00, s12  }
0x13: {  	[tilespmem:s15], [sflag:$0x1] =	stream.linear.gather [hbm4b:s10+s3], $0x2000, $0x38;
	[tilespmem:$0x14280] =	vst v63  }
0x14: {  	s18 =	sshrl.u32 s18, $0x3;
	s14 =	sadd.s32 $0x8C800, s14;
	s12 =	sadd.s32 $0x1000, s12  }
0x15: {  	[tilespmem:s16], [sflag:$0x1] =	stream.linear.gather [hbm4b:s12+s3], $0x2000, $0x38;
	[tilespmem:$0x14280] =	vst v63  }
0x16: {  	[spmem:s18], [sflag:s17] =	dma.local [hbm:s14], $0x1400  }
0x17: {  	_ =	swait.ge [sflag:s5], $0x1400  }
0x18: {  	[sflag:s5] =	ssyncset.done $0x0  }
0x19: {  	s19 =	simm.s32 $0x1;
	[sflag:s5] =	ssyncadd.s32 $0xFFFFEC00  }
0x1a: {  	_ =	swait.ge [sflag:s19], $0x2000  }
0x1b: {  	[sflag:s19] =	ssyncset.done $0x0  }
0x1c: {  	[sflag:s19] =	ssyncadd.s32 $0xFFFFE000  }
0x1d: {  	_ =	swait.ge [sflag:s19], $0x2000  }
0x1e: {  	[sflag:s19] =	ssyncset.done $0x0  }
0x1f: {  	[sflag:s19] =	ssyncadd.s32 $0xFFFFE000  }
0x20: {  	_ =	swait.ge [sflag:s19], $0x2000  }
0x21: {  	[sflag:s19] =	ssyncset.done $0x0  }
0x22: {  	[sflag:s19] =	ssyncadd.s32 $0xFFFFE000  }
0x23: {  	_ =	swait.ge [sflag:s19], $0x2000  }
0x24: {  	[sflag:s19] =	ssyncset.done $0x0  }
0x25: {  	[sflag:s19] =	ssyncadd.s32 $0xFFFFE000  }
0x26: {  	_ =	swait.ge [sflag:s19], $0x2000  }
0x27: {  	[sflag:s19] =	ssyncset.done $0x0  }
0x28: {  	[sflag:s19] =	ssyncadd.s32 $0xFFFFE000  }
0x29: {  	s20 =	simm.s32 $0x80;
	[bflag:$0x0] =	sbarrier.arrive $0xFFFF  }
0x2a: {  	[spmem:s2] =	stream.indirect.scatter.add.f32 [tilespmem:s8], [sflag:$0x2], $0x40, s3, s20, $0xb8;
	[tilespmem:$0x14280] =	vst v63  }
0x2b: {  	_ = 	snop  }
0x2c: {  	[spmem:s2] =	stream.indirect.scatter.add.f32 [tilespmem:s11], [sflag:$0x2], $0x40, s20, s20, $0xb8;
	[tilespmem:$0x14280] =	vst v63  }
0x2d: {  	s21 =	simm.s32 $0x100  }
0x2e: {  	[spmem:s2] =	stream.indirect.scatter.add.f32 [tilespmem:s13], [sflag:$0x2], $0x40, s21, s20, $0xb8;
	[tilespmem:$0x14280] =	vst v63  }
0x2f: {  	s22 =	simm.s32 $0x180  }
0x30: {  	[spmem:s2] =	stream.indirect.scatter.add.f32 [tilespmem:s15], [sflag:$0x2], $0x40, s22, s20, $0xb8;
	[tilespmem:$0x14280] =	vst v63  }
0x31: {  	s23 =	simm.s32 $0x200;
	s24 =	simm.s32 $0x2  }
0x32: {  	[spmem:s2] =	stream.indirect.scatter.add.f32 [tilespmem:s16], [sflag:$0x2], $0x40, s23, s20, $0xb8;
	[tilespmem:$0x14280] =	vst v63  }
0x33: {  	_ =	swait.ge [sflag:s24], $0x2000  }
0x34: {  	[sflag:s24] =	ssyncset.done $0x0  }
0x35: {  	[sflag:s24] =	ssyncadd.s32 $0xFFFFE000  }
0x36: {  	_ =	swait.ge [sflag:s24], $0x2000  }
0x37: {  	[sflag:s24] =	ssyncset.done $0x0  }
0x38: {  	[sflag:s24] =	ssyncadd.s32 $0xFFFFE000  }
0x39: {  	_ =	swait.ge [sflag:s24], $0x2000  }
0x3a: {  	[sflag:s24] =	ssyncset.done $0x0  }
0x3b: {  	[sflag:s24] =	ssyncadd.s32 $0xFFFFE000  }
0x3c: {  	s29 =	smul.u32 $0xA0000, s26;
	s26 =	ssub.s32 $0x2, s26;
	_ =	swait.ge [sflag:s24], $0x2000  }
0x3d: {  	s31 =	sshrl.u32 s26, $0x1;
	[sflag:s24] =	ssyncset.done $0x0  }
0x3e: {  	s26 =	ssub.s32 s26, s31;
	[sflag:s24] =	ssyncadd.s32 $0xFFFFE000  }
0x3f: {  	s28 =	sadd.s32 s28, s29;
	s26 =	smax.u32 s26, $0x1;
	_ =	swait.ge [sflag:s24], $0x2000  }
0x40: {  	s28 =	sshrl.u32 s28, $0x3;
	p0 =	sne.s32 s26, $0x1;
	[sflag:s24] =	ssyncset.done $0x0  }
.Ltmp0:
0x41: {  	s25 =	sadd.s32 s28, s25;
	[sflag:s24] =	ssyncadd.s32 $0xFFFFE000;
	(pc) =	sbr.rel @!p0 .LBB2_2-.Ltmp0, $4  }
0x42: {  	s25 =	sadd.s32 $0xFA800, s25;
	[bflag:$0x0] =	sbarrier.arrive $0xFFFF  }
0x43: {  	[hbm:s25], [sflag:s17] =	dma.local [spmem:s18], $0x1400  }
0x44: {  	_ =	swait.ge [sflag:s5], $0x1400  }
0x45: {  	s26 =	sadd.s32 $0xFFFFFFFF, s26;
	[sflag:s5] =	ssyncset.done $0x0  }
.LBB2_1:
0x46: {  	p0 =	sne.s32 s26, $0x1;
	s26 =	sadd.s32 $0xFFFFFFFF, s26;
	[sflag:s5] =	ssyncadd.s32 $0xFFFFEC00  }
0x47: {  	[tilespmem:s3], [sflag:$0x3] =	stream.linear.gather [hbm4b:s4+s3], $0x280, $0x38;
	[tilespmem:$0x14280] =	vst v63  }
0x48: {  	_ =	swait.ge [sflag:s5], $0x280  }
0x49: {  	[sflag:s5] =	ssyncset.done $0x0  }
0x4a: {  	[sflag:s5] =	ssyncadd.s32 $0xFFFFFD80  }
0x4b: {  	[tilespmem:s8], [sflag:$0x1] =	stream.linear.gather [hbm4b:s6+s3], $0x2000, $0x38;
	[tilespmem:$0x14280] =	vst v63  }
0x4c: {  	_ = 	snop  }
0x4d: {  	[tilespmem:s11], [sflag:$0x1] =	stream.linear.gather [hbm4b:s7+s3], $0x2000, $0x38;
	[tilespmem:$0x14280] =	vst v63  }
0x4e: {  	_ = 	snop  }
0x4f: {  	[tilespmem:s13], [sflag:$0x1] =	stream.linear.gather [hbm4b:s9+s3], $0x2000, $0x38;
	[tilespmem:$0x14280] =	vst v63  }
0x50: {  	_ = 	snop  }
0x51: {  	[tilespmem:s15], [sflag:$0x1] =	stream.linear.gather [hbm4b:s10+s3], $0x2000, $0x38;
	[tilespmem:$0x14280] =	vst v63  }
0x52: {  	_ = 	snop  }
0x53: {  	[tilespmem:s16], [sflag:$0x1] =	stream.linear.gather [hbm4b:s12+s3], $0x2000, $0x38;
	[tilespmem:$0x14280] =	vst v63  }
0x54: {  	[spmem:s18], [sflag:s17] =	dma.local [hbm:s14], $0x1400  }
0x55: {  	_ =	swait.ge [sflag:s5], $0x1400  }
0x56: {  	[sflag:s5] =	ssyncset.done $0x0  }
0x57: {  	[sflag:s5] =	ssyncadd.s32 $0xFFFFEC00  }
0x58: {  	_ =	swait.ge [sflag:s19], $0x2000  }
0x59: {  	[sflag:s19] =	ssyncset.done $0x0  }
0x5a: {  	[sflag:s19] =	ssyncadd.s32 $0xFFFFE000  }
0x5b: {  	_ =	swait.ge [sflag:s19], $0x2000  }
0x5c: {  	[sflag:s19] =	ssyncset.done $0x0  }
0x5d: {  	[sflag:s19] =	ssyncadd.s32 $0xFFFFE000  }
0x5e: {  	_ =	swait.ge [sflag:s19], $0x2000  }
0x5f: {  	[sflag:s19] =	ssyncset.done $0x0  }
0x60: {  	[sflag:s19] =	ssyncadd.s32 $0xFFFFE000  }
0x61: {  	_ =	swait.ge [sflag:s19], $0x2000  }
0x62: {  	[sflag:s19] =	ssyncset.done $0x0  }
0x63: {  	[sflag:s19] =	ssyncadd.s32 $0xFFFFE000  }
0x64: {  	_ =	swait.ge [sflag:s19], $0x2000  }
0x65: {  	[sflag:s19] =	ssyncset.done $0x0  }
0x66: {  	[sflag:s19] =	ssyncadd.s32 $0xFFFFE000  }
0x67: {  	[bflag:$0x0] =	sbarrier.arrive $0xFFFF  }
0x68: {  	[spmem:s2] =	stream.indirect.scatter.add.f32 [tilespmem:s8], [sflag:$0x2], $0x40, s3, s20, $0xb8;
	[tilespmem:$0x14280] =	vst v63  }
0x69: {  	_ = 	snop  }
0x6a: {  	[spmem:s2] =	stream.indirect.scatter.add.f32 [tilespmem:s11], [sflag:$0x2], $0x40, s20, s20, $0xb8;
	[tilespmem:$0x14280] =	vst v63  }
0x6b: {  	_ = 	snop  }
0x6c: {  	[spmem:s2] =	stream.indirect.scatter.add.f32 [tilespmem:s13], [sflag:$0x2], $0x40, s21, s20, $0xb8;
	[tilespmem:$0x14280] =	vst v63  }
0x6d: {  	_ = 	snop  }
0x6e: {  	[spmem:s2] =	stream.indirect.scatter.add.f32 [tilespmem:s15], [sflag:$0x2], $0x40, s22, s20, $0xb8;
	[tilespmem:$0x14280] =	vst v63  }
0x6f: {  	_ = 	snop  }
0x70: {  	[spmem:s2] =	stream.indirect.scatter.add.f32 [tilespmem:s16], [sflag:$0x2], $0x40, s23, s20, $0xb8;
	[tilespmem:$0x14280] =	vst v63  }
0x71: {  	_ =	swait.ge [sflag:s24], $0x2000  }
0x72: {  	[sflag:s24] =	ssyncset.done $0x0  }
0x73: {  	[sflag:s24] =	ssyncadd.s32 $0xFFFFE000  }
0x74: {  	_ =	swait.ge [sflag:s24], $0x2000  }
0x75: {  	[sflag:s24] =	ssyncset.done $0x0  }
0x76: {  	[sflag:s24] =	ssyncadd.s32 $0xFFFFE000  }
0x77: {  	_ =	swait.ge [sflag:s24], $0x2000  }
0x78: {  	[sflag:s24] =	ssyncset.done $0x0  }
0x79: {  	[sflag:s24] =	ssyncadd.s32 $0xFFFFE000  }
0x7a: {  	_ =	swait.ge [sflag:s24], $0x2000  }
0x7b: {  	[sflag:s24] =	ssyncset.done $0x0  }
0x7c: {  	[sflag:s24] =	ssyncadd.s32 $0xFFFFE000  }
0x7d: {  	_ =	swait.ge [sflag:s24], $0x2000  }
0x7e: {  	[sflag:s24] =	ssyncset.done $0x0  }
.Ltmp1:
0x7f: {  	[sflag:s24] =	ssyncadd.s32 $0xFFFFE000;
	(pc) =	sbr.rel @p0 .LBB2_1-.Ltmp1, $4  }
0x80: {  	[bflag:$0x0] =	sbarrier.arrive $0xFFFF  }
0x81: {  	[hbm:s25], [sflag:s17] =	dma.local [spmem:s18], $0x1400  }
0x82: {  	_ =	swait.ge [sflag:s5], $0x1400  }
0x83: {  	[sflag:s5] =	ssyncset.done $0x0  }
.LBB2_2:
0x84: {  	[sflag:s5] =	ssyncadd.s32 $0xFFFFEC00  }
0x85: {  	_ =	sfence.sel $0x180000  }
0x86: {  	[bflag:$0x0] =	sbarrier.arrive $0xFFFF  }
0x87: {  	p0 =	sne.s32 s0, $0x0;
	_ =	strace $0x90000050  }
0x88: {  	s0 =	sadd.s32 @!p0 $0x100000, s1;
	[bflag:$0x2] =	sbarrier.arrive $0xFFFF  }
0x89: {  	[sflag:s0] =	ssyncadd.tile.s32 @!p0 $0x1;
	_ =	shalt  }
.Lfunc_end2:
_tile_overlayer_lowered:
.L_overlay_start_2:
0x8a: {  	(tag) =	ssettag $0x2  }
0x8b: {  	s0 =	rddreg [dreg:$0x0];
	s2 =	stileid.u32  }
0x8c: {  	s1 =	rddreg [dreg:$0x1];
	p0 =	sne.s32 s2, $0x0  }
0x8d: {  	s3 =	rddreg [dreg:$0x2];
	[bflag:$0x3] =	sbarrier.arrive $0xFFFF;
	s2 =	simm.s32 @!p0 $0x1C03  }
0x8e: {  	[timem:s3], [sflag:s2] =	dma.local @!p0 [hbm:s0], s1  }
0x8f: {  	s0 =	simm.s32 @!p0 $0x3  }
0x90: {  	_ =	swait.ge @!p0 [sflag:s0], s1  }
0x91: {  	s1 =	ssub.s32 @!p0 $0x0, s1;
	[sflag:s0] =	ssyncset.done @!p0 $0x0  }
0x92: {  	[sflag:s0] =	ssyncadd.s32 @!p0 s1  }
0x93: {  	[bflag:$0x3] =	sbarrier.arrive $0xFFFF  }
0x94: {  	_ =	shalt  }

// kernel: kernel.28.cloned.1.call-start
scs
__scs_entry_jumppad:
0x0: {  	(pc) =	sbr.rel $0x88, $3  }
0x1: {  	(tag) =	ssettag $0x0;
	lr =	simm.s32 $0x1  }
0x2: {  	[smem:$0x3F89] =	sst lr;
	_ =	strace $0xD0000000  }
0x3: {  	_ = 	snop  }
0x4: {  	_ = 	snop  }
0x5: {  	_ = 	snop  }
0x6: {  	_ = 	snop  }
0x7: {  	_ = 	snop  }
__scs_overlays_trampoline_lowered:
0x8: {  	[smem:$0x3F98] =	sst s0  }
0x9: {  	[smem:$0x3F99] =	sst s1  }
0xa: {  	[smem:$0x3F9A] =	sst s2  }
0xb: {  	[smem:$0x3F9B] =	sst s3  }
0xc: {  	[smem:$0x3F9C] =	sst s4  }
0xd: {  	[smem:$0x3F9D] =	sst s5  }
0xe: {  	[smem:$0x3F9E] =	sst s6  }
0xf: {  	[smem:$0x3F9F] =	sst s7  }
0x10: {  	[smem:$0x3FA0] =	sst s8  }
0x11: {  	[smem:$0x3FA1] =	sst s9;
	s0 =	simm.s32 @!p0 $0x0  }
0x12: {  	s1 =	sld [smem:$0x3F87];
	s0 =	simm.s32 @p0 $0x1  }
0x13: {  	[smem:$0x3FA2] =	sst s0;
	s0 =	simm.s32 @!p1 $0x0  }
0x14: {  	s2 =	sld [smem:$0x3F86];
	s0 =	simm.s32 @p1 $0x1  }
0x15: {  	[smem:$0x3FA3] =	sst s0;
	s0 =	simm.s32 @!p2 $0x0  }
0x16: {  	s3 =	sld [smem:$0x3FDB];
	s0 =	simm.s32 @p2 $0x1  }
0x17: {  	s4 =	simm.s32 $0x1BF5;
	[smem:$0x3FA5] =	sst s0  }
0x18: {  	s0 =	sld [smem:$0x3F88];
	_ =	swait.ge [sflag:s4], $0x0  }
0x19: {  	s7 =	sld [smem:$0x3F89]  }
0x1a: {  	s8 =	sadd.s32 $0xFFFFE003, lr  }
0x1b: {  	s9 =	sadd.s32 $0xFFFFFEF7, lr;
	s5 =	simm.s32 $0xFFFFFFFF;
	p2 =	slt.u32 s8, $0xFFFFF086  }
0x1c: {  	p1 =	slt.u32 s9, $0xF7A;
	s5 =	simm.s32 @!p2 $0x0  }
0x1d: {  	s5 =	simm.s32 @p1 $0x1;
	p0 =	seq.s32 s7, s2  }
0x1e: {  	s7 =	smul.u32 @!p0 $0xF7A, s2;
	p2 =	seq.s32 @!p0 s5, $0x0  }
0x1f: {  	s9 =	smul.u32 $0xF7A, s1;
	s8 =	simm.s32 @!p0 $0x1BF5;
	p2 =	por !p2, p0  }
0x20: {  	[sflag:s8] =	ssyncset.s32 @!p0 $0xFFFFF086;
	s6 =	sadd.s32 @!p0 s3, s7;
	s7 =	simm.s32 @!p0 $0x108  }
0x21: {  	s3 =	sadd.s32 s3, s9;
	s6 =	sadd.s32 @!p0 $0x88, s6;
	s7 =	simm.s32 @p2 $0x1082  }
0x22: {  	[simem:s7], [sflag:s8] =	dma.local @!p0 [hbm:s6], $0xF7A  }
0x23: {  	s9 =	sor.u32 $0xD0000000, s2;
	s6 =	simm.s32 $0x108;
	_ =	swait.ge @!p0 [sflag:s8], $0x0  }
0x24: {  	s3 =	sadd.s32 $0x88, s3;
	s6 =	simm.s32 @!p1 $0x1082;
	[sflag:s4] =	ssyncset.s32 $0xFFFFF086  }
0x25: {  	[simem:s6], [sflag:s4] =	dma.local [hbm:s3], $0xF7A  }
0x26: {  	[smem:$0x3F89] =	sst s1;
	(tag) =	ssettag s2;
	_ =	strace s9  }
0x27: {  	s1 =	sld [smem:$0x3F99]  }
0x28: {  	s2 =	sld [smem:$0x3F9A]  }
0x29: {  	s4 =	sld [smem:$0x3F9C]  }
0x2a: {  	p0 =	seq.s32 s5, $0x0;
	s5 =	sld [smem:$0x3F9D]  }
0x2b: {  	s6 =	sld [smem:$0x3F9E]  }
0x2c: {  	s7 =	sld [smem:$0x3F9F]  }
0x2d: {  	s3 =	simm.s32 $0x108;
	s8 =	sld [smem:$0x3FA0]  }
0x2e: {  	s3 =	simm.s32 @!p0 $0x1082;
	s9 =	sld [smem:$0x3FA1]  }
0x2f: {  	lr =	sadd.s32 s0, s3;
	s0 =	sld [smem:$0x3F98]  }
0x30: {  	s3 =	sld [smem:$0x3F9B]  }
0x31: {  	[smem:$0x3FA4] =	sst s10  }
0x32: {  	s10 =	sld [smem:$0x3FA2];
	_ =	sdelay $0x3  }
0x33: {  	p0 =	seq.s32 s10, $0x1;
	s10 =	sld [smem:$0x3FA4];
	_ =	sdelay $0x3  }
0x34: {  	[smem:$0x3FA4] =	sst s10  }
0x35: {  	s10 =	sld [smem:$0x3FA3];
	_ =	sdelay $0x3  }
0x36: {  	p1 =	seq.s32 s10, $0x1;
	s10 =	sld [smem:$0x3FA4];
	_ =	sdelay $0x3  }
0x37: {  	[smem:$0x3FA4] =	sst s10  }
0x38: {  	s10 =	sld [smem:$0x3FA5]  }
0x39: {  	_ = 	snop;
	(pc) =	sbr.ind lr, $3  }
0x3a: {  	_ = 	snop  }
0x3b: {  	_ = 	snop  }
0x3c: {  	p2 =	seq.s32 s10, $0x1;
	s10 =	sld [smem:$0x3FA4]  }
0x3d: {  	_ =	shalt  }
0x3e: {  	_ =	shalt  }
0x3f: {  	_ =	shalt  }
0x40: {  	_ =	shalt  }
0x41: {  	_ =	shalt  }
0x42: {  	_ =	shalt  }
0x43: {  	_ =	shalt  }
0x44: {  	_ =	shalt  }
0x45: {  	_ =	shalt  }
0x46: {  	_ =	shalt  }
0x47: {  	_ =	shalt  }
0x48: {  	_ =	shalt  }
0x49: {  	_ =	shalt  }
0x4a: {  	_ =	shalt  }
0x4b: {  	_ =	shalt  }
0x4c: {  	_ =	shalt  }
0x4d: {  	_ =	shalt  }
0x4e: {  	_ =	shalt  }
0x4f: {  	_ =	shalt  }
0x50: {  	_ =	shalt  }
0x51: {  	_ =	shalt  }
0x52: {  	_ =	shalt  }
0x53: {  	_ =	shalt  }
0x54: {  	_ =	shalt  }
0x55: {  	_ =	shalt  }
0x56: {  	_ =	shalt  }
0x57: {  	_ =	shalt  }
0x58: {  	_ =	shalt  }
0x59: {  	_ =	shalt  }
0x5a: {  	_ =	shalt  }
0x5b: {  	_ =	shalt  }
0x5c: {  	_ =	shalt  }
0x5d: {  	_ =	shalt  }
0x5e: {  	_ =	shalt  }
0x5f: {  	_ =	shalt  }
0x60: {  	_ =	shalt  }
0x61: {  	_ =	shalt  }
0x62: {  	_ =	shalt  }
0x63: {  	_ =	shalt  }
0x64: {  	_ =	shalt  }
0x65: {  	_ =	shalt  }
0x66: {  	_ =	shalt  }
0x67: {  	_ =	shalt  }
0x68: {  	_ =	shalt  }
0x69: {  	_ =	shalt  }
0x6a: {  	_ =	shalt  }
0x6b: {  	_ =	shalt  }
0x6c: {  	_ =	shalt  }
0x6d: {  	_ =	shalt  }
0x6e: {  	_ =	shalt  }
0x6f: {  	_ =	shalt  }
0x70: {  	_ =	shalt  }
0x71: {  	_ =	shalt  }
0x72: {  	_ =	shalt  }
0x73: {  	_ =	shalt  }
0x74: {  	_ =	shalt  }
0x75: {  	_ =	shalt  }
0x76: {  	_ =	shalt  }
0x77: {  	_ =	shalt  }
0x78: {  	_ =	shalt  }
0x79: {  	_ =	shalt  }
0x7a: {  	_ =	shalt  }
0x7b: {  	_ =	shalt  }
0x7c: {  	_ =	shalt  }
0x7d: {  	_ =	shalt  }
0x7e: {  	_ =	shalt  }
0x7f: {  	_ =	shalt  }
0x80: {  	_ =	shalt  }
0x81: {  	_ =	shalt  }
0x82: {  	_ =	shalt  }
0x83: {  	_ =	shalt  }
0x84: {  	_ =	shalt  }
0x85: {  	_ =	shalt  }
0x86: {  	_ =	shalt  }
0x87: {  	_ =	shalt  }
.Lfunc_end0:
.L_simem_size_0:
called_computation.4_lowered:
.L_overlay_start_0:
0x88: {  	s2 =	sld [smem:$0x3FD9]  }
0x89: {  	s3 =	sld [smem:$0x3FFE];
	_ =	sdelay $0x1  }
0x8a: {  	s1 =	srdreg.scid  }
0x8b: {  	s0 =	sand.u32 $0x1, s1  }
0x8c: {  	s16 =	sshll.u32 s0, $0xA;
	s2 =	sadd.s32 s3, s2  }
0x8d: {  	s2 =	sadd.s32 s2, s16  }
0x8e: {  	[smem:$0x3FB0] =	sst s2  }
0x8f: {  	_ = 	snop  }
0x90: {  	(tm) =	ssettm $0x1  }
0x91: {  	s17 =	sld [smem:$0x3FFB];
	_ =	sdelay $0x3  }
0x92: {  	_ =	strace s17  }
0x93: {  	s2 =	sld [smem:$0x3FFC];
	_ =	sdelay $0x3  }
0x94: {  	_ =	strace s2  }
0x95: {  	s2 =	sld [smem:$0x3FFD];
	_ =	sdelay $0x3  }
0x96: {  	_ =	strace s2  }
0x97: {  	_ =	strace $0x8FFFFFFF  }
0x98: {  	s18 =	sld [smem:$0x3FDB];
	_ =	sdelay $0x1  }
0x99: {  	s19 =	simm.s32 $_scs_section_size  }
0x9a: {  	s4 =	simm.s32 $_size__tile_overlayer_lowered;
	s5 =	simm.s32 $_tile_overlayer_lowered  }
0x9b: {  	s22 =	simm.s32 $0x1BFF;
	s21 =	sshll.u32 s5, $0x1;
	s2 =	sadd.s32 s19, s18  }
0x9c: {  	s6 =	simm.s32 $0x0;
	s20 =	sshll.u32 s4, $0x1;
	s4 =	sadd.s32 s21, s2  }
0x9d: {  	[timem:s6], [sflag:s22] =	dma.local [hbm:s4], s20  }
0x9e: {  	_ =	swait.ge [sflag:s22], s20  }
0x9f: {  	s3 =	ssub.s32 $0x0, s20;
	[sflag:s22] =	ssyncset.done $0x0  }
0xa0: {  	[sflag:s22] =	ssyncadd.s32 s3;
	_ =	sdelay $0x1  }
0xa1: {  	s23 =	simm.s32 $0x1B8B  }
0xa2: {  	_ =	swait.ge [sflag:s23], $0x1  }
0xa3: {  	[sflag:s23] =	ssyncset.done $0x0  }
0xa4: {  	s25 =	simm.s32 $0x1B8E;
	s24 =	sld [smem:$0x3FFE];
	[sflag:s23] =	ssyncadd.s32 $0xFFFFFFFF  }
0xa5: {  	s26 =	simm.s32 $execute0_lowered;
	[smem:$0x3FD2] =	sst s25  }
0xa6: {  	s4 =	sshll.u32 s26, $0x1;
	_ =	strace $0x80000052;
	[dreg:$0x1] =	wrdreg $0xFFFFFFFF  }
0xa7: {  	s28 =	simm.s32 $_size_execute0_lowered;
	s2 =	sadd.s32 s2, s4;
	[dreg:$0x0] =	wrdreg $0x0  }
0xa8: {  	s4 =	sshll.u32 s28, $0x1;
	[dreg:$0x2] =	wrdreg s2  }
0xa9: {  	[dreg:$0x3] =	wrdreg s4  }
0xaa: {  	[dreg:$0x4] =	wrdreg $0xC0  }
0xab: {  	_ =	task [dreg:s6], $0x5FFFF  }
0xac: {  	[dreg:$0x1] =	wrdreg $0xFFFFFFFF  }
0xad: {  	[dreg:$0x0] =	wrdreg $0x60  }
0xae: {  	[dreg:$0x2] =	wrdreg s24  }
0xaf: {  	[dreg:$0x3] =	wrdreg $0x9  }
0xb0: {  	_ =	task.clear_ibuf [dreg:s6], $0x4FFFF;
	_ =	strace $0x90000052  }
0xb1: {  	s29 =	simm.s32 $0x9;
	_ =	strace $0x80000054  }
0xb2: {  	_ =	swait.ge [sflag:s29], $0x1  }
0xb3: {  	[sflag:s29] =	ssyncadd.s32 $0xFFFFFFFF  }
0xb4: {  	_ =	strace $0x90000054  }
0xb5: {  	_ =	sfence  }
0xb6: {  	s30 =	sld [smem:$0x0];
	_ =	sdelay $0x2  }
0xb7: {  	s31 =	sshll.u32 s1, $0xD;
	s1 =	sshrl.u32 s1, $0x2  }
0xb8: {  	s3 =	sand.u32 $0x4000, s31;
	s1 =	sadd.s32 s1, s30  }
0xb9: {  	s0 =	sor.u32 s3, s0;
	s1 =	sshll.u32 s1, $0x11  }
0xba: {  	s0 =	sor.u32 s1, s0  }
0xbb: {  	s0 =	sadd.s32 $0x8F2B, s0  }
0xbc: {  	[sflag:s0] =	ssyncadd.remote.s32 $0x1  }
0xbd: {  	_ =	sfence.sel $0xFFFF  }
0xbe: {  	[dreg:$0x0] =	wrdreg $0xFFFFFFFF;
	(pc) =	sbr.abs _section_cstart, $3  }
0xbf: {  	[dreg:$0x1] =	wrdreg $0xFFFFFFFF  }
0xc0: {  	_ =	task.clear_ibuf [dreg:s6], $0x2FFFF;
	_ =	strace $0x9FFFFFFF  }
0xc1: {  	(tm) =	ssettm $0x7FFFFFFF  }
tec
execute0_lowered:
.L_overlay_start_1:
0x0: {  	(tag) =	ssettag $0x1  }
0x1: {  	s0 =	srdreg.scid  }
0x2: {  	s22 =	sand.u32 $0x1, s0  }
0x3: {  	s0 =	stileid.u32;
	s1 =	sshll.u32 s22, $0x4  }
0x4: {  	s16 =	sor.u32 s0, s1  }
0x5: {  	s3 =	smul.u32 $0x50, s16  }
0x6: {  	s17 =	rddreg [dreg:$0x0];
	s2 =	simm.s32 $0x0  }
0x7: {  	s4 =	simm.s32 $0x3;
	[smem:$0x7FF] =	sst s2;
	s3 =	sadd.s32 s3, s17  }
0x8: {  	s1 =	rddreg [dreg:$0x1];
	_ =	strace $0x80000053;
	s3 =	sadd.s32 $0x9400, s3  }
0x9: {  	[tilespmem:s2], [sflag:$0x3] =	stream.linear.gather [hbm4b:s3+s2], $0x280, $0x38;
	[tilespmem:$0xA280] =	vst v63  }
0xa: {  	_ =	swait.ge [sflag:s4], $0x280  }
0xb: {  	s6 =	simm.s32 $0x80;
	[sflag:s4] =	ssyncset.done $0x0  }
0xc: {  	s7 =	simm.s32 $0x280;
	s5 =	sadd.s32 $0xA0800, s17;
	[sflag:s4] =	ssyncadd.s32 $0xFFFFFD80  }
0xd: {  	[tilespmem:s7], [sflag:$0x1] =	stream.indirect.gather [hbm4b:s5+s6], $0x40, s2, s6, $0xb8;
	[tilespmem:$0xA280] =	vst v63  }
0xe: {  	s8 =	simm.s32 $0x2280  }
0xf: {  	[tilespmem:s8], [sflag:$0x1] =	stream.indirect.gather [hbm4b:s5+s6], $0x40, s6, s6, $0xb8;
	[tilespmem:$0xA280] =	vst v63  }
0x10: {  	s9 =	simm.s32 $0x100;
	s10 =	simm.s32 $0x4280  }
0x11: {  	[tilespmem:s10], [sflag:$0x1] =	stream.indirect.gather [hbm4b:s5+s6], $0x40, s9, s6, $0xb8;
	[tilespmem:$0xA280] =	vst v63  }
0x12: {  	s11 =	simm.s32 $0x180;
	s12 =	simm.s32 $0x6280  }
0x13: {  	[tilespmem:s12], [sflag:$0x1] =	stream.indirect.gather [hbm4b:s5+s6], $0x40, s11, s6, $0xb8;
	[tilespmem:$0xA280] =	vst v63  }
0x14: {  	s13 =	simm.s32 $0x200;
	s14 =	simm.s32 $0x8280;
	s15 =	simm.s32 $0x1  }
0x15: {  	[tilespmem:s14], [sflag:$0x1] =	stream.indirect.gather [hbm4b:s5+s6], $0x40, s13, s6, $0xb8;
	[tilespmem:$0xA280] =	vst v63  }
0x16: {  	_ =	swait.ge [sflag:s15], $0x2000  }
0x17: {  	[sflag:s15] =	ssyncset.done $0x0  }
0x18: {  	[sflag:s15] =	ssyncadd.s32 $0xFFFFE000  }
0x19: {  	_ =	swait.ge [sflag:s15], $0x2000  }
0x1a: {  	[sflag:s15] =	ssyncset.done $0x0  }
0x1b: {  	[sflag:s15] =	ssyncadd.s32 $0xFFFFE000  }
0x1c: {  	_ =	swait.ge [sflag:s15], $0x2000  }
0x1d: {  	[sflag:s15] =	ssyncset.done $0x0  }
0x1e: {  	[sflag:s15] =	ssyncadd.s32 $0xFFFFE000  }
0x1f: {  	_ =	swait.ge [sflag:s15], $0x2000  }
0x20: {  	[sflag:s15] =	ssyncset.done $0x0  }
0x21: {  	s18 =	smul.u32 $0xA000, s16;
	[sflag:s15] =	ssyncadd.s32 $0xFFFFE000  }
0x22: {  	s16 =	smul.u32 $0x1400, s16;
	_ =	swait.ge [sflag:s15], $0x2000  }
0x23: {  	s17 =	sadd.s32 $0xFA800, s17;
	s18 =	sshrl.u32 s18, $0x3;
	[sflag:s15] =	ssyncset.done $0x0  }
0x24: {  	s16 =	sadd.s32 s17, s16;
	s20 =	sadd.s32 s17, s18;
	[sflag:s15] =	ssyncadd.s32 $0xFFFFE000  }
0x25: {  	[hbm4b:s16+s2] =	stream.linear.scatter [tilespmem:s7], [sflag:$0x2], $0x2000, $0x38;
	[tilespmem:$0xA280] =	vst v63  }
0x26: {  	s17 =	sadd.s32 $0x400, s20  }
0x27: {  	[hbm4b:s17+s2] =	stream.linear.scatter [tilespmem:s8], [sflag:$0x2], $0x2000, $0x38;
	[tilespmem:$0xA280] =	vst v63  }
0x28: {  	s18 =	sadd.s32 $0x800, s20  }
0x29: {  	[hbm4b:s18+s2] =	stream.linear.scatter [tilespmem:s10], [sflag:$0x2], $0x2000, $0x38;
	[tilespmem:$0xA280] =	vst v63  }
0x2a: {  	s19 =	sadd.s32 $0xC00, s20  }
0x2b: {  	[hbm4b:s19+s2] =	stream.linear.scatter [tilespmem:s12], [sflag:$0x2], $0x2000, $0x38;
	[tilespmem:$0xA280] =	vst v63  }
0x2c: {  	s21 =	sadd.s32 $0x1000, s20;
	s20 =	simm.s32 $0x2  }
0x2d: {  	[hbm4b:s21+s2] =	stream.linear.scatter [tilespmem:s14], [sflag:$0x2], $0x2000, $0x38;
	[tilespmem:$0xA280] =	vst v63  }
0x2e: {  	_ =	swait.ge [sflag:s20], $0x2000  }
0x2f: {  	[sflag:s20] =	ssyncset.done $0x0  }
0x30: {  	[sflag:s20] =	ssyncadd.s32 $0xFFFFE000  }
0x31: {  	_ =	swait.ge [sflag:s20], $0x2000  }
0x32: {  	s22 =	ssub.s32 $0x2, s22;
	[sflag:s20] =	ssyncset.done $0x0  }
0x33: {  	s23 =	sshrl.u32 s22, $0x1;
	[sflag:s20] =	ssyncadd.s32 $0xFFFFE000  }
0x34: {  	s22 =	ssub.s32 s22, s23;
	_ =	swait.ge [sflag:s20], $0x2000  }
0x35: {  	s22 =	smax.u32 s22, $0x1;
	[sflag:s20] =	ssyncset.done $0x0  }
0x36: {  	p0 =	sne.s32 s22, $0x1;
	[sflag:s20] =	ssyncadd.s32 $0xFFFFE000  }
.Ltmp0:
0x37: {  	_ =	swait.ge [sflag:s20], $0x2000;
	(pc) =	sbr.rel @!p0 .LBB2_2-.Ltmp0, $4  }
0x38: {  	[sflag:s20] =	ssyncset.done $0x0  }
0x39: {  	[sflag:s20] =	ssyncadd.s32 $0xFFFFE000  }
0x3a: {  	_ =	swait.ge [sflag:s20], $0x2000  }
0x3b: {  	s22 =	sadd.s32 $0xFFFFFFFF, s22;
	[sflag:s20] =	ssyncset.done $0x0  }
.LBB2_1:
0x3c: {  	p0 =	sne.s32 s22, $0x1;
	s22 =	sadd.s32 $0xFFFFFFFF, s22;
	[sflag:s20] =	ssyncadd.s32 $0xFFFFE000  }
0x3d: {  	[tilespmem:s2], [sflag:$0x3] =	stream.linear.gather [hbm4b:s3+s2], $0x280, $0x38;
	[tilespmem:$0xA280] =	vst v63  }
0x3e: {  	_ =	swait.ge [sflag:s4], $0x280  }
0x3f: {  	[sflag:s4] =	ssyncset.done $0x0  }
0x40: {  	[sflag:s4] =	ssyncadd.s32 $0xFFFFFD80  }
0x41: {  	[tilespmem:s7], [sflag:$0x1] =	stream.indirect.gather [hbm4b:s5+s6], $0x40, s2, s6, $0xb8;
	[tilespmem:$0xA280] =	vst v63  }
0x42: {  	_ = 	snop  }
0x43: {  	[tilespmem:s8], [sflag:$0x1] =	stream.indirect.gather [hbm4b:s5+s6], $0x40, s6, s6, $0xb8;
	[tilespmem:$0xA280] =	vst v63  }
0x44: {  	_ = 	snop  }
0x45: {  	[tilespmem:s10], [sflag:$0x1] =	stream.indirect.gather [hbm4b:s5+s6], $0x40, s9, s6, $0xb8;
	[tilespmem:$0xA280] =	vst v63  }
0x46: {  	_ = 	snop  }
0x47: {  	[tilespmem:s12], [sflag:$0x1] =	stream.indirect.gather [hbm4b:s5+s6], $0x40, s11, s6, $0xb8;
	[tilespmem:$0xA280] =	vst v63  }
0x48: {  	_ = 	snop  }
0x49: {  	[tilespmem:s14], [sflag:$0x1] =	stream.indirect.gather [hbm4b:s5+s6], $0x40, s13, s6, $0xb8;
	[tilespmem:$0xA280] =	vst v63  }
0x4a: {  	_ =	swait.ge [sflag:s15], $0x2000  }
0x4b: {  	[sflag:s15] =	ssyncset.done $0x0  }
0x4c: {  	[sflag:s15] =	ssyncadd.s32 $0xFFFFE000  }
0x4d: {  	_ =	swait.ge [sflag:s15], $0x2000  }
0x4e: {  	[sflag:s15] =	ssyncset.done $0x0  }
0x4f: {  	[sflag:s15] =	ssyncadd.s32 $0xFFFFE000  }
0x50: {  	_ =	swait.ge [sflag:s15], $0x2000  }
0x51: {  	[sflag:s15] =	ssyncset.done $0x0  }
0x52: {  	[sflag:s15] =	ssyncadd.s32 $0xFFFFE000  }
0x53: {  	_ =	swait.ge [sflag:s15], $0x2000  }
0x54: {  	[sflag:s15] =	ssyncset.done $0x0  }
0x55: {  	[sflag:s15] =	ssyncadd.s32 $0xFFFFE000  }
0x56: {  	_ =	swait.ge [sflag:s15], $0x2000  }
0x57: {  	[sflag:s15] =	ssyncset.done $0x0  }
0x58: {  	[sflag:s15] =	ssyncadd.s32 $0xFFFFE000  }
0x59: {  	[hbm4b:s16+s2] =	stream.linear.scatter [tilespmem:s7], [sflag:$0x2], $0x2000, $0x38;
	[tilespmem:$0xA280] =	vst v63  }
0x5a: {  	_ = 	snop  }
0x5b: {  	[hbm4b:s17+s2] =	stream.linear.scatter [tilespmem:s8], [sflag:$0x2], $0x2000, $0x38;
	[tilespmem:$0xA280] =	vst v63  }
0x5c: {  	_ = 	snop  }
0x5d: {  	[hbm4b:s18+s2] =	stream.linear.scatter [tilespmem:s10], [sflag:$0x2], $0x2000, $0x38;
	[tilespmem:$0xA280] =	vst v63  }
0x5e: {  	_ = 	snop  }
0x5f: {  	[hbm4b:s19+s2] =	stream.linear.scatter [tilespmem:s12], [sflag:$0x2], $0x2000, $0x38;
	[tilespmem:$0xA280] =	vst v63  }
0x60: {  	_ = 	snop  }
0x61: {  	[hbm4b:s21+s2] =	stream.linear.scatter [tilespmem:s14], [sflag:$0x2], $0x2000, $0x38;
	[tilespmem:$0xA280] =	vst v63  }
0x62: {  	_ =	swait.ge [sflag:s20], $0x2000  }
0x63: {  	[sflag:s20] =	ssyncset.done $0x0  }
0x64: {  	[sflag:s20] =	ssyncadd.s32 $0xFFFFE000  }
0x65: {  	_ =	swait.ge [sflag:s20], $0x2000  }
0x66: {  	[sflag:s20] =	ssyncset.done $0x0  }
0x67: {  	[sflag:s20] =	ssyncadd.s32 $0xFFFFE000  }
0x68: {  	_ =	swait.ge [sflag:s20], $0x2000  }
0x69: {  	[sflag:s20] =	ssyncset.done $0x0  }
0x6a: {  	[sflag:s20] =	ssyncadd.s32 $0xFFFFE000  }
.Ltmp1:
0x6b: {  	_ =	swait.ge [sflag:s20], $0x2000;
	(pc) =	sbr.rel @p0 .LBB2_1-.Ltmp1, $4  }
0x6c: {  	[sflag:s20] =	ssyncset.done $0x0  }
0x6d: {  	[sflag:s20] =	ssyncadd.s32 $0xFFFFE000  }
0x6e: {  	_ =	swait.ge [sflag:s20], $0x2000  }
0x6f: {  	[sflag:s20] =	ssyncset.done $0x0  }
.LBB2_2:
0x70: {  	[sflag:s20] =	ssyncadd.s32 $0xFFFFE000  }
0x71: {  	_ =	sfence.sel $0x180000  }
0x72: {  	[bflag:$0x0] =	sbarrier.arrive $0xFFFF  }
0x73: {  	p0 =	sne.s32 s0, $0x0;
	_ =	strace $0x90000053  }
0x74: {  	s0 =	sadd.s32 @!p0 $0x100000, s1;
	[bflag:$0x2] =	sbarrier.arrive $0xFFFF  }
0x75: {  	[sflag:s0] =	ssyncadd.tile.s32 @!p0 $0x1;
	_ =	shalt  }
.Lfunc_end2:
_tile_overlayer_lowered:
.L_overlay_start_2:
0x76: {  	(tag) =	ssettag $0x2  }
0x77: {  	s0 =	rddreg [dreg:$0x0];
	s2 =	stileid.u32  }
0x78: {  	s1 =	rddreg [dreg:$0x1];
	p0 =	sne.s32 s2, $0x0  }
0x79: {  	s3 =	rddreg [dreg:$0x2];
	[bflag:$0x3] =	sbarrier.arrive $0xFFFF;
	s2 =	simm.s32 @!p0 $0x1C03  }
0x7a: {  	[timem:s3], [sflag:s2] =	dma.local @!p0 [hbm:s0], s1  }
0x7b: {  	s0 =	simm.s32 @!p0 $0x3  }
0x7c: {  	_ =	swait.ge @!p0 [sflag:s0], s1  }
0x7d: {  	s1 =	ssub.s32 @!p0 $0x0, s1;
	[sflag:s0] =	ssyncset.done @!p0 $0x0  }
0x7e: {  	[sflag:s0] =	ssyncadd.s32 @!p0 s1  }
0x7f: {  	[bflag:$0x3] =	sbarrier.arrive $0xFFFF  }
0x80: {  	_ =	shalt  }

// kernel: kernel.31.cloned.1.call-start
scs
__scs_entry_jumppad:
0x0: {  	(pc) =	sbr.rel $0x88, $3  }
0x1: {  	(tag) =	ssettag $0x0;
	lr =	simm.s32 $0x1  }
0x2: {  	[smem:$0x3F89] =	sst lr;
	_ =	strace $0xD0000000  }
0x3: {  	_ = 	snop  }
0x4: {  	_ = 	snop  }
0x5: {  	_ = 	snop  }
0x6: {  	_ = 	snop  }
0x7: {  	_ = 	snop  }
__scs_overlays_trampoline_lowered:
0x8: {  	[smem:$0x3F98] =	sst s0  }
0x9: {  	[smem:$0x3F99] =	sst s1  }
0xa: {  	[smem:$0x3F9A] =	sst s2  }
0xb: {  	[smem:$0x3F9B] =	sst s3  }
0xc: {  	[smem:$0x3F9C] =	sst s4  }
0xd: {  	[smem:$0x3F9D] =	sst s5  }
0xe: {  	[smem:$0x3F9E] =	sst s6  }
0xf: {  	[smem:$0x3F9F] =	sst s7  }
0x10: {  	[smem:$0x3FA0] =	sst s8  }
0x11: {  	[smem:$0x3FA1] =	sst s9;
	s0 =	simm.s32 @!p0 $0x0  }
0x12: {  	s1 =	sld [smem:$0x3F87];
	s0 =	simm.s32 @p0 $0x1  }
0x13: {  	[smem:$0x3FA2] =	sst s0;
	s0 =	simm.s32 @!p1 $0x0  }
0x14: {  	s2 =	sld [smem:$0x3F86];
	s0 =	simm.s32 @p1 $0x1  }
0x15: {  	[smem:$0x3FA3] =	sst s0;
	s0 =	simm.s32 @!p2 $0x0  }
0x16: {  	s3 =	sld [smem:$0x3FDB];
	s0 =	simm.s32 @p2 $0x1  }
0x17: {  	s4 =	simm.s32 $0x1BF5;
	[smem:$0x3FA5] =	sst s0  }
0x18: {  	s0 =	sld [smem:$0x3F88];
	_ =	swait.ge [sflag:s4], $0x0  }
0x19: {  	s7 =	sld [smem:$0x3F89]  }
0x1a: {  	s8 =	sadd.s32 $0xFFFFE003, lr  }
0x1b: {  	s9 =	sadd.s32 $0xFFFFFEF7, lr;
	s5 =	simm.s32 $0xFFFFFFFF;
	p2 =	slt.u32 s8, $0xFFFFF086  }
0x1c: {  	p1 =	slt.u32 s9, $0xF7A;
	s5 =	simm.s32 @!p2 $0x0  }
0x1d: {  	s5 =	simm.s32 @p1 $0x1;
	p0 =	seq.s32 s7, s2  }
0x1e: {  	s7 =	smul.u32 @!p0 $0xF7A, s2;
	p2 =	seq.s32 @!p0 s5, $0x0  }
0x1f: {  	s9 =	smul.u32 $0xF7A, s1;
	s8 =	simm.s32 @!p0 $0x1BF5;
	p2 =	por !p2, p0  }
0x20: {  	[sflag:s8] =	ssyncset.s32 @!p0 $0xFFFFF086;
	s6 =	sadd.s32 @!p0 s3, s7;
	s7 =	simm.s32 @!p0 $0x108  }
0x21: {  	s3 =	sadd.s32 s3, s9;
	s6 =	sadd.s32 @!p0 $0x88, s6;
	s7 =	simm.s32 @p2 $0x1082  }
0x22: {  	[simem:s7], [sflag:s8] =	dma.local @!p0 [hbm:s6], $0xF7A  }
0x23: {  	s9 =	sor.u32 $0xD0000000, s2;
	s6 =	simm.s32 $0x108;
	_ =	swait.ge @!p0 [sflag:s8], $0x0  }
0x24: {  	s3 =	sadd.s32 $0x88, s3;
	s6 =	simm.s32 @!p1 $0x1082;
	[sflag:s4] =	ssyncset.s32 $0xFFFFF086  }
0x25: {  	[simem:s6], [sflag:s4] =	dma.local [hbm:s3], $0xF7A  }
0x26: {  	[smem:$0x3F89] =	sst s1;
	(tag) =	ssettag s2;
	_ =	strace s9  }
0x27: {  	s1 =	sld [smem:$0x3F99]  }
0x28: {  	s2 =	sld [smem:$0x3F9A]  }
0x29: {  	s4 =	sld [smem:$0x3F9C]  }
0x2a: {  	p0 =	seq.s32 s5, $0x0;
	s5 =	sld [smem:$0x3F9D]  }
0x2b: {  	s6 =	sld [smem:$0x3F9E]  }
0x2c: {  	s7 =	sld [smem:$0x3F9F]  }
0x2d: {  	s3 =	simm.s32 $0x108;
	s8 =	sld [smem:$0x3FA0]  }
0x2e: {  	s3 =	simm.s32 @!p0 $0x1082;
	s9 =	sld [smem:$0x3FA1]  }
0x2f: {  	lr =	sadd.s32 s0, s3;
	s0 =	sld [smem:$0x3F98]  }
0x30: {  	s3 =	sld [smem:$0x3F9B]  }
0x31: {  	[smem:$0x3FA4] =	sst s10  }
0x32: {  	s10 =	sld [smem:$0x3FA2];
	_ =	sdelay $0x3  }
0x33: {  	p0 =	seq.s32 s10, $0x1;
	s10 =	sld [smem:$0x3FA4];
	_ =	sdelay $0x3  }
0x34: {  	[smem:$0x3FA4] =	sst s10  }
0x35: {  	s10 =	sld [smem:$0x3FA3];
	_ =	sdelay $0x3  }
0x36: {  	p1 =	seq.s32 s10, $0x1;
	s10 =	sld [smem:$0x3FA4];
	_ =	sdelay $0x3  }
0x37: {  	[smem:$0x3FA4] =	sst s10  }
0x38: {  	s10 =	sld [smem:$0x3FA5]  }
0x39: {  	_ = 	snop;
	(pc) =	sbr.ind lr, $3  }
0x3a: {  	_ = 	snop  }
0x3b: {  	_ = 	snop  }
0x3c: {  	p2 =	seq.s32 s10, $0x1;
	s10 =	sld [smem:$0x3FA4]  }
0x3d: {  	_ =	shalt  }
0x3e: {  	_ =	shalt  }
0x3f: {  	_ =	shalt  }
0x40: {  	_ =	shalt  }
0x41: {  	_ =	shalt  }
0x42: {  	_ =	shalt  }
0x43: {  	_ =	shalt  }
0x44: {  	_ =	shalt  }
0x45: {  	_ =	shalt  }
0x46: {  	_ =	shalt  }
0x47: {  	_ =	shalt  }
0x48: {  	_ =	shalt  }
0x49: {  	_ =	shalt  }
0x4a: {  	_ =	shalt  }
0x4b: {  	_ =	shalt  }
0x4c: {  	_ =	shalt  }
0x4d: {  	_ =	shalt  }
0x4e: {  	_ =	shalt  }
0x4f: {  	_ =	shalt  }
0x50: {  	_ =	shalt  }
0x51: {  	_ =	shalt  }
0x52: {  	_ =	shalt  }
0x53: {  	_ =	shalt  }
0x54: {  	_ =	shalt  }
0x55: {  	_ =	shalt  }
0x56: {  	_ =	shalt  }
0x57: {  	_ =	shalt  }
0x58: {  	_ =	shalt  }
0x59: {  	_ =	shalt  }
0x5a: {  	_ =	shalt  }
0x5b: {  	_ =	shalt  }
0x5c: {  	_ =	shalt  }
0x5d: {  	_ =	shalt  }
0x5e: {  	_ =	shalt  }
0x5f: {  	_ =	shalt  }
0x60: {  	_ =	shalt  }
0x61: {  	_ =	shalt  }
0x62: {  	_ =	shalt  }
0x63: {  	_ =	shalt  }
0x64: {  	_ =	shalt  }
0x65: {  	_ =	shalt  }
0x66: {  	_ =	shalt  }
0x67: {  	_ =	shalt  }
0x68: {  	_ =	shalt  }
0x69: {  	_ =	shalt  }
0x6a: {  	_ =	shalt  }
0x6b: {  	_ =	shalt  }
0x6c: {  	_ =	shalt  }
0x6d: {  	_ =	shalt  }
0x6e: {  	_ =	shalt  }
0x6f: {  	_ =	shalt  }
0x70: {  	_ =	shalt  }
0x71: {  	_ =	shalt  }
0x72: {  	_ =	shalt  }
0x73: {  	_ =	shalt  }
0x74: {  	_ =	shalt  }
0x75: {  	_ =	shalt  }
0x76: {  	_ =	shalt  }
0x77: {  	_ =	shalt  }
0x78: {  	_ =	shalt  }
0x79: {  	_ =	shalt  }
0x7a: {  	_ =	shalt  }
0x7b: {  	_ =	shalt  }
0x7c: {  	_ =	shalt  }
0x7d: {  	_ =	shalt  }
0x7e: {  	_ =	shalt  }
0x7f: {  	_ =	shalt  }
0x80: {  	_ =	shalt  }
0x81: {  	_ =	shalt  }
0x82: {  	_ =	shalt  }
0x83: {  	_ =	shalt  }
0x84: {  	_ =	shalt  }
0x85: {  	_ =	shalt  }
0x86: {  	_ =	shalt  }
0x87: {  	_ =	shalt  }
.Lfunc_end0:
.L_simem_size_0:
called_computation.5_lowered:
.L_overlay_start_0:
0x88: {  	s2 =	sld [smem:$0x3FD9]  }
0x89: {  	s3 =	sld [smem:$0x3FFE];
	_ =	sdelay $0x1  }
0x8a: {  	s1 =	srdreg.scid  }
0x8b: {  	s0 =	sand.u32 $0x1, s1  }
0x8c: {  	s16 =	sshll.u32 s0, $0xA;
	s2 =	sadd.s32 s3, s2  }
0x8d: {  	s2 =	sadd.s32 s2, s16  }
0x8e: {  	[smem:$0x3FB0] =	sst s2  }
0x8f: {  	_ = 	snop  }
0x90: {  	(tm) =	ssettm $0x1  }
0x91: {  	s17 =	sld [smem:$0x3FFB];
	_ =	sdelay $0x3  }
0x92: {  	_ =	strace s17  }
0x93: {  	s2 =	sld [smem:$0x3FFC];
	_ =	sdelay $0x3  }
0x94: {  	_ =	strace s2  }
0x95: {  	s2 =	sld [smem:$0x3FFD];
	_ =	sdelay $0x3  }
0x96: {  	_ =	strace s2  }
0x97: {  	_ =	strace $0x8FFFFFFF  }
0x98: {  	s18 =	sld [smem:$0x3FDB];
	_ =	sdelay $0x1  }
0x99: {  	s19 =	simm.s32 $_scs_section_size  }
0x9a: {  	s4 =	simm.s32 $_size__tile_overlayer_lowered;
	s5 =	simm.s32 $_tile_overlayer_lowered  }
0x9b: {  	s22 =	simm.s32 $0x1BFF;
	s21 =	sshll.u32 s5, $0x1;
	s2 =	sadd.s32 s19, s18  }
0x9c: {  	s6 =	simm.s32 $0x0;
	s20 =	sshll.u32 s4, $0x1;
	s4 =	sadd.s32 s21, s2  }
0x9d: {  	[timem:s6], [sflag:s22] =	dma.local [hbm:s4], s20  }
0x9e: {  	_ =	swait.ge [sflag:s22], s20  }
0x9f: {  	s3 =	ssub.s32 $0x0, s20;
	[sflag:s22] =	ssyncset.done $0x0  }
0xa0: {  	[sflag:s22] =	ssyncadd.s32 s3;
	_ =	sdelay $0x1  }
0xa1: {  	s23 =	simm.s32 $0x1B8B  }
0xa2: {  	_ =	swait.ge [sflag:s23], $0x1  }
0xa3: {  	[sflag:s23] =	ssyncset.done $0x0  }
0xa4: {  	s25 =	simm.s32 $0x1B8E;
	s24 =	sld [smem:$0x3FFE];
	[sflag:s23] =	ssyncadd.s32 $0xFFFFFFFF  }
0xa5: {  	s26 =	simm.s32 $execute0_lowered;
	[smem:$0x3FD2] =	sst s25  }
0xa6: {  	s4 =	sshll.u32 s26, $0x1;
	_ =	strace $0x80000055;
	[dreg:$0x1] =	wrdreg $0xFFFFFFFF  }
0xa7: {  	s28 =	simm.s32 $_size_execute0_lowered;
	s2 =	sadd.s32 s2, s4;
	[dreg:$0x0] =	wrdreg $0x0  }
0xa8: {  	s4 =	sshll.u32 s28, $0x1;
	[dreg:$0x2] =	wrdreg s2  }
0xa9: {  	[dreg:$0x3] =	wrdreg s4  }
0xaa: {  	[dreg:$0x4] =	wrdreg $0xC0  }
0xab: {  	_ =	task [dreg:s6], $0x5FFFF  }
0xac: {  	[dreg:$0x1] =	wrdreg $0xFFFFFFFF  }
0xad: {  	[dreg:$0x0] =	wrdreg $0x60  }
0xae: {  	[dreg:$0x2] =	wrdreg s24  }
0xaf: {  	[dreg:$0x3] =	wrdreg $0xA2800  }
0xb0: {  	[dreg:$0x4] =	wrdreg $0x9  }
0xb1: {  	_ =	task.clear_ibuf [dreg:s6], $0x5FFFF;
	_ =	strace $0x90000055  }
0xb2: {  	s29 =	simm.s32 $0x9;
	_ =	strace $0x80000057  }
0xb3: {  	_ =	swait.ge [sflag:s29], $0x1  }
0xb4: {  	[sflag:s29] =	ssyncadd.s32 $0xFFFFFFFF  }
0xb5: {  	_ =	strace $0x90000057  }
0xb6: {  	_ =	sfence  }
0xb7: {  	s30 =	sld [smem:$0x0];
	_ =	sdelay $0x2  }
0xb8: {  	s31 =	sshll.u32 s1, $0xD;
	s1 =	sshrl.u32 s1, $0x2  }
0xb9: {  	s3 =	sand.u32 $0x4000, s31;
	s1 =	sadd.s32 s1, s30  }
0xba: {  	s0 =	sor.u32 s3, s0;
	s1 =	sshll.u32 s1, $0x11  }
0xbb: {  	s0 =	sor.u32 s1, s0  }
0xbc: {  	s0 =	sadd.s32 $0x8F2B, s0  }
0xbd: {  	[sflag:s0] =	ssyncadd.remote.s32 $0x1  }
0xbe: {  	_ =	sfence.sel $0xFFFF  }
0xbf: {  	[dreg:$0x0] =	wrdreg $0xFFFFFFFF;
	(pc) =	sbr.abs _section_cstart, $3  }
0xc0: {  	[dreg:$0x1] =	wrdreg $0xFFFFFFFF  }
0xc1: {  	_ =	task.clear_ibuf [dreg:s6], $0x2FFFF;
	_ =	strace $0x9FFFFFFF  }
0xc2: {  	(tm) =	ssettm $0x7FFFFFFF  }
0xc3: {  	_ =	shalt  }
tec
execute0_lowered:
.L_overlay_start_1:
0x0: {  	(tag) =	ssettag $0x1  }
0x1: {  	s0 =	srdreg.scid  }
0x2: {  	s25 =	rddreg [dreg:$0x0];
	s26 =	sand.u32 $0x1, s0  }
0x3: {  	s2 =	rddreg [dreg:$0x1];
	s0 =	stileid.u32;
	s1 =	sshll.u32 s26, $0x4  }
0x4: {  	s3 =	simm.s32 $0x0;
	s28 =	smul.u32 $0xA000, s0;
	s5 =	sor.u32 s0, s1  }
0x5: {  	[smem:$0x7FF] =	sst s3;
	s4 =	smul.u32 $0x50, s5  }
0x6: {  	s11 =	simm.s32 $0x2280;
	s1 =	rddreg [dreg:$0x2];
	_ =	strace $0x80000056  }
0x7: {  	s6 =	sshrl.u32 s28, $0x3;
	s8 =	smul.u32 $0x1400, s5;
	s4 =	sadd.s32 s4, s25  }
0x8: {  	s9 =	smul.u32 $0xA000, s5;
	s5 =	simm.s32 $0x3;
	s4 =	sadd.s32 $0x63E00, s4  }
0x9: {  	[tilespmem:s3], [sflag:$0x3] =	stream.linear.gather [hbm4b:s4+s3], $0x280, $0x38;
	[tilespmem:$0x14280] =	vst v63  }
0xa: {  	s7 =	sadd.s32 $0xA0800, s25;
	s14 =	sadd.s32 s6, s25;
	_ =	swait.ge [sflag:s5], $0x280  }
0xb: {  	s9 =	sshrl.u32 s9, $0x3;
	s6 =	sadd.s32 s7, s8;
	[sflag:s5] =	ssyncset.done $0x0  }
0xc: {  	s8 =	simm.s32 $0x280;
	s12 =	sadd.s32 s7, s9;
	[sflag:s5] =	ssyncadd.s32 $0xFFFFFD80  }
0xd: {  	[tilespmem:s8], [sflag:$0x1] =	stream.linear.gather [hbm4b:s6+s3], $0x2000, $0x38;
	[tilespmem:$0x14280] =	vst v63  }
0xe: {  	s13 =	simm.s32 $0x4280;
	s15 =	simm.s32 $0x6280;
	s7 =	sadd.s32 $0x400, s12  }
0xf: {  	[tilespmem:s11], [sflag:$0x1] =	stream.linear.gather [hbm4b:s7+s3], $0x2000, $0x38;
	[tilespmem:$0x14280] =	vst v63  }
0x10: {  	s16 =	simm.s32 $0x8280;
	s17 =	sshll.u32 s0, $0x6;
	s9 =	sadd.s32 $0x800, s12  }
0x11: {  	[tilespmem:s13], [sflag:$0x1] =	stream.linear.gather [hbm4b:s9+s3], $0x2000, $0x38;
	[tilespmem:$0x14280] =	vst v63  }
0x12: {  	s17 =	sor.u32 $0x1C03, s17;
	s18 =	sadd.s32 s28, s2;
	s10 =	sadd.s32 $0xC00, s12  }
0x13: {  	[tilespmem:s15], [sflag:$0x1] =	stream.linear.gather [hbm4b:s10+s3], $0x2000, $0x38;
	[tilespmem:$0x14280] =	vst v63  }
0x14: {  	s18 =	sshrl.u32 s18, $0x3;
	s14 =	sadd.s32 $0x8C800, s14;
	s12 =	sadd.s32 $0x1000, s12  }
0x15: {  	[tilespmem:s16], [sflag:$0x1] =	stream.linear.gather [hbm4b:s12+s3], $0x2000, $0x38;
	[tilespmem:$0x14280] =	vst v63  }
0x16: {  	[spmem:s18], [sflag:s17] =	dma.local [hbm:s14], $0x1400  }
0x17: {  	_ =	swait.ge [sflag:s5], $0x1400  }
0x18: {  	[sflag:s5] =	ssyncset.done $0x0  }
0x19: {  	s19 =	simm.s32 $0x1;
	[sflag:s5] =	ssyncadd.s32 $0xFFFFEC00  }
0x1a: {  	_ =	swait.ge [sflag:s19], $0x2000  }
0x1b: {  	[sflag:s19] =	ssyncset.done $0x0  }
0x1c: {  	[sflag:s19] =	ssyncadd.s32 $0xFFFFE000  }
0x1d: {  	_ =	swait.ge [sflag:s19], $0x2000  }
0x1e: {  	[sflag:s19] =	ssyncset.done $0x0  }
0x1f: {  	[sflag:s19] =	ssyncadd.s32 $0xFFFFE000  }
0x20: {  	_ =	swait.ge [sflag:s19], $0x2000  }
0x21: {  	[sflag:s19] =	ssyncset.done $0x0  }
0x22: {  	[sflag:s19] =	ssyncadd.s32 $0xFFFFE000  }
0x23: {  	_ =	swait.ge [sflag:s19], $0x2000  }
0x24: {  	[sflag:s19] =	ssyncset.done $0x0  }
0x25: {  	[sflag:s19] =	ssyncadd.s32 $0xFFFFE000  }
0x26: {  	_ =	swait.ge [sflag:s19], $0x2000  }
0x27: {  	[sflag:s19] =	ssyncset.done $0x0  }
0x28: {  	[sflag:s19] =	ssyncadd.s32 $0xFFFFE000  }
0x29: {  	s20 =	simm.s32 $0x80;
	[bflag:$0x0] =	sbarrier.arrive $0xFFFF  }
0x2a: {  	[spmem:s2] =	stream.indirect.scatter.add.f32 [tilespmem:s8], [sflag:$0x2], $0x40, s3, s20, $0xb8;
	[tilespmem:$0x14280] =	vst v63  }
0x2b: {  	_ = 	snop  }
0x2c: {  	[spmem:s2] =	stream.indirect.scatter.add.f32 [tilespmem:s11], [sflag:$0x2], $0x40, s20, s20, $0xb8;
	[tilespmem:$0x14280] =	vst v63  }
0x2d: {  	s21 =	simm.s32 $0x100  }
0x2e: {  	[spmem:s2] =	stream.indirect.scatter.add.f32 [tilespmem:s13], [sflag:$0x2], $0x40, s21, s20, $0xb8;
	[tilespmem:$0x14280] =	vst v63  }
0x2f: {  	s22 =	simm.s32 $0x180  }
0x30: {  	[spmem:s2] =	stream.indirect.scatter.add.f32 [tilespmem:s15], [sflag:$0x2], $0x40, s22, s20, $0xb8;
	[tilespmem:$0x14280] =	vst v63  }
0x31: {  	s23 =	simm.s32 $0x200;
	s24 =	simm.s32 $0x2  }
0x32: {  	[spmem:s2] =	stream.indirect.scatter.add.f32 [tilespmem:s16], [sflag:$0x2], $0x40, s23, s20, $0xb8;
	[tilespmem:$0x14280] =	vst v63  }
0x33: {  	_ =	swait.ge [sflag:s24], $0x2000  }
0x34: {  	[sflag:s24] =	ssyncset.done $0x0  }
0x35: {  	[sflag:s24] =	ssyncadd.s32 $0xFFFFE000  }
0x36: {  	_ =	swait.ge [sflag:s24], $0x2000  }
0x37: {  	[sflag:s24] =	ssyncset.done $0x0  }
0x38: {  	[sflag:s24] =	ssyncadd.s32 $0xFFFFE000  }
0x39: {  	_ =	swait.ge [sflag:s24], $0x2000  }
0x3a: {  	[sflag:s24] =	ssyncset.done $0x0  }
0x3b: {  	[sflag:s24] =	ssyncadd.s32 $0xFFFFE000  }
0x3c: {  	s29 =	smul.u32 $0xA0000, s26;
	s26 =	ssub.s32 $0x2, s26;
	_ =	swait.ge [sflag:s24], $0x2000  }
0x3d: {  	s31 =	sshrl.u32 s26, $0x1;
	[sflag:s24] =	ssyncset.done $0x0  }
0x3e: {  	s26 =	ssub.s32 s26, s31;
	[sflag:s24] =	ssyncadd.s32 $0xFFFFE000  }
0x3f: {  	s28 =	sadd.s32 s28, s29;
	s26 =	smax.u32 s26, $0x1;
	_ =	swait.ge [sflag:s24], $0x2000  }
0x40: {  	s28 =	sshrl.u32 s28, $0x3;
	p0 =	sne.s32 s26, $0x1;
	[sflag:s24] =	ssyncset.done $0x0  }
.Ltmp0:
0x41: {  	s25 =	sadd.s32 s28, s25;
	[sflag:s24] =	ssyncadd.s32 $0xFFFFE000;
	(pc) =	sbr.rel @!p0 .LBB2_2-.Ltmp0, $4  }
0x42: {  	s25 =	sadd.s32 $0x4400, s25;
	[bflag:$0x0] =	sbarrier.arrive $0xFFFF  }
0x43: {  	[hbm:s25], [sflag:s17] =	dma.local [spmem:s18], $0x1400  }
0x44: {  	_ =	swait.ge [sflag:s5], $0x1400  }
0x45: {  	s26 =	sadd.s32 $0xFFFFFFFF, s26;
	[sflag:s5] =	ssyncset.done $0x0  }
.LBB2_1:
0x46: {  	p0 =	sne.s32 s26, $0x1;
	s26 =	sadd.s32 $0xFFFFFFFF, s26;
	[sflag:s5] =	ssyncadd.s32 $0xFFFFEC00  }
0x47: {  	[tilespmem:s3], [sflag:$0x3] =	stream.linear.gather [hbm4b:s4+s3], $0x280, $0x38;
	[tilespmem:$0x14280] =	vst v63  }
0x48: {  	_ =	swait.ge [sflag:s5], $0x280  }
0x49: {  	[sflag:s5] =	ssyncset.done $0x0  }
0x4a: {  	[sflag:s5] =	ssyncadd.s32 $0xFFFFFD80  }
0x4b: {  	[tilespmem:s8], [sflag:$0x1] =	stream.linear.gather [hbm4b:s6+s3], $0x2000, $0x38;
	[tilespmem:$0x14280] =	vst v63  }
0x4c: {  	_ = 	snop  }
0x4d: {  	[tilespmem:s11], [sflag:$0x1] =	stream.linear.gather [hbm4b:s7+s3], $0x2000, $0x38;
	[tilespmem:$0x14280] =	vst v63  }
0x4e: {  	_ = 	snop  }
0x4f: {  	[tilespmem:s13], [sflag:$0x1] =	stream.linear.gather [hbm4b:s9+s3], $0x2000, $0x38;
	[tilespmem:$0x14280] =	vst v63  }
0x50: {  	_ = 	snop  }
0x51: {  	[tilespmem:s15], [sflag:$0x1] =	stream.linear.gather [hbm4b:s10+s3], $0x2000, $0x38;
	[tilespmem:$0x14280] =	vst v63  }
0x52: {  	_ = 	snop  }
0x53: {  	[tilespmem:s16], [sflag:$0x1] =	stream.linear.gather [hbm4b:s12+s3], $0x2000, $0x38;
	[tilespmem:$0x14280] =	vst v63  }
0x54: {  	[spmem:s18], [sflag:s17] =	dma.local [hbm:s14], $0x1400  }
0x55: {  	_ =	swait.ge [sflag:s5], $0x1400  }
0x56: {  	[sflag:s5] =	ssyncset.done $0x0  }
0x57: {  	[sflag:s5] =	ssyncadd.s32 $0xFFFFEC00  }
0x58: {  	_ =	swait.ge [sflag:s19], $0x2000  }
0x59: {  	[sflag:s19] =	ssyncset.done $0x0  }
0x5a: {  	[sflag:s19] =	ssyncadd.s32 $0xFFFFE000  }
0x5b: {  	_ =	swait.ge [sflag:s19], $0x2000  }
0x5c: {  	[sflag:s19] =	ssyncset.done $0x0  }
0x5d: {  	[sflag:s19] =	ssyncadd.s32 $0xFFFFE000  }
0x5e: {  	_ =	swait.ge [sflag:s19], $0x2000  }
0x5f: {  	[sflag:s19] =	ssyncset.done $0x0  }
0x60: {  	[sflag:s19] =	ssyncadd.s32 $0xFFFFE000  }
0x61: {  	_ =	swait.ge [sflag:s19], $0x2000  }
0x62: {  	[sflag:s19] =	ssyncset.done $0x0  }
0x63: {  	[sflag:s19] =	ssyncadd.s32 $0xFFFFE000  }
0x64: {  	_ =	swait.ge [sflag:s19], $0x2000  }
0x65: {  	[sflag:s19] =	ssyncset.done $0x0  }
0x66: {  	[sflag:s19] =	ssyncadd.s32 $0xFFFFE000  }
0x67: {  	[bflag:$0x0] =	sbarrier.arrive $0xFFFF  }
0x68: {  	[spmem:s2] =	stream.indirect.scatter.add.f32 [tilespmem:s8], [sflag:$0x2], $0x40, s3, s20, $0xb8;
	[tilespmem:$0x14280] =	vst v63  }
0x69: {  	_ = 	snop  }
0x6a: {  	[spmem:s2] =	stream.indirect.scatter.add.f32 [tilespmem:s11], [sflag:$0x2], $0x40, s20, s20, $0xb8;
	[tilespmem:$0x14280] =	vst v63  }
0x6b: {  	_ = 	snop  }
0x6c: {  	[spmem:s2] =	stream.indirect.scatter.add.f32 [tilespmem:s13], [sflag:$0x2], $0x40, s21, s20, $0xb8;
	[tilespmem:$0x14280] =	vst v63  }
0x6d: {  	_ = 	snop  }
0x6e: {  	[spmem:s2] =	stream.indirect.scatter.add.f32 [tilespmem:s15], [sflag:$0x2], $0x40, s22, s20, $0xb8;
	[tilespmem:$0x14280] =	vst v63  }
0x6f: {  	_ = 	snop  }
0x70: {  	[spmem:s2] =	stream.indirect.scatter.add.f32 [tilespmem:s16], [sflag:$0x2], $0x40, s23, s20, $0xb8;
	[tilespmem:$0x14280] =	vst v63  }
0x71: {  	_ =	swait.ge [sflag:s24], $0x2000  }
0x72: {  	[sflag:s24] =	ssyncset.done $0x0  }
0x73: {  	[sflag:s24] =	ssyncadd.s32 $0xFFFFE000  }
0x74: {  	_ =	swait.ge [sflag:s24], $0x2000  }
0x75: {  	[sflag:s24] =	ssyncset.done $0x0  }
0x76: {  	[sflag:s24] =	ssyncadd.s32 $0xFFFFE000  }
0x77: {  	_ =	swait.ge [sflag:s24], $0x2000  }
0x78: {  	[sflag:s24] =	ssyncset.done $0x0  }
0x79: {  	[sflag:s24] =	ssyncadd.s32 $0xFFFFE000  }
0x7a: {  	_ =	swait.ge [sflag:s24], $0x2000  }
0x7b: {  	[sflag:s24] =	ssyncset.done $0x0  }
0x7c: {  	[sflag:s24] =	ssyncadd.s32 $0xFFFFE000  }
0x7d: {  	_ =	swait.ge [sflag:s24], $0x2000  }
0x7e: {  	[sflag:s24] =	ssyncset.done $0x0  }
.Ltmp1:
0x7f: {  	[sflag:s24] =	ssyncadd.s32 $0xFFFFE000;
	(pc) =	sbr.rel @p0 .LBB2_1-.Ltmp1, $4  }
0x80: {  	[bflag:$0x0] =	sbarrier.arrive $0xFFFF  }
0x81: {  	[hbm:s25], [sflag:s17] =	dma.local [spmem:s18], $0x1400  }
0x82: {  	_ =	swait.ge [sflag:s5], $0x1400  }
0x83: {  	[sflag:s5] =	ssyncset.done $0x0  }
.LBB2_2:
0x84: {  	[sflag:s5] =	ssyncadd.s32 $0xFFFFEC00  }
0x85: {  	_ =	sfence.sel $0x180000  }
0x86: {  	[bflag:$0x0] =	sbarrier.arrive $0xFFFF  }
0x87: {  	p0 =	sne.s32 s0, $0x0;
	_ =	strace $0x90000056  }
0x88: {  	s0 =	sadd.s32 @!p0 $0x100000, s1;
	[bflag:$0x2] =	sbarrier.arrive $0xFFFF  }
0x89: {  	[sflag:s0] =	ssyncadd.tile.s32 @!p0 $0x1;
	_ =	shalt  }
.Lfunc_end2:
_tile_overlayer_lowered:
.L_overlay_start_2:
0x8a: {  	(tag) =	ssettag $0x2  }
0x8b: {  	s0 =	rddreg [dreg:$0x0];
	s2 =	stileid.u32  }
0x8c: {  	s1 =	rddreg [dreg:$0x1];
	p0 =	sne.s32 s2, $0x0  }
0x8d: {  	s3 =	rddreg [dreg:$0x2];
	[bflag:$0x3] =	sbarrier.arrive $0xFFFF;
	s2 =	simm.s32 @!p0 $0x1C03  }
0x8e: {  	[timem:s3], [sflag:s2] =	dma.local @!p0 [hbm:s0], s1  }
0x8f: {  	s0 =	simm.s32 @!p0 $0x3  }
0x90: {  	_ =	swait.ge @!p0 [sflag:s0], s1  }
0x91: {  	s1 =	ssub.s32 @!p0 $0x0, s1;
	[sflag:s0] =	ssyncset.done @!p0 $0x0  }
0x92: {  	[sflag:s0] =	ssyncadd.s32 @!p0 s1  }
0x93: {  	[bflag:$0x3] =	sbarrier.arrive $0xFFFF  }
0x94: {  	_ =	shalt  }

</sc_bundles>
